<compile_context>
chip_gen: v7x
topology: tpu7x:2x2x1
jax: 0.10.2.dev20260603
libtpu: 0.0.44.dev20260713+nightly
codegen_flags: <defaults>
</compile_context>

<pallas_src>
import jax
import jax.numpy as jnp
from jax import lax
from jax.experimental import pallas as pl
from jax.experimental.pallas import tpu as pltpu
from jax.experimental.pallas import tpu_sc as plsc

N = 10000
D = 128
E = 320000
NC = 2
NS = 16
NW = NC * NS
EPT = E // NW
K = 80
NBLK = EPT // K
NP = 10240
CH = NP // NS
L = 16

_MESH = plsc.VectorSubcoreMesh(core_axis_name="c", subcore_axis_name="s")


def _zero_rows(rows_v, nrows):
    def zrow(i, c):
        for j in range(D // L):
            rows_v[i, pl.ds(j * L, L)] = jnp.zeros((L,), jnp.float32)
        return c
    lax.fori_loop(0, nrows, zrow, 0)


def _agg_kernel(table, srcs, dsts, acc_out, src_all, dst_all, rows0, rows1,
                accum_sh, sem_g0, sem_g1, sem_s):
    cid = lax.axis_index("c")
    sid = lax.axis_index("s")
    wid = sid * NC + cid
    row0 = sid * CH

    _zero_rows(rows0, K)
    for j in range(CH // K):
        pltpu.sync_copy(rows0, accum_sh.at[pl.ds(row0 + j * K, K)])

    base0 = wid * EPT
    pltpu.sync_copy(srcs.at[pl.ds(base0, EPT)], src_all)
    pltpu.sync_copy(dsts.at[pl.ds(base0, EPT)], dst_all)
    plsc.subcore_barrier()

    def gather(i, rows_v, sem):
        return pltpu.make_async_copy(
            table.at[src_all.at[pl.ds(i * K, K)]], rows_v, sem)

    def scatter_rows(base, rows_v):
        descs = []
        for j in range(K // L):
            idx = dst_all[pl.ds(base + j * L, L)]
            d = pltpu.make_async_copy(rows_v.at[pl.ds(j * L, L)],
                                      accum_sh.at[idx], sem_s)
            d.start(add=True)
            descs.append(d)
        for d in descs:
            d.wait()

    gather(0, rows0, sem_g0).start()

    def pair(t, c):
        i0 = 2 * t
        gather(i0, rows0, sem_g0).wait()
        gather(i0 + 1, rows1, sem_g1).start()
        scatter_rows(i0 * K, rows0)
        gather(i0 + 2, rows0, sem_g0).start()
        gather(i0 + 1, rows1, sem_g1).wait()
        scatter_rows((i0 + 1) * K, rows1)
        return c
    lax.fori_loop(0, (NBLK - 1) // 2, pair, 0)
    gather(NBLK - 1, rows0, sem_g0).wait()
    scatter_rows((NBLK - 1) * K, rows0)
    plsc.subcore_barrier()

    for j in range(CH // K):
        pltpu.sync_copy(accum_sh.at[pl.ds(row0 + j * K, K)], rows0)
        pltpu.sync_copy(rows0, acc_out.at[cid, pl.ds(row0 + j * K, K)])


_agg = pl.kernel(
    _agg_kernel,
    out_type=jax.ShapeDtypeStruct((NC, NP, D), jnp.float32),
    mesh=_MESH,
    scratch_types=[
        pltpu.VMEM((EPT,), jnp.int32),
        pltpu.VMEM((EPT,), jnp.int32),
        pltpu.VMEM((K, D), jnp.float32),
        pltpu.VMEM((K, D), jnp.float32),
        pltpu.VMEM_SHARED((NP, D), jnp.float32),
        pltpu.SemaphoreType.DMA,
        pltpu.SemaphoreType.DMA,
        pltpu.SemaphoreType.DMA,
    ],
)


def _deg_kernel(dsts, deg_out, dst_all, rows_v, ones_v, deg_sh, sem):
    cid = lax.axis_index("c")
    sid = lax.axis_index("s")
    wid = sid * NC + cid
    row0 = sid * CH

    _zero_rows(rows_v, K)
    for j in range(CH // K):
        pltpu.sync_copy(rows_v, deg_sh.at[pl.ds(row0 + j * K, K)])

    def orow(i, c):
        for j in range(D // L):
            ones_v[i, pl.ds(j * L, L)] = jnp.ones((L,), jnp.float32)
        return c
    lax.fori_loop(0, L, orow, 0)
    base0 = wid * EPT
    pltpu.sync_copy(dsts.at[pl.ds(base0, EPT)], dst_all)
    plsc.subcore_barrier()

    def eblock(i, c):
        descs = []
        for j in range(K // L):
            idx = dst_all[pl.ds(i * K + j * L, L)]
            d = pltpu.make_async_copy(ones_v, deg_sh.at[idx], sem)
            d.start(add=True)
            descs.append(d)
        for d in descs:
            d.wait()
        return c
    lax.fori_loop(0, NBLK, eblock, 0)
    plsc.subcore_barrier()

    for j in range(CH // K):
        pltpu.sync_copy(deg_sh.at[pl.ds(row0 + j * K, K)], rows_v)
        pltpu.sync_copy(rows_v, deg_out.at[cid, pl.ds(row0 + j * K, K)])


_deg = pl.kernel(
    _deg_kernel,
    out_type=jax.ShapeDtypeStruct((NC, NP, D), jnp.float32),
    mesh=_MESH,
    scratch_types=[
        pltpu.VMEM((EPT,), jnp.int32),
        pltpu.VMEM((K, D), jnp.float32),
        pltpu.VMEM((L, D), jnp.float32),
        pltpu.VMEM_SHARED((NP, D), jnp.float32),
        pltpu.SemaphoreType.DMA,
    ],
)

BLK = 1000


def _fused_layer0(x, acc, deg_parts, w_self, w_neigh, b2d):
    def body(h_ref, a_ref, dp_ref, ws_ref, wn_ref, b_ref, o_ref, inv_ref):
        deg = dp_ref[0, :, 0:1] + dp_ref[1, :, 0:1]
        inv = 1.0 / jnp.maximum(deg, 1.0)
        agg = (a_ref[0] + a_ref[1]) * inv
        y = jnp.dot(h_ref[...], ws_ref[...], preferred_element_type=jnp.float32)
        y = y + jnp.dot(agg, wn_ref[...], preferred_element_type=jnp.float32)
        o_ref[...] = jnp.maximum(y + b_ref[...], 0.0)
        inv_ref[...] = inv

    return pl.pallas_call(
        body,
        grid=(N // BLK,),
        in_specs=[
            pl.BlockSpec((BLK, D), lambda i: (i, 0)),
            pl.BlockSpec((NC, BLK, D), lambda i: (0, i, 0)),
            pl.BlockSpec((NC, BLK, D), lambda i: (0, i, 0)),
            pl.BlockSpec((D, D), lambda i: (0, 0)),
            pl.BlockSpec((D, D), lambda i: (0, 0)),
            pl.BlockSpec((1, D), lambda i: (0, 0)),
        ],
        out_specs=[
            pl.BlockSpec((BLK, D), lambda i: (i, 0)),
            pl.BlockSpec((BLK, 1), lambda i: (i, 0)),
        ],
        out_shape=[
            jax.ShapeDtypeStruct((N, D), jnp.float32),
            jax.ShapeDtypeStruct((N, 1), jnp.float32),
        ],
    )(x, acc, deg_parts, w_self, w_neigh, b2d)


def _fused_layer1(h, acc, inv_deg, w_self, w_neigh, b2d):
    def body(h_ref, a_ref, d_ref, ws_ref, wn_ref, b_ref, o_ref):
        agg = (a_ref[0] + a_ref[1]) * d_ref[...]
        y = jnp.dot(h_ref[...], ws_ref[...], preferred_element_type=jnp.float32)
        y = y + jnp.dot(agg, wn_ref[...], preferred_element_type=jnp.float32)
        o_ref[...] = y + b_ref[...]

    return pl.pallas_call(
        body,
        grid=(N // BLK,),
        in_specs=[
            pl.BlockSpec((BLK, D), lambda i: (i, 0)),
            pl.BlockSpec((NC, BLK, D), lambda i: (0, i, 0)),
            pl.BlockSpec((BLK, 1), lambda i: (i, 0)),
            pl.BlockSpec((D, D), lambda i: (0, 0)),
            pl.BlockSpec((D, D), lambda i: (0, 0)),
            pl.BlockSpec((1, D), lambda i: (0, 0)),
        ],
        out_specs=pl.BlockSpec((BLK, D), lambda i: (i, 0)),
        out_shape=jax.ShapeDtypeStruct((N, D), jnp.float32),
    )(h, acc, inv_deg, w_self, w_neigh, b2d)


def kernel(x, edge_index, W_self_0, W_neigh_0, b_0, W_self_1, W_neigh_1, b_1):
    src = edge_index[0]
    dst = edge_index[1]
    acc0 = _agg(x, src, dst)
    deg_parts = _deg(dst)
    h, inv_deg = _fused_layer0(x, acc0, deg_parts, W_self_0, W_neigh_0,
                               b_0.reshape(1, D))
    acc1 = _agg(h, src, dst)
    out = _fused_layer1(h, acc1, inv_deg, W_self_1, W_neigh_1,
                        b_1.reshape(1, D))
    return out

# --- scband reference (transcript-rebuilt; emitter-appended) ---
"""Pipeline reference for scband-graph-sage-65781719106245 (READ-ONLY COPY).

The authoritative reference and input builder live on the scoring server;
editing this copy changes nothing except your own understanding.
"""

import jax, jax.numpy as jnp
import numpy as np

N_NODES = 10000
D_IN = 128
D_HID = 128
D_OUT = 128
N_EDGES = 320000


def setup_inputs(seed: int = 0) -> dict:
    key = jax.random.key(seed)
    ks = jax.random.split(key, 8)
    x = jax.random.normal(ks[0], (N_NODES, D_IN), dtype=jnp.float32)
    edge_index = jax.random.randint(ks[1], (2, N_EDGES), 0, N_NODES, dtype=jnp.int64 if jax.config.jax_enable_x64 else jnp.int32).astype(jnp.int32)
    s0 = 1.0 / np.sqrt(D_IN)
    s1 = 1.0 / np.sqrt(D_HID)
    W_self_0 = jax.random.uniform(ks[2], (D_IN, D_HID), jnp.float32, -s0, s0)
    W_neigh_0 = jax.random.uniform(ks[3], (D_IN, D_HID), jnp.float32, -s0, s0)
    b_0 = jnp.zeros((D_HID,), jnp.float32)
    W_self_1 = jax.random.uniform(ks[4], (D_HID, D_OUT), jnp.float32, -s1, s1)
    W_neigh_1 = jax.random.uniform(ks[5], (D_HID, D_OUT), jnp.float32, -s1, s1)
    b_1 = jnp.zeros((D_OUT,), jnp.float32)
    return {"x": x, "edge_index": edge_index, "W_self_0": W_self_0, "W_neigh_0": W_neigh_0, "b_0": b_0, "W_self_1": W_self_1, "W_neigh_1": W_neigh_1, "b_1": b_1}


def _sage_conv(h, src, dst, W_self, W_neigh, b, n_nodes):
    # DGL-style SAGEConv with mean aggregator:
    #   h_neigh = fc_neigh( mean_{j in N(i)} h_j );  rst = fc_self(h_i) + h_neigh + bias
    msg = jnp.take(h, src, axis=0)                       # gather over src (SparseCore gather)
    summed = jax.ops.segment_sum(msg, dst, num_segments=n_nodes)  # scatter-add over dst
    deg = jax.ops.segment_sum(jnp.ones((src.shape[0],), h.dtype), dst, num_segments=n_nodes)
    deg = jnp.clip(deg, 1.0, None)
    h_neigh = summed / deg[:, None]
    return h @ W_self + h_neigh @ W_neigh + b


def reference(x, edge_index, W_self_0, W_neigh_0, b_0, W_self_1, W_neigh_1, b_1):
    src = edge_index[0]
    dst = edge_index[1]
    n = x.shape[0]
    # dropout p=0.0 -> identity
    h = _sage_conv(x, src, dst, W_self_0, W_neigh_0, b_0, n)
    h = jax.nn.relu(h)
    h = _sage_conv(h, src, dst, W_self_1, W_neigh_1, b_1, n)
    return h

if __name__ == "__main__":
    import jax
    _d = setup_inputs()
    print(jax.jit(kernel)(*tuple(_d.values())))

</pallas_src>

<mosaic_0001>
#map = affine_map<(d0, d1) -> (0)>
#map1 = affine_map<(d0, d1) -> (0, 0, 0)>
module attributes {stable_mosaic.version = 14 : i64} {
  func.func @_deg_kernel(%arg0: i32, %arg1: i32, %arg2: memref<320000xi32, #tpu.memory_space<hbm>>, %arg3: memref<2x10240x128xf32, #tpu.memory_space<hbm>>, %arg4: memref<10000xi32, #tpu.memory_space<vmem>>, %arg5: memref<80x128xf32, #tpu.memory_space<vmem>>, %arg6: memref<16x128xf32, #tpu.memory_space<vmem>>, %arg7: memref<10240x128xf32, #tpu.memory_space<vmem_shared>>, %arg8: memref<!tpu.dma_semaphore, #tpu.memory_space<semaphore_mem>>) attributes {dimension_semantics = [#tpu.dimension_semantics<core_parallel>, #tpu.dimension_semantics<subcore_parallel>], iteration_bounds = array<i64: 2, 16>, scalar_prefetch = 0 : i64, scratch_operands = 5 : i64, tpu.core_type = #tpu.core_type<sc_vector_subcore>, window_params = [{transform_indices = #map}, {transform_indices = #map1}]} {
    %mul3A = arith.constant 2 : i32
    %mul3A_0 = arith.muli %arg1, %mul3A : i32
    %add3A = arith.addi %mul3A_0, %arg0 : i32
    %mul3A_1 = arith.constant 640 : i32
    %mul3A_2 = arith.muli %arg1, %mul3A_1 : i32
    %scan3A = arith.constant 0 : i32
    %scan3A_3 = arith.constant 0 : i32
    %scan3A_4 = arith.constant 80 : i32
    %scan3A_5 = arith.addi %scan3A_3, %scan3A_4 : i32
    %scan3A_6 = arith.constant 1 : i32
    scf.for %scan3A_71 = %scan3A_3 to %scan3A_5 step %scan3A_6  : i32 {
      %broadcast_in_dim3A = arith.constant 0.000000e+00 : f32
      %broadcast_in_dim3A_72 = vector.broadcast %broadcast_in_dim3A : f32 to vector<16xf32>
      %swap3A = arith.index_cast %scan3A_71 : i32 to index
      %swap3A_73 = arith.constant 0 : index
      %swap3A_74 = tpu.vector_load %arg5[%swap3A, %swap3A_73] {strides = array<i32>} : memref<80x128xf32, #tpu.memory_space<vmem>>, vector<1x16xf32>,
      %swap3A_75 = vector.shape_cast %swap3A_74 : vector<1x16xf32> to vector<16xf32>
      %swap3A_76 = vector.shape_cast %broadcast_in_dim3A_72 : vector<16xf32> to vector<1x16xf32>
      tpu.vector_store %arg5[%swap3A, %swap3A_73], %swap3A_76 {strides = array<i32>} : memref<80x128xf32, #tpu.memory_space<vmem>>, vector<1x16xf32>,
      %broadcast_in_dim3A_77 = arith.constant 0.000000e+00 : f32
      %broadcast_in_dim3A_78 = vector.broadcast %broadcast_in_dim3A_77 : f32 to vector<16xf32>
      %swap3A_79 = arith.index_cast %scan3A_71 : i32 to index
      %swap3A_80 = arith.constant 16 : index
      %swap3A_81 = tpu.vector_load %arg5[%swap3A_79, %swap3A_80] {strides = array<i32>} : memref<80x128xf32, #tpu.memory_space<vmem>>, vector<1x16xf32>,
      %swap3A_82 = vector.shape_cast %swap3A_81 : vector<1x16xf32> to vector<16xf32>
      %swap3A_83 = vector.shape_cast %broadcast_in_dim3A_78 : vector<16xf32> to vector<1x16xf32>
      tpu.vector_store %arg5[%swap3A_79, %swap3A_80], %swap3A_83 {strides = array<i32>} : memref<80x128xf32, #tpu.memory_space<vmem>>, vector<1x16xf32>,
      %broadcast_in_dim3A_84 = arith.constant 0.000000e+00 : f32
      %broadcast_in_dim3A_85 = vector.broadcast %broadcast_in_dim3A_84 : f32 to vector<16xf32>
      %swap3A_86 = arith.index_cast %scan3A_71 : i32 to index
      %swap3A_87 = arith.constant 32 : index
      %swap3A_88 = tpu.vector_load %arg5[%swap3A_86, %swap3A_87] {strides = array<i32>} : memref<80x128xf32, #tpu.memory_space<vmem>>, vector<1x16xf32>,
      %swap3A_89 = vector.shape_cast %swap3A_88 : vector<1x16xf32> to vector<16xf32>
      %swap3A_90 = vector.shape_cast %broadcast_in_dim3A_85 : vector<16xf32> to vector<1x16xf32>
      tpu.vector_store %arg5[%swap3A_86, %swap3A_87], %swap3A_90 {strides = array<i32>} : memref<80x128xf32, #tpu.memory_space<vmem>>, vector<1x16xf32>,
      %broadcast_in_dim3A_91 = arith.constant 0.000000e+00 : f32
      %broadcast_in_dim3A_92 = vector.broadcast %broadcast_in_dim3A_91 : f32 to vector<16xf32>
      %swap3A_93 = arith.index_cast %scan3A_71 : i32 to index
      %swap3A_94 = arith.constant 48 : index
      %swap3A_95 = tpu.vector_load %arg5[%swap3A_93, %swap3A_94] {strides = array<i32>} : memref<80x128xf32, #tpu.memory_space<vmem>>, vector<1x16xf32>,
      %swap3A_96 = vector.shape_cast %swap3A_95 : vector<1x16xf32> to vector<16xf32>
      %swap3A_97 = vector.shape_cast %broadcast_in_dim3A_92 : vector<16xf32> to vector<1x16xf32>
      tpu.vector_store %arg5[%swap3A_93, %swap3A_94], %swap3A_97 {strides = array<i32>} : memref<80x128xf32, #tpu.memory_space<vmem>>, vector<1x16xf32>,
      %broadcast_in_dim3A_98 = arith.constant 0.000000e+00 : f32
      %broadcast_in_dim3A_99 = vector.broadcast %broadcast_in_dim3A_98 : f32 to vector<16xf32>
      %swap3A_100 = arith.index_cast %scan3A_71 : i32 to index
      %swap3A_101 = arith.constant 64 : index
      %swap3A_102 = tpu.vector_load %arg5[%swap3A_100, %swap3A_101] {strides = array<i32>} : memref<80x128xf32, #tpu.memory_space<vmem>>, vector<1x16xf32>,
      %swap3A_103 = vector.shape_cast %swap3A_102 : vector<1x16xf32> to vector<16xf32>
      %swap3A_104 = vector.shape_cast %broadcast_in_dim3A_99 : vector<16xf32> to vector<1x16xf32>
      tpu.vector_store %arg5[%swap3A_100, %swap3A_101], %swap3A_104 {strides = array<i32>} : memref<80x128xf32, #tpu.memory_space<vmem>>, vector<1x16xf32>,
      %broadcast_in_dim3A_105 = arith.constant 0.000000e+00 : f32
      %broadcast_in_dim3A_106 = vector.broadcast %broadcast_in_dim3A_105 : f32 to vector<16xf32>
      %swap3A_107 = arith.index_cast %scan3A_71 : i32 to index
      %swap3A_108 = arith.constant 80 : index
      %swap3A_109 = tpu.vector_load %arg5[%swap3A_107, %swap3A_108] {strides = array<i32>} : memref<80x128xf32, #tpu.memory_space<vmem>>, vector<1x16xf32>,
      %swap3A_110 = vector.shape_cast %swap3A_109 : vector<1x16xf32> to vector<16xf32>
      %swap3A_111 = vector.shape_cast %broadcast_in_dim3A_106 : vector<16xf32> to vector<1x16xf32>
      tpu.vector_store %arg5[%swap3A_107, %swap3A_108], %swap3A_111 {strides = array<i32>} : memref<80x128xf32, #tpu.memory_space<vmem>>, vector<1x16xf32>,
      %broadcast_in_dim3A_112 = arith.constant 0.000000e+00 : f32
      %broadcast_in_dim3A_113 = vector.broadcast %broadcast_in_dim3A_112 : f32 to vector<16xf32>
      %swap3A_114 = arith.index_cast %scan3A_71 : i32 to index
      %swap3A_115 = arith.constant 96 : index
      %swap3A_116 = tpu.vector_load %arg5[%swap3A_114, %swap3A_115] {strides = array<i32>} : memref<80x128xf32, #tpu.memory_space<vmem>>, vector<1x16xf32>,
      %swap3A_117 = vector.shape_cast %swap3A_116 : vector<1x16xf32> to vector<16xf32>
      %swap3A_118 = vector.shape_cast %broadcast_in_dim3A_113 : vector<16xf32> to vector<1x16xf32>
      tpu.vector_store %arg5[%swap3A_114, %swap3A_115], %swap3A_118 {strides = array<i32>} : memref<80x128xf32, #tpu.memory_space<vmem>>, vector<1x16xf32>,
      %broadcast_in_dim3A_119 = arith.constant 0.000000e+00 : f32
      %broadcast_in_dim3A_120 = vector.broadcast %broadcast_in_dim3A_119 : f32 to vector<16xf32>
      %swap3A_121 = arith.index_cast %scan3A_71 : i32 to index
      %swap3A_122 = arith.constant 112 : index
      %swap3A_123 = tpu.vector_load %arg5[%swap3A_121, %swap3A_122] {strides = array<i32>} : memref<80x128xf32, #tpu.memory_space<vmem>>, vector<1x16xf32>,
      %swap3A_124 = vector.shape_cast %swap3A_123 : vector<1x16xf32> to vector<16xf32>
      %swap3A_125 = vector.shape_cast %broadcast_in_dim3A_120 : vector<16xf32> to vector<1x16xf32>
      tpu.vector_store %arg5[%swap3A_121, %swap3A_122], %swap3A_125 {strides = array<i32>} : memref<80x128xf32, #tpu.memory_space<vmem>>, vector<1x16xf32>,
    }
    %scan3A_7 = arith.constant 80 : i32
    %add3A_8 = arith.constant 0 : i32
    %add3A_9 = arith.addi %mul3A_2, %add3A_8 : i32
    "tpu.region"() ({
      %run_scoped3A = tpu.sem_alloc : memref<!tpu.dma_semaphore, #tpu.memory_space<semaphore_mem>>
      %dma_start3A = arith.constant 0 : i32
      %dma_start3A_71 = tpu.memref_slice %arg7[%add3A_9, %dma_start3A] : memref<10240x128xf32, #tpu.memory_space<vmem_shared>> -> memref<80x128xf32, #tpu.memory_space<vmem_shared>>
      %dma_start3A_72 = arith.constant 0 : i32
      %dma_start3A_73 = tpu.memref_slice %arg7[%add3A_9, %dma_start3A_72] : memref<10240x128xf32, #tpu.memory_space<vmem_shared>> -> memref<80x128xf32, #tpu.memory_space<vmem_shared>>
      tpu.enqueue_dma source(%arg5 : memref<80x128xf32, #tpu.memory_space<vmem>>) target(%dma_start3A_73 : memref<80x128xf32, #tpu.memory_space<vmem_shared>>) target_semaphore(%run_scoped3A : memref<!tpu.dma_semaphore, #tpu.memory_space<semaphore_mem>>)
      %dma_wait3A = arith.constant 0 : i32
      %dma_wait3A_74 = tpu.memref_slice %arg7[%add3A_9, %dma_wait3A] : memref<10240x128xf32, #tpu.memory_space<vmem_shared>> -> memref<80x128xf32, #tpu.memory_space<vmem_shared>>
      %dma_wait3A_75 = arith.constant 0 : i32
      %dma_wait3A_76 = tpu.memref_slice %arg7[%add3A_9, %dma_wait3A_75] : memref<10240x128xf32, #tpu.memory_space<vmem_shared>> -> memref<80x128xf32, #tpu.memory_space<vmem_shared>>
      tpu.wait_dma2 semaphore(%run_scoped3A : memref<!tpu.dma_semaphore, #tpu.memory_space<semaphore_mem>>) src(%arg5 : memref<80x128xf32, #tpu.memory_space<vmem>>) dst(%dma_wait3A_76 : memref<80x128xf32, #tpu.memory_space<vmem_shared>>)
      tpu.yield
    }) : () -> ()
    %add3A_10 = arith.constant 80 : i32
    %add3A_11 = arith.addi %mul3A_2, %add3A_10 : i32
    "tpu.region"() ({
      %run_scoped3A = tpu.sem_alloc : memref<!tpu.dma_semaphore, #tpu.memory_space<semaphore_mem>>
      %dma_start3A = arith.constant 0 : i32
      %dma_start3A_71 = tpu.memref_slice %arg7[%add3A_11, %dma_start3A] : memref<10240x128xf32, #tpu.memory_space<vmem_shared>> -> memref<80x128xf32, #tpu.memory_space<vmem_shared>>
      %dma_start3A_72 = arith.constant 0 : i32
      %dma_start3A_73 = tpu.memref_slice %arg7[%add3A_11, %dma_start3A_72] : memref<10240x128xf32, #tpu.memory_space<vmem_shared>> -> memref<80x128xf32, #tpu.memory_space<vmem_shared>>
      tpu.enqueue_dma source(%arg5 : memref<80x128xf32, #tpu.memory_space<vmem>>) target(%dma_start3A_73 : memref<80x128xf32, #tpu.memory_space<vmem_shared>>) target_semaphore(%run_scoped3A : memref<!tpu.dma_semaphore, #tpu.memory_space<semaphore_mem>>)
      %dma_wait3A = arith.constant 0 : i32
      %dma_wait3A_74 = tpu.memref_slice %arg7[%add3A_11, %dma_wait3A] : memref<10240x128xf32, #tpu.memory_space<vmem_shared>> -> memref<80x128xf32, #tpu.memory_space<vmem_shared>>
      %dma_wait3A_75 = arith.constant 0 : i32
      %dma_wait3A_76 = tpu.memref_slice %arg7[%add3A_11, %dma_wait3A_75] : memref<10240x128xf32, #tpu.memory_space<vmem_shared>> -> memref<80x128xf32, #tpu.memory_space<vmem_shared>>
      tpu.wait_dma2 semaphore(%run_scoped3A : memref<!tpu.dma_semaphore, #tpu.memory_space<semaphore_mem>>) src(%arg5 : memref<80x128xf32, #tpu.memory_space<vmem>>) dst(%dma_wait3A_76 : memref<80x128xf32, #tpu.memory_space<vmem_shared>>)
      tpu.yield
    }) : () -> ()
    %add3A_12 = arith.constant 160 : i32
    %add3A_13 = arith.addi %mul3A_2, %add3A_12 : i32
    "tpu.region"() ({
      %run_scoped3A = tpu.sem_alloc : memref<!tpu.dma_semaphore, #tpu.memory_space<semaphore_mem>>
      %dma_start3A = arith.constant 0 : i32
      %dma_start3A_71 = tpu.memref_slice %arg7[%add3A_13, %dma_start3A] : memref<10240x128xf32, #tpu.memory_space<vmem_shared>> -> memref<80x128xf32, #tpu.memory_space<vmem_shared>>
      %dma_start3A_72 = arith.constant 0 : i32
      %dma_start3A_73 = tpu.memref_slice %arg7[%add3A_13, %dma_start3A_72] : memref<10240x128xf32, #tpu.memory_space<vmem_shared>> -> memref<80x128xf32, #tpu.memory_space<vmem_shared>>
      tpu.enqueue_dma source(%arg5 : memref<80x128xf32, #tpu.memory_space<vmem>>) target(%dma_start3A_73 : memref<80x128xf32, #tpu.memory_space<vmem_shared>>) target_semaphore(%run_scoped3A : memref<!tpu.dma_semaphore, #tpu.memory_space<semaphore_mem>>)
      %dma_wait3A = arith.constant 0 : i32
      %dma_wait3A_74 = tpu.memref_slice %arg7[%add3A_13, %dma_wait3A] : memref<10240x128xf32, #tpu.memory_space<vmem_shared>> -> memref<80x128xf32, #tpu.memory_space<vmem_shared>>
      %dma_wait3A_75 = arith.constant 0 : i32
      %dma_wait3A_76 = tpu.memref_slice %arg7[%add3A_13, %dma_wait3A_75] : memref<10240x128xf32, #tpu.memory_space<vmem_shared>> -> memref<80x128xf32, #tpu.memory_space<vmem_shared>>
      tpu.wait_dma2 semaphore(%run_scoped3A : memref<!tpu.dma_semaphore, #tpu.memory_space<semaphore_mem>>) src(%arg5 : memref<80x128xf32, #tpu.memory_space<vmem>>) dst(%dma_wait3A_76 : memref<80x128xf32, #tpu.memory_space<vmem_shared>>)
      tpu.yield
    }) : () -> ()
    %add3A_14 = arith.constant 240 : i32
    %add3A_15 = arith.addi %mul3A_2, %add3A_14 : i32
    "tpu.region"() ({
      %run_scoped3A = tpu.sem_alloc : memref<!tpu.dma_semaphore, #tpu.memory_space<semaphore_mem>>
      %dma_start3A = arith.constant 0 : i32
      %dma_start3A_71 = tpu.memref_slice %arg7[%add3A_15, %dma_start3A] : memref<10240x128xf32, #tpu.memory_space<vmem_shared>> -> memref<80x128xf32, #tpu.memory_space<vmem_shared>>
      %dma_start3A_72 = arith.constant 0 : i32
      %dma_start3A_73 = tpu.memref_slice %arg7[%add3A_15, %dma_start3A_72] : memref<10240x128xf32, #tpu.memory_space<vmem_shared>> -> memref<80x128xf32, #tpu.memory_space<vmem_shared>>
      tpu.enqueue_dma source(%arg5 : memref<80x128xf32, #tpu.memory_space<vmem>>) target(%dma_start3A_73 : memref<80x128xf32, #tpu.memory_space<vmem_shared>>) target_semaphore(%run_scoped3A : memref<!tpu.dma_semaphore, #tpu.memory_space<semaphore_mem>>)
      %dma_wait3A = arith.constant 0 : i32
      %dma_wait3A_74 = tpu.memref_slice %arg7[%add3A_15, %dma_wait3A] : memref<10240x128xf32, #tpu.memory_space<vmem_shared>> -> memref<80x128xf32, #tpu.memory_space<vmem_shared>>
      %dma_wait3A_75 = arith.constant 0 : i32
      %dma_wait3A_76 = tpu.memref_slice %arg7[%add3A_15, %dma_wait3A_75] : memref<10240x128xf32, #tpu.memory_space<vmem_shared>> -> memref<80x128xf32, #tpu.memory_space<vmem_shared>>
      tpu.wait_dma2 semaphore(%run_scoped3A : memref<!tpu.dma_semaphore, #tpu.memory_space<semaphore_mem>>) src(%arg5 : memref<80x128xf32, #tpu.memory_space<vmem>>) dst(%dma_wait3A_76 : memref<80x128xf32, #tpu.memory_space<vmem_shared>>)
      tpu.yield
    }) : () -> ()
    %add3A_16 = arith.constant 320 : i32
    %add3A_17 = arith.addi %mul3A_2, %add3A_16 : i32
    "tpu.region"() ({
      %run_scoped3A = tpu.sem_alloc : memref<!tpu.dma_semaphore, #tpu.memory_space<semaphore_mem>>
      %dma_start3A = arith.constant 0 : i32
      %dma_start3A_71 = tpu.memref_slice %arg7[%add3A_17, %dma_start3A] : memref<10240x128xf32, #tpu.memory_space<vmem_shared>> -> memref<80x128xf32, #tpu.memory_space<vmem_shared>>
      %dma_start3A_72 = arith.constant 0 : i32
      %dma_start3A_73 = tpu.memref_slice %arg7[%add3A_17, %dma_start3A_72] : memref<10240x128xf32, #tpu.memory_space<vmem_shared>> -> memref<80x128xf32, #tpu.memory_space<vmem_shared>>
      tpu.enqueue_dma source(%arg5 : memref<80x128xf32, #tpu.memory_space<vmem>>) target(%dma_start3A_73 : memref<80x128xf32, #tpu.memory_space<vmem_shared>>) target_semaphore(%run_scoped3A : memref<!tpu.dma_semaphore, #tpu.memory_space<semaphore_mem>>)
      %dma_wait3A = arith.constant 0 : i32
      %dma_wait3A_74 = tpu.memref_slice %arg7[%add3A_17, %dma_wait3A] : memref<10240x128xf32, #tpu.memory_space<vmem_shared>> -> memref<80x128xf32, #tpu.memory_space<vmem_shared>>
      %dma_wait3A_75 = arith.constant 0 : i32
      %dma_wait3A_76 = tpu.memref_slice %arg7[%add3A_17, %dma_wait3A_75] : memref<10240x128xf32, #tpu.memory_space<vmem_shared>> -> memref<80x128xf32, #tpu.memory_space<vmem_shared>>
      tpu.wait_dma2 semaphore(%run_scoped3A : memref<!tpu.dma_semaphore, #tpu.memory_space<semaphore_mem>>) src(%arg5 : memref<80x128xf32, #tpu.memory_space<vmem>>) dst(%dma_wait3A_76 : memref<80x128xf32, #tpu.memory_space<vmem_shared>>)
      tpu.yield
    }) : () -> ()
    %add3A_18 = arith.constant 400 : i32
    %add3A_19 = arith.addi %mul3A_2, %add3A_18 : i32
    "tpu.region"() ({
      %run_scoped3A = tpu.sem_alloc : memref<!tpu.dma_semaphore, #tpu.memory_space<semaphore_mem>>
      %dma_start3A = arith.constant 0 : i32
      %dma_start3A_71 = tpu.memref_slice %arg7[%add3A_19, %dma_start3A] : memref<10240x128xf32, #tpu.memory_space<vmem_shared>> -> memref<80x128xf32, #tpu.memory_space<vmem_shared>>
      %dma_start3A_72 = arith.constant 0 : i32
      %dma_start3A_73 = tpu.memref_slice %arg7[%add3A_19, %dma_start3A_72] : memref<10240x128xf32, #tpu.memory_space<vmem_shared>> -> memref<80x128xf32, #tpu.memory_space<vmem_shared>>
      tpu.enqueue_dma source(%arg5 : memref<80x128xf32, #tpu.memory_space<vmem>>) target(%dma_start3A_73 : memref<80x128xf32, #tpu.memory_space<vmem_shared>>) target_semaphore(%run_scoped3A : memref<!tpu.dma_semaphore, #tpu.memory_space<semaphore_mem>>)
      %dma_wait3A = arith.constant 0 : i32
      %dma_wait3A_74 = tpu.memref_slice %arg7[%add3A_19, %dma_wait3A] : memref<10240x128xf32, #tpu.memory_space<vmem_shared>> -> memref<80x128xf32, #tpu.memory_space<vmem_shared>>
      %dma_wait3A_75 = arith.constant 0 : i32
      %dma_wait3A_76 = tpu.memref_slice %arg7[%add3A_19, %dma_wait3A_75] : memref<10240x128xf32, #tpu.memory_space<vmem_shared>> -> memref<80x128xf32, #tpu.memory_space<vmem_shared>>
      tpu.wait_dma2 semaphore(%run_scoped3A : memref<!tpu.dma_semaphore, #tpu.memory_space<semaphore_mem>>) src(%arg5 : memref<80x128xf32, #tpu.memory_space<vmem>>) dst(%dma_wait3A_76 : memref<80x128xf32, #tpu.memory_space<vmem_shared>>)
      tpu.yield
    }) : () -> ()
    %add3A_20 = arith.constant 480 : i32
    %add3A_21 = arith.addi %mul3A_2, %add3A_20 : i32
    "tpu.region"() ({
      %run_scoped3A = tpu.sem_alloc : memref<!tpu.dma_semaphore, #tpu.memory_space<semaphore_mem>>
      %dma_start3A = arith.constant 0 : i32
      %dma_start3A_71 = tpu.memref_slice %arg7[%add3A_21, %dma_start3A] : memref<10240x128xf32, #tpu.memory_space<vmem_shared>> -> memref<80x128xf32, #tpu.memory_space<vmem_shared>>
      %dma_start3A_72 = arith.constant 0 : i32
      %dma_start3A_73 = tpu.memref_slice %arg7[%add3A_21, %dma_start3A_72] : memref<10240x128xf32, #tpu.memory_space<vmem_shared>> -> memref<80x128xf32, #tpu.memory_space<vmem_shared>>
      tpu.enqueue_dma source(%arg5 : memref<80x128xf32, #tpu.memory_space<vmem>>) target(%dma_start3A_73 : memref<80x128xf32, #tpu.memory_space<vmem_shared>>) target_semaphore(%run_scoped3A : memref<!tpu.dma_semaphore, #tpu.memory_space<semaphore_mem>>)
      %dma_wait3A = arith.constant 0 : i32
      %dma_wait3A_74 = tpu.memref_slice %arg7[%add3A_21, %dma_wait3A] : memref<10240x128xf32, #tpu.memory_space<vmem_shared>> -> memref<80x128xf32, #tpu.memory_space<vmem_shared>>
      %dma_wait3A_75 = arith.constant 0 : i32
      %dma_wait3A_76 = tpu.memref_slice %arg7[%add3A_21, %dma_wait3A_75] : memref<10240x128xf32, #tpu.memory_space<vmem_shared>> -> memref<80x128xf32, #tpu.memory_space<vmem_shared>>
      tpu.wait_dma2 semaphore(%run_scoped3A : memref<!tpu.dma_semaphore, #tpu.memory_space<semaphore_mem>>) src(%arg5 : memref<80x128xf32, #tpu.memory_space<vmem>>) dst(%dma_wait3A_76 : memref<80x128xf32, #tpu.memory_space<vmem_shared>>)
      tpu.yield
    }) : () -> ()
    %add3A_22 = arith.constant 560 : i32
    %add3A_23 = arith.addi %mul3A_2, %add3A_22 : i32
    "tpu.region"() ({
      %run_scoped3A = tpu.sem_alloc : memref<!tpu.dma_semaphore, #tpu.memory_space<semaphore_mem>>
      %dma_start3A = arith.constant 0 : i32
      %dma_start3A_71 = tpu.memref_slice %arg7[%add3A_23, %dma_start3A] : memref<10240x128xf32, #tpu.memory_space<vmem_shared>> -> memref<80x128xf32, #tpu.memory_space<vmem_shared>>
      %dma_start3A_72 = arith.constant 0 : i32
      %dma_start3A_73 = tpu.memref_slice %arg7[%add3A_23, %dma_start3A_72] : memref<10240x128xf32, #tpu.memory_space<vmem_shared>> -> memref<80x128xf32, #tpu.memory_space<vmem_shared>>
      tpu.enqueue_dma source(%arg5 : memref<80x128xf32, #tpu.memory_space<vmem>>) target(%dma_start3A_73 : memref<80x128xf32, #tpu.memory_space<vmem_shared>>) target_semaphore(%run_scoped3A : memref<!tpu.dma_semaphore, #tpu.memory_space<semaphore_mem>>)
      %dma_wait3A = arith.constant 0 : i32
      %dma_wait3A_74 = tpu.memref_slice %arg7[%add3A_23, %dma_wait3A] : memref<10240x128xf32, #tpu.memory_space<vmem_shared>> -> memref<80x128xf32, #tpu.memory_space<vmem_shared>>
      %dma_wait3A_75 = arith.constant 0 : i32
      %dma_wait3A_76 = tpu.memref_slice %arg7[%add3A_23, %dma_wait3A_75] : memref<10240x128xf32, #tpu.memory_space<vmem_shared>> -> memref<80x128xf32, #tpu.memory_space<vmem_shared>>
      tpu.wait_dma2 semaphore(%run_scoped3A : memref<!tpu.dma_semaphore, #tpu.memory_space<semaphore_mem>>) src(%arg5 : memref<80x128xf32, #tpu.memory_space<vmem>>) dst(%dma_wait3A_76 : memref<80x128xf32, #tpu.memory_space<vmem_shared>>)
      tpu.yield
    }) : () -> ()
    %scan3A_24 = arith.constant 0 : i32
    %scan3A_25 = arith.constant 0 : i32
    %scan3A_26 = arith.constant 16 : i32
    %scan3A_27 = arith.addi %scan3A_25, %scan3A_26 : i32
    %scan3A_28 = arith.constant 1 : i32
    scf.for %scan3A_71 = %scan3A_25 to %scan3A_27 step %scan3A_28  : i32 {
      %broadcast_in_dim3A = arith.constant 1.000000e+00 : f32
      %broadcast_in_dim3A_72 = vector.broadcast %broadcast_in_dim3A : f32 to vector<16xf32>
      %swap3A = arith.index_cast %scan3A_71 : i32 to index
      %swap3A_73 = arith.constant 0 : index
      %swap3A_74 = tpu.vector_load %arg6[%swap3A, %swap3A_73] {strides = array<i32>} : memref<16x128xf32, #tpu.memory_space<vmem>>, vector<1x16xf32>,
      %swap3A_75 = vector.shape_cast %swap3A_74 : vector<1x16xf32> to vector<16xf32>
      %swap3A_76 = vector.shape_cast %broadcast_in_dim3A_72 : vector<16xf32> to vector<1x16xf32>
      tpu.vector_store %arg6[%swap3A, %swap3A_73], %swap3A_76 {strides = array<i32>} : memref<16x128xf32, #tpu.memory_space<vmem>>, vector<1x16xf32>,
      %broadcast_in_dim3A_77 = arith.constant 1.000000e+00 : f32
      %broadcast_in_dim3A_78 = vector.broadcast %broadcast_in_dim3A_77 : f32 to vector<16xf32>
      %swap3A_79 = arith.index_cast %scan3A_71 : i32 to index
      %swap3A_80 = arith.constant 16 : index
      %swap3A_81 = tpu.vector_load %arg6[%swap3A_79, %swap3A_80] {strides = array<i32>} : memref<16x128xf32, #tpu.memory_space<vmem>>, vector<1x16xf32>,
      %swap3A_82 = vector.shape_cast %swap3A_81 : vector<1x16xf32> to vector<16xf32>
      %swap3A_83 = vector.shape_cast %broadcast_in_dim3A_78 : vector<16xf32> to vector<1x16xf32>
      tpu.vector_store %arg6[%swap3A_79, %swap3A_80], %swap3A_83 {strides = array<i32>} : memref<16x128xf32, #tpu.memory_space<vmem>>, vector<1x16xf32>,
      %broadcast_in_dim3A_84 = arith.constant 1.000000e+00 : f32
      %broadcast_in_dim3A_85 = vector.broadcast %broadcast_in_dim3A_84 : f32 to vector<16xf32>
      %swap3A_86 = arith.index_cast %scan3A_71 : i32 to index
      %swap3A_87 = arith.constant 32 : index
      %swap3A_88 = tpu.vector_load %arg6[%swap3A_86, %swap3A_87] {strides = array<i32>} : memref<16x128xf32, #tpu.memory_space<vmem>>, vector<1x16xf32>,
      %swap3A_89 = vector.shape_cast %swap3A_88 : vector<1x16xf32> to vector<16xf32>
      %swap3A_90 = vector.shape_cast %broadcast_in_dim3A_85 : vector<16xf32> to vector<1x16xf32>
      tpu.vector_store %arg6[%swap3A_86, %swap3A_87], %swap3A_90 {strides = array<i32>} : memref<16x128xf32, #tpu.memory_space<vmem>>, vector<1x16xf32>,
      %broadcast_in_dim3A_91 = arith.constant 1.000000e+00 : f32
      %broadcast_in_dim3A_92 = vector.broadcast %broadcast_in_dim3A_91 : f32 to vector<16xf32>
      %swap3A_93 = arith.index_cast %scan3A_71 : i32 to index
      %swap3A_94 = arith.constant 48 : index
      %swap3A_95 = tpu.vector_load %arg6[%swap3A_93, %swap3A_94] {strides = array<i32>} : memref<16x128xf32, #tpu.memory_space<vmem>>, vector<1x16xf32>,
      %swap3A_96 = vector.shape_cast %swap3A_95 : vector<1x16xf32> to vector<16xf32>
      %swap3A_97 = vector.shape_cast %broadcast_in_dim3A_92 : vector<16xf32> to vector<1x16xf32>
      tpu.vector_store %arg6[%swap3A_93, %swap3A_94], %swap3A_97 {strides = array<i32>} : memref<16x128xf32, #tpu.memory_space<vmem>>, vector<1x16xf32>,
      %broadcast_in_dim3A_98 = arith.constant 1.000000e+00 : f32
      %broadcast_in_dim3A_99 = vector.broadcast %broadcast_in_dim3A_98 : f32 to vector<16xf32>
      %swap3A_100 = arith.index_cast %scan3A_71 : i32 to index
      %swap3A_101 = arith.constant 64 : index
      %swap3A_102 = tpu.vector_load %arg6[%swap3A_100, %swap3A_101] {strides = array<i32>} : memref<16x128xf32, #tpu.memory_space<vmem>>, vector<1x16xf32>,
      %swap3A_103 = vector.shape_cast %swap3A_102 : vector<1x16xf32> to vector<16xf32>
      %swap3A_104 = vector.shape_cast %broadcast_in_dim3A_99 : vector<16xf32> to vector<1x16xf32>
      tpu.vector_store %arg6[%swap3A_100, %swap3A_101], %swap3A_104 {strides = array<i32>} : memref<16x128xf32, #tpu.memory_space<vmem>>, vector<1x16xf32>,
      %broadcast_in_dim3A_105 = arith.constant 1.000000e+00 : f32
      %broadcast_in_dim3A_106 = vector.broadcast %broadcast_in_dim3A_105 : f32 to vector<16xf32>
      %swap3A_107 = arith.index_cast %scan3A_71 : i32 to index
      %swap3A_108 = arith.constant 80 : index
      %swap3A_109 = tpu.vector_load %arg6[%swap3A_107, %swap3A_108] {strides = array<i32>} : memref<16x128xf32, #tpu.memory_space<vmem>>, vector<1x16xf32>,
      %swap3A_110 = vector.shape_cast %swap3A_109 : vector<1x16xf32> to vector<16xf32>
      %swap3A_111 = vector.shape_cast %broadcast_in_dim3A_106 : vector<16xf32> to vector<1x16xf32>
      tpu.vector_store %arg6[%swap3A_107, %swap3A_108], %swap3A_111 {strides = array<i32>} : memref<16x128xf32, #tpu.memory_space<vmem>>, vector<1x16xf32>,
      %broadcast_in_dim3A_112 = arith.constant 1.000000e+00 : f32
      %broadcast_in_dim3A_113 = vector.broadcast %broadcast_in_dim3A_112 : f32 to vector<16xf32>
      %swap3A_114 = arith.index_cast %scan3A_71 : i32 to index
      %swap3A_115 = arith.constant 96 : index
      %swap3A_116 = tpu.vector_load %arg6[%swap3A_114, %swap3A_115] {strides = array<i32>} : memref<16x128xf32, #tpu.memory_space<vmem>>, vector<1x16xf32>,
      %swap3A_117 = vector.shape_cast %swap3A_116 : vector<1x16xf32> to vector<16xf32>
      %swap3A_118 = vector.shape_cast %broadcast_in_dim3A_113 : vector<16xf32> to vector<1x16xf32>
      tpu.vector_store %arg6[%swap3A_114, %swap3A_115], %swap3A_118 {strides = array<i32>} : memref<16x128xf32, #tpu.memory_space<vmem>>, vector<1x16xf32>,
      %broadcast_in_dim3A_119 = arith.constant 1.000000e+00 : f32
      %broadcast_in_dim3A_120 = vector.broadcast %broadcast_in_dim3A_119 : f32 to vector<16xf32>
      %swap3A_121 = arith.index_cast %scan3A_71 : i32 to index
      %swap3A_122 = arith.constant 112 : index
      %swap3A_123 = tpu.vector_load %arg6[%swap3A_121, %swap3A_122] {strides = array<i32>} : memref<16x128xf32, #tpu.memory_space<vmem>>, vector<1x16xf32>,
      %swap3A_124 = vector.shape_cast %swap3A_123 : vector<1x16xf32> to vector<16xf32>
      %swap3A_125 = vector.shape_cast %broadcast_in_dim3A_120 : vector<16xf32> to vector<1x16xf32>
      tpu.vector_store %arg6[%swap3A_121, %swap3A_122], %swap3A_125 {strides = array<i32>} : memref<16x128xf32, #tpu.memory_space<vmem>>, vector<1x16xf32>,
    }
    %scan3A_29 = arith.constant 16 : i32
    %mul3A_30 = arith.constant 10000 : i32
    %mul3A_31 = arith.muli %add3A, %mul3A_30 : i32
    "tpu.region"() ({
      %run_scoped3A = tpu.sem_alloc : memref<!tpu.dma_semaphore, #tpu.memory_space<semaphore_mem>>
      %dma_start3A = tpu.memref_slice %arg2[%mul3A_31] : memref<320000xi32, #tpu.memory_space<hbm>> -> memref<10000xi32, #tpu.memory_space<hbm>>
      %dma_start3A_71 = tpu.memref_slice %arg2[%mul3A_31] : memref<320000xi32, #tpu.memory_space<hbm>> -> memref<10000xi32, #tpu.memory_space<hbm>>
      tpu.enqueue_dma source(%dma_start3A_71 : memref<10000xi32, #tpu.memory_space<hbm>>) target(%arg4 : memref<10000xi32, #tpu.memory_space<vmem>>) target_semaphore(%run_scoped3A : memref<!tpu.dma_semaphore, #tpu.memory_space<semaphore_mem>>)
      %dma_wait3A = tpu.memref_slice %arg2[%mul3A_31] : memref<320000xi32, #tpu.memory_space<hbm>> -> memref<10000xi32, #tpu.memory_space<hbm>>
      %dma_wait3A_72 = tpu.memref_slice %arg2[%mul3A_31] : memref<320000xi32, #tpu.memory_space<hbm>> -> memref<10000xi32, #tpu.memory_space<hbm>>
      tpu.wait_dma2 semaphore(%run_scoped3A : memref<!tpu.dma_semaphore, #tpu.memory_space<semaphore_mem>>) src(%dma_wait3A_72 : memref<10000xi32, #tpu.memory_space<hbm>>) dst(%arg4 : memref<10000xi32, #tpu.memory_space<vmem>>)
      tpu.yield
    }) : () -> ()
    %barrier3A = arith.constant 0 : index
    tpu.barrier barrier_id(%barrier3A)
    %scan3A_32 = arith.constant 0 : i32
    %scan3A_33 = arith.constant 0 : i32
    %scan3A_34 = arith.constant 125 : i32
    %scan3A_35 = arith.addi %scan3A_33, %scan3A_34 : i32
    %scan3A_36 = arith.constant 1 : i32
    scf.for %scan3A_71 = %scan3A_33 to %scan3A_35 step %scan3A_36  : i32 {
      %mul3A_72 = arith.constant 80 : i32
      %mul3A_73 = arith.muli %scan3A_71, %mul3A_72 : i32
      %add3A_74 = arith.constant 0 : i32
      %add3A_75 = arith.addi %mul3A_73, %add3A_74 : i32
      %get3A = arith.index_cast %add3A_75 : i32 to index
      %get3A_76 = tpu.vector_load %arg4[%get3A] {strides = array<i32>} : memref<10000xi32, #tpu.memory_space<vmem>>, vector<16xi32>,
      %get3A_77 = vector.shape_cast %get3A_76 : vector<16xi32> to vector<16xi32>
      %dma_start3A = arith.constant 0 : i32
      %dma_start3A_78 = arith.constant 0 : i32
      %dma_start3A_79 = tpu.memref_slice %arg7[%dma_start3A, %dma_start3A_78] : memref<10240x128xf32, #tpu.memory_space<vmem_shared>> -> memref<10240x128xf32, #tpu.memory_space<vmem_shared>>
      tpu.enqueue_indirect_dma source(%arg6 : memref<16x128xf32, #tpu.memory_space<vmem>>) target(%dma_start3A_79 : memref<10240x128xf32, #tpu.memory_space<vmem_shared>>) offsets(%get3A_77 : vector<16xi32>) semaphore(%arg8 : memref<!tpu.dma_semaphore, #tpu.memory_space<semaphore_mem>>) {add = true}
      %mul3A_80 = arith.constant 80 : i32
      %mul3A_81 = arith.muli %scan3A_71, %mul3A_80 : i32
      %add3A_82 = arith.constant 16 : i32
      %add3A_83 = arith.addi %mul3A_81, %add3A_82 : i32
      %get3A_84 = arith.index_cast %add3A_83 : i32 to index
      %get3A_85 = tpu.vector_load %arg4[%get3A_84] {strides = array<i32>} : memref<10000xi32, #tpu.memory_space<vmem>>, vector<16xi32>,
      %get3A_86 = vector.shape_cast %get3A_85 : vector<16xi32> to vector<16xi32>
      %dma_start3A_87 = arith.constant 0 : i32
      %dma_start3A_88 = arith.constant 0 : i32
      %dma_start3A_89 = tpu.memref_slice %arg7[%dma_start3A_87, %dma_start3A_88] : memref<10240x128xf32, #tpu.memory_space<vmem_shared>> -> memref<10240x128xf32, #tpu.memory_space<vmem_shared>>
      tpu.enqueue_indirect_dma source(%arg6 : memref<16x128xf32, #tpu.memory_space<vmem>>) target(%dma_start3A_89 : memref<10240x128xf32, #tpu.memory_space<vmem_shared>>) offsets(%get3A_86 : vector<16xi32>) semaphore(%arg8 : memref<!tpu.dma_semaphore, #tpu.memory_space<semaphore_mem>>) {add = true}
      %mul3A_90 = arith.constant 80 : i32
      %mul3A_91 = arith.muli %scan3A_71, %mul3A_90 : i32
      %add3A_92 = arith.constant 32 : i32
      %add3A_93 = arith.addi %mul3A_91, %add3A_92 : i32
      %get3A_94 = arith.index_cast %add3A_93 : i32 to index
      %get3A_95 = tpu.vector_load %arg4[%get3A_94] {strides = array<i32>} : memref<10000xi32, #tpu.memory_space<vmem>>, vector<16xi32>,
      %get3A_96 = vector.shape_cast %get3A_95 : vector<16xi32> to vector<16xi32>
      %dma_start3A_97 = arith.constant 0 : i32
      %dma_start3A_98 = arith.constant 0 : i32
      %dma_start3A_99 = tpu.memref_slice %arg7[%dma_start3A_97, %dma_start3A_98] : memref<10240x128xf32, #tpu.memory_space<vmem_shared>> -> memref<10240x128xf32, #tpu.memory_space<vmem_shared>>
      tpu.enqueue_indirect_dma source(%arg6 : memref<16x128xf32, #tpu.memory_space<vmem>>) target(%dma_start3A_99 : memref<10240x128xf32, #tpu.memory_space<vmem_shared>>) offsets(%get3A_96 : vector<16xi32>) semaphore(%arg8 : memref<!tpu.dma_semaphore, #tpu.memory_space<semaphore_mem>>) {add = true}
      %mul3A_100 = arith.constant 80 : i32
      %mul3A_101 = arith.muli %scan3A_71, %mul3A_100 : i32
      %add3A_102 = arith.constant 48 : i32
      %add3A_103 = arith.addi %mul3A_101, %add3A_102 : i32
      %get3A_104 = arith.index_cast %add3A_103 : i32 to index
      %get3A_105 = tpu.vector_load %arg4[%get3A_104] {strides = array<i32>} : memref<10000xi32, #tpu.memory_space<vmem>>, vector<16xi32>,
      %get3A_106 = vector.shape_cast %get3A_105 : vector<16xi32> to vector<16xi32>
      %dma_start3A_107 = arith.constant 0 : i32
      %dma_start3A_108 = arith.constant 0 : i32
      %dma_start3A_109 = tpu.memref_slice %arg7[%dma_start3A_107, %dma_start3A_108] : memref<10240x128xf32, #tpu.memory_space<vmem_shared>> -> memref<10240x128xf32, #tpu.memory_space<vmem_shared>>
      tpu.enqueue_indirect_dma source(%arg6 : memref<16x128xf32, #tpu.memory_space<vmem>>) target(%dma_start3A_109 : memref<10240x128xf32, #tpu.memory_space<vmem_shared>>) offsets(%get3A_106 : vector<16xi32>) semaphore(%arg8 : memref<!tpu.dma_semaphore, #tpu.memory_space<semaphore_mem>>) {add = true}
      %mul3A_110 = arith.constant 80 : i32
      %mul3A_111 = arith.muli %scan3A_71, %mul3A_110 : i32
      %add3A_112 = arith.constant 64 : i32
      %add3A_113 = arith.addi %mul3A_111, %add3A_112 : i32
      %get3A_114 = arith.index_cast %add3A_113 : i32 to index
      %get3A_115 = tpu.vector_load %arg4[%get3A_114] {strides = array<i32>} : memref<10000xi32, #tpu.memory_space<vmem>>, vector<16xi32>,
      %get3A_116 = vector.shape_cast %get3A_115 : vector<16xi32> to vector<16xi32>
      %dma_start3A_117 = arith.constant 0 : i32
      %dma_start3A_118 = arith.constant 0 : i32
      %dma_start3A_119 = tpu.memref_slice %arg7[%dma_start3A_117, %dma_start3A_118] : memref<10240x128xf32, #tpu.memory_space<vmem_shared>> -> memref<10240x128xf32, #tpu.memory_space<vmem_shared>>
      tpu.enqueue_indirect_dma source(%arg6 : memref<16x128xf32, #tpu.memory_space<vmem>>) target(%dma_start3A_119 : memref<10240x128xf32, #tpu.memory_space<vmem_shared>>) offsets(%get3A_116 : vector<16xi32>) semaphore(%arg8 : memref<!tpu.dma_semaphore, #tpu.memory_space<semaphore_mem>>) {add = true}
      %dma_wait3A = arith.constant 0 : i32
      %dma_wait3A_120 = arith.constant 0 : i32
      %dma_wait3A_121 = tpu.memref_slice %arg7[%dma_wait3A, %dma_wait3A_120] : memref<10240x128xf32, #tpu.memory_space<vmem_shared>> -> memref<10240x128xf32, #tpu.memory_space<vmem_shared>>
      tpu.wait_indirect_dma semaphore(%arg8 : memref<!tpu.dma_semaphore, #tpu.memory_space<semaphore_mem>>) src(%arg6 : memref<16x128xf32, #tpu.memory_space<vmem>>) dst(%dma_wait3A_121 : memref<10240x128xf32, #tpu.memory_space<vmem_shared>>)
      %dma_wait3A_122 = arith.constant 0 : i32
      %dma_wait3A_123 = arith.constant 0 : i32
      %dma_wait3A_124 = tpu.memref_slice %arg7[%dma_wait3A_122, %dma_wait3A_123] : memref<10240x128xf32, #tpu.memory_space<vmem_shared>> -> memref<10240x128xf32, #tpu.memory_space<vmem_shared>>
      tpu.wait_indirect_dma semaphore(%arg8 : memref<!tpu.dma_semaphore, #tpu.memory_space<semaphore_mem>>) src(%arg6 : memref<16x128xf32, #tpu.memory_space<vmem>>) dst(%dma_wait3A_124 : memref<10240x128xf32, #tpu.memory_space<vmem_shared>>)
      %dma_wait3A_125 = arith.constant 0 : i32
      %dma_wait3A_126 = arith.constant 0 : i32
      %dma_wait3A_127 = tpu.memref_slice %arg7[%dma_wait3A_125, %dma_wait3A_126] : memref<10240x128xf32, #tpu.memory_space<vmem_shared>> -> memref<10240x128xf32, #tpu.memory_space<vmem_shared>>
      tpu.wait_indirect_dma semaphore(%arg8 : memref<!tpu.dma_semaphore, #tpu.memory_space<semaphore_mem>>) src(%arg6 : memref<16x128xf32, #tpu.memory_space<vmem>>) dst(%dma_wait3A_127 : memref<10240x128xf32, #tpu.memory_space<vmem_shared>>)
      %dma_wait3A_128 = arith.constant 0 : i32
      %dma_wait3A_129 = arith.constant 0 : i32
      %dma_wait3A_130 = tpu.memref_slice %arg7[%dma_wait3A_128, %dma_wait3A_129] : memref<10240x128xf32, #tpu.memory_space<vmem_shared>> -> memref<10240x128xf32, #tpu.memory_space<vmem_shared>>
      tpu.wait_indirect_dma semaphore(%arg8 : memref<!tpu.dma_semaphore, #tpu.memory_space<semaphore_mem>>) src(%arg6 : memref<16x128xf32, #tpu.memory_space<vmem>>) dst(%dma_wait3A_130 : memref<10240x128xf32, #tpu.memory_space<vmem_shared>>)
      %dma_wait3A_131 = arith.constant 0 : i32
      %dma_wait3A_132 = arith.constant 0 : i32
      %dma_wait3A_133 = tpu.memref_slice %arg7[%dma_wait3A_131, %dma_wait3A_132] : memref<10240x128xf32, #tpu.memory_space<vmem_shared>> -> memref<10240x128xf32, #tpu.memory_space<vmem_shared>>
      tpu.wait_indirect_dma semaphore(%arg8 : memref<!tpu.dma_semaphore, #tpu.memory_space<semaphore_mem>>) src(%arg6 : memref<16x128xf32, #tpu.memory_space<vmem>>) dst(%dma_wait3A_133 : memref<10240x128xf32, #tpu.memory_space<vmem_shared>>)
    }
    %scan3A_37 = arith.constant 125 : i32
    %barrier3A_38 = arith.constant 0 : index
    tpu.barrier barrier_id(%barrier3A_38)
    %add3A_39 = arith.constant 0 : i32
    %add3A_40 = arith.addi %mul3A_2, %add3A_39 : i32
    "tpu.region"() ({
      %run_scoped3A = tpu.sem_alloc : memref<!tpu.dma_semaphore, #tpu.memory_space<semaphore_mem>>
      %dma_start3A = arith.constant 0 : i32
      %dma_start3A_71 = tpu.memref_slice %arg7[%add3A_40, %dma_start3A] : memref<10240x128xf32, #tpu.memory_space<vmem_shared>> -> memref<80x128xf32, #tpu.memory_space<vmem_shared>>
      %dma_start3A_72 = arith.constant 0 : i32
      %dma_start3A_73 = tpu.memref_slice %arg7[%add3A_40, %dma_start3A_72] : memref<10240x128xf32, #tpu.memory_space<vmem_shared>> -> memref<80x128xf32, #tpu.memory_space<vmem_shared>>
      tpu.enqueue_dma source(%dma_start3A_73 : memref<80x128xf32, #tpu.memory_space<vmem_shared>>) target(%arg5 : memref<80x128xf32, #tpu.memory_space<vmem>>) target_semaphore(%run_scoped3A : memref<!tpu.dma_semaphore, #tpu.memory_space<semaphore_mem>>)
      %dma_wait3A = arith.constant 0 : i32
      %dma_wait3A_74 = tpu.memref_slice %arg7[%add3A_40, %dma_wait3A] : memref<10240x128xf32, #tpu.memory_space<vmem_shared>> -> memref<80x128xf32, #tpu.memory_space<vmem_shared>>
      %dma_wait3A_75 = arith.constant 0 : i32
      %dma_wait3A_76 = tpu.memref_slice %arg7[%add3A_40, %dma_wait3A_75] : memref<10240x128xf32, #tpu.memory_space<vmem_shared>> -> memref<80x128xf32, #tpu.memory_space<vmem_shared>>
      tpu.wait_dma2 semaphore(%run_scoped3A : memref<!tpu.dma_semaphore, #tpu.memory_space<semaphore_mem>>) src(%dma_wait3A_76 : memref<80x128xf32, #tpu.memory_space<vmem_shared>>) dst(%arg5 : memref<80x128xf32, #tpu.memory_space<vmem>>)
      tpu.yield
    }) : () -> ()
    %add3A_41 = arith.constant 0 : i32
    %add3A_42 = arith.addi %mul3A_2, %add3A_41 : i32
    "tpu.region"() ({
      %run_scoped3A = tpu.sem_alloc : memref<!tpu.dma_semaphore, #tpu.memory_space<semaphore_mem>>
      %dma_start3A = arith.constant 0 : i32
      %dma_start3A_71 = tpu.memref_slice %arg3[%arg0, %add3A_42, %dma_start3A] : memref<2x10240x128xf32, #tpu.memory_space<hbm>> -> memref<1x80x128xf32, #tpu.memory_space<hbm>>
      %dma_start3A_72 = tpu.memref_squeeze %dma_start3A_71 : memref<1x80x128xf32, #tpu.memory_space<hbm>> -> memref<80x128xf32, #tpu.memory_space<hbm>>
      %dma_start3A_73 = arith.constant 0 : i32
      %dma_start3A_74 = tpu.memref_slice %arg3[%arg0, %add3A_42, %dma_start3A_73] : memref<2x10240x128xf32, #tpu.memory_space<hbm>> -> memref<1x80x128xf32, #tpu.memory_space<hbm>>
      %dma_start3A_75 = tpu.memref_squeeze %dma_start3A_74 : memref<1x80x128xf32, #tpu.memory_space<hbm>> -> memref<80x128xf32, #tpu.memory_space<hbm>>
      tpu.enqueue_dma source(%arg5 : memref<80x128xf32, #tpu.memory_space<vmem>>) target(%dma_start3A_75 : memref<80x128xf32, #tpu.memory_space<hbm>>) target_semaphore(%run_scoped3A : memref<!tpu.dma_semaphore, #tpu.memory_space<semaphore_mem>>)
      %dma_wait3A = arith.constant 0 : i32
      %dma_wait3A_76 = tpu.memref_slice %arg3[%arg0, %add3A_42, %dma_wait3A] : memref<2x10240x128xf32, #tpu.memory_space<hbm>> -> memref<1x80x128xf32, #tpu.memory_space<hbm>>
      %dma_wait3A_77 = tpu.memref_squeeze %dma_wait3A_76 : memref<1x80x128xf32, #tpu.memory_space<hbm>> -> memref<80x128xf32, #tpu.memory_space<hbm>>
      %dma_wait3A_78 = arith.constant 0 : i32
      %dma_wait3A_79 = tpu.memref_slice %arg3[%arg0, %add3A_42, %dma_wait3A_78] : memref<2x10240x128xf32, #tpu.memory_space<hbm>> -> memref<1x80x128xf32, #tpu.memory_space<hbm>>
      %dma_wait3A_80 = tpu.memref_squeeze %dma_wait3A_79 : memref<1x80x128xf32, #tpu.memory_space<hbm>> -> memref<80x128xf32, #tpu.memory_space<hbm>>
      tpu.wait_dma2 semaphore(%run_scoped3A : memref<!tpu.dma_semaphore, #tpu.memory_space<semaphore_mem>>) src(%arg5 : memref<80x128xf32, #tpu.memory_space<vmem>>) dst(%dma_wait3A_80 : memref<80x128xf32, #tpu.memory_space<hbm>>)
      tpu.yield
    }) : () -> ()
    %add3A_43 = arith.constant 80 : i32
    %add3A_44 = arith.addi %mul3A_2, %add3A_43 : i32
    "tpu.region"() ({
      %run_scoped3A = tpu.sem_alloc : memref<!tpu.dma_semaphore, #tpu.memory_space<semaphore_mem>>
      %dma_start3A = arith.constant 0 : i32
      %dma_start3A_71 = tpu.memref_slice %arg7[%add3A_44, %dma_start3A] : memref<10240x128xf32, #tpu.memory_space<vmem_shared>> -> memref<80x128xf32, #tpu.memory_space<vmem_shared>>
      %dma_start3A_72 = arith.constant 0 : i32
      %dma_start3A_73 = tpu.memref_slice %arg7[%add3A_44, %dma_start3A_72] : memref<10240x128xf32, #tpu.memory_space<vmem_shared>> -> memref<80x128xf32, #tpu.memory_space<vmem_shared>>
      tpu.enqueue_dma source(%dma_start3A_73 : memref<80x128xf32, #tpu.memory_space<vmem_shared>>) target(%arg5 : memref<80x128xf32, #tpu.memory_space<vmem>>) target_semaphore(%run_scoped3A : memref<!tpu.dma_semaphore, #tpu.memory_space<semaphore_mem>>)
      %dma_wait3A = arith.constant 0 : i32
      %dma_wait3A_74 = tpu.memref_slice %arg7[%add3A_44, %dma_wait3A] : memref<10240x128xf32, #tpu.memory_space<vmem_shared>> -> memref<80x128xf32, #tpu.memory_space<vmem_shared>>
      %dma_wait3A_75 = arith.constant 0 : i32
      %dma_wait3A_76 = tpu.memref_slice %arg7[%add3A_44, %dma_wait3A_75] : memref<10240x128xf32, #tpu.memory_space<vmem_shared>> -> memref<80x128xf32, #tpu.memory_space<vmem_shared>>
      tpu.wait_dma2 semaphore(%run_scoped3A : memref<!tpu.dma_semaphore, #tpu.memory_space<semaphore_mem>>) src(%dma_wait3A_76 : memref<80x128xf32, #tpu.memory_space<vmem_shared>>) dst(%arg5 : memref<80x128xf32, #tpu.memory_space<vmem>>)
      tpu.yield
    }) : () -> ()
    %add3A_45 = arith.constant 80 : i32
    %add3A_46 = arith.addi %mul3A_2, %add3A_45 : i32
    "tpu.region"() ({
      %run_scoped3A = tpu.sem_alloc : memref<!tpu.dma_semaphore, #tpu.memory_space<semaphore_mem>>
      %dma_start3A = arith.constant 0 : i32
      %dma_start3A_71 = tpu.memref_slice %arg3[%arg0, %add3A_46, %dma_start3A] : memref<2x10240x128xf32, #tpu.memory_space<hbm>> -> memref<1x80x128xf32, #tpu.memory_space<hbm>>
      %dma_start3A_72 = tpu.memref_squeeze %dma_start3A_71 : memref<1x80x128xf32, #tpu.memory_space<hbm>> -> memref<80x128xf32, #tpu.memory_space<hbm>>
      %dma_start3A_73 = arith.constant 0 : i32
      %dma_start3A_74 = tpu.memref_slice %arg3[%arg0, %add3A_46, %dma_start3A_73] : memref<2x10240x128xf32, #tpu.memory_space<hbm>> -> memref<1x80x128xf32, #tpu.memory_space<hbm>>
      %dma_start3A_75 = tpu.memref_squeeze %dma_start3A_74 : memref<1x80x128xf32, #tpu.memory_space<hbm>> -> memref<80x128xf32, #tpu.memory_space<hbm>>
      tpu.enqueue_dma source(%arg5 : memref<80x128xf32, #tpu.memory_space<vmem>>) target(%dma_start3A_75 : memref<80x128xf32, #tpu.memory_space<hbm>>) target_semaphore(%run_scoped3A : memref<!tpu.dma_semaphore, #tpu.memory_space<semaphore_mem>>)
      %dma_wait3A = arith.constant 0 : i32
      %dma_wait3A_76 = tpu.memref_slice %arg3[%arg0, %add3A_46, %dma_wait3A] : memref<2x10240x128xf32, #tpu.memory_space<hbm>> -> memref<1x80x128xf32, #tpu.memory_space<hbm>>
      %dma_wait3A_77 = tpu.memref_squeeze %dma_wait3A_76 : memref<1x80x128xf32, #tpu.memory_space<hbm>> -> memref<80x128xf32, #tpu.memory_space<hbm>>
      %dma_wait3A_78 = arith.constant 0 : i32
      %dma_wait3A_79 = tpu.memref_slice %arg3[%arg0, %add3A_46, %dma_wait3A_78] : memref<2x10240x128xf32, #tpu.memory_space<hbm>> -> memref<1x80x128xf32, #tpu.memory_space<hbm>>
      %dma_wait3A_80 = tpu.memref_squeeze %dma_wait3A_79 : memref<1x80x128xf32, #tpu.memory_space<hbm>> -> memref<80x128xf32, #tpu.memory_space<hbm>>
      tpu.wait_dma2 semaphore(%run_scoped3A : memref<!tpu.dma_semaphore, #tpu.memory_space<semaphore_mem>>) src(%arg5 : memref<80x128xf32, #tpu.memory_space<vmem>>) dst(%dma_wait3A_80 : memref<80x128xf32, #tpu.memory_space<hbm>>)
      tpu.yield
    }) : () -> ()
    %add3A_47 = arith.constant 160 : i32
    %add3A_48 = arith.addi %mul3A_2, %add3A_47 : i32
    "tpu.region"() ({
      %run_scoped3A = tpu.sem_alloc : memref<!tpu.dma_semaphore, #tpu.memory_space<semaphore_mem>>
      %dma_start3A = arith.constant 0 : i32
      %dma_start3A_71 = tpu.memref_slice %arg7[%add3A_48, %dma_start3A] : memref<10240x128xf32, #tpu.memory_space<vmem_shared>> -> memref<80x128xf32, #tpu.memory_space<vmem_shared>>
      %dma_start3A_72 = arith.constant 0 : i32
      %dma_start3A_73 = tpu.memref_slice %arg7[%add3A_48, %dma_start3A_72] : memref<10240x128xf32, #tpu.memory_space<vmem_shared>> -> memref<80x128xf32, #tpu.memory_space<vmem_shared>>
      tpu.enqueue_dma source(%dma_start3A_73 : memref<80x128xf32, #tpu.memory_space<vmem_shared>>) target(%arg5 : memref<80x128xf32, #tpu.memory_space<vmem>>) target_semaphore(%run_scoped3A : memref<!tpu.dma_semaphore, #tpu.memory_space<semaphore_mem>>)
      %dma_wait3A = arith.constant 0 : i32
      %dma_wait3A_74 = tpu.memref_slice %arg7[%add3A_48, %dma_wait3A] : memref<10240x128xf32, #tpu.memory_space<vmem_shared>> -> memref<80x128xf32, #tpu.memory_space<vmem_shared>>
      %dma_wait3A_75 = arith.constant 0 : i32
      %dma_wait3A_76 = tpu.memref_slice %arg7[%add3A_48, %dma_wait3A_75] : memref<10240x128xf32, #tpu.memory_space<vmem_shared>> -> memref<80x128xf32, #tpu.memory_space<vmem_shared>>
      tpu.wait_dma2 semaphore(%run_scoped3A : memref<!tpu.dma_semaphore, #tpu.memory_space<semaphore_mem>>) src(%dma_wait3A_76 : memref<80x128xf32, #tpu.memory_space<vmem_shared>>) dst(%arg5 : memref<80x128xf32, #tpu.memory_space<vmem>>)
      tpu.yield
    }) : () -> ()
    %add3A_49 = arith.constant 160 : i32
    %add3A_50 = arith.addi %mul3A_2, %add3A_49 : i32
    "tpu.region"() ({
      %run_scoped3A = tpu.sem_alloc : memref<!tpu.dma_semaphore, #tpu.memory_space<semaphore_mem>>
      %dma_start3A = arith.constant 0 : i32
      %dma_start3A_71 = tpu.memref_slice %arg3[%arg0, %add3A_50, %dma_start3A] : memref<2x10240x128xf32, #tpu.memory_space<hbm>> -> memref<1x80x128xf32, #tpu.memory_space<hbm>>
      %dma_start3A_72 = tpu.memref_squeeze %dma_start3A_71 : memref<1x80x128xf32, #tpu.memory_space<hbm>> -> memref<80x128xf32, #tpu.memory_space<hbm>>
      %dma_start3A_73 = arith.constant 0 : i32
      %dma_start3A_74 = tpu.memref_slice %arg3[%arg0, %add3A_50, %dma_start3A_73] : memref<2x10240x128xf32, #tpu.memory_space<hbm>> -> memref<1x80x128xf32, #tpu.memory_space<hbm>>
      %dma_start3A_75 = tpu.memref_squeeze %dma_start3A_74 : memref<1x80x128xf32, #tpu.memory_space<hbm>> -> memref<80x128xf32, #tpu.memory_space<hbm>>
      tpu.enqueue_dma source(%arg5 : memref<80x128xf32, #tpu.memory_space<vmem>>) target(%dma_start3A_75 : memref<80x128xf32, #tpu.memory_space<hbm>>) target_semaphore(%run_scoped3A : memref<!tpu.dma_semaphore, #tpu.memory_space<semaphore_mem>>)
      %dma_wait3A = arith.constant 0 : i32
      %dma_wait3A_76 = tpu.memref_slice %arg3[%arg0, %add3A_50, %dma_wait3A] : memref<2x10240x128xf32, #tpu.memory_space<hbm>> -> memref<1x80x128xf32, #tpu.memory_space<hbm>>
      %dma_wait3A_77 = tpu.memref_squeeze %dma_wait3A_76 : memref<1x80x128xf32, #tpu.memory_space<hbm>> -> memref<80x128xf32, #tpu.memory_space<hbm>>
      %dma_wait3A_78 = arith.constant 0 : i32
      %dma_wait3A_79 = tpu.memref_slice %arg3[%arg0, %add3A_50, %dma_wait3A_78] : memref<2x10240x128xf32, #tpu.memory_space<hbm>> -> memref<1x80x128xf32, #tpu.memory_space<hbm>>
      %dma_wait3A_80 = tpu.memref_squeeze %dma_wait3A_79 : memref<1x80x128xf32, #tpu.memory_space<hbm>> -> memref<80x128xf32, #tpu.memory_space<hbm>>
      tpu.wait_dma2 semaphore(%run_scoped3A : memref<!tpu.dma_semaphore, #tpu.memory_space<semaphore_mem>>) src(%arg5 : memref<80x128xf32, #tpu.memory_space<vmem>>) dst(%dma_wait3A_80 : memref<80x128xf32, #tpu.memory_space<hbm>>)
      tpu.yield
    }) : () -> ()
    %add3A_51 = arith.constant 240 : i32
    %add3A_52 = arith.addi %mul3A_2, %add3A_51 : i32
    "tpu.region"() ({
      %run_scoped3A = tpu.sem_alloc : memref<!tpu.dma_semaphore, #tpu.memory_space<semaphore_mem>>
      %dma_start3A = arith.constant 0 : i32
      %dma_start3A_71 = tpu.memref_slice %arg7[%add3A_52, %dma_start3A] : memref<10240x128xf32, #tpu.memory_space<vmem_shared>> -> memref<80x128xf32, #tpu.memory_space<vmem_shared>>
      %dma_start3A_72 = arith.constant 0 : i32
      %dma_start3A_73 = tpu.memref_slice %arg7[%add3A_52, %dma_start3A_72] : memref<10240x128xf32, #tpu.memory_space<vmem_shared>> -> memref<80x128xf32, #tpu.memory_space<vmem_shared>>
      tpu.enqueue_dma source(%dma_start3A_73 : memref<80x128xf32, #tpu.memory_space<vmem_shared>>) target(%arg5 : memref<80x128xf32, #tpu.memory_space<vmem>>) target_semaphore(%run_scoped3A : memref<!tpu.dma_semaphore, #tpu.memory_space<semaphore_mem>>)
      %dma_wait3A = arith.constant 0 : i32
      %dma_wait3A_74 = tpu.memref_slice %arg7[%add3A_52, %dma_wait3A] : memref<10240x128xf32, #tpu.memory_space<vmem_shared>> -> memref<80x128xf32, #tpu.memory_space<vmem_shared>>
      %dma_wait3A_75 = arith.constant 0 : i32
      %dma_wait3A_76 = tpu.memref_slice %arg7[%add3A_52, %dma_wait3A_75] : memref<10240x128xf32, #tpu.memory_space<vmem_shared>> -> memref<80x128xf32, #tpu.memory_space<vmem_shared>>
      tpu.wait_dma2 semaphore(%run_scoped3A : memref<!tpu.dma_semaphore, #tpu.memory_space<semaphore_mem>>) src(%dma_wait3A_76 : memref<80x128xf32, #tpu.memory_space<vmem_shared>>) dst(%arg5 : memref<80x128xf32, #tpu.memory_space<vmem>>)
      tpu.yield
    }) : () -> ()
    %add3A_53 = arith.constant 240 : i32
    %add3A_54 = arith.addi %mul3A_2, %add3A_53 : i32
    "tpu.region"() ({
      %run_scoped3A = tpu.sem_alloc : memref<!tpu.dma_semaphore, #tpu.memory_space<semaphore_mem>>
      %dma_start3A = arith.constant 0 : i32
      %dma_start3A_71 = tpu.memref_slice %arg3[%arg0, %add3A_54, %dma_start3A] : memref<2x10240x128xf32, #tpu.memory_space<hbm>> -> memref<1x80x128xf32, #tpu.memory_space<hbm>>
      %dma_start3A_72 = tpu.memref_squeeze %dma_start3A_71 : memref<1x80x128xf32, #tpu.memory_space<hbm>> -> memref<80x128xf32, #tpu.memory_space<hbm>>
      %dma_start3A_73 = arith.constant 0 : i32
      %dma_start3A_74 = tpu.memref_slice %arg3[%arg0, %add3A_54, %dma_start3A_73] : memref<2x10240x128xf32, #tpu.memory_space<hbm>> -> memref<1x80x128xf32, #tpu.memory_space<hbm>>
      %dma_start3A_75 = tpu.memref_squeeze %dma_start3A_74 : memref<1x80x128xf32, #tpu.memory_space<hbm>> -> memref<80x128xf32, #tpu.memory_space<hbm>>
      tpu.enqueue_dma source(%arg5 : memref<80x128xf32, #tpu.memory_space<vmem>>) target(%dma_start3A_75 : memref<80x128xf32, #tpu.memory_space<hbm>>) target_semaphore(%run_scoped3A : memref<!tpu.dma_semaphore, #tpu.memory_space<semaphore_mem>>)
      %dma_wait3A = arith.constant 0 : i32
      %dma_wait3A_76 = tpu.memref_slice %arg3[%arg0, %add3A_54, %dma_wait3A] : memref<2x10240x128xf32, #tpu.memory_space<hbm>> -> memref<1x80x128xf32, #tpu.memory_space<hbm>>
      %dma_wait3A_77 = tpu.memref_squeeze %dma_wait3A_76 : memref<1x80x128xf32, #tpu.memory_space<hbm>> -> memref<80x128xf32, #tpu.memory_space<hbm>>
      %dma_wait3A_78 = arith.constant 0 : i32
      %dma_wait3A_79 = tpu.memref_slice %arg3[%arg0, %add3A_54, %dma_wait3A_78] : memref<2x10240x128xf32, #tpu.memory_space<hbm>> -> memref<1x80x128xf32, #tpu.memory_space<hbm>>
      %dma_wait3A_80 = tpu.memref_squeeze %dma_wait3A_79 : memref<1x80x128xf32, #tpu.memory_space<hbm>> -> memref<80x128xf32, #tpu.memory_space<hbm>>
      tpu.wait_dma2 semaphore(%run_scoped3A : memref<!tpu.dma_semaphore, #tpu.memory_space<semaphore_mem>>) src(%arg5 : memref<80x128xf32, #tpu.memory_space<vmem>>) dst(%dma_wait3A_80 : memref<80x128xf32, #tpu.memory_space<hbm>>)
      tpu.yield
    }) : () -> ()
    %add3A_55 = arith.constant 320 : i32
    %add3A_56 = arith.addi %mul3A_2, %add3A_55 : i32
    "tpu.region"() ({
      %run_scoped3A = tpu.sem_alloc : memref<!tpu.dma_semaphore, #tpu.memory_space<semaphore_mem>>
      %dma_start3A = arith.constant 0 : i32
      %dma_start3A_71 = tpu.memref_slice %arg7[%add3A_56, %dma_start3A] : memref<10240x128xf32, #tpu.memory_space<vmem_shared>> -> memref<80x128xf32, #tpu.memory_space<vmem_shared>>
      %dma_start3A_72 = arith.constant 0 : i32
      %dma_start3A_73 = tpu.memref_slice %arg7[%add3A_56, %dma_start3A_72] : memref<10240x128xf32, #tpu.memory_space<vmem_shared>> -> memref<80x128xf32, #tpu.memory_space<vmem_shared>>
      tpu.enqueue_dma source(%dma_start3A_73 : memref<80x128xf32, #tpu.memory_space<vmem_shared>>) target(%arg5 : memref<80x128xf32, #tpu.memory_space<vmem>>) target_semaphore(%run_scoped3A : memref<!tpu.dma_semaphore, #tpu.memory_space<semaphore_mem>>)
      %dma_wait3A = arith.constant 0 : i32
      %dma_wait3A_74 = tpu.memref_slice %arg7[%add3A_56, %dma_wait3A] : memref<10240x128xf32, #tpu.memory_space<vmem_shared>> -> memref<80x128xf32, #tpu.memory_space<vmem_shared>>
      %dma_wait3A_75 = arith.constant 0 : i32
      %dma_wait3A_76 = tpu.memref_slice %arg7[%add3A_56, %dma_wait3A_75] : memref<10240x128xf32, #tpu.memory_space<vmem_shared>> -> memref<80x128xf32, #tpu.memory_space<vmem_shared>>
      tpu.wait_dma2 semaphore(%run_scoped3A : memref<!tpu.dma_semaphore, #tpu.memory_space<semaphore_mem>>) src(%dma_wait3A_76 : memref<80x128xf32, #tpu.memory_space<vmem_shared>>) dst(%arg5 : memref<80x128xf32, #tpu.memory_space<vmem>>)
      tpu.yield
    }) : () -> ()
    %add3A_57 = arith.constant 320 : i32
    %add3A_58 = arith.addi %mul3A_2, %add3A_57 : i32
    "tpu.region"() ({
      %run_scoped3A = tpu.sem_alloc : memref<!tpu.dma_semaphore, #tpu.memory_space<semaphore_mem>>
      %dma_start3A = arith.constant 0 : i32
      %dma_start3A_71 = tpu.memref_slice %arg3[%arg0, %add3A_58, %dma_start3A] : memref<2x10240x128xf32, #tpu.memory_space<hbm>> -> memref<1x80x128xf32, #tpu.memory_space<hbm>>
      %dma_start3A_72 = tpu.memref_squeeze %dma_start3A_71 : memref<1x80x128xf32, #tpu.memory_space<hbm>> -> memref<80x128xf32, #tpu.memory_space<hbm>>
      %dma_start3A_73 = arith.constant 0 : i32
      %dma_start3A_74 = tpu.memref_slice %arg3[%arg0, %add3A_58, %dma_start3A_73] : memref<2x10240x128xf32, #tpu.memory_space<hbm>> -> memref<1x80x128xf32, #tpu.memory_space<hbm>>
      %dma_start3A_75 = tpu.memref_squeeze %dma_start3A_74 : memref<1x80x128xf32, #tpu.memory_space<hbm>> -> memref<80x128xf32, #tpu.memory_space<hbm>>
      tpu.enqueue_dma source(%arg5 : memref<80x128xf32, #tpu.memory_space<vmem>>) target(%dma_start3A_75 : memref<80x128xf32, #tpu.memory_space<hbm>>) target_semaphore(%run_scoped3A : memref<!tpu.dma_semaphore, #tpu.memory_space<semaphore_mem>>)
      %dma_wait3A = arith.constant 0 : i32
      %dma_wait3A_76 = tpu.memref_slice %arg3[%arg0, %add3A_58, %dma_wait3A] : memref<2x10240x128xf32, #tpu.memory_space<hbm>> -> memref<1x80x128xf32, #tpu.memory_space<hbm>>
      %dma_wait3A_77 = tpu.memref_squeeze %dma_wait3A_76 : memref<1x80x128xf32, #tpu.memory_space<hbm>> -> memref<80x128xf32, #tpu.memory_space<hbm>>
      %dma_wait3A_78 = arith.constant 0 : i32
      %dma_wait3A_79 = tpu.memref_slice %arg3[%arg0, %add3A_58, %dma_wait3A_78] : memref<2x10240x128xf32, #tpu.memory_space<hbm>> -> memref<1x80x128xf32, #tpu.memory_space<hbm>>
      %dma_wait3A_80 = tpu.memref_squeeze %dma_wait3A_79 : memref<1x80x128xf32, #tpu.memory_space<hbm>> -> memref<80x128xf32, #tpu.memory_space<hbm>>
      tpu.wait_dma2 semaphore(%run_scoped3A : memref<!tpu.dma_semaphore, #tpu.memory_space<semaphore_mem>>) src(%arg5 : memref<80x128xf32, #tpu.memory_space<vmem>>) dst(%dma_wait3A_80 : memref<80x128xf32, #tpu.memory_space<hbm>>)
      tpu.yield
    }) : () -> ()
    %add3A_59 = arith.constant 400 : i32
    %add3A_60 = arith.addi %mul3A_2, %add3A_59 : i32
    "tpu.region"() ({
      %run_scoped3A = tpu.sem_alloc : memref<!tpu.dma_semaphore, #tpu.memory_space<semaphore_mem>>
      %dma_start3A = arith.constant 0 : i32
      %dma_start3A_71 = tpu.memref_slice %arg7[%add3A_60, %dma_start3A] : memref<10240x128xf32, #tpu.memory_space<vmem_shared>> -> memref<80x128xf32, #tpu.memory_space<vmem_shared>>
      %dma_start3A_72 = arith.constant 0 : i32
      %dma_start3A_73 = tpu.memref_slice %arg7[%add3A_60, %dma_start3A_72] : memref<10240x128xf32, #tpu.memory_space<vmem_shared>> -> memref<80x128xf32, #tpu.memory_space<vmem_shared>>
      tpu.enqueue_dma source(%dma_start3A_73 : memref<80x128xf32, #tpu.memory_space<vmem_shared>>) target(%arg5 : memref<80x128xf32, #tpu.memory_space<vmem>>) target_semaphore(%run_scoped3A : memref<!tpu.dma_semaphore, #tpu.memory_space<semaphore_mem>>)
      %dma_wait3A = arith.constant 0 : i32
      %dma_wait3A_74 = tpu.memref_slice %arg7[%add3A_60, %dma_wait3A] : memref<10240x128xf32, #tpu.memory_space<vmem_shared>> -> memref<80x128xf32, #tpu.memory_space<vmem_shared>>
      %dma_wait3A_75 = arith.constant 0 : i32
      %dma_wait3A_76 = tpu.memref_slice %arg7[%add3A_60, %dma_wait3A_75] : memref<10240x128xf32, #tpu.memory_space<vmem_shared>> -> memref<80x128xf32, #tpu.memory_space<vmem_shared>>
      tpu.wait_dma2 semaphore(%run_scoped3A : memref<!tpu.dma_semaphore, #tpu.memory_space<semaphore_mem>>) src(%dma_wait3A_76 : memref<80x128xf32, #tpu.memory_space<vmem_shared>>) dst(%arg5 : memref<80x128xf32, #tpu.memory_space<vmem>>)
      tpu.yield
    }) : () -> ()
    %add3A_61 = arith.constant 400 : i32
    %add3A_62 = arith.addi %mul3A_2, %add3A_61 : i32
    "tpu.region"() ({
      %run_scoped3A = tpu.sem_alloc : memref<!tpu.dma_semaphore, #tpu.memory_space<semaphore_mem>>
      %dma_start3A = arith.constant 0 : i32
      %dma_start3A_71 = tpu.memref_slice %arg3[%arg0, %add3A_62, %dma_start3A] : memref<2x10240x128xf32, #tpu.memory_space<hbm>> -> memref<1x80x128xf32, #tpu.memory_space<hbm>>
      %dma_start3A_72 = tpu.memref_squeeze %dma_start3A_71 : memref<1x80x128xf32, #tpu.memory_space<hbm>> -> memref<80x128xf32, #tpu.memory_space<hbm>>
      %dma_start3A_73 = arith.constant 0 : i32
      %dma_start3A_74 = tpu.memref_slice %arg3[%arg0, %add3A_62, %dma_start3A_73] : memref<2x10240x128xf32, #tpu.memory_space<hbm>> -> memref<1x80x128xf32, #tpu.memory_space<hbm>>
      %dma_start3A_75 = tpu.memref_squeeze %dma_start3A_74 : memref<1x80x128xf32, #tpu.memory_space<hbm>> -> memref<80x128xf32, #tpu.memory_space<hbm>>
      tpu.enqueue_dma source(%arg5 : memref<80x128xf32, #tpu.memory_space<vmem>>) target(%dma_start3A_75 : memref<80x128xf32, #tpu.memory_space<hbm>>) target_semaphore(%run_scoped3A : memref<!tpu.dma_semaphore, #tpu.memory_space<semaphore_mem>>)
      %dma_wait3A = arith.constant 0 : i32
      %dma_wait3A_76 = tpu.memref_slice %arg3[%arg0, %add3A_62, %dma_wait3A] : memref<2x10240x128xf32, #tpu.memory_space<hbm>> -> memref<1x80x128xf32, #tpu.memory_space<hbm>>
      %dma_wait3A_77 = tpu.memref_squeeze %dma_wait3A_76 : memref<1x80x128xf32, #tpu.memory_space<hbm>> -> memref<80x128xf32, #tpu.memory_space<hbm>>
      %dma_wait3A_78 = arith.constant 0 : i32
      %dma_wait3A_79 = tpu.memref_slice %arg3[%arg0, %add3A_62, %dma_wait3A_78] : memref<2x10240x128xf32, #tpu.memory_space<hbm>> -> memref<1x80x128xf32, #tpu.memory_space<hbm>>
      %dma_wait3A_80 = tpu.memref_squeeze %dma_wait3A_79 : memref<1x80x128xf32, #tpu.memory_space<hbm>> -> memref<80x128xf32, #tpu.memory_space<hbm>>
      tpu.wait_dma2 semaphore(%run_scoped3A : memref<!tpu.dma_semaphore, #tpu.memory_space<semaphore_mem>>) src(%arg5 : memref<80x128xf32, #tpu.memory_space<vmem>>) dst(%dma_wait3A_80 : memref<80x128xf32, #tpu.memory_space<hbm>>)
      tpu.yield
    }) : () -> ()
    %add3A_63 = arith.constant 480 : i32
    %add3A_64 = arith.addi %mul3A_2, %add3A_63 : i32
    "tpu.region"() ({
      %run_scoped3A = tpu.sem_alloc : memref<!tpu.dma_semaphore, #tpu.memory_space<semaphore_mem>>
      %dma_start3A = arith.constant 0 : i32
      %dma_start3A_71 = tpu.memref_slice %arg7[%add3A_64, %dma_start3A] : memref<10240x128xf32, #tpu.memory_space<vmem_shared>> -> memref<80x128xf32, #tpu.memory_space<vmem_shared>>
      %dma_start3A_72 = arith.constant 0 : i32
      %dma_start3A_73 = tpu.memref_slice %arg7[%add3A_64, %dma_start3A_72] : memref<10240x128xf32, #tpu.memory_space<vmem_shared>> -> memref<80x128xf32, #tpu.memory_space<vmem_shared>>
      tpu.enqueue_dma source(%dma_start3A_73 : memref<80x128xf32, #tpu.memory_space<vmem_shared>>) target(%arg5 : memref<80x128xf32, #tpu.memory_space<vmem>>) target_semaphore(%run_scoped3A : memref<!tpu.dma_semaphore, #tpu.memory_space<semaphore_mem>>)
      %dma_wait3A = arith.constant 0 : i32
      %dma_wait3A_74 = tpu.memref_slice %arg7[%add3A_64, %dma_wait3A] : memref<10240x128xf32, #tpu.memory_space<vmem_shared>> -> memref<80x128xf32, #tpu.memory_space<vmem_shared>>
      %dma_wait3A_75 = arith.constant 0 : i32
      %dma_wait3A_76 = tpu.memref_slice %arg7[%add3A_64, %dma_wait3A_75] : memref<10240x128xf32, #tpu.memory_space<vmem_shared>> -> memref<80x128xf32, #tpu.memory_space<vmem_shared>>
      tpu.wait_dma2 semaphore(%run_scoped3A : memref<!tpu.dma_semaphore, #tpu.memory_space<semaphore_mem>>) src(%dma_wait3A_76 : memref<80x128xf32, #tpu.memory_space<vmem_shared>>) dst(%arg5 : memref<80x128xf32, #tpu.memory_space<vmem>>)
      tpu.yield
    }) : () -> ()
    %add3A_65 = arith.constant 480 : i32
    %add3A_66 = arith.addi %mul3A_2, %add3A_65 : i32
    "tpu.region"() ({
      %run_scoped3A = tpu.sem_alloc : memref<!tpu.dma_semaphore, #tpu.memory_space<semaphore_mem>>
      %dma_start3A = arith.constant 0 : i32
      %dma_start3A_71 = tpu.memref_slice %arg3[%arg0, %add3A_66, %dma_start3A] : memref<2x10240x128xf32, #tpu.memory_space<hbm>> -> memref<1x80x128xf32, #tpu.memory_space<hbm>>
      %dma_start3A_72 = tpu.memref_squeeze %dma_start3A_71 : memref<1x80x128xf32, #tpu.memory_space<hbm>> -> memref<80x128xf32, #tpu.memory_space<hbm>>
      %dma_start3A_73 = arith.constant 0 : i32
      %dma_start3A_74 = tpu.memref_slice %arg3[%arg0, %add3A_66, %dma_start3A_73] : memref<2x10240x128xf32, #tpu.memory_space<hbm>> -> memref<1x80x128xf32, #tpu.memory_space<hbm>>
      %dma_start3A_75 = tpu.memref_squeeze %dma_start3A_74 : memref<1x80x128xf32, #tpu.memory_space<hbm>> -> memref<80x128xf32, #tpu.memory_space<hbm>>
      tpu.enqueue_dma source(%arg5 : memref<80x128xf32, #tpu.memory_space<vmem>>) target(%dma_start3A_75 : memref<80x128xf32, #tpu.memory_space<hbm>>) target_semaphore(%run_scoped3A : memref<!tpu.dma_semaphore, #tpu.memory_space<semaphore_mem>>)
      %dma_wait3A = arith.constant 0 : i32
      %dma_wait3A_76 = tpu.memref_slice %arg3[%arg0, %add3A_66, %dma_wait3A] : memref<2x10240x128xf32, #tpu.memory_space<hbm>> -> memref<1x80x128xf32, #tpu.memory_space<hbm>>
      %dma_wait3A_77 = tpu.memref_squeeze %dma_wait3A_76 : memref<1x80x128xf32, #tpu.memory_space<hbm>> -> memref<80x128xf32, #tpu.memory_space<hbm>>
      %dma_wait3A_78 = arith.constant 0 : i32
      %dma_wait3A_79 = tpu.memref_slice %arg3[%arg0, %add3A_66, %dma_wait3A_78] : memref<2x10240x128xf32, #tpu.memory_space<hbm>> -> memref<1x80x128xf32, #tpu.memory_space<hbm>>
      %dma_wait3A_80 = tpu.memref_squeeze %dma_wait3A_79 : memref<1x80x128xf32, #tpu.memory_space<hbm>> -> memref<80x128xf32, #tpu.memory_space<hbm>>
      tpu.wait_dma2 semaphore(%run_scoped3A : memref<!tpu.dma_semaphore, #tpu.memory_space<semaphore_mem>>) src(%arg5 : memref<80x128xf32, #tpu.memory_space<vmem>>) dst(%dma_wait3A_80 : memref<80x128xf32, #tpu.memory_space<hbm>>)
      tpu.yield
    }) : () -> ()
    %add3A_67 = arith.constant 560 : i32
    %add3A_68 = arith.addi %mul3A_2, %add3A_67 : i32
    "tpu.region"() ({
      %run_scoped3A = tpu.sem_alloc : memref<!tpu.dma_semaphore, #tpu.memory_space<semaphore_mem>>
      %dma_start3A = arith.constant 0 : i32
      %dma_start3A_71 = tpu.memref_slice %arg7[%add3A_68, %dma_start3A] : memref<10240x128xf32, #tpu.memory_space<vmem_shared>> -> memref<80x128xf32, #tpu.memory_space<vmem_shared>>
      %dma_start3A_72 = arith.constant 0 : i32
      %dma_start3A_73 = tpu.memref_slice %arg7[%add3A_68, %dma_start3A_72] : memref<10240x128xf32, #tpu.memory_space<vmem_shared>> -> memref<80x128xf32, #tpu.memory_space<vmem_shared>>
      tpu.enqueue_dma source(%dma_start3A_73 : memref<80x128xf32, #tpu.memory_space<vmem_shared>>) target(%arg5 : memref<80x128xf32, #tpu.memory_space<vmem>>) target_semaphore(%run_scoped3A : memref<!tpu.dma_semaphore, #tpu.memory_space<semaphore_mem>>)
      %dma_wait3A = arith.constant 0 : i32
      %dma_wait3A_74 = tpu.memref_slice %arg7[%add3A_68, %dma_wait3A] : memref<10240x128xf32, #tpu.memory_space<vmem_shared>> -> memref<80x128xf32, #tpu.memory_space<vmem_shared>>
      %dma_wait3A_75 = arith.constant 0 : i32
      %dma_wait3A_76 = tpu.memref_slice %arg7[%add3A_68, %dma_wait3A_75] : memref<10240x128xf32, #tpu.memory_space<vmem_shared>> -> memref<80x128xf32, #tpu.memory_space<vmem_shared>>
      tpu.wait_dma2 semaphore(%run_scoped3A : memref<!tpu.dma_semaphore, #tpu.memory_space<semaphore_mem>>) src(%dma_wait3A_76 : memref<80x128xf32, #tpu.memory_space<vmem_shared>>) dst(%arg5 : memref<80x128xf32, #tpu.memory_space<vmem>>)
      tpu.yield
    }) : () -> ()
    %add3A_69 = arith.constant 560 : i32
    %add3A_70 = arith.addi %mul3A_2, %add3A_69 : i32
    "tpu.region"() ({
      %run_scoped3A = tpu.sem_alloc : memref<!tpu.dma_semaphore, #tpu.memory_space<semaphore_mem>>
      %dma_start3A = arith.constant 0 : i32
      %dma_start3A_71 = tpu.memref_slice %arg3[%arg0, %add3A_70, %dma_start3A] : memref<2x10240x128xf32, #tpu.memory_space<hbm>> -> memref<1x80x128xf32, #tpu.memory_space<hbm>>
      %dma_start3A_72 = tpu.memref_squeeze %dma_start3A_71 : memref<1x80x128xf32, #tpu.memory_space<hbm>> -> memref<80x128xf32, #tpu.memory_space<hbm>>
      %dma_start3A_73 = arith.constant 0 : i32
      %dma_start3A_74 = tpu.memref_slice %arg3[%arg0, %add3A_70, %dma_start3A_73] : memref<2x10240x128xf32, #tpu.memory_space<hbm>> -> memref<1x80x128xf32, #tpu.memory_space<hbm>>
      %dma_start3A_75 = tpu.memref_squeeze %dma_start3A_74 : memref<1x80x128xf32, #tpu.memory_space<hbm>> -> memref<80x128xf32, #tpu.memory_space<hbm>>
      tpu.enqueue_dma source(%arg5 : memref<80x128xf32, #tpu.memory_space<vmem>>) target(%dma_start3A_75 : memref<80x128xf32, #tpu.memory_space<hbm>>) target_semaphore(%run_scoped3A : memref<!tpu.dma_semaphore, #tpu.memory_space<semaphore_mem>>)
      %dma_wait3A = arith.constant 0 : i32
      %dma_wait3A_76 = tpu.memref_slice %arg3[%arg0, %add3A_70, %dma_wait3A] : memref<2x10240x128xf32, #tpu.memory_space<hbm>> -> memref<1x80x128xf32, #tpu.memory_space<hbm>>
      %dma_wait3A_77 = tpu.memref_squeeze %dma_wait3A_76 : memref<1x80x128xf32, #tpu.memory_space<hbm>> -> memref<80x128xf32, #tpu.memory_space<hbm>>
      %dma_wait3A_78 = arith.constant 0 : i32
      %dma_wait3A_79 = tpu.memref_slice %arg3[%arg0, %add3A_70, %dma_wait3A_78] : memref<2x10240x128xf32, #tpu.memory_space<hbm>> -> memref<1x80x128xf32, #tpu.memory_space<hbm>>
      %dma_wait3A_80 = tpu.memref_squeeze %dma_wait3A_79 : memref<1x80x128xf32, #tpu.memory_space<hbm>> -> memref<80x128xf32, #tpu.memory_space<hbm>>
      tpu.wait_dma2 semaphore(%run_scoped3A : memref<!tpu.dma_semaphore, #tpu.memory_space<semaphore_mem>>) src(%arg5 : memref<80x128xf32, #tpu.memory_space<vmem>>) dst(%dma_wait3A_80 : memref<80x128xf32, #tpu.memory_space<hbm>>)
      tpu.yield
    }) : () -> ()
    return
  }
}

#map = affine_map<(d0, d1) -> (0, 0)>
#map1 = affine_map<(d0, d1) -> (0)>
#map2 = affine_map<(d0, d1) -> (0, 0, 0)>
module attributes {stable_mosaic.version = 14 : i64} {
  func.func @_agg_kernel(%arg0: i32, %arg1: i32, %arg2: memref<10000x128xf32, #tpu.memory_space<hbm>>, %arg3: memref<320000xi32, #tpu.memory_space<hbm>>, %arg4: memref<320000xi32, #tpu.memory_space<hbm>>, %arg5: memref<2x10240x128xf32, #tpu.memory_space<hbm>>, %arg6: memref<10000xi32, #tpu.memory_space<vmem>>, %arg7: memref<10000xi32, #tpu.memory_space<vmem>>, %arg8: memref<80x128xf32, #tpu.memory_space<vmem>>, %arg9: memref<80x128xf32, #tpu.memory_space<vmem>>, %arg10: memref<10240x128xf32, #tpu.memory_space<vmem_shared>>, %arg11: memref<!tpu.dma_semaphore, #tpu.memory_space<semaphore_mem>>, %arg12: memref<!tpu.dma_semaphore, #tpu.memory_space<semaphore_mem>>, %arg13: memref<!tpu.dma_semaphore, #tpu.memory_space<semaphore_mem>>) attributes {dimension_semantics = [#tpu.dimension_semantics<core_parallel>, #tpu.dimension_semantics<subcore_parallel>], iteration_bounds = array<i64: 2, 16>, scalar_prefetch = 0 : i64, scratch_operands = 8 : i64, tpu.core_type = #tpu.core_type<sc_vector_subcore>, window_params = [{transform_indices = #map}, {transform_indices = #map1}, {transform_indices = #map1}, {transform_indices = #map2}]} {
    %mul3A = arith.constant 2 : i32
    %mul3A_0 = arith.muli %arg1, %mul3A : i32
    %add3A = arith.addi %mul3A_0, %arg0 : i32
    %mul3A_1 = arith.constant 640 : i32
    %mul3A_2 = arith.muli %arg1, %mul3A_1 : i32
    %scan3A = arith.constant 0 : i32
    %scan3A_3 = arith.constant 0 : i32
    %scan3A_4 = arith.constant 80 : i32
    %scan3A_5 = arith.addi %scan3A_3, %scan3A_4 : i32
    %scan3A_6 = arith.constant 1 : i32
    scf.for %scan3A_147 = %scan3A_3 to %scan3A_5 step %scan3A_6  : i32 {
      %broadcast_in_dim3A = arith.constant 0.000000e+00 : f32
      %broadcast_in_dim3A_148 = vector.broadcast %broadcast_in_dim3A : f32 to vector<16xf32>
      %swap3A = arith.index_cast %scan3A_147 : i32 to index
      %swap3A_149 = arith.constant 0 : index
      %swap3A_150 = tpu.vector_load %arg8[%swap3A, %swap3A_149] {strides = array<i32>} : memref<80x128xf32, #tpu.memory_space<vmem>>, vector<1x16xf32>,
      %swap3A_151 = vector.shape_cast %swap3A_150 : vector<1x16xf32> to vector<16xf32>
      %swap3A_152 = vector.shape_cast %broadcast_in_dim3A_148 : vector<16xf32> to vector<1x16xf32>
      tpu.vector_store %arg8[%swap3A, %swap3A_149], %swap3A_152 {strides = array<i32>} : memref<80x128xf32, #tpu.memory_space<vmem>>, vector<1x16xf32>,
      %broadcast_in_dim3A_153 = arith.constant 0.000000e+00 : f32
      %broadcast_in_dim3A_154 = vector.broadcast %broadcast_in_dim3A_153 : f32 to vector<16xf32>
      %swap3A_155 = arith.index_cast %scan3A_147 : i32 to index
      %swap3A_156 = arith.constant 16 : index
      %swap3A_157 = tpu.vector_load %arg8[%swap3A_155, %swap3A_156] {strides = array<i32>} : memref<80x128xf32, #tpu.memory_space<vmem>>, vector<1x16xf32>,
      %swap3A_158 = vector.shape_cast %swap3A_157 : vector<1x16xf32> to vector<16xf32>
      %swap3A_159 = vector.shape_cast %broadcast_in_dim3A_154 : vector<16xf32> to vector<1x16xf32>
      tpu.vector_store %arg8[%swap3A_155, %swap3A_156], %swap3A_159 {strides = array<i32>} : memref<80x128xf32, #tpu.memory_space<vmem>>, vector<1x16xf32>,
      %broadcast_in_dim3A_160 = arith.constant 0.000000e+00 : f32
      %broadcast_in_dim3A_161 = vector.broadcast %broadcast_in_dim3A_160 : f32 to vector<16xf32>
      %swap3A_162 = arith.index_cast %scan3A_147 : i32 to index
      %swap3A_163 = arith.constant 32 : index
      %swap3A_164 = tpu.vector_load %arg8[%swap3A_162, %swap3A_163] {strides = array<i32>} : memref<80x128xf32, #tpu.memory_space<vmem>>, vector<1x16xf32>,
      %swap3A_165 = vector.shape_cast %swap3A_164 : vector<1x16xf32> to vector<16xf32>
      %swap3A_166 = vector.shape_cast %broadcast_in_dim3A_161 : vector<16xf32> to vector<1x16xf32>
      tpu.vector_store %arg8[%swap3A_162, %swap3A_163], %swap3A_166 {strides = array<i32>} : memref<80x128xf32, #tpu.memory_space<vmem>>, vector<1x16xf32>,
      %broadcast_in_dim3A_167 = arith.constant 0.000000e+00 : f32
      %broadcast_in_dim3A_168 = vector.broadcast %broadcast_in_dim3A_167 : f32 to vector<16xf32>
      %swap3A_169 = arith.index_cast %scan3A_147 : i32 to index
      %swap3A_170 = arith.constant 48 : index
      %swap3A_171 = tpu.vector_load %arg8[%swap3A_169, %swap3A_170] {strides = array<i32>} : memref<80x128xf32, #tpu.memory_space<vmem>>, vector<1x16xf32>,
      %swap3A_172 = vector.shape_cast %swap3A_171 : vector<1x16xf32> to vector<16xf32>
      %swap3A_173 = vector.shape_cast %broadcast_in_dim3A_168 : vector<16xf32> to vector<1x16xf32>
      tpu.vector_store %arg8[%swap3A_169, %swap3A_170], %swap3A_173 {strides = array<i32>} : memref<80x128xf32, #tpu.memory_space<vmem>>, vector<1x16xf32>,
      %broadcast_in_dim3A_174 = arith.constant 0.000000e+00 : f32
      %broadcast_in_dim3A_175 = vector.broadcast %broadcast_in_dim3A_174 : f32 to vector<16xf32>
      %swap3A_176 = arith.index_cast %scan3A_147 : i32 to index
      %swap3A_177 = arith.constant 64 : index
      %swap3A_178 = tpu.vector_load %arg8[%swap3A_176, %swap3A_177] {strides = array<i32>} : memref<80x128xf32, #tpu.memory_space<vmem>>, vector<1x16xf32>,
      %swap3A_179 = vector.shape_cast %swap3A_178 : vector<1x16xf32> to vector<16xf32>
      %swap3A_180 = vector.shape_cast %broadcast_in_dim3A_175 : vector<16xf32> to vector<1x16xf32>
      tpu.vector_store %arg8[%swap3A_176, %swap3A_177], %swap3A_180 {strides = array<i32>} : memref<80x128xf32, #tpu.memory_space<vmem>>, vector<1x16xf32>,
      %broadcast_in_dim3A_181 = arith.constant 0.000000e+00 : f32
      %broadcast_in_dim3A_182 = vector.broadcast %broadcast_in_dim3A_181 : f32 to vector<16xf32>
      %swap3A_183 = arith.index_cast %scan3A_147 : i32 to index
      %swap3A_184 = arith.constant 80 : index
      %swap3A_185 = tpu.vector_load %arg8[%swap3A_183, %swap3A_184] {strides = array<i32>} : memref<80x128xf32, #tpu.memory_space<vmem>>, vector<1x16xf32>,
      %swap3A_186 = vector.shape_cast %swap3A_185 : vector<1x16xf32> to vector<16xf32>
      %swap3A_187 = vector.shape_cast %broadcast_in_dim3A_182 : vector<16xf32> to vector<1x16xf32>
      tpu.vector_store %arg8[%swap3A_183, %swap3A_184], %swap3A_187 {strides = array<i32>} : memref<80x128xf32, #tpu.memory_space<vmem>>, vector<1x16xf32>,
      %broadcast_in_dim3A_188 = arith.constant 0.000000e+00 : f32
      %broadcast_in_dim3A_189 = vector.broadcast %broadcast_in_dim3A_188 : f32 to vector<16xf32>
      %swap3A_190 = arith.index_cast %scan3A_147 : i32 to index
      %swap3A_191 = arith.constant 96 : index
      %swap3A_192 = tpu.vector_load %arg8[%swap3A_190, %swap3A_191] {strides = array<i32>} : memref<80x128xf32, #tpu.memory_space<vmem>>, vector<1x16xf32>,
      %swap3A_193 = vector.shape_cast %swap3A_192 : vector<1x16xf32> to vector<16xf32>
      %swap3A_194 = vector.shape_cast %broadcast_in_dim3A_189 : vector<16xf32> to vector<1x16xf32>
      tpu.vector_store %arg8[%swap3A_190, %swap3A_191], %swap3A_194 {strides = array<i32>} : memref<80x128xf32, #tpu.memory_space<vmem>>, vector<1x16xf32>,
      %broadcast_in_dim3A_195 = arith.constant 0.000000e+00 : f32
      %broadcast_in_dim3A_196 = vector.broadcast %broadcast_in_dim3A_195 : f32 to vector<16xf32>
      %swap3A_197 = arith.index_cast %scan3A_147 : i32 to index
      %swap3A_198 = arith.constant 112 : index
      %swap3A_199 = tpu.vector_load %arg8[%swap3A_197, %swap3A_198] {strides = array<i32>} : memref<80x128xf32, #tpu.memory_space<vmem>>, vector<1x16xf32>,
      %swap3A_200 = vector.shape_cast %swap3A_199 : vector<1x16xf32> to vector<16xf32>
      %swap3A_201 = vector.shape_cast %broadcast_in_dim3A_196 : vector<16xf32> to vector<1x16xf32>
      tpu.vector_store %arg8[%swap3A_197, %swap3A_198], %swap3A_201 {strides = array<i32>} : memref<80x128xf32, #tpu.memory_space<vmem>>, vector<1x16xf32>,
    }
    %scan3A_7 = arith.constant 80 : i32
    %add3A_8 = arith.constant 0 : i32
    %add3A_9 = arith.addi %mul3A_2, %add3A_8 : i32
    "tpu.region"() ({
      %run_scoped3A = tpu.sem_alloc : memref<!tpu.dma_semaphore, #tpu.memory_space<semaphore_mem>>
      %dma_start3A_147 = arith.constant 0 : i32
      %dma_start3A_148 = tpu.memref_slice %arg10[%add3A_9, %dma_start3A_147] : memref<10240x128xf32, #tpu.memory_space<vmem_shared>> -> memref<80x128xf32, #tpu.memory_space<vmem_shared>>
      %dma_start3A_149 = arith.constant 0 : i32
      %dma_start3A_150 = tpu.memref_slice %arg10[%add3A_9, %dma_start3A_149] : memref<10240x128xf32, #tpu.memory_space<vmem_shared>> -> memref<80x128xf32, #tpu.memory_space<vmem_shared>>
      tpu.enqueue_dma source(%arg8 : memref<80x128xf32, #tpu.memory_space<vmem>>) target(%dma_start3A_150 : memref<80x128xf32, #tpu.memory_space<vmem_shared>>) target_semaphore(%run_scoped3A : memref<!tpu.dma_semaphore, #tpu.memory_space<semaphore_mem>>)
      %dma_wait3A_151 = arith.constant 0 : i32
      %dma_wait3A_152 = tpu.memref_slice %arg10[%add3A_9, %dma_wait3A_151] : memref<10240x128xf32, #tpu.memory_space<vmem_shared>> -> memref<80x128xf32, #tpu.memory_space<vmem_shared>>
      %dma_wait3A_153 = arith.constant 0 : i32
      %dma_wait3A_154 = tpu.memref_slice %arg10[%add3A_9, %dma_wait3A_153] : memref<10240x128xf32, #tpu.memory_space<vmem_shared>> -> memref<80x128xf32, #tpu.memory_space<vmem_shared>>
      tpu.wait_dma2 semaphore(%run_scoped3A : memref<!tpu.dma_semaphore, #tpu.memory_space<semaphore_mem>>) src(%arg8 : memref<80x128xf32, #tpu.memory_space<vmem>>) dst(%dma_wait3A_154 : memref<80x128xf32, #tpu.memory_space<vmem_shared>>)
      tpu.yield
    }) : () -> ()
    %add3A_10 = arith.constant 80 : i32
    %add3A_11 = arith.addi %mul3A_2, %add3A_10 : i32
    "tpu.region"() ({
      %run_scoped3A = tpu.sem_alloc : memref<!tpu.dma_semaphore, #tpu.memory_space<semaphore_mem>>
      %dma_start3A_147 = arith.constant 0 : i32
      %dma_start3A_148 = tpu.memref_slice %arg10[%add3A_11, %dma_start3A_147] : memref<10240x128xf32, #tpu.memory_space<vmem_shared>> -> memref<80x128xf32, #tpu.memory_space<vmem_shared>>
      %dma_start3A_149 = arith.constant 0 : i32
      %dma_start3A_150 = tpu.memref_slice %arg10[%add3A_11, %dma_start3A_149] : memref<10240x128xf32, #tpu.memory_space<vmem_shared>> -> memref<80x128xf32, #tpu.memory_space<vmem_shared>>
      tpu.enqueue_dma source(%arg8 : memref<80x128xf32, #tpu.memory_space<vmem>>) target(%dma_start3A_150 : memref<80x128xf32, #tpu.memory_space<vmem_shared>>) target_semaphore(%run_scoped3A : memref<!tpu.dma_semaphore, #tpu.memory_space<semaphore_mem>>)
      %dma_wait3A_151 = arith.constant 0 : i32
      %dma_wait3A_152 = tpu.memref_slice %arg10[%add3A_11, %dma_wait3A_151] : memref<10240x128xf32, #tpu.memory_space<vmem_shared>> -> memref<80x128xf32, #tpu.memory_space<vmem_shared>>
      %dma_wait3A_153 = arith.constant 0 : i32
      %dma_wait3A_154 = tpu.memref_slice %arg10[%add3A_11, %dma_wait3A_153] : memref<10240x128xf32, #tpu.memory_space<vmem_shared>> -> memref<80x128xf32, #tpu.memory_space<vmem_shared>>
      tpu.wait_dma2 semaphore(%run_scoped3A : memref<!tpu.dma_semaphore, #tpu.memory_space<semaphore_mem>>) src(%arg8 : memref<80x128xf32, #tpu.memory_space<vmem>>) dst(%dma_wait3A_154 : memref<80x128xf32, #tpu.memory_space<vmem_shared>>)
      tpu.yield
    }) : () -> ()
    %add3A_12 = arith.constant 160 : i32
    %add3A_13 = arith.addi %mul3A_2, %add3A_12 : i32
    "tpu.region"() ({
      %run_scoped3A = tpu.sem_alloc : memref<!tpu.dma_semaphore, #tpu.memory_space<semaphore_mem>>
      %dma_start3A_147 = arith.constant 0 : i32
      %dma_start3A_148 = tpu.memref_slice %arg10[%add3A_13, %dma_start3A_147] : memref<10240x128xf32, #tpu.memory_space<vmem_shared>> -> memref<80x128xf32, #tpu.memory_space<vmem_shared>>
      %dma_start3A_149 = arith.constant 0 : i32
      %dma_start3A_150 = tpu.memref_slice %arg10[%add3A_13, %dma_start3A_149] : memref<10240x128xf32, #tpu.memory_space<vmem_shared>> -> memref<80x128xf32, #tpu.memory_space<vmem_shared>>
      tpu.enqueue_dma source(%arg8 : memref<80x128xf32, #tpu.memory_space<vmem>>) target(%dma_start3A_150 : memref<80x128xf32, #tpu.memory_space<vmem_shared>>) target_semaphore(%run_scoped3A : memref<!tpu.dma_semaphore, #tpu.memory_space<semaphore_mem>>)
      %dma_wait3A_151 = arith.constant 0 : i32
      %dma_wait3A_152 = tpu.memref_slice %arg10[%add3A_13, %dma_wait3A_151] : memref<10240x128xf32, #tpu.memory_space<vmem_shared>> -> memref<80x128xf32, #tpu.memory_space<vmem_shared>>
      %dma_wait3A_153 = arith.constant 0 : i32
      %dma_wait3A_154 = tpu.memref_slice %arg10[%add3A_13, %dma_wait3A_153] : memref<10240x128xf32, #tpu.memory_space<vmem_shared>> -> memref<80x128xf32, #tpu.memory_space<vmem_shared>>
      tpu.wait_dma2 semaphore(%run_scoped3A : memref<!tpu.dma_semaphore, #tpu.memory_space<semaphore_mem>>) src(%arg8 : memref<80x128xf32, #tpu.memory_space<vmem>>) dst(%dma_wait3A_154 : memref<80x128xf32, #tpu.memory_space<vmem_shared>>)
      tpu.yield
    }) : () -> ()
    %add3A_14 = arith.constant 240 : i32
    %add3A_15 = arith.addi %mul3A_2, %add3A_14 : i32
    "tpu.region"() ({
      %run_scoped3A = tpu.sem_alloc : memref<!tpu.dma_semaphore, #tpu.memory_space<semaphore_mem>>
      %dma_start3A_147 = arith.constant 0 : i32
      %dma_start3A_148 = tpu.memref_slice %arg10[%add3A_15, %dma_start3A_147] : memref<10240x128xf32, #tpu.memory_space<vmem_shared>> -> memref<80x128xf32, #tpu.memory_space<vmem_shared>>
      %dma_start3A_149 = arith.constant 0 : i32
      %dma_start3A_150 = tpu.memref_slice %arg10[%add3A_15, %dma_start3A_149] : memref<10240x128xf32, #tpu.memory_space<vmem_shared>> -> memref<80x128xf32, #tpu.memory_space<vmem_shared>>
      tpu.enqueue_dma source(%arg8 : memref<80x128xf32, #tpu.memory_space<vmem>>) target(%dma_start3A_150 : memref<80x128xf32, #tpu.memory_space<vmem_shared>>) target_semaphore(%run_scoped3A : memref<!tpu.dma_semaphore, #tpu.memory_space<semaphore_mem>>)
      %dma_wait3A_151 = arith.constant 0 : i32
      %dma_wait3A_152 = tpu.memref_slice %arg10[%add3A_15, %dma_wait3A_151] : memref<10240x128xf32, #tpu.memory_space<vmem_shared>> -> memref<80x128xf32, #tpu.memory_space<vmem_shared>>
      %dma_wait3A_153 = arith.constant 0 : i32
      %dma_wait3A_154 = tpu.memref_slice %arg10[%add3A_15, %dma_wait3A_153] : memref<10240x128xf32, #tpu.memory_space<vmem_shared>> -> memref<80x128xf32, #tpu.memory_space<vmem_shared>>
      tpu.wait_dma2 semaphore(%run_scoped3A : memref<!tpu.dma_semaphore, #tpu.memory_space<semaphore_mem>>) src(%arg8 : memref<80x128xf32, #tpu.memory_space<vmem>>) dst(%dma_wait3A_154 : memref<80x128xf32, #tpu.memory_space<vmem_shared>>)
      tpu.yield
    }) : () -> ()
    %add3A_16 = arith.constant 320 : i32
    %add3A_17 = arith.addi %mul3A_2, %add3A_16 : i32
    "tpu.region"() ({
      %run_scoped3A = tpu.sem_alloc : memref<!tpu.dma_semaphore, #tpu.memory_space<semaphore_mem>>
      %dma_start3A_147 = arith.constant 0 : i32
      %dma_start3A_148 = tpu.memref_slice %arg10[%add3A_17, %dma_start3A_147] : memref<10240x128xf32, #tpu.memory_space<vmem_shared>> -> memref<80x128xf32, #tpu.memory_space<vmem_shared>>
      %dma_start3A_149 = arith.constant 0 : i32
      %dma_start3A_150 = tpu.memref_slice %arg10[%add3A_17, %dma_start3A_149] : memref<10240x128xf32, #tpu.memory_space<vmem_shared>> -> memref<80x128xf32, #tpu.memory_space<vmem_shared>>
      tpu.enqueue_dma source(%arg8 : memref<80x128xf32, #tpu.memory_space<vmem>>) target(%dma_start3A_150 : memref<80x128xf32, #tpu.memory_space<vmem_shared>>) target_semaphore(%run_scoped3A : memref<!tpu.dma_semaphore, #tpu.memory_space<semaphore_mem>>)
      %dma_wait3A_151 = arith.constant 0 : i32
      %dma_wait3A_152 = tpu.memref_slice %arg10[%add3A_17, %dma_wait3A_151] : memref<10240x128xf32, #tpu.memory_space<vmem_shared>> -> memref<80x128xf32, #tpu.memory_space<vmem_shared>>
      %dma_wait3A_153 = arith.constant 0 : i32
      %dma_wait3A_154 = tpu.memref_slice %arg10[%add3A_17, %dma_wait3A_153] : memref<10240x128xf32, #tpu.memory_space<vmem_shared>> -> memref<80x128xf32, #tpu.memory_space<vmem_shared>>
      tpu.wait_dma2 semaphore(%run_scoped3A : memref<!tpu.dma_semaphore, #tpu.memory_space<semaphore_mem>>) src(%arg8 : memref<80x128xf32, #tpu.memory_space<vmem>>) dst(%dma_wait3A_154 : memref<80x128xf32, #tpu.memory_space<vmem_shared>>)
      tpu.yield
    }) : () -> ()
    %add3A_18 = arith.constant 400 : i32
    %add3A_19 = arith.addi %mul3A_2, %add3A_18 : i32
    "tpu.region"() ({
      %run_scoped3A = tpu.sem_alloc : memref<!tpu.dma_semaphore, #tpu.memory_space<semaphore_mem>>
      %dma_start3A_147 = arith.constant 0 : i32
      %dma_start3A_148 = tpu.memref_slice %arg10[%add3A_19, %dma_start3A_147] : memref<10240x128xf32, #tpu.memory_space<vmem_shared>> -> memref<80x128xf32, #tpu.memory_space<vmem_shared>>
      %dma_start3A_149 = arith.constant 0 : i32
      %dma_start3A_150 = tpu.memref_slice %arg10[%add3A_19, %dma_start3A_149] : memref<10240x128xf32, #tpu.memory_space<vmem_shared>> -> memref<80x128xf32, #tpu.memory_space<vmem_shared>>
      tpu.enqueue_dma source(%arg8 : memref<80x128xf32, #tpu.memory_space<vmem>>) target(%dma_start3A_150 : memref<80x128xf32, #tpu.memory_space<vmem_shared>>) target_semaphore(%run_scoped3A : memref<!tpu.dma_semaphore, #tpu.memory_space<semaphore_mem>>)
      %dma_wait3A_151 = arith.constant 0 : i32
      %dma_wait3A_152 = tpu.memref_slice %arg10[%add3A_19, %dma_wait3A_151] : memref<10240x128xf32, #tpu.memory_space<vmem_shared>> -> memref<80x128xf32, #tpu.memory_space<vmem_shared>>
      %dma_wait3A_153 = arith.constant 0 : i32
      %dma_wait3A_154 = tpu.memref_slice %arg10[%add3A_19, %dma_wait3A_153] : memref<10240x128xf32, #tpu.memory_space<vmem_shared>> -> memref<80x128xf32, #tpu.memory_space<vmem_shared>>
      tpu.wait_dma2 semaphore(%run_scoped3A : memref<!tpu.dma_semaphore, #tpu.memory_space<semaphore_mem>>) src(%arg8 : memref<80x128xf32, #tpu.memory_space<vmem>>) dst(%dma_wait3A_154 : memref<80x128xf32, #tpu.memory_space<vmem_shared>>)
      tpu.yield
    }) : () -> ()
    %add3A_20 = arith.constant 480 : i32
    %add3A_21 = arith.addi %mul3A_2, %add3A_20 : i32
    "tpu.region"() ({
      %run_scoped3A = tpu.sem_alloc : memref<!tpu.dma_semaphore, #tpu.memory_space<semaphore_mem>>
      %dma_start3A_147 = arith.constant 0 : i32
      %dma_start3A_148 = tpu.memref_slice %arg10[%add3A_21, %dma_start3A_147] : memref<10240x128xf32, #tpu.memory_space<vmem_shared>> -> memref<80x128xf32, #tpu.memory_space<vmem_shared>>
      %dma_start3A_149 = arith.constant 0 : i32
      %dma_start3A_150 = tpu.memref_slice %arg10[%add3A_21, %dma_start3A_149] : memref<10240x128xf32, #tpu.memory_space<vmem_shared>> -> memref<80x128xf32, #tpu.memory_space<vmem_shared>>
      tpu.enqueue_dma source(%arg8 : memref<80x128xf32, #tpu.memory_space<vmem>>) target(%dma_start3A_150 : memref<80x128xf32, #tpu.memory_space<vmem_shared>>) target_semaphore(%run_scoped3A : memref<!tpu.dma_semaphore, #tpu.memory_space<semaphore_mem>>)
      %dma_wait3A_151 = arith.constant 0 : i32
      %dma_wait3A_152 = tpu.memref_slice %arg10[%add3A_21, %dma_wait3A_151] : memref<10240x128xf32, #tpu.memory_space<vmem_shared>> -> memref<80x128xf32, #tpu.memory_space<vmem_shared>>
      %dma_wait3A_153 = arith.constant 0 : i32
      %dma_wait3A_154 = tpu.memref_slice %arg10[%add3A_21, %dma_wait3A_153] : memref<10240x128xf32, #tpu.memory_space<vmem_shared>> -> memref<80x128xf32, #tpu.memory_space<vmem_shared>>
      tpu.wait_dma2 semaphore(%run_scoped3A : memref<!tpu.dma_semaphore, #tpu.memory_space<semaphore_mem>>) src(%arg8 : memref<80x128xf32, #tpu.memory_space<vmem>>) dst(%dma_wait3A_154 : memref<80x128xf32, #tpu.memory_space<vmem_shared>>)
      tpu.yield
    }) : () -> ()
    %add3A_22 = arith.constant 560 : i32
    %add3A_23 = arith.addi %mul3A_2, %add3A_22 : i32
    "tpu.region"() ({
      %run_scoped3A = tpu.sem_alloc : memref<!tpu.dma_semaphore, #tpu.memory_space<semaphore_mem>>
      %dma_start3A_147 = arith.constant 0 : i32
      %dma_start3A_148 = tpu.memref_slice %arg10[%add3A_23, %dma_start3A_147] : memref<10240x128xf32, #tpu.memory_space<vmem_shared>> -> memref<80x128xf32, #tpu.memory_space<vmem_shared>>
      %dma_start3A_149 = arith.constant 0 : i32
      %dma_start3A_150 = tpu.memref_slice %arg10[%add3A_23, %dma_start3A_149] : memref<10240x128xf32, #tpu.memory_space<vmem_shared>> -> memref<80x128xf32, #tpu.memory_space<vmem_shared>>
      tpu.enqueue_dma source(%arg8 : memref<80x128xf32, #tpu.memory_space<vmem>>) target(%dma_start3A_150 : memref<80x128xf32, #tpu.memory_space<vmem_shared>>) target_semaphore(%run_scoped3A : memref<!tpu.dma_semaphore, #tpu.memory_space<semaphore_mem>>)
      %dma_wait3A_151 = arith.constant 0 : i32
      %dma_wait3A_152 = tpu.memref_slice %arg10[%add3A_23, %dma_wait3A_151] : memref<10240x128xf32, #tpu.memory_space<vmem_shared>> -> memref<80x128xf32, #tpu.memory_space<vmem_shared>>
      %dma_wait3A_153 = arith.constant 0 : i32
      %dma_wait3A_154 = tpu.memref_slice %arg10[%add3A_23, %dma_wait3A_153] : memref<10240x128xf32, #tpu.memory_space<vmem_shared>> -> memref<80x128xf32, #tpu.memory_space<vmem_shared>>
      tpu.wait_dma2 semaphore(%run_scoped3A : memref<!tpu.dma_semaphore, #tpu.memory_space<semaphore_mem>>) src(%arg8 : memref<80x128xf32, #tpu.memory_space<vmem>>) dst(%dma_wait3A_154 : memref<80x128xf32, #tpu.memory_space<vmem_shared>>)
      tpu.yield
    }) : () -> ()
    %mul3A_24 = arith.constant 10000 : i32
    %mul3A_25 = arith.muli %add3A, %mul3A_24 : i32
    "tpu.region"() ({
      %run_scoped3A = tpu.sem_alloc : memref<!tpu.dma_semaphore, #tpu.memory_space<semaphore_mem>>
      %dma_start3A_147 = tpu.memref_slice %arg3[%mul3A_25] : memref<320000xi32, #tpu.memory_space<hbm>> -> memref<10000xi32, #tpu.memory_space<hbm>>
      %dma_start3A_148 = tpu.memref_slice %arg3[%mul3A_25] : memref<320000xi32, #tpu.memory_space<hbm>> -> memref<10000xi32, #tpu.memory_space<hbm>>
      tpu.enqueue_dma source(%dma_start3A_148 : memref<10000xi32, #tpu.memory_space<hbm>>) target(%arg6 : memref<10000xi32, #tpu.memory_space<vmem>>) target_semaphore(%run_scoped3A : memref<!tpu.dma_semaphore, #tpu.memory_space<semaphore_mem>>)
      %dma_wait3A_149 = tpu.memref_slice %arg3[%mul3A_25] : memref<320000xi32, #tpu.memory_space<hbm>> -> memref<10000xi32, #tpu.memory_space<hbm>>
      %dma_wait3A_150 = tpu.memref_slice %arg3[%mul3A_25] : memref<320000xi32, #tpu.memory_space<hbm>> -> memref<10000xi32, #tpu.memory_space<hbm>>
      tpu.wait_dma2 semaphore(%run_scoped3A : memref<!tpu.dma_semaphore, #tpu.memory_space<semaphore_mem>>) src(%dma_wait3A_150 : memref<10000xi32, #tpu.memory_space<hbm>>) dst(%arg6 : memref<10000xi32, #tpu.memory_space<vmem>>)
      tpu.yield
    }) : () -> ()
    "tpu.region"() ({
      %run_scoped3A = tpu.sem_alloc : memref<!tpu.dma_semaphore, #tpu.memory_space<semaphore_mem>>
      %dma_start3A_147 = tpu.memref_slice %arg4[%mul3A_25] : memref<320000xi32, #tpu.memory_space<hbm>> -> memref<10000xi32, #tpu.memory_space<hbm>>
      %dma_start3A_148 = tpu.memref_slice %arg4[%mul3A_25] : memref<320000xi32, #tpu.memory_space<hbm>> -> memref<10000xi32, #tpu.memory_space<hbm>>
      tpu.enqueue_dma source(%dma_start3A_148 : memref<10000xi32, #tpu.memory_space<hbm>>) target(%arg7 : memref<10000xi32, #tpu.memory_space<vmem>>) target_semaphore(%run_scoped3A : memref<!tpu.dma_semaphore, #tpu.memory_space<semaphore_mem>>)
      %dma_wait3A_149 = tpu.memref_slice %arg4[%mul3A_25] : memref<320000xi32, #tpu.memory_space<hbm>> -> memref<10000xi32, #tpu.memory_space<hbm>>
      %dma_wait3A_150 = tpu.memref_slice %arg4[%mul3A_25] : memref<320000xi32, #tpu.memory_space<hbm>> -> memref<10000xi32, #tpu.memory_space<hbm>>
      tpu.wait_dma2 semaphore(%run_scoped3A : memref<!tpu.dma_semaphore, #tpu.memory_space<semaphore_mem>>) src(%dma_wait3A_150 : memref<10000xi32, #tpu.memory_space<hbm>>) dst(%arg7 : memref<10000xi32, #tpu.memory_space<vmem>>)
      tpu.yield
    }) : () -> ()
    %barrier3A = arith.constant 0 : index
    tpu.barrier barrier_id(%barrier3A)
    %dma_start3A = arith.constant 0 : i32
    %dma_start3A_26 = tpu.memref_slice %arg6[%dma_start3A] : memref<10000xi32, #tpu.memory_space<vmem>> -> memref<80xi32, #tpu.memory_space<vmem>>
    %dma_start3A_27 = arith.constant 0 : i32
    %dma_start3A_28 = arith.constant 0 : i32
    %dma_start3A_29 = tpu.memref_slice %arg2[%dma_start3A_27, %dma_start3A_28] : memref<10000x128xf32, #tpu.memory_space<hbm>> -> memref<10000x128xf32, #tpu.memory_space<hbm>>
    tpu.enqueue_indirect_dma source(%dma_start3A_29 : memref<10000x128xf32, #tpu.memory_space<hbm>>) target(%arg8 : memref<80x128xf32, #tpu.memory_space<vmem>>) offsets(%dma_start3A_26 : memref<80xi32, #tpu.memory_space<vmem>>) semaphore(%arg11 : memref<!tpu.dma_semaphore, #tpu.memory_space<semaphore_mem>>)
    %scan3A_30 = arith.constant 0 : i32
    %scan3A_31 = arith.constant 0 : i32
    %scan3A_32 = arith.constant 62 : i32
    %scan3A_33 = arith.addi %scan3A_31, %scan3A_32 : i32
    %scan3A_34 = arith.constant 1 : i32
    scf.for %scan3A_147 = %scan3A_31 to %scan3A_33 step %scan3A_34  : i32 {
      %mul3A_148 = arith.constant 2 : i32
      %mul3A_149 = arith.muli %mul3A_148, %scan3A_147 : i32
      %mul3A_150 = arith.constant 80 : i32
      %mul3A_151 = arith.muli %mul3A_149, %mul3A_150 : i32
      %dma_wait3A_152 = tpu.memref_slice %arg6[%mul3A_151] : memref<10000xi32, #tpu.memory_space<vmem>> -> memref<80xi32, #tpu.memory_space<vmem>>
      %dma_wait3A_153 = arith.constant 0 : i32
      %dma_wait3A_154 = arith.constant 0 : i32
      %dma_wait3A_155 = tpu.memref_slice %arg2[%dma_wait3A_153, %dma_wait3A_154] : memref<10000x128xf32, #tpu.memory_space<hbm>> -> memref<10000x128xf32, #tpu.memory_space<hbm>>
      tpu.wait_indirect_dma semaphore(%arg11 : memref<!tpu.dma_semaphore, #tpu.memory_space<semaphore_mem>>) src(%dma_wait3A_155 : memref<10000x128xf32, #tpu.memory_space<hbm>>) dst(%arg8 : memref<80x128xf32, #tpu.memory_space<vmem>>)
      %add3A_156 = arith.constant 1 : i32
      %add3A_157 = arith.addi %mul3A_149, %add3A_156 : i32
      %mul3A_158 = arith.constant 80 : i32
      %mul3A_159 = arith.muli %add3A_157, %mul3A_158 : i32
      %dma_start3A_160 = tpu.memref_slice %arg6[%mul3A_159] : memref<10000xi32, #tpu.memory_space<vmem>> -> memref<80xi32, #tpu.memory_space<vmem>>
      %dma_start3A_161 = arith.constant 0 : i32
      %dma_start3A_162 = arith.constant 0 : i32
      %dma_start3A_163 = tpu.memref_slice %arg2[%dma_start3A_161, %dma_start3A_162] : memref<10000x128xf32, #tpu.memory_space<hbm>> -> memref<10000x128xf32, #tpu.memory_space<hbm>>
      tpu.enqueue_indirect_dma source(%dma_start3A_163 : memref<10000x128xf32, #tpu.memory_space<hbm>>) target(%arg9 : memref<80x128xf32, #tpu.memory_space<vmem>>) offsets(%dma_start3A_160 : memref<80xi32, #tpu.memory_space<vmem>>) semaphore(%arg12 : memref<!tpu.dma_semaphore, #tpu.memory_space<semaphore_mem>>)
      %mul3A_164 = arith.constant 80 : i32
      %mul3A_165 = arith.muli %mul3A_149, %mul3A_164 : i32
      %add3A_166 = arith.constant 0 : i32
      %add3A_167 = arith.addi %mul3A_165, %add3A_166 : i32
      %get3A_168 = arith.index_cast %add3A_167 : i32 to index
      %get3A_169 = tpu.vector_load %arg7[%get3A_168] {strides = array<i32>} : memref<10000xi32, #tpu.memory_space<vmem>>, vector<16xi32>,
      %get3A_170 = vector.shape_cast %get3A_169 : vector<16xi32> to vector<16xi32>
      %dma_start3A_171 = arith.constant 0 : i32
      %dma_start3A_172 = arith.constant 0 : i32
      %dma_start3A_173 = tpu.memref_slice %arg8[%dma_start3A_171, %dma_start3A_172] : memref<80x128xf32, #tpu.memory_space<vmem>> -> memref<16x128xf32, #tpu.memory_space<vmem>>
      %dma_start3A_174 = arith.constant 0 : i32
      %dma_start3A_175 = arith.constant 0 : i32
      %dma_start3A_176 = tpu.memref_slice %arg10[%dma_start3A_174, %dma_start3A_175] : memref<10240x128xf32, #tpu.memory_space<vmem_shared>> -> memref<10240x128xf32, #tpu.memory_space<vmem_shared>>
      tpu.enqueue_indirect_dma source(%dma_start3A_173 : memref<16x128xf32, #tpu.memory_space<vmem>>) target(%dma_start3A_176 : memref<10240x128xf32, #tpu.memory_space<vmem_shared>>) offsets(%get3A_170 : vector<16xi32>) semaphore(%arg13 : memref<!tpu.dma_semaphore, #tpu.memory_space<semaphore_mem>>) {add = true}
      %add3A_177 = arith.constant 16 : i32
      %add3A_178 = arith.addi %mul3A_165, %add3A_177 : i32
      %get3A_179 = arith.index_cast %add3A_178 : i32 to index
      %get3A_180 = tpu.vector_load %arg7[%get3A_179] {strides = array<i32>} : memref<10000xi32, #tpu.memory_space<vmem>>, vector<16xi32>,
      %get3A_181 = vector.shape_cast %get3A_180 : vector<16xi32> to vector<16xi32>
      %dma_start3A_182 = arith.constant 16 : i32
      %dma_start3A_183 = arith.constant 0 : i32
      %dma_start3A_184 = tpu.memref_slice %arg8[%dma_start3A_182, %dma_start3A_183] : memref<80x128xf32, #tpu.memory_space<vmem>> -> memref<16x128xf32, #tpu.memory_space<vmem>>
      %dma_start3A_185 = arith.constant 0 : i32
      %dma_start3A_186 = arith.constant 0 : i32
      %dma_start3A_187 = tpu.memref_slice %arg10[%dma_start3A_185, %dma_start3A_186] : memref<10240x128xf32, #tpu.memory_space<vmem_shared>> -> memref<10240x128xf32, #tpu.memory_space<vmem_shared>>
      tpu.enqueue_indirect_dma source(%dma_start3A_184 : memref<16x128xf32, #tpu.memory_space<vmem>>) target(%dma_start3A_187 : memref<10240x128xf32, #tpu.memory_space<vmem_shared>>) offsets(%get3A_181 : vector<16xi32>) semaphore(%arg13 : memref<!tpu.dma_semaphore, #tpu.memory_space<semaphore_mem>>) {add = true}
      %add3A_188 = arith.constant 32 : i32
      %add3A_189 = arith.addi %mul3A_165, %add3A_188 : i32
      %get3A_190 = arith.index_cast %add3A_189 : i32 to index
      %get3A_191 = tpu.vector_load %arg7[%get3A_190] {strides = array<i32>} : memref<10000xi32, #tpu.memory_space<vmem>>, vector<16xi32>,
      %get3A_192 = vector.shape_cast %get3A_191 : vector<16xi32> to vector<16xi32>
      %dma_start3A_193 = arith.constant 32 : i32
      %dma_start3A_194 = arith.constant 0 : i32
      %dma_start3A_195 = tpu.memref_slice %arg8[%dma_start3A_193, %dma_start3A_194] : memref<80x128xf32, #tpu.memory_space<vmem>> -> memref<16x128xf32, #tpu.memory_space<vmem>>
      %dma_start3A_196 = arith.constant 0 : i32
      %dma_start3A_197 = arith.constant 0 : i32
      %dma_start3A_198 = tpu.memref_slice %arg10[%dma_start3A_196, %dma_start3A_197] : memref<10240x128xf32, #tpu.memory_space<vmem_shared>> -> memref<10240x128xf32, #tpu.memory_space<vmem_shared>>
      tpu.enqueue_indirect_dma source(%dma_start3A_195 : memref<16x128xf32, #tpu.memory_space<vmem>>) target(%dma_start3A_198 : memref<10240x128xf32, #tpu.memory_space<vmem_shared>>) offsets(%get3A_192 : vector<16xi32>) semaphore(%arg13 : memref<!tpu.dma_semaphore, #tpu.memory_space<semaphore_mem>>) {add = true}
      %add3A_199 = arith.constant 48 : i32
      %add3A_200 = arith.addi %mul3A_165, %add3A_199 : i32
      %get3A_201 = arith.index_cast %add3A_200 : i32 to index
      %get3A_202 = tpu.vector_load %arg7[%get3A_201] {strides = array<i32>} : memref<10000xi32, #tpu.memory_space<vmem>>, vector<16xi32>,
      %get3A_203 = vector.shape_cast %get3A_202 : vector<16xi32> to vector<16xi32>
      %dma_start3A_204 = arith.constant 48 : i32
      %dma_start3A_205 = arith.constant 0 : i32
      %dma_start3A_206 = tpu.memref_slice %arg8[%dma_start3A_204, %dma_start3A_205] : memref<80x128xf32, #tpu.memory_space<vmem>> -> memref<16x128xf32, #tpu.memory_space<vmem>>
      %dma_start3A_207 = arith.constant 0 : i32
      %dma_start3A_208 = arith.constant 0 : i32
      %dma_start3A_209 = tpu.memref_slice %arg10[%dma_start3A_207, %dma_start3A_208] : memref<10240x128xf32, #tpu.memory_space<vmem_shared>> -> memref<10240x128xf32, #tpu.memory_space<vmem_shared>>
      tpu.enqueue_indirect_dma source(%dma_start3A_206 : memref<16x128xf32, #tpu.memory_space<vmem>>) target(%dma_start3A_209 : memref<10240x128xf32, #tpu.memory_space<vmem_shared>>) offsets(%get3A_203 : vector<16xi32>) semaphore(%arg13 : memref<!tpu.dma_semaphore, #tpu.memory_space<semaphore_mem>>) {add = true}
      %add3A_210 = arith.constant 64 : i32
      %add3A_211 = arith.addi %mul3A_165, %add3A_210 : i32
      %get3A_212 = arith.index_cast %add3A_211 : i32 to index
      %get3A_213 = tpu.vector_load %arg7[%get3A_212] {strides = array<i32>} : memref<10000xi32, #tpu.memory_space<vmem>>, vector<16xi32>,
      %get3A_214 = vector.shape_cast %get3A_213 : vector<16xi32> to vector<16xi32>
      %dma_start3A_215 = arith.constant 64 : i32
      %dma_start3A_216 = arith.constant 0 : i32
      %dma_start3A_217 = tpu.memref_slice %arg8[%dma_start3A_215, %dma_start3A_216] : memref<80x128xf32, #tpu.memory_space<vmem>> -> memref<16x128xf32, #tpu.memory_space<vmem>>
      %dma_start3A_218 = arith.constant 0 : i32
      %dma_start3A_219 = arith.constant 0 : i32
      %dma_start3A_220 = tpu.memref_slice %arg10[%dma_start3A_218, %dma_start3A_219] : memref<10240x128xf32, #tpu.memory_space<vmem_shared>> -> memref<10240x128xf32, #tpu.memory_space<vmem_shared>>
      tpu.enqueue_indirect_dma source(%dma_start3A_217 : memref<16x128xf32, #tpu.memory_space<vmem>>) target(%dma_start3A_220 : memref<10240x128xf32, #tpu.memory_space<vmem_shared>>) offsets(%get3A_214 : vector<16xi32>) semaphore(%arg13 : memref<!tpu.dma_semaphore, #tpu.memory_space<semaphore_mem>>) {add = true}
      %dma_wait3A_221 = arith.constant 0 : i32
      %dma_wait3A_222 = arith.constant 0 : i32
      %dma_wait3A_223 = tpu.memref_slice %arg8[%dma_wait3A_221, %dma_wait3A_222] : memref<80x128xf32, #tpu.memory_space<vmem>> -> memref<16x128xf32, #tpu.memory_space<vmem>>
      %dma_wait3A_224 = arith.constant 0 : i32
      %dma_wait3A_225 = arith.constant 0 : i32
      %dma_wait3A_226 = tpu.memref_slice %arg10[%dma_wait3A_224, %dma_wait3A_225] : memref<10240x128xf32, #tpu.memory_space<vmem_shared>> -> memref<10240x128xf32, #tpu.memory_space<vmem_shared>>
      tpu.wait_indirect_dma semaphore(%arg13 : memref<!tpu.dma_semaphore, #tpu.memory_space<semaphore_mem>>) src(%dma_wait3A_223 : memref<16x128xf32, #tpu.memory_space<vmem>>) dst(%dma_wait3A_226 : memref<10240x128xf32, #tpu.memory_space<vmem_shared>>)
      %dma_wait3A_227 = arith.constant 16 : i32
      %dma_wait3A_228 = arith.constant 0 : i32
      %dma_wait3A_229 = tpu.memref_slice %arg8[%dma_wait3A_227, %dma_wait3A_228] : memref<80x128xf32, #tpu.memory_space<vmem>> -> memref<16x128xf32, #tpu.memory_space<vmem>>
      %dma_wait3A_230 = arith.constant 0 : i32
      %dma_wait3A_231 = arith.constant 0 : i32
      %dma_wait3A_232 = tpu.memref_slice %arg10[%dma_wait3A_230, %dma_wait3A_231] : memref<10240x128xf32, #tpu.memory_space<vmem_shared>> -> memref<10240x128xf32, #tpu.memory_space<vmem_shared>>
      tpu.wait_indirect_dma semaphore(%arg13 : memref<!tpu.dma_semaphore, #tpu.memory_space<semaphore_mem>>) src(%dma_wait3A_229 : memref<16x128xf32, #tpu.memory_space<vmem>>) dst(%dma_wait3A_232 : memref<10240x128xf32, #tpu.memory_space<vmem_shared>>)
      %dma_wait3A_233 = arith.constant 32 : i32
      %dma_wait3A_234 = arith.constant 0 : i32
      %dma_wait3A_235 = tpu.memref_slice %arg8[%dma_wait3A_233, %dma_wait3A_234] : memref<80x128xf32, #tpu.memory_space<vmem>> -> memref<16x128xf32, #tpu.memory_space<vmem>>
      %dma_wait3A_236 = arith.constant 0 : i32
      %dma_wait3A_237 = arith.constant 0 : i32
      %dma_wait3A_238 = tpu.memref_slice %arg10[%dma_wait3A_236, %dma_wait3A_237] : memref<10240x128xf32, #tpu.memory_space<vmem_shared>> -> memref<10240x128xf32, #tpu.memory_space<vmem_shared>>
      tpu.wait_indirect_dma semaphore(%arg13 : memref<!tpu.dma_semaphore, #tpu.memory_space<semaphore_mem>>) src(%dma_wait3A_235 : memref<16x128xf32, #tpu.memory_space<vmem>>) dst(%dma_wait3A_238 : memref<10240x128xf32, #tpu.memory_space<vmem_shared>>)
      %dma_wait3A_239 = arith.constant 48 : i32
      %dma_wait3A_240 = arith.constant 0 : i32
      %dma_wait3A_241 = tpu.memref_slice %arg8[%dma_wait3A_239, %dma_wait3A_240] : memref<80x128xf32, #tpu.memory_space<vmem>> -> memref<16x128xf32, #tpu.memory_space<vmem>>
      %dma_wait3A_242 = arith.constant 0 : i32
      %dma_wait3A_243 = arith.constant 0 : i32
      %dma_wait3A_244 = tpu.memref_slice %arg10[%dma_wait3A_242, %dma_wait3A_243] : memref<10240x128xf32, #tpu.memory_space<vmem_shared>> -> memref<10240x128xf32, #tpu.memory_space<vmem_shared>>
      tpu.wait_indirect_dma semaphore(%arg13 : memref<!tpu.dma_semaphore, #tpu.memory_space<semaphore_mem>>) src(%dma_wait3A_241 : memref<16x128xf32, #tpu.memory_space<vmem>>) dst(%dma_wait3A_244 : memref<10240x128xf32, #tpu.memory_space<vmem_shared>>)
      %dma_wait3A_245 = arith.constant 64 : i32
      %dma_wait3A_246 = arith.constant 0 : i32
      %dma_wait3A_247 = tpu.memref_slice %arg8[%dma_wait3A_245, %dma_wait3A_246] : memref<80x128xf32, #tpu.memory_space<vmem>> -> memref<16x128xf32, #tpu.memory_space<vmem>>
      %dma_wait3A_248 = arith.constant 0 : i32
      %dma_wait3A_249 = arith.constant 0 : i32
      %dma_wait3A_250 = tpu.memref_slice %arg10[%dma_wait3A_248, %dma_wait3A_249] : memref<10240x128xf32, #tpu.memory_space<vmem_shared>> -> memref<10240x128xf32, #tpu.memory_space<vmem_shared>>
      tpu.wait_indirect_dma semaphore(%arg13 : memref<!tpu.dma_semaphore, #tpu.memory_space<semaphore_mem>>) src(%dma_wait3A_247 : memref<16x128xf32, #tpu.memory_space<vmem>>) dst(%dma_wait3A_250 : memref<10240x128xf32, #tpu.memory_space<vmem_shared>>)
      %add3A_251 = arith.constant 2 : i32
      %add3A_252 = arith.addi %mul3A_149, %add3A_251 : i32
      %mul3A_253 = arith.constant 80 : i32
      %mul3A_254 = arith.muli %add3A_252, %mul3A_253 : i32
      %dma_start3A_255 = tpu.memref_slice %arg6[%mul3A_254] : memref<10000xi32, #tpu.memory_space<vmem>> -> memref<80xi32, #tpu.memory_space<vmem>>
      %dma_start3A_256 = arith.constant 0 : i32
      %dma_start3A_257 = arith.constant 0 : i32
      %dma_start3A_258 = tpu.memref_slice %arg2[%dma_start3A_256, %dma_start3A_257] : memref<10000x128xf32, #tpu.memory_space<hbm>> -> memref<10000x128xf32, #tpu.memory_space<hbm>>
      tpu.enqueue_indirect_dma source(%dma_start3A_258 : memref<10000x128xf32, #tpu.memory_space<hbm>>) target(%arg8 : memref<80x128xf32, #tpu.memory_space<vmem>>) offsets(%dma_start3A_255 : memref<80xi32, #tpu.memory_space<vmem>>) semaphore(%arg11 : memref<!tpu.dma_semaphore, #tpu.memory_space<semaphore_mem>>)
      %add3A_259 = arith.constant 1 : i32
      %add3A_260 = arith.addi %mul3A_149, %add3A_259 : i32
      %mul3A_261 = arith.constant 80 : i32
      %mul3A_262 = arith.muli %add3A_260, %mul3A_261 : i32
      %dma_wait3A_263 = tpu.memref_slice %arg6[%mul3A_262] : memref<10000xi32, #tpu.memory_space<vmem>> -> memref<80xi32, #tpu.memory_space<vmem>>
      %dma_wait3A_264 = arith.constant 0 : i32
      %dma_wait3A_265 = arith.constant 0 : i32
      %dma_wait3A_266 = tpu.memref_slice %arg2[%dma_wait3A_264, %dma_wait3A_265] : memref<10000x128xf32, #tpu.memory_space<hbm>> -> memref<10000x128xf32, #tpu.memory_space<hbm>>
      tpu.wait_indirect_dma semaphore(%arg12 : memref<!tpu.dma_semaphore, #tpu.memory_space<semaphore_mem>>) src(%dma_wait3A_266 : memref<10000x128xf32, #tpu.memory_space<hbm>>) dst(%arg9 : memref<80x128xf32, #tpu.memory_space<vmem>>)
      %add3A_267 = arith.constant 1 : i32
      %add3A_268 = arith.addi %mul3A_149, %add3A_267 : i32
      %mul3A_269 = arith.constant 80 : i32
      %mul3A_270 = arith.muli %add3A_268, %mul3A_269 : i32
      %add3A_271 = arith.constant 0 : i32
      %add3A_272 = arith.addi %mul3A_270, %add3A_271 : i32
      %get3A_273 = arith.index_cast %add3A_272 : i32 to index
      %get3A_274 = tpu.vector_load %arg7[%get3A_273] {strides = array<i32>} : memref<10000xi32, #tpu.memory_space<vmem>>, vector<16xi32>,
      %get3A_275 = vector.shape_cast %get3A_274 : vector<16xi32> to vector<16xi32>
      %dma_start3A_276 = arith.constant 0 : i32
      %dma_start3A_277 = arith.constant 0 : i32
      %dma_start3A_278 = tpu.memref_slice %arg9[%dma_start3A_276, %dma_start3A_277] : memref<80x128xf32, #tpu.memory_space<vmem>> -> memref<16x128xf32, #tpu.memory_space<vmem>>
      %dma_start3A_279 = arith.constant 0 : i32
      %dma_start3A_280 = arith.constant 0 : i32
      %dma_start3A_281 = tpu.memref_slice %arg10[%dma_start3A_279, %dma_start3A_280] : memref<10240x128xf32, #tpu.memory_space<vmem_shared>> -> memref<10240x128xf32, #tpu.memory_space<vmem_shared>>
      tpu.enqueue_indirect_dma source(%dma_start3A_278 : memref<16x128xf32, #tpu.memory_space<vmem>>) target(%dma_start3A_281 : memref<10240x128xf32, #tpu.memory_space<vmem_shared>>) offsets(%get3A_275 : vector<16xi32>) semaphore(%arg13 : memref<!tpu.dma_semaphore, #tpu.memory_space<semaphore_mem>>) {add = true}
      %add3A_282 = arith.constant 16 : i32
      %add3A_283 = arith.addi %mul3A_270, %add3A_282 : i32
      %get3A_284 = arith.index_cast %add3A_283 : i32 to index
      %get3A_285 = tpu.vector_load %arg7[%get3A_284] {strides = array<i32>} : memref<10000xi32, #tpu.memory_space<vmem>>, vector<16xi32>,
      %get3A_286 = vector.shape_cast %get3A_285 : vector<16xi32> to vector<16xi32>
      %dma_start3A_287 = arith.constant 16 : i32
      %dma_start3A_288 = arith.constant 0 : i32
      %dma_start3A_289 = tpu.memref_slice %arg9[%dma_start3A_287, %dma_start3A_288] : memref<80x128xf32, #tpu.memory_space<vmem>> -> memref<16x128xf32, #tpu.memory_space<vmem>>
      %dma_start3A_290 = arith.constant 0 : i32
      %dma_start3A_291 = arith.constant 0 : i32
      %dma_start3A_292 = tpu.memref_slice %arg10[%dma_start3A_290, %dma_start3A_291] : memref<10240x128xf32, #tpu.memory_space<vmem_shared>> -> memref<10240x128xf32, #tpu.memory_space<vmem_shared>>
      tpu.enqueue_indirect_dma source(%dma_start3A_289 : memref<16x128xf32, #tpu.memory_space<vmem>>) target(%dma_start3A_292 : memref<10240x128xf32, #tpu.memory_space<vmem_shared>>) offsets(%get3A_286 : vector<16xi32>) semaphore(%arg13 : memref<!tpu.dma_semaphore, #tpu.memory_space<semaphore_mem>>) {add = true}
      %add3A_293 = arith.constant 32 : i32
      %add3A_294 = arith.addi %mul3A_270, %add3A_293 : i32
      %get3A_295 = arith.index_cast %add3A_294 : i32 to index
      %get3A_296 = tpu.vector_load %arg7[%get3A_295] {strides = array<i32>} : memref<10000xi32, #tpu.memory_space<vmem>>, vector<16xi32>,
      %get3A_297 = vector.shape_cast %get3A_296 : vector<16xi32> to vector<16xi32>
      %dma_start3A_298 = arith.constant 32 : i32
      %dma_start3A_299 = arith.constant 0 : i32
      %dma_start3A_300 = tpu.memref_slice %arg9[%dma_start3A_298, %dma_start3A_299] : memref<80x128xf32, #tpu.memory_space<vmem>> -> memref<16x128xf32, #tpu.memory_space<vmem>>
      %dma_start3A_301 = arith.constant 0 : i32
      %dma_start3A_302 = arith.constant 0 : i32
      %dma_start3A_303 = tpu.memref_slice %arg10[%dma_start3A_301, %dma_start3A_302] : memref<10240x128xf32, #tpu.memory_space<vmem_shared>> -> memref<10240x128xf32, #tpu.memory_space<vmem_shared>>
      tpu.enqueue_indirect_dma source(%dma_start3A_300 : memref<16x128xf32, #tpu.memory_space<vmem>>) target(%dma_start3A_303 : memref<10240x128xf32, #tpu.memory_space<vmem_shared>>) offsets(%get3A_297 : vector<16xi32>) semaphore(%arg13 : memref<!tpu.dma_semaphore, #tpu.memory_space<semaphore_mem>>) {add = true}
      %add3A_304 = arith.constant 48 : i32
      %add3A_305 = arith.addi %mul3A_270, %add3A_304 : i32
      %get3A_306 = arith.index_cast %add3A_305 : i32 to index
      %get3A_307 = tpu.vector_load %arg7[%get3A_306] {strides = array<i32>} : memref<10000xi32, #tpu.memory_space<vmem>>, vector<16xi32>,
      %get3A_308 = vector.shape_cast %get3A_307 : vector<16xi32> to vector<16xi32>
      %dma_start3A_309 = arith.constant 48 : i32
      %dma_start3A_310 = arith.constant 0 : i32
      %dma_start3A_311 = tpu.memref_slice %arg9[%dma_start3A_309, %dma_start3A_310] : memref<80x128xf32, #tpu.memory_space<vmem>> -> memref<16x128xf32, #tpu.memory_space<vmem>>
      %dma_start3A_312 = arith.constant 0 : i32
      %dma_start3A_313 = arith.constant 0 : i32
      %dma_start3A_314 = tpu.memref_slice %arg10[%dma_start3A_312, %dma_start3A_313] : memref<10240x128xf32, #tpu.memory_space<vmem_shared>> -> memref<10240x128xf32, #tpu.memory_space<vmem_shared>>
      tpu.enqueue_indirect_dma source(%dma_start3A_311 : memref<16x128xf32, #tpu.memory_space<vmem>>) target(%dma_start3A_314 : memref<10240x128xf32, #tpu.memory_space<vmem_shared>>) offsets(%get3A_308 : vector<16xi32>) semaphore(%arg13 : memref<!tpu.dma_semaphore, #tpu.memory_space<semaphore_mem>>) {add = true}
      %add3A_315 = arith.constant 64 : i32
      %add3A_316 = arith.addi %mul3A_270, %add3A_315 : i32
      %get3A_317 = arith.index_cast %add3A_316 : i32 to index
      %get3A_318 = tpu.vector_load %arg7[%get3A_317] {strides = array<i32>} : memref<10000xi32, #tpu.memory_space<vmem>>, vector<16xi32>,
      %get3A_319 = vector.shape_cast %get3A_318 : vector<16xi32> to vector<16xi32>
      %dma_start3A_320 = arith.constant 64 : i32
      %dma_start3A_321 = arith.constant 0 : i32
      %dma_start3A_322 = tpu.memref_slice %arg9[%dma_start3A_320, %dma_start3A_321] : memref<80x128xf32, #tpu.memory_space<vmem>> -> memref<16x128xf32, #tpu.memory_space<vmem>>
      %dma_start3A_323 = arith.constant 0 : i32
      %dma_start3A_324 = arith.constant 0 : i32
      %dma_start3A_325 = tpu.memref_slice %arg10[%dma_start3A_323, %dma_start3A_324] : memref<10240x128xf32, #tpu.memory_space<vmem_shared>> -> memref<10240x128xf32, #tpu.memory_space<vmem_shared>>
      tpu.enqueue_indirect_dma source(%dma_start3A_322 : memref<16x128xf32, #tpu.memory_space<vmem>>) target(%dma_start3A_325 : memref<10240x128xf32, #tpu.memory_space<vmem_shared>>) offsets(%get3A_319 : vector<16xi32>) semaphore(%arg13 : memref<!tpu.dma_semaphore, #tpu.memory_space<semaphore_mem>>) {add = true}
      %dma_wait3A_326 = arith.constant 0 : i32
      %dma_wait3A_327 = arith.constant 0 : i32
      %dma_wait3A_328 = tpu.memref_slice %arg9[%dma_wait3A_326, %dma_wait3A_327] : memref<80x128xf32, #tpu.memory_space<vmem>> -> memref<16x128xf32, #tpu.memory_space<vmem>>
      %dma_wait3A_329 = arith.constant 0 : i32
      %dma_wait3A_330 = arith.constant 0 : i32
      %dma_wait3A_331 = tpu.memref_slice %arg10[%dma_wait3A_329, %dma_wait3A_330] : memref<10240x128xf32, #tpu.memory_space<vmem_shared>> -> memref<10240x128xf32, #tpu.memory_space<vmem_shared>>
      tpu.wait_indirect_dma semaphore(%arg13 : memref<!tpu.dma_semaphore, #tpu.memory_space<semaphore_mem>>) src(%dma_wait3A_328 : memref<16x128xf32, #tpu.memory_space<vmem>>) dst(%dma_wait3A_331 : memref<10240x128xf32, #tpu.memory_space<vmem_shared>>)
      %dma_wait3A_332 = arith.constant 16 : i32
      %dma_wait3A_333 = arith.constant 0 : i32
      %dma_wait3A_334 = tpu.memref_slice %arg9[%dma_wait3A_332, %dma_wait3A_333] : memref<80x128xf32, #tpu.memory_space<vmem>> -> memref<16x128xf32, #tpu.memory_space<vmem>>
      %dma_wait3A_335 = arith.constant 0 : i32
      %dma_wait3A_336 = arith.constant 0 : i32
      %dma_wait3A_337 = tpu.memref_slice %arg10[%dma_wait3A_335, %dma_wait3A_336] : memref<10240x128xf32, #tpu.memory_space<vmem_shared>> -> memref<10240x128xf32, #tpu.memory_space<vmem_shared>>
      tpu.wait_indirect_dma semaphore(%arg13 : memref<!tpu.dma_semaphore, #tpu.memory_space<semaphore_mem>>) src(%dma_wait3A_334 : memref<16x128xf32, #tpu.memory_space<vmem>>) dst(%dma_wait3A_337 : memref<10240x128xf32, #tpu.memory_space<vmem_shared>>)
      %dma_wait3A_338 = arith.constant 32 : i32
      %dma_wait3A_339 = arith.constant 0 : i32
      %dma_wait3A_340 = tpu.memref_slice %arg9[%dma_wait3A_338, %dma_wait3A_339] : memref<80x128xf32, #tpu.memory_space<vmem>> -> memref<16x128xf32, #tpu.memory_space<vmem>>
      %dma_wait3A_341 = arith.constant 0 : i32
      %dma_wait3A_342 = arith.constant 0 : i32
      %dma_wait3A_343 = tpu.memref_slice %arg10[%dma_wait3A_341, %dma_wait3A_342] : memref<10240x128xf32, #tpu.memory_space<vmem_shared>> -> memref<10240x128xf32, #tpu.memory_space<vmem_shared>>
      tpu.wait_indirect_dma semaphore(%arg13 : memref<!tpu.dma_semaphore, #tpu.memory_space<semaphore_mem>>) src(%dma_wait3A_340 : memref<16x128xf32, #tpu.memory_space<vmem>>) dst(%dma_wait3A_343 : memref<10240x128xf32, #tpu.memory_space<vmem_shared>>)
      %dma_wait3A_344 = arith.constant 48 : i32
      %dma_wait3A_345 = arith.constant 0 : i32
      %dma_wait3A_346 = tpu.memref_slice %arg9[%dma_wait3A_344, %dma_wait3A_345] : memref<80x128xf32, #tpu.memory_space<vmem>> -> memref<16x128xf32, #tpu.memory_space<vmem>>
      %dma_wait3A_347 = arith.constant 0 : i32
      %dma_wait3A_348 = arith.constant 0 : i32
      %dma_wait3A_349 = tpu.memref_slice %arg10[%dma_wait3A_347, %dma_wait3A_348] : memref<10240x128xf32, #tpu.memory_space<vmem_shared>> -> memref<10240x128xf32, #tpu.memory_space<vmem_shared>>
      tpu.wait_indirect_dma semaphore(%arg13 : memref<!tpu.dma_semaphore, #tpu.memory_space<semaphore_mem>>) src(%dma_wait3A_346 : memref<16x128xf32, #tpu.memory_space<vmem>>) dst(%dma_wait3A_349 : memref<10240x128xf32, #tpu.memory_space<vmem_shared>>)
      %dma_wait3A_350 = arith.constant 64 : i32
      %dma_wait3A_351 = arith.constant 0 : i32
      %dma_wait3A_352 = tpu.memref_slice %arg9[%dma_wait3A_350, %dma_wait3A_351] : memref<80x128xf32, #tpu.memory_space<vmem>> -> memref<16x128xf32, #tpu.memory_space<vmem>>
      %dma_wait3A_353 = arith.constant 0 : i32
      %dma_wait3A_354 = arith.constant 0 : i32
      %dma_wait3A_355 = tpu.memref_slice %arg10[%dma_wait3A_353, %dma_wait3A_354] : memref<10240x128xf32, #tpu.memory_space<vmem_shared>> -> memref<10240x128xf32, #tpu.memory_space<vmem_shared>>
      tpu.wait_indirect_dma semaphore(%arg13 : memref<!tpu.dma_semaphore, #tpu.memory_space<semaphore_mem>>) src(%dma_wait3A_352 : memref<16x128xf32, #tpu.memory_space<vmem>>) dst(%dma_wait3A_355 : memref<10240x128xf32, #tpu.memory_space<vmem_shared>>)
    }
    %scan3A_35 = arith.constant 62 : i32
    %dma_wait3A = arith.constant 9920 : i32
    %dma_wait3A_36 = tpu.memref_slice %arg6[%dma_wait3A] : memref<10000xi32, #tpu.memory_space<vmem>> -> memref<80xi32, #tpu.memory_space<vmem>>
    %dma_wait3A_37 = arith.constant 0 : i32
    %dma_wait3A_38 = arith.constant 0 : i32
    %dma_wait3A_39 = tpu.memref_slice %arg2[%dma_wait3A_37, %dma_wait3A_38] : memref<10000x128xf32, #tpu.memory_space<hbm>> -> memref<10000x128xf32, #tpu.memory_space<hbm>>
    tpu.wait_indirect_dma semaphore(%arg11 : memref<!tpu.dma_semaphore, #tpu.memory_space<semaphore_mem>>) src(%dma_wait3A_39 : memref<10000x128xf32, #tpu.memory_space<hbm>>) dst(%arg8 : memref<80x128xf32, #tpu.memory_space<vmem>>)
    %get3A = arith.constant 9920 : index
    %get3A_40 = tpu.vector_load %arg7[%get3A] {strides = array<i32>} : memref<10000xi32, #tpu.memory_space<vmem>>, vector<16xi32>,
    %get3A_41 = vector.shape_cast %get3A_40 : vector<16xi32> to vector<16xi32>
    %dma_start3A_42 = arith.constant 0 : i32
    %dma_start3A_43 = arith.constant 0 : i32
    %dma_start3A_44 = tpu.memref_slice %arg8[%dma_start3A_42, %dma_start3A_43] : memref<80x128xf32, #tpu.memory_space<vmem>> -> memref<16x128xf32, #tpu.memory_space<vmem>>
    %dma_start3A_45 = arith.constant 0 : i32
    %dma_start3A_46 = arith.constant 0 : i32
    %dma_start3A_47 = tpu.memref_slice %arg10[%dma_start3A_45, %dma_start3A_46] : memref<10240x128xf32, #tpu.memory_space<vmem_shared>> -> memref<10240x128xf32, #tpu.memory_space<vmem_shared>>
    tpu.enqueue_indirect_dma source(%dma_start3A_44 : memref<16x128xf32, #tpu.memory_space<vmem>>) target(%dma_start3A_47 : memref<10240x128xf32, #tpu.memory_space<vmem_shared>>) offsets(%get3A_41 : vector<16xi32>) semaphore(%arg13 : memref<!tpu.dma_semaphore, #tpu.memory_space<semaphore_mem>>) {add = true}
    %get3A_48 = arith.constant 9936 : index
    %get3A_49 = tpu.vector_load %arg7[%get3A_48] {strides = array<i32>} : memref<10000xi32, #tpu.memory_space<vmem>>, vector<16xi32>,
    %get3A_50 = vector.shape_cast %get3A_49 : vector<16xi32> to vector<16xi32>
    %dma_start3A_51 = arith.constant 16 : i32
    %dma_start3A_52 = arith.constant 0 : i32
    %dma_start3A_53 = tpu.memref_slice %arg8[%dma_start3A_51, %dma_start3A_52] : memref<80x128xf32, #tpu.memory_space<vmem>> -> memref<16x128xf32, #tpu.memory_space<vmem>>
    %dma_start3A_54 = arith.constant 0 : i32
    %dma_start3A_55 = arith.constant 0 : i32
    %dma_start3A_56 = tpu.memref_slice %arg10[%dma_start3A_54, %dma_start3A_55] : memref<10240x128xf32, #tpu.memory_space<vmem_shared>> -> memref<10240x128xf32, #tpu.memory_space<vmem_shared>>
    tpu.enqueue_indirect_dma source(%dma_start3A_53 : memref<16x128xf32, #tpu.memory_space<vmem>>) target(%dma_start3A_56 : memref<10240x128xf32, #tpu.memory_space<vmem_shared>>) offsets(%get3A_50 : vector<16xi32>) semaphore(%arg13 : memref<!tpu.dma_semaphore, #tpu.memory_space<semaphore_mem>>) {add = true}
    %get3A_57 = arith.constant 9952 : index
    %get3A_58 = tpu.vector_load %arg7[%get3A_57] {strides = array<i32>} : memref<10000xi32, #tpu.memory_space<vmem>>, vector<16xi32>,
    %get3A_59 = vector.shape_cast %get3A_58 : vector<16xi32> to vector<16xi32>
    %dma_start3A_60 = arith.constant 32 : i32
    %dma_start3A_61 = arith.constant 0 : i32
    %dma_start3A_62 = tpu.memref_slice %arg8[%dma_start3A_60, %dma_start3A_61] : memref<80x128xf32, #tpu.memory_space<vmem>> -> memref<16x128xf32, #tpu.memory_space<vmem>>
    %dma_start3A_63 = arith.constant 0 : i32
    %dma_start3A_64 = arith.constant 0 : i32
    %dma_start3A_65 = tpu.memref_slice %arg10[%dma_start3A_63, %dma_start3A_64] : memref<10240x128xf32, #tpu.memory_space<vmem_shared>> -> memref<10240x128xf32, #tpu.memory_space<vmem_shared>>
    tpu.enqueue_indirect_dma source(%dma_start3A_62 : memref<16x128xf32, #tpu.memory_space<vmem>>) target(%dma_start3A_65 : memref<10240x128xf32, #tpu.memory_space<vmem_shared>>) offsets(%get3A_59 : vector<16xi32>) semaphore(%arg13 : memref<!tpu.dma_semaphore, #tpu.memory_space<semaphore_mem>>) {add = true}
    %get3A_66 = arith.constant 9968 : index
    %get3A_67 = tpu.vector_load %arg7[%get3A_66] {strides = array<i32>} : memref<10000xi32, #tpu.memory_space<vmem>>, vector<16xi32>,
    %get3A_68 = vector.shape_cast %get3A_67 : vector<16xi32> to vector<16xi32>
    %dma_start3A_69 = arith.constant 48 : i32
    %dma_start3A_70 = arith.constant 0 : i32
    %dma_start3A_71 = tpu.memref_slice %arg8[%dma_start3A_69, %dma_start3A_70] : memref<80x128xf32, #tpu.memory_space<vmem>> -> memref<16x128xf32, #tpu.memory_space<vmem>>
    %dma_start3A_72 = arith.constant 0 : i32
    %dma_start3A_73 = arith.constant 0 : i32
    %dma_start3A_74 = tpu.memref_slice %arg10[%dma_start3A_72, %dma_start3A_73] : memref<10240x128xf32, #tpu.memory_space<vmem_shared>> -> memref<10240x128xf32, #tpu.memory_space<vmem_shared>>
    tpu.enqueue_indirect_dma source(%dma_start3A_71 : memref<16x128xf32, #tpu.memory_space<vmem>>) target(%dma_start3A_74 : memref<10240x128xf32, #tpu.memory_space<vmem_shared>>) offsets(%get3A_68 : vector<16xi32>) semaphore(%arg13 : memref<!tpu.dma_semaphore, #tpu.memory_space<semaphore_mem>>) {add = true}
    %get3A_75 = arith.constant 9984 : index
    %get3A_76 = tpu.vector_load %arg7[%get3A_75] {strides = array<i32>} : memref<10000xi32, #tpu.memory_space<vmem>>, vector<16xi32>,
    %get3A_77 = vector.shape_cast %get3A_76 : vector<16xi32> to vector<16xi32>
    %dma_start3A_78 = arith.constant 64 : i32
    %dma_start3A_79 = arith.constant 0 : i32
    %dma_start3A_80 = tpu.memref_slice %arg8[%dma_start3A_78, %dma_start3A_79] : memref<80x128xf32, #tpu.memory_space<vmem>> -> memref<16x128xf32, #tpu.memory_space<vmem>>
    %dma_start3A_81 = arith.constant 0 : i32
    %dma_start3A_82 = arith.constant 0 : i32
    %dma_start3A_83 = tpu.memref_slice %arg10[%dma_start3A_81, %dma_start3A_82] : memref<10240x128xf32, #tpu.memory_space<vmem_shared>> -> memref<10240x128xf32, #tpu.memory_space<vmem_shared>>
    tpu.enqueue_indirect_dma source(%dma_start3A_80 : memref<16x128xf32, #tpu.memory_space<vmem>>) target(%dma_start3A_83 : memref<10240x128xf32, #tpu.memory_space<vmem_shared>>) offsets(%get3A_77 : vector<16xi32>) semaphore(%arg13 : memref<!tpu.dma_semaphore, #tpu.memory_space<semaphore_mem>>) {add = true}
    %dma_wait3A_84 = arith.constant 0 : i32
    %dma_wait3A_85 = arith.constant 0 : i32
    %dma_wait3A_86 = tpu.memref_slice %arg8[%dma_wait3A_84, %dma_wait3A_85] : memref<80x128xf32, #tpu.memory_space<vmem>> -> memref<16x128xf32, #tpu.memory_space<vmem>>
    %dma_wait3A_87 = arith.constant 0 : i32
    %dma_wait3A_88 = arith.constant 0 : i32
    %dma_wait3A_89 = tpu.memref_slice %arg10[%dma_wait3A_87, %dma_wait3A_88] : memref<10240x128xf32, #tpu.memory_space<vmem_shared>> -> memref<10240x128xf32, #tpu.memory_space<vmem_shared>>
    tpu.wait_indirect_dma semaphore(%arg13 : memref<!tpu.dma_semaphore, #tpu.memory_space<semaphore_mem>>) src(%dma_wait3A_86 : memref<16x128xf32, #tpu.memory_space<vmem>>) dst(%dma_wait3A_89 : memref<10240x128xf32, #tpu.memory_space<vmem_shared>>)
    %dma_wait3A_90 = arith.constant 16 : i32
    %dma_wait3A_91 = arith.constant 0 : i32
    %dma_wait3A_92 = tpu.memref_slice %arg8[%dma_wait3A_90, %dma_wait3A_91] : memref<80x128xf32, #tpu.memory_space<vmem>> -> memref<16x128xf32, #tpu.memory_space<vmem>>
    %dma_wait3A_93 = arith.constant 0 : i32
    %dma_wait3A_94 = arith.constant 0 : i32
    %dma_wait3A_95 = tpu.memref_slice %arg10[%dma_wait3A_93, %dma_wait3A_94] : memref<10240x128xf32, #tpu.memory_space<vmem_shared>> -> memref<10240x128xf32, #tpu.memory_space<vmem_shared>>
    tpu.wait_indirect_dma semaphore(%arg13 : memref<!tpu.dma_semaphore, #tpu.memory_space<semaphore_mem>>) src(%dma_wait3A_92 : memref<16x128xf32, #tpu.memory_space<vmem>>) dst(%dma_wait3A_95 : memref<10240x128xf32, #tpu.memory_space<vmem_shared>>)
    %dma_wait3A_96 = arith.constant 32 : i32
    %dma_wait3A_97 = arith.constant 0 : i32
    %dma_wait3A_98 = tpu.memref_slice %arg8[%dma_wait3A_96, %dma_wait3A_97] : memref<80x128xf32, #tpu.memory_space<vmem>> -> memref<16x128xf32, #tpu.memory_space<vmem>>
    %dma_wait3A_99 = arith.constant 0 : i32
    %dma_wait3A_100 = arith.constant 0 : i32
    %dma_wait3A_101 = tpu.memref_slice %arg10[%dma_wait3A_99, %dma_wait3A_100] : memref<10240x128xf32, #tpu.memory_space<vmem_shared>> -> memref<10240x128xf32, #tpu.memory_space<vmem_shared>>
    tpu.wait_indirect_dma semaphore(%arg13 : memref<!tpu.dma_semaphore, #tpu.memory_space<semaphore_mem>>) src(%dma_wait3A_98 : memref<16x128xf32, #tpu.memory_space<vmem>>) dst(%dma_wait3A_101 : memref<10240x128xf32, #tpu.memory_space<vmem_shared>>)
    %dma_wait3A_102 = arith.constant 48 : i32
    %dma_wait3A_103 = arith.constant 0 : i32
    %dma_wait3A_104 = tpu.memref_slice %arg8[%dma_wait3A_102, %dma_wait3A_103] : memref<80x128xf32, #tpu.memory_space<vmem>> -> memref<16x128xf32, #tpu.memory_space<vmem>>
    %dma_wait3A_105 = arith.constant 0 : i32
    %dma_wait3A_106 = arith.constant 0 : i32
    %dma_wait3A_107 = tpu.memref_slice %arg10[%dma_wait3A_105, %dma_wait3A_106] : memref<10240x128xf32, #tpu.memory_space<vmem_shared>> -> memref<10240x128xf32, #tpu.memory_space<vmem_shared>>
    tpu.wait_indirect_dma semaphore(%arg13 : memref<!tpu.dma_semaphore, #tpu.memory_space<semaphore_mem>>) src(%dma_wait3A_104 : memref<16x128xf32, #tpu.memory_space<vmem>>) dst(%dma_wait3A_107 : memref<10240x128xf32, #tpu.memory_space<vmem_shared>>)
    %dma_wait3A_108 = arith.constant 64 : i32
    %dma_wait3A_109 = arith.constant 0 : i32
    %dma_wait3A_110 = tpu.memref_slice %arg8[%dma_wait3A_108, %dma_wait3A_109] : memref<80x128xf32, #tpu.memory_space<vmem>> -> memref<16x128xf32, #tpu.memory_space<vmem>>
    %dma_wait3A_111 = arith.constant 0 : i32
    %dma_wait3A_112 = arith.constant 0 : i32
    %dma_wait3A_113 = tpu.memref_slice %arg10[%dma_wait3A_111, %dma_wait3A_112] : memref<10240x128xf32, #tpu.memory_space<vmem_shared>> -> memref<10240x128xf32, #tpu.memory_space<vmem_shared>>
    tpu.wait_indirect_dma semaphore(%arg13 : memref<!tpu.dma_semaphore, #tpu.memory_space<semaphore_mem>>) src(%dma_wait3A_110 : memref<16x128xf32, #tpu.memory_space<vmem>>) dst(%dma_wait3A_113 : memref<10240x128xf32, #tpu.memory_space<vmem_shared>>)
    %barrier3A_114 = arith.constant 0 : index
    tpu.barrier barrier_id(%barrier3A_114)
    %add3A_115 = arith.constant 0 : i32
    %add3A_116 = arith.addi %mul3A_2, %add3A_115 : i32
    "tpu.region"() ({
      %run_scoped3A = tpu.sem_alloc : memref<!tpu.dma_semaphore, #tpu.memory_space<semaphore_mem>>
      %dma_start3A_147 = arith.constant 0 : i32
      %dma_start3A_148 = tpu.memref_slice %arg10[%add3A_116, %dma_start3A_147] : memref<10240x128xf32, #tpu.memory_space<vmem_shared>> -> memref<80x128xf32, #tpu.memory_space<vmem_shared>>
      %dma_start3A_149 = arith.constant 0 : i32
      %dma_start3A_150 = tpu.memref_slice %arg10[%add3A_116, %dma_start3A_149] : memref<10240x128xf32, #tpu.memory_space<vmem_shared>> -> memref<80x128xf32, #tpu.memory_space<vmem_shared>>
      tpu.enqueue_dma source(%dma_start3A_150 : memref<80x128xf32, #tpu.memory_space<vmem_shared>>) target(%arg8 : memref<80x128xf32, #tpu.memory_space<vmem>>) target_semaphore(%run_scoped3A : memref<!tpu.dma_semaphore, #tpu.memory_space<semaphore_mem>>)
      %dma_wait3A_151 = arith.constant 0 : i32
      %dma_wait3A_152 = tpu.memref_slice %arg10[%add3A_116, %dma_wait3A_151] : memref<10240x128xf32, #tpu.memory_space<vmem_shared>> -> memref<80x128xf32, #tpu.memory_space<vmem_shared>>
      %dma_wait3A_153 = arith.constant 0 : i32
      %dma_wait3A_154 = tpu.memref_slice %arg10[%add3A_116, %dma_wait3A_153] : memref<10240x128xf32, #tpu.memory_space<vmem_shared>> -> memref<80x128xf32, #tpu.memory_space<vmem_shared>>
      tpu.wait_dma2 semaphore(%run_scoped3A : memref<!tpu.dma_semaphore, #tpu.memory_space<semaphore_mem>>) src(%dma_wait3A_154 : memref<80x128xf32, #tpu.memory_space<vmem_shared>>) dst(%arg8 : memref<80x128xf32, #tpu.memory_space<vmem>>)
      tpu.yield
    }) : () -> ()
    %add3A_117 = arith.constant 0 : i32
    %add3A_118 = arith.addi %mul3A_2, %add3A_117 : i32
    "tpu.region"() ({
      %run_scoped3A = tpu.sem_alloc : memref<!tpu.dma_semaphore, #tpu.memory_space<semaphore_mem>>
      %dma_start3A_147 = arith.constant 0 : i32
      %dma_start3A_148 = tpu.memref_slice %arg5[%arg0, %add3A_118, %dma_start3A_147] : memref<2x10240x128xf32, #tpu.memory_space<hbm>> -> memref<1x80x128xf32, #tpu.memory_space<hbm>>
      %dma_start3A_149 = tpu.memref_squeeze %dma_start3A_148 : memref<1x80x128xf32, #tpu.memory_space<hbm>> -> memref<80x128xf32, #tpu.memory_space<hbm>>
      %dma_start3A_150 = arith.constant 0 : i32
      %dma_start3A_151 = tpu.memref_slice %arg5[%arg0, %add3A_118, %dma_start3A_150] : memref<2x10240x128xf32, #tpu.memory_space<hbm>> -> memref<1x80x128xf32, #tpu.memory_space<hbm>>
      %dma_start3A_152 = tpu.memref_squeeze %dma_start3A_151 : memref<1x80x128xf32, #tpu.memory_space<hbm>> -> memref<80x128xf32, #tpu.memory_space<hbm>>
      tpu.enqueue_dma source(%arg8 : memref<80x128xf32, #tpu.memory_space<vmem>>) target(%dma_start3A_152 : memref<80x128xf32, #tpu.memory_space<hbm>>) target_semaphore(%run_scoped3A : memref<!tpu.dma_semaphore, #tpu.memory_space<semaphore_mem>>)
      %dma_wait3A_153 = arith.constant 0 : i32
      %dma_wait3A_154 = tpu.memref_slice %arg5[%arg0, %add3A_118, %dma_wait3A_153] : memref<2x10240x128xf32, #tpu.memory_space<hbm>> -> memref<1x80x128xf32, #tpu.memory_space<hbm>>
      %dma_wait3A_155 = tpu.memref_squeeze %dma_wait3A_154 : memref<1x80x128xf32, #tpu.memory_space<hbm>> -> memref<80x128xf32, #tpu.memory_space<hbm>>
      %dma_wait3A_156 = arith.constant 0 : i32
      %dma_wait3A_157 = tpu.memref_slice %arg5[%arg0, %add3A_118, %dma_wait3A_156] : memref<2x10240x128xf32, #tpu.memory_space<hbm>> -> memref<1x80x128xf32, #tpu.memory_space<hbm>>
      %dma_wait3A_158 = tpu.memref_squeeze %dma_wait3A_157 : memref<1x80x128xf32, #tpu.memory_space<hbm>> -> memref<80x128xf32, #tpu.memory_space<hbm>>
      tpu.wait_dma2 semaphore(%run_scoped3A : memref<!tpu.dma_semaphore, #tpu.memory_space<semaphore_mem>>) src(%arg8 : memref<80x128xf32, #tpu.memory_space<vmem>>) dst(%dma_wait3A_158 : memref<80x128xf32, #tpu.memory_space<hbm>>)
      tpu.yield
    }) : () -> ()
    %add3A_119 = arith.constant 80 : i32
    %add3A_120 = arith.addi %mul3A_2, %add3A_119 : i32
    "tpu.region"() ({
      %run_scoped3A = tpu.sem_alloc : memref<!tpu.dma_semaphore, #tpu.memory_space<semaphore_mem>>
      %dma_start3A_147 = arith.constant 0 : i32
      %dma_start3A_148 = tpu.memref_slice %arg10[%add3A_120, %dma_start3A_147] : memref<10240x128xf32, #tpu.memory_space<vmem_shared>> -> memref<80x128xf32, #tpu.memory_space<vmem_shared>>
      %dma_start3A_149 = arith.constant 0 : i32
      %dma_start3A_150 = tpu.memref_slice %arg10[%add3A_120, %dma_start3A_149] : memref<10240x128xf32, #tpu.memory_space<vmem_shared>> -> memref<80x128xf32, #tpu.memory_space<vmem_shared>>
      tpu.enqueue_dma source(%dma_start3A_150 : memref<80x128xf32, #tpu.memory_space<vmem_shared>>) target(%arg8 : memref<80x128xf32, #tpu.memory_space<vmem>>) target_semaphore(%run_scoped3A : memref<!tpu.dma_semaphore, #tpu.memory_space<semaphore_mem>>)
      %dma_wait3A_151 = arith.constant 0 : i32
      %dma_wait3A_152 = tpu.memref_slice %arg10[%add3A_120, %dma_wait3A_151] : memref<10240x128xf32, #tpu.memory_space<vmem_shared>> -> memref<80x128xf32, #tpu.memory_space<vmem_shared>>
      %dma_wait3A_153 = arith.constant 0 : i32
      %dma_wait3A_154 = tpu.memref_slice %arg10[%add3A_120, %dma_wait3A_153] : memref<10240x128xf32, #tpu.memory_space<vmem_shared>> -> memref<80x128xf32, #tpu.memory_space<vmem_shared>>
      tpu.wait_dma2 semaphore(%run_scoped3A : memref<!tpu.dma_semaphore, #tpu.memory_space<semaphore_mem>>) src(%dma_wait3A_154 : memref<80x128xf32, #tpu.memory_space<vmem_shared>>) dst(%arg8 : memref<80x128xf32, #tpu.memory_space<vmem>>)
      tpu.yield
    }) : () -> ()
    %add3A_121 = arith.constant 80 : i32
    %add3A_122 = arith.addi %mul3A_2, %add3A_121 : i32
    "tpu.region"() ({
      %run_scoped3A = tpu.sem_alloc : memref<!tpu.dma_semaphore, #tpu.memory_space<semaphore_mem>>
      %dma_start3A_147 = arith.constant 0 : i32
      %dma_start3A_148 = tpu.memref_slice %arg5[%arg0, %add3A_122, %dma_start3A_147] : memref<2x10240x128xf32, #tpu.memory_space<hbm>> -> memref<1x80x128xf32, #tpu.memory_space<hbm>>
      %dma_start3A_149 = tpu.memref_squeeze %dma_start3A_148 : memref<1x80x128xf32, #tpu.memory_space<hbm>> -> memref<80x128xf32, #tpu.memory_space<hbm>>
      %dma_start3A_150 = arith.constant 0 : i32
      %dma_start3A_151 = tpu.memref_slice %arg5[%arg0, %add3A_122, %dma_start3A_150] : memref<2x10240x128xf32, #tpu.memory_space<hbm>> -> memref<1x80x128xf32, #tpu.memory_space<hbm>>
      %dma_start3A_152 = tpu.memref_squeeze %dma_start3A_151 : memref<1x80x128xf32, #tpu.memory_space<hbm>> -> memref<80x128xf32, #tpu.memory_space<hbm>>
      tpu.enqueue_dma source(%arg8 : memref<80x128xf32, #tpu.memory_space<vmem>>) target(%dma_start3A_152 : memref<80x128xf32, #tpu.memory_space<hbm>>) target_semaphore(%run_scoped3A : memref<!tpu.dma_semaphore, #tpu.memory_space<semaphore_mem>>)
      %dma_wait3A_153 = arith.constant 0 : i32
      %dma_wait3A_154 = tpu.memref_slice %arg5[%arg0, %add3A_122, %dma_wait3A_153] : memref<2x10240x128xf32, #tpu.memory_space<hbm>> -> memref<1x80x128xf32, #tpu.memory_space<hbm>>
      %dma_wait3A_155 = tpu.memref_squeeze %dma_wait3A_154 : memref<1x80x128xf32, #tpu.memory_space<hbm>> -> memref<80x128xf32, #tpu.memory_space<hbm>>
      %dma_wait3A_156 = arith.constant 0 : i32
      %dma_wait3A_157 = tpu.memref_slice %arg5[%arg0, %add3A_122, %dma_wait3A_156] : memref<2x10240x128xf32, #tpu.memory_space<hbm>> -> memref<1x80x128xf32, #tpu.memory_space<hbm>>
      %dma_wait3A_158 = tpu.memref_squeeze %dma_wait3A_157 : memref<1x80x128xf32, #tpu.memory_space<hbm>> -> memref<80x128xf32, #tpu.memory_space<hbm>>
      tpu.wait_dma2 semaphore(%run_scoped3A : memref<!tpu.dma_semaphore, #tpu.memory_space<semaphore_mem>>) src(%arg8 : memref<80x128xf32, #tpu.memory_space<vmem>>) dst(%dma_wait3A_158 : memref<80x128xf32, #tpu.memory_space<hbm>>)
      tpu.yield
    }) : () -> ()
    %add3A_123 = arith.constant 160 : i32
    %add3A_124 = arith.addi %mul3A_2, %add3A_123 : i32
    "tpu.region"() ({
      %run_scoped3A = tpu.sem_alloc : memref<!tpu.dma_semaphore, #tpu.memory_space<semaphore_mem>>
      %dma_start3A_147 = arith.constant 0 : i32
      %dma_start3A_148 = tpu.memref_slice %arg10[%add3A_124, %dma_start3A_147] : memref<10240x128xf32, #tpu.memory_space<vmem_shared>> -> memref<80x128xf32, #tpu.memory_space<vmem_shared>>
      %dma_start3A_149 = arith.constant 0 : i32
      %dma_start3A_150 = tpu.memref_slice %arg10[%add3A_124, %dma_start3A_149] : memref<10240x128xf32, #tpu.memory_space<vmem_shared>> -> memref<80x128xf32, #tpu.memory_space<vmem_shared>>
      tpu.enqueue_dma source(%dma_start3A_150 : memref<80x128xf32, #tpu.memory_space<vmem_shared>>) target(%arg8 : memref<80x128xf32, #tpu.memory_space<vmem>>) target_semaphore(%run_scoped3A : memref<!tpu.dma_semaphore, #tpu.memory_space<semaphore_mem>>)
      %dma_wait3A_151 = arith.constant 0 : i32
      %dma_wait3A_152 = tpu.memref_slice %arg10[%add3A_124, %dma_wait3A_151] : memref<10240x128xf32, #tpu.memory_space<vmem_shared>> -> memref<80x128xf32, #tpu.memory_space<vmem_shared>>
      %dma_wait3A_153 = arith.constant 0 : i32
      %dma_wait3A_154 = tpu.memref_slice %arg10[%add3A_124, %dma_wait3A_153] : memref<10240x128xf32, #tpu.memory_space<vmem_shared>> -> memref<80x128xf32, #tpu.memory_space<vmem_shared>>
      tpu.wait_dma2 semaphore(%run_scoped3A : memref<!tpu.dma_semaphore, #tpu.memory_space<semaphore_mem>>) src(%dma_wait3A_154 : memref<80x128xf32, #tpu.memory_space<vmem_shared>>) dst(%arg8 : memref<80x128xf32, #tpu.memory_space<vmem>>)
      tpu.yield
    }) : () -> ()
    %add3A_125 = arith.constant 160 : i32
    %add3A_126 = arith.addi %mul3A_2, %add3A_125 : i32
    "tpu.region"() ({
      %run_scoped3A = tpu.sem_alloc : memref<!tpu.dma_semaphore, #tpu.memory_space<semaphore_mem>>
      %dma_start3A_147 = arith.constant 0 : i32
      %dma_start3A_148 = tpu.memref_slice %arg5[%arg0, %add3A_126, %dma_start3A_147] : memref<2x10240x128xf32, #tpu.memory_space<hbm>> -> memref<1x80x128xf32, #tpu.memory_space<hbm>>
      %dma_start3A_149 = tpu.memref_squeeze %dma_start3A_148 : memref<1x80x128xf32, #tpu.memory_space<hbm>> -> memref<80x128xf32, #tpu.memory_space<hbm>>
      %dma_start3A_150 = arith.constant 0 : i32
      %dma_start3A_151 = tpu.memref_slice %arg5[%arg0, %add3A_126, %dma_start3A_150] : memref<2x10240x128xf32, #tpu.memory_space<hbm>> -> memref<1x80x128xf32, #tpu.memory_space<hbm>>
      %dma_start3A_152 = tpu.memref_squeeze %dma_start3A_151 : memref<1x80x128xf32, #tpu.memory_space<hbm>> -> memref<80x128xf32, #tpu.memory_space<hbm>>
      tpu.enqueue_dma source(%arg8 : memref<80x128xf32, #tpu.memory_space<vmem>>) target(%dma_start3A_152 : memref<80x128xf32, #tpu.memory_space<hbm>>) target_semaphore(%run_scoped3A : memref<!tpu.dma_semaphore, #tpu.memory_space<semaphore_mem>>)
      %dma_wait3A_153 = arith.constant 0 : i32
      %dma_wait3A_154 = tpu.memref_slice %arg5[%arg0, %add3A_126, %dma_wait3A_153] : memref<2x10240x128xf32, #tpu.memory_space<hbm>> -> memref<1x80x128xf32, #tpu.memory_space<hbm>>
      %dma_wait3A_155 = tpu.memref_squeeze %dma_wait3A_154 : memref<1x80x128xf32, #tpu.memory_space<hbm>> -> memref<80x128xf32, #tpu.memory_space<hbm>>
      %dma_wait3A_156 = arith.constant 0 : i32
      %dma_wait3A_157 = tpu.memref_slice %arg5[%arg0, %add3A_126, %dma_wait3A_156] : memref<2x10240x128xf32, #tpu.memory_space<hbm>> -> memref<1x80x128xf32, #tpu.memory_space<hbm>>
      %dma_wait3A_158 = tpu.memref_squeeze %dma_wait3A_157 : memref<1x80x128xf32, #tpu.memory_space<hbm>> -> memref<80x128xf32, #tpu.memory_space<hbm>>
      tpu.wait_dma2 semaphore(%run_scoped3A : memref<!tpu.dma_semaphore, #tpu.memory_space<semaphore_mem>>) src(%arg8 : memref<80x128xf32, #tpu.memory_space<vmem>>) dst(%dma_wait3A_158 : memref<80x128xf32, #tpu.memory_space<hbm>>)
      tpu.yield
    }) : () -> ()
    %add3A_127 = arith.constant 240 : i32
    %add3A_128 = arith.addi %mul3A_2, %add3A_127 : i32
    "tpu.region"() ({
      %run_scoped3A = tpu.sem_alloc : memref<!tpu.dma_semaphore, #tpu.memory_space<semaphore_mem>>
      %dma_start3A_147 = arith.constant 0 : i32
      %dma_start3A_148 = tpu.memref_slice %arg10[%add3A_128, %dma_start3A_147] : memref<10240x128xf32, #tpu.memory_space<vmem_shared>> -> memref<80x128xf32, #tpu.memory_space<vmem_shared>>
      %dma_start3A_149 = arith.constant 0 : i32
      %dma_start3A_150 = tpu.memref_slice %arg10[%add3A_128, %dma_start3A_149] : memref<10240x128xf32, #tpu.memory_space<vmem_shared>> -> memref<80x128xf32, #tpu.memory_space<vmem_shared>>
      tpu.enqueue_dma source(%dma_start3A_150 : memref<80x128xf32, #tpu.memory_space<vmem_shared>>) target(%arg8 : memref<80x128xf32, #tpu.memory_space<vmem>>) target_semaphore(%run_scoped3A : memref<!tpu.dma_semaphore, #tpu.memory_space<semaphore_mem>>)
      %dma_wait3A_151 = arith.constant 0 : i32
      %dma_wait3A_152 = tpu.memref_slice %arg10[%add3A_128, %dma_wait3A_151] : memref<10240x128xf32, #tpu.memory_space<vmem_shared>> -> memref<80x128xf32, #tpu.memory_space<vmem_shared>>
      %dma_wait3A_153 = arith.constant 0 : i32
      %dma_wait3A_154 = tpu.memref_slice %arg10[%add3A_128, %dma_wait3A_153] : memref<10240x128xf32, #tpu.memory_space<vmem_shared>> -> memref<80x128xf32, #tpu.memory_space<vmem_shared>>
      tpu.wait_dma2 semaphore(%run_scoped3A : memref<!tpu.dma_semaphore, #tpu.memory_space<semaphore_mem>>) src(%dma_wait3A_154 : memref<80x128xf32, #tpu.memory_space<vmem_shared>>) dst(%arg8 : memref<80x128xf32, #tpu.memory_space<vmem>>)
      tpu.yield
    }) : () -> ()
    %add3A_129 = arith.constant 240 : i32
    %add3A_130 = arith.addi %mul3A_2, %add3A_129 : i32
    "tpu.region"() ({
      %run_scoped3A = tpu.sem_alloc : memref<!tpu.dma_semaphore, #tpu.memory_space<semaphore_mem>>
      %dma_start3A_147 = arith.constant 0 : i32
      %dma_start3A_148 = tpu.memref_slice %arg5[%arg0, %add3A_130, %dma_start3A_147] : memref<2x10240x128xf32, #tpu.memory_space<hbm>> -> memref<1x80x128xf32, #tpu.memory_space<hbm>>
      %dma_start3A_149 = tpu.memref_squeeze %dma_start3A_148 : memref<1x80x128xf32, #tpu.memory_space<hbm>> -> memref<80x128xf32, #tpu.memory_space<hbm>>
      %dma_start3A_150 = arith.constant 0 : i32
      %dma_start3A_151 = tpu.memref_slice %arg5[%arg0, %add3A_130, %dma_start3A_150] : memref<2x10240x128xf32, #tpu.memory_space<hbm>> -> memref<1x80x128xf32, #tpu.memory_space<hbm>>
      %dma_start3A_152 = tpu.memref_squeeze %dma_start3A_151 : memref<1x80x128xf32, #tpu.memory_space<hbm>> -> memref<80x128xf32, #tpu.memory_space<hbm>>
      tpu.enqueue_dma source(%arg8 : memref<80x128xf32, #tpu.memory_space<vmem>>) target(%dma_start3A_152 : memref<80x128xf32, #tpu.memory_space<hbm>>) target_semaphore(%run_scoped3A : memref<!tpu.dma_semaphore, #tpu.memory_space<semaphore_mem>>)
      %dma_wait3A_153 = arith.constant 0 : i32
      %dma_wait3A_154 = tpu.memref_slice %arg5[%arg0, %add3A_130, %dma_wait3A_153] : memref<2x10240x128xf32, #tpu.memory_space<hbm>> -> memref<1x80x128xf32, #tpu.memory_space<hbm>>
      %dma_wait3A_155 = tpu.memref_squeeze %dma_wait3A_154 : memref<1x80x128xf32, #tpu.memory_space<hbm>> -> memref<80x128xf32, #tpu.memory_space<hbm>>
      %dma_wait3A_156 = arith.constant 0 : i32
      %dma_wait3A_157 = tpu.memref_slice %arg5[%arg0, %add3A_130, %dma_wait3A_156] : memref<2x10240x128xf32, #tpu.memory_space<hbm>> -> memref<1x80x128xf32, #tpu.memory_space<hbm>>
      %dma_wait3A_158 = tpu.memref_squeeze %dma_wait3A_157 : memref<1x80x128xf32, #tpu.memory_space<hbm>> -> memref<80x128xf32, #tpu.memory_space<hbm>>
      tpu.wait_dma2 semaphore(%run_scoped3A : memref<!tpu.dma_semaphore, #tpu.memory_space<semaphore_mem>>) src(%arg8 : memref<80x128xf32, #tpu.memory_space<vmem>>) dst(%dma_wait3A_158 : memref<80x128xf32, #tpu.memory_space<hbm>>)
      tpu.yield
    }) : () -> ()
    %add3A_131 = arith.constant 320 : i32
    %add3A_132 = arith.addi %mul3A_2, %add3A_131 : i32
    "tpu.region"() ({
      %run_scoped3A = tpu.sem_alloc : memref<!tpu.dma_semaphore, #tpu.memory_space<semaphore_mem>>
      %dma_start3A_147 = arith.constant 0 : i32
      %dma_start3A_148 = tpu.memref_slice %arg10[%add3A_132, %dma_start3A_147] : memref<10240x128xf32, #tpu.memory_space<vmem_shared>> -> memref<80x128xf32, #tpu.memory_space<vmem_shared>>
      %dma_start3A_149 = arith.constant 0 : i32
      %dma_start3A_150 = tpu.memref_slice %arg10[%add3A_132, %dma_start3A_149] : memref<10240x128xf32, #tpu.memory_space<vmem_shared>> -> memref<80x128xf32, #tpu.memory_space<vmem_shared>>
      tpu.enqueue_dma source(%dma_start3A_150 : memref<80x128xf32, #tpu.memory_space<vmem_shared>>) target(%arg8 : memref<80x128xf32, #tpu.memory_space<vmem>>) target_semaphore(%run_scoped3A : memref<!tpu.dma_semaphore, #tpu.memory_space<semaphore_mem>>)
      %dma_wait3A_151 = arith.constant 0 : i32
      %dma_wait3A_152 = tpu.memref_slice %arg10[%add3A_132, %dma_wait3A_151] : memref<10240x128xf32, #tpu.memory_space<vmem_shared>> -> memref<80x128xf32, #tpu.memory_space<vmem_shared>>
      %dma_wait3A_153 = arith.constant 0 : i32
      %dma_wait3A_154 = tpu.memref_slice %arg10[%add3A_132, %dma_wait3A_153] : memref<10240x128xf32, #tpu.memory_space<vmem_shared>> -> memref<80x128xf32, #tpu.memory_space<vmem_shared>>
      tpu.wait_dma2 semaphore(%run_scoped3A : memref<!tpu.dma_semaphore, #tpu.memory_space<semaphore_mem>>) src(%dma_wait3A_154 : memref<80x128xf32, #tpu.memory_space<vmem_shared>>) dst(%arg8 : memref<80x128xf32, #tpu.memory_space<vmem>>)
      tpu.yield
    }) : () -> ()
    %add3A_133 = arith.constant 320 : i32
    %add3A_134 = arith.addi %mul3A_2, %add3A_133 : i32
    "tpu.region"() ({
      %run_scoped3A = tpu.sem_alloc : memref<!tpu.dma_semaphore, #tpu.memory_space<semaphore_mem>>
      %dma_start3A_147 = arith.constant 0 : i32
      %dma_start3A_148 = tpu.memref_slice %arg5[%arg0, %add3A_134, %dma_start3A_147] : memref<2x10240x128xf32, #tpu.memory_space<hbm>> -> memref<1x80x128xf32, #tpu.memory_space<hbm>>
      %dma_start3A_149 = tpu.memref_squeeze %dma_start3A_148 : memref<1x80x128xf32, #tpu.memory_space<hbm>> -> memref<80x128xf32, #tpu.memory_space<hbm>>
      %dma_start3A_150 = arith.constant 0 : i32
      %dma_start3A_151 = tpu.memref_slice %arg5[%arg0, %add3A_134, %dma_start3A_150] : memref<2x10240x128xf32, #tpu.memory_space<hbm>> -> memref<1x80x128xf32, #tpu.memory_space<hbm>>
      %dma_start3A_152 = tpu.memref_squeeze %dma_start3A_151 : memref<1x80x128xf32, #tpu.memory_space<hbm>> -> memref<80x128xf32, #tpu.memory_space<hbm>>
      tpu.enqueue_dma source(%arg8 : memref<80x128xf32, #tpu.memory_space<vmem>>) target(%dma_start3A_152 : memref<80x128xf32, #tpu.memory_space<hbm>>) target_semaphore(%run_scoped3A : memref<!tpu.dma_semaphore, #tpu.memory_space<semaphore_mem>>)
      %dma_wait3A_153 = arith.constant 0 : i32
      %dma_wait3A_154 = tpu.memref_slice %arg5[%arg0, %add3A_134, %dma_wait3A_153] : memref<2x10240x128xf32, #tpu.memory_space<hbm>> -> memref<1x80x128xf32, #tpu.memory_space<hbm>>
      %dma_wait3A_155 = tpu.memref_squeeze %dma_wait3A_154 : memref<1x80x128xf32, #tpu.memory_space<hbm>> -> memref<80x128xf32, #tpu.memory_space<hbm>>
      %dma_wait3A_156 = arith.constant 0 : i32
      %dma_wait3A_157 = tpu.memref_slice %arg5[%arg0, %add3A_134, %dma_wait3A_156] : memref<2x10240x128xf32, #tpu.memory_space<hbm>> -> memref<1x80x128xf32, #tpu.memory_space<hbm>>
      %dma_wait3A_158 = tpu.memref_squeeze %dma_wait3A_157 : memref<1x80x128xf32, #tpu.memory_space<hbm>> -> memref<80x128xf32, #tpu.memory_space<hbm>>
      tpu.wait_dma2 semaphore(%run_scoped3A : memref<!tpu.dma_semaphore, #tpu.memory_space<semaphore_mem>>) src(%arg8 : memref<80x128xf32, #tpu.memory_space<vmem>>) dst(%dma_wait3A_158 : memref<80x128xf32, #tpu.memory_space<hbm>>)
      tpu.yield
    }) : () -> ()
    %add3A_135 = arith.constant 400 : i32
    %add3A_136 = arith.addi %mul3A_2, %add3A_135 : i32
    "tpu.region"() ({
      %run_scoped3A = tpu.sem_alloc : memref<!tpu.dma_semaphore, #tpu.memory_space<semaphore_mem>>
      %dma_start3A_147 = arith.constant 0 : i32
      %dma_start3A_148 = tpu.memref_slice %arg10[%add3A_136, %dma_start3A_147] : memref<10240x128xf32, #tpu.memory_space<vmem_shared>> -> memref<80x128xf32, #tpu.memory_space<vmem_shared>>
      %dma_start3A_149 = arith.constant 0 : i32
      %dma_start3A_150 = tpu.memref_slice %arg10[%add3A_136, %dma_start3A_149] : memref<10240x128xf32, #tpu.memory_space<vmem_shared>> -> memref<80x128xf32, #tpu.memory_space<vmem_shared>>
      tpu.enqueue_dma source(%dma_start3A_150 : memref<80x128xf32, #tpu.memory_space<vmem_shared>>) target(%arg8 : memref<80x128xf32, #tpu.memory_space<vmem>>) target_semaphore(%run_scoped3A : memref<!tpu.dma_semaphore, #tpu.memory_space<semaphore_mem>>)
      %dma_wait3A_151 = arith.constant 0 : i32
      %dma_wait3A_152 = tpu.memref_slice %arg10[%add3A_136, %dma_wait3A_151] : memref<10240x128xf32, #tpu.memory_space<vmem_shared>> -> memref<80x128xf32, #tpu.memory_space<vmem_shared>>
      %dma_wait3A_153 = arith.constant 0 : i32
      %dma_wait3A_154 = tpu.memref_slice %arg10[%add3A_136, %dma_wait3A_153] : memref<10240x128xf32, #tpu.memory_space<vmem_shared>> -> memref<80x128xf32, #tpu.memory_space<vmem_shared>>
      tpu.wait_dma2 semaphore(%run_scoped3A : memref<!tpu.dma_semaphore, #tpu.memory_space<semaphore_mem>>) src(%dma_wait3A_154 : memref<80x128xf32, #tpu.memory_space<vmem_shared>>) dst(%arg8 : memref<80x128xf32, #tpu.memory_space<vmem>>)
      tpu.yield
    }) : () -> ()
    %add3A_137 = arith.constant 400 : i32
    %add3A_138 = arith.addi %mul3A_2, %add3A_137 : i32
    "tpu.region"() ({
      %run_scoped3A = tpu.sem_alloc : memref<!tpu.dma_semaphore, #tpu.memory_space<semaphore_mem>>
      %dma_start3A_147 = arith.constant 0 : i32
      %dma_start3A_148 = tpu.memref_slice %arg5[%arg0, %add3A_138, %dma_start3A_147] : memref<2x10240x128xf32, #tpu.memory_space<hbm>> -> memref<1x80x128xf32, #tpu.memory_space<hbm>>
      %dma_start3A_149 = tpu.memref_squeeze %dma_start3A_148 : memref<1x80x128xf32, #tpu.memory_space<hbm>> -> memref<80x128xf32, #tpu.memory_space<hbm>>
      %dma_start3A_150 = arith.constant 0 : i32
      %dma_start3A_151 = tpu.memref_slice %arg5[%arg0, %add3A_138, %dma_start3A_150] : memref<2x10240x128xf32, #tpu.memory_space<hbm>> -> memref<1x80x128xf32, #tpu.memory_space<hbm>>
      %dma_start3A_152 = tpu.memref_squeeze %dma_start3A_151 : memref<1x80x128xf32, #tpu.memory_space<hbm>> -> memref<80x128xf32, #tpu.memory_space<hbm>>
      tpu.enqueue_dma source(%arg8 : memref<80x128xf32, #tpu.memory_space<vmem>>) target(%dma_start3A_152 : memref<80x128xf32, #tpu.memory_space<hbm>>) target_semaphore(%run_scoped3A : memref<!tpu.dma_semaphore, #tpu.memory_space<semaphore_mem>>)
      %dma_wait3A_153 = arith.constant 0 : i32
      %dma_wait3A_154 = tpu.memref_slice %arg5[%arg0, %add3A_138, %dma_wait3A_153] : memref<2x10240x128xf32, #tpu.memory_space<hbm>> -> memref<1x80x128xf32, #tpu.memory_space<hbm>>
      %dma_wait3A_155 = tpu.memref_squeeze %dma_wait3A_154 : memref<1x80x128xf32, #tpu.memory_space<hbm>> -> memref<80x128xf32, #tpu.memory_space<hbm>>
      %dma_wait3A_156 = arith.constant 0 : i32
      %dma_wait3A_157 = tpu.memref_slice %arg5[%arg0, %add3A_138, %dma_wait3A_156] : memref<2x10240x128xf32, #tpu.memory_space<hbm>> -> memref<1x80x128xf32, #tpu.memory_space<hbm>>
      %dma_wait3A_158 = tpu.memref_squeeze %dma_wait3A_157 : memref<1x80x128xf32, #tpu.memory_space<hbm>> -> memref<80x128xf32, #tpu.memory_space<hbm>>
      tpu.wait_dma2 semaphore(%run_scoped3A : memref<!tpu.dma_semaphore, #tpu.memory_space<semaphore_mem>>) src(%arg8 : memref<80x128xf32, #tpu.memory_space<vmem>>) dst(%dma_wait3A_158 : memref<80x128xf32, #tpu.memory_space<hbm>>)
      tpu.yield
    }) : () -> ()
    %add3A_139 = arith.constant 480 : i32
    %add3A_140 = arith.addi %mul3A_2, %add3A_139 : i32
    "tpu.region"() ({
      %run_scoped3A = tpu.sem_alloc : memref<!tpu.dma_semaphore, #tpu.memory_space<semaphore_mem>>
      %dma_start3A_147 = arith.constant 0 : i32
      %dma_start3A_148 = tpu.memref_slice %arg10[%add3A_140, %dma_start3A_147] : memref<10240x128xf32, #tpu.memory_space<vmem_shared>> -> memref<80x128xf32, #tpu.memory_space<vmem_shared>>
      %dma_start3A_149 = arith.constant 0 : i32
      %dma_start3A_150 = tpu.memref_slice %arg10[%add3A_140, %dma_start3A_149] : memref<10240x128xf32, #tpu.memory_space<vmem_shared>> -> memref<80x128xf32, #tpu.memory_space<vmem_shared>>
      tpu.enqueue_dma source(%dma_start3A_150 : memref<80x128xf32, #tpu.memory_space<vmem_shared>>) target(%arg8 : memref<80x128xf32, #tpu.memory_space<vmem>>) target_semaphore(%run_scoped3A : memref<!tpu.dma_semaphore, #tpu.memory_space<semaphore_mem>>)
      %dma_wait3A_151 = arith.constant 0 : i32
      %dma_wait3A_152 = tpu.memref_slice %arg10[%add3A_140, %dma_wait3A_151] : memref<10240x128xf32, #tpu.memory_space<vmem_shared>> -> memref<80x128xf32, #tpu.memory_space<vmem_shared>>
      %dma_wait3A_153 = arith.constant 0 : i32
      %dma_wait3A_154 = tpu.memref_slice %arg10[%add3A_140, %dma_wait3A_153] : memref<10240x128xf32, #tpu.memory_space<vmem_shared>> -> memref<80x128xf32, #tpu.memory_space<vmem_shared>>
      tpu.wait_dma2 semaphore(%run_scoped3A : memref<!tpu.dma_semaphore, #tpu.memory_space<semaphore_mem>>) src(%dma_wait3A_154 : memref<80x128xf32, #tpu.memory_space<vmem_shared>>) dst(%arg8 : memref<80x128xf32, #tpu.memory_space<vmem>>)
      tpu.yield
    }) : () -> ()
    %add3A_141 = arith.constant 480 : i32
    %add3A_142 = arith.addi %mul3A_2, %add3A_141 : i32
    "tpu.region"() ({
      %run_scoped3A = tpu.sem_alloc : memref<!tpu.dma_semaphore, #tpu.memory_space<semaphore_mem>>
      %dma_start3A_147 = arith.constant 0 : i32
      %dma_start3A_148 = tpu.memref_slice %arg5[%arg0, %add3A_142, %dma_start3A_147] : memref<2x10240x128xf32, #tpu.memory_space<hbm>> -> memref<1x80x128xf32, #tpu.memory_space<hbm>>
      %dma_start3A_149 = tpu.memref_squeeze %dma_start3A_148 : memref<1x80x128xf32, #tpu.memory_space<hbm>> -> memref<80x128xf32, #tpu.memory_space<hbm>>
      %dma_start3A_150 = arith.constant 0 : i32
      %dma_start3A_151 = tpu.memref_slice %arg5[%arg0, %add3A_142, %dma_start3A_150] : memref<2x10240x128xf32, #tpu.memory_space<hbm>> -> memref<1x80x128xf32, #tpu.memory_space<hbm>>
      %dma_start3A_152 = tpu.memref_squeeze %dma_start3A_151 : memref<1x80x128xf32, #tpu.memory_space<hbm>> -> memref<80x128xf32, #tpu.memory_space<hbm>>
      tpu.enqueue_dma source(%arg8 : memref<80x128xf32, #tpu.memory_space<vmem>>) target(%dma_start3A_152 : memref<80x128xf32, #tpu.memory_space<hbm>>) target_semaphore(%run_scoped3A : memref<!tpu.dma_semaphore, #tpu.memory_space<semaphore_mem>>)
      %dma_wait3A_153 = arith.constant 0 : i32
      %dma_wait3A_154 = tpu.memref_slice %arg5[%arg0, %add3A_142, %dma_wait3A_153] : memref<2x10240x128xf32, #tpu.memory_space<hbm>> -> memref<1x80x128xf32, #tpu.memory_space<hbm>>
      %dma_wait3A_155 = tpu.memref_squeeze %dma_wait3A_154 : memref<1x80x128xf32, #tpu.memory_space<hbm>> -> memref<80x128xf32, #tpu.memory_space<hbm>>
      %dma_wait3A_156 = arith.constant 0 : i32
      %dma_wait3A_157 = tpu.memref_slice %arg5[%arg0, %add3A_142, %dma_wait3A_156] : memref<2x10240x128xf32, #tpu.memory_space<hbm>> -> memref<1x80x128xf32, #tpu.memory_space<hbm>>
      %dma_wait3A_158 = tpu.memref_squeeze %dma_wait3A_157 : memref<1x80x128xf32, #tpu.memory_space<hbm>> -> memref<80x128xf32, #tpu.memory_space<hbm>>
      tpu.wait_dma2 semaphore(%run_scoped3A : memref<!tpu.dma_semaphore, #tpu.memory_space<semaphore_mem>>) src(%arg8 : memref<80x128xf32, #tpu.memory_space<vmem>>) dst(%dma_wait3A_158 : memref<80x128xf32, #tpu.memory_space<hbm>>)
      tpu.yield
    }) : () -> ()
    %add3A_143 = arith.constant 560 : i32
    %add3A_144 = arith.addi %mul3A_2, %add3A_143 : i32
    "tpu.region"() ({
      %run_scoped3A = tpu.sem_alloc : memref<!tpu.dma_semaphore, #tpu.memory_space<semaphore_mem>>
      %dma_start3A_147 = arith.constant 0 : i32
      %dma_start3A_148 = tpu.memref_slice %arg10[%add3A_144, %dma_start3A_147] : memref<10240x128xf32, #tpu.memory_space<vmem_shared>> -> memref<80x128xf32, #tpu.memory_space<vmem_shared>>
      %dma_start3A_149 = arith.constant 0 : i32
      %dma_start3A_150 = tpu.memref_slice %arg10[%add3A_144, %dma_start3A_149] : memref<10240x128xf32, #tpu.memory_space<vmem_shared>> -> memref<80x128xf32, #tpu.memory_space<vmem_shared>>
      tpu.enqueue_dma source(%dma_start3A_150 : memref<80x128xf32, #tpu.memory_space<vmem_shared>>) target(%arg8 : memref<80x128xf32, #tpu.memory_space<vmem>>) target_semaphore(%run_scoped3A : memref<!tpu.dma_semaphore, #tpu.memory_space<semaphore_mem>>)
      %dma_wait3A_151 = arith.constant 0 : i32
      %dma_wait3A_152 = tpu.memref_slice %arg10[%add3A_144, %dma_wait3A_151] : memref<10240x128xf32, #tpu.memory_space<vmem_shared>> -> memref<80x128xf32, #tpu.memory_space<vmem_shared>>
      %dma_wait3A_153 = arith.constant 0 : i32
      %dma_wait3A_154 = tpu.memref_slice %arg10[%add3A_144, %dma_wait3A_153] : memref<10240x128xf32, #tpu.memory_space<vmem_shared>> -> memref<80x128xf32, #tpu.memory_space<vmem_shared>>
      tpu.wait_dma2 semaphore(%run_scoped3A : memref<!tpu.dma_semaphore, #tpu.memory_space<semaphore_mem>>) src(%dma_wait3A_154 : memref<80x128xf32, #tpu.memory_space<vmem_shared>>) dst(%arg8 : memref<80x128xf32, #tpu.memory_space<vmem>>)
      tpu.yield
    }) : () -> ()
    %add3A_145 = arith.constant 560 : i32
    %add3A_146 = arith.addi %mul3A_2, %add3A_145 : i32
    "tpu.region"() ({
      %run_scoped3A = tpu.sem_alloc : memref<!tpu.dma_semaphore, #tpu.memory_space<semaphore_mem>>
      %dma_start3A_147 = arith.constant 0 : i32
      %dma_start3A_148 = tpu.memref_slice %arg5[%arg0, %add3A_146, %dma_start3A_147] : memref<2x10240x128xf32, #tpu.memory_space<hbm>> -> memref<1x80x128xf32, #tpu.memory_space<hbm>>
      %dma_start3A_149 = tpu.memref_squeeze %dma_start3A_148 : memref<1x80x128xf32, #tpu.memory_space<hbm>> -> memref<80x128xf32, #tpu.memory_space<hbm>>
      %dma_start3A_150 = arith.constant 0 : i32
      %dma_start3A_151 = tpu.memref_slice %arg5[%arg0, %add3A_146, %dma_start3A_150] : memref<2x10240x128xf32, #tpu.memory_space<hbm>> -> memref<1x80x128xf32, #tpu.memory_space<hbm>>
      %dma_start3A_152 = tpu.memref_squeeze %dma_start3A_151 : memref<1x80x128xf32, #tpu.memory_space<hbm>> -> memref<80x128xf32, #tpu.memory_space<hbm>>
      tpu.enqueue_dma source(%arg8 : memref<80x128xf32, #tpu.memory_space<vmem>>) target(%dma_start3A_152 : memref<80x128xf32, #tpu.memory_space<hbm>>) target_semaphore(%run_scoped3A : memref<!tpu.dma_semaphore, #tpu.memory_space<semaphore_mem>>)
      %dma_wait3A_153 = arith.constant 0 : i32
      %dma_wait3A_154 = tpu.memref_slice %arg5[%arg0, %add3A_146, %dma_wait3A_153] : memref<2x10240x128xf32, #tpu.memory_space<hbm>> -> memref<1x80x128xf32, #tpu.memory_space<hbm>>
      %dma_wait3A_155 = tpu.memref_squeeze %dma_wait3A_154 : memref<1x80x128xf32, #tpu.memory_space<hbm>> -> memref<80x128xf32, #tpu.memory_space<hbm>>
      %dma_wait3A_156 = arith.constant 0 : i32
      %dma_wait3A_157 = tpu.memref_slice %arg5[%arg0, %add3A_146, %dma_wait3A_156] : memref<2x10240x128xf32, #tpu.memory_space<hbm>> -> memref<1x80x128xf32, #tpu.memory_space<hbm>>
      %dma_wait3A_158 = tpu.memref_squeeze %dma_wait3A_157 : memref<1x80x128xf32, #tpu.memory_space<hbm>> -> memref<80x128xf32, #tpu.memory_space<hbm>>
      tpu.wait_dma2 semaphore(%run_scoped3A : memref<!tpu.dma_semaphore, #tpu.memory_space<semaphore_mem>>) src(%arg8 : memref<80x128xf32, #tpu.memory_space<vmem>>) dst(%dma_wait3A_158 : memref<80x128xf32, #tpu.memory_space<hbm>>)
      tpu.yield
    }) : () -> ()
    return
  }
}

#map = affine_map<(d0, d1) -> (0, 0)>
#map1 = affine_map<(d0, d1) -> (0)>
#map2 = affine_map<(d0, d1) -> (0, 0, 0)>
module attributes {stable_mosaic.version = 14 : i64} {
  func.func @_agg_kernel(%arg0: i32, %arg1: i32, %arg2: memref<10000x128xf32, #tpu.memory_space<hbm>>, %arg3: memref<320000xi32, #tpu.memory_space<hbm>>, %arg4: memref<320000xi32, #tpu.memory_space<hbm>>, %arg5: memref<2x10240x128xf32, #tpu.memory_space<hbm>>, %arg6: memref<10000xi32, #tpu.memory_space<vmem>>, %arg7: memref<10000xi32, #tpu.memory_space<vmem>>, %arg8: memref<80x128xf32, #tpu.memory_space<vmem>>, %arg9: memref<80x128xf32, #tpu.memory_space<vmem>>, %arg10: memref<10240x128xf32, #tpu.memory_space<vmem_shared>>, %arg11: memref<!tpu.dma_semaphore, #tpu.memory_space<semaphore_mem>>, %arg12: memref<!tpu.dma_semaphore, #tpu.memory_space<semaphore_mem>>, %arg13: memref<!tpu.dma_semaphore, #tpu.memory_space<semaphore_mem>>) attributes {dimension_semantics = [#tpu.dimension_semantics<core_parallel>, #tpu.dimension_semantics<subcore_parallel>], iteration_bounds = array<i64: 2, 16>, scalar_prefetch = 0 : i64, scratch_operands = 8 : i64, tpu.core_type = #tpu.core_type<sc_vector_subcore>, window_params = [{transform_indices = #map}, {transform_indices = #map1}, {transform_indices = #map1}, {transform_indices = #map2}]} {
    %mul3A = arith.constant 2 : i32
    %mul3A_0 = arith.muli %arg1, %mul3A : i32
    %add3A = arith.addi %mul3A_0, %arg0 : i32
    %mul3A_1 = arith.constant 640 : i32
    %mul3A_2 = arith.muli %arg1, %mul3A_1 : i32
    %scan3A = arith.constant 0 : i32
    %scan3A_3 = arith.constant 0 : i32
    %scan3A_4 = arith.constant 80 : i32
    %scan3A_5 = arith.addi %scan3A_3, %scan3A_4 : i32
    %scan3A_6 = arith.constant 1 : i32
    scf.for %scan3A_147 = %scan3A_3 to %scan3A_5 step %scan3A_6  : i32 {
      %broadcast_in_dim3A = arith.constant 0.000000e+00 : f32
      %broadcast_in_dim3A_148 = vector.broadcast %broadcast_in_dim3A : f32 to vector<16xf32>
      %swap3A = arith.index_cast %scan3A_147 : i32 to index
      %swap3A_149 = arith.constant 0 : index
      %swap3A_150 = tpu.vector_load %arg8[%swap3A, %swap3A_149] {strides = array<i32>} : memref<80x128xf32, #tpu.memory_space<vmem>>, vector<1x16xf32>,
      %swap3A_151 = vector.shape_cast %swap3A_150 : vector<1x16xf32> to vector<16xf32>
      %swap3A_152 = vector.shape_cast %broadcast_in_dim3A_148 : vector<16xf32> to vector<1x16xf32>
      tpu.vector_store %arg8[%swap3A, %swap3A_149], %swap3A_152 {strides = array<i32>} : memref<80x128xf32, #tpu.memory_space<vmem>>, vector<1x16xf32>,
      %broadcast_in_dim3A_153 = arith.constant 0.000000e+00 : f32
      %broadcast_in_dim3A_154 = vector.broadcast %broadcast_in_dim3A_153 : f32 to vector<16xf32>
      %swap3A_155 = arith.index_cast %scan3A_147 : i32 to index
      %swap3A_156 = arith.constant 16 : index
      %swap3A_157 = tpu.vector_load %arg8[%swap3A_155, %swap3A_156] {strides = array<i32>} : memref<80x128xf32, #tpu.memory_space<vmem>>, vector<1x16xf32>,
      %swap3A_158 = vector.shape_cast %swap3A_157 : vector<1x16xf32> to vector<16xf32>
      %swap3A_159 = vector.shape_cast %broadcast_in_dim3A_154 : vector<16xf32> to vector<1x16xf32>
      tpu.vector_store %arg8[%swap3A_155, %swap3A_156], %swap3A_159 {strides = array<i32>} : memref<80x128xf32, #tpu.memory_space<vmem>>, vector<1x16xf32>,
      %broadcast_in_dim3A_160 = arith.constant 0.000000e+00 : f32
      %broadcast_in_dim3A_161 = vector.broadcast %broadcast_in_dim3A_160 : f32 to vector<16xf32>
      %swap3A_162 = arith.index_cast %scan3A_147 : i32 to index
      %swap3A_163 = arith.constant 32 : index
      %swap3A_164 = tpu.vector_load %arg8[%swap3A_162, %swap3A_163] {strides = array<i32>} : memref<80x128xf32, #tpu.memory_space<vmem>>, vector<1x16xf32>,
      %swap3A_165 = vector.shape_cast %swap3A_164 : vector<1x16xf32> to vector<16xf32>
      %swap3A_166 = vector.shape_cast %broadcast_in_dim3A_161 : vector<16xf32> to vector<1x16xf32>
      tpu.vector_store %arg8[%swap3A_162, %swap3A_163], %swap3A_166 {strides = array<i32>} : memref<80x128xf32, #tpu.memory_space<vmem>>, vector<1x16xf32>,
      %broadcast_in_dim3A_167 = arith.constant 0.000000e+00 : f32
      %broadcast_in_dim3A_168 = vector.broadcast %broadcast_in_dim3A_167 : f32 to vector<16xf32>
      %swap3A_169 = arith.index_cast %scan3A_147 : i32 to index
      %swap3A_170 = arith.constant 48 : index
      %swap3A_171 = tpu.vector_load %arg8[%swap3A_169, %swap3A_170] {strides = array<i32>} : memref<80x128xf32, #tpu.memory_space<vmem>>, vector<1x16xf32>,
      %swap3A_172 = vector.shape_cast %swap3A_171 : vector<1x16xf32> to vector<16xf32>
      %swap3A_173 = vector.shape_cast %broadcast_in_dim3A_168 : vector<16xf32> to vector<1x16xf32>
      tpu.vector_store %arg8[%swap3A_169, %swap3A_170], %swap3A_173 {strides = array<i32>} : memref<80x128xf32, #tpu.memory_space<vmem>>, vector<1x16xf32>,
      %broadcast_in_dim3A_174 = arith.constant 0.000000e+00 : f32
      %broadcast_in_dim3A_175 = vector.broadcast %broadcast_in_dim3A_174 : f32 to vector<16xf32>
      %swap3A_176 = arith.index_cast %scan3A_147 : i32 to index
      %swap3A_177 = arith.constant 64 : index
      %swap3A_178 = tpu.vector_load %arg8[%swap3A_176, %swap3A_177] {strides = array<i32>} : memref<80x128xf32, #tpu.memory_space<vmem>>, vector<1x16xf32>,
      %swap3A_179 = vector.shape_cast %swap3A_178 : vector<1x16xf32> to vector<16xf32>
      %swap3A_180 = vector.shape_cast %broadcast_in_dim3A_175 : vector<16xf32> to vector<1x16xf32>
      tpu.vector_store %arg8[%swap3A_176, %swap3A_177], %swap3A_180 {strides = array<i32>} : memref<80x128xf32, #tpu.memory_space<vmem>>, vector<1x16xf32>,
      %broadcast_in_dim3A_181 = arith.constant 0.000000e+00 : f32
      %broadcast_in_dim3A_182 = vector.broadcast %broadcast_in_dim3A_181 : f32 to vector<16xf32>
      %swap3A_183 = arith.index_cast %scan3A_147 : i32 to index
      %swap3A_184 = arith.constant 80 : index
      %swap3A_185 = tpu.vector_load %arg8[%swap3A_183, %swap3A_184] {strides = array<i32>} : memref<80x128xf32, #tpu.memory_space<vmem>>, vector<1x16xf32>,
      %swap3A_186 = vector.shape_cast %swap3A_185 : vector<1x16xf32> to vector<16xf32>
      %swap3A_187 = vector.shape_cast %broadcast_in_dim3A_182 : vector<16xf32> to vector<1x16xf32>
      tpu.vector_store %arg8[%swap3A_183, %swap3A_184], %swap3A_187 {strides = array<i32>} : memref<80x128xf32, #tpu.memory_space<vmem>>, vector<1x16xf32>,
      %broadcast_in_dim3A_188 = arith.constant 0.000000e+00 : f32
      %broadcast_in_dim3A_189 = vector.broadcast %broadcast_in_dim3A_188 : f32 to vector<16xf32>
      %swap3A_190 = arith.index_cast %scan3A_147 : i32 to index
      %swap3A_191 = arith.constant 96 : index
      %swap3A_192 = tpu.vector_load %arg8[%swap3A_190, %swap3A_191] {strides = array<i32>} : memref<80x128xf32, #tpu.memory_space<vmem>>, vector<1x16xf32>,
      %swap3A_193 = vector.shape_cast %swap3A_192 : vector<1x16xf32> to vector<16xf32>
      %swap3A_194 = vector.shape_cast %broadcast_in_dim3A_189 : vector<16xf32> to vector<1x16xf32>
      tpu.vector_store %arg8[%swap3A_190, %swap3A_191], %swap3A_194 {strides = array<i32>} : memref<80x128xf32, #tpu.memory_space<vmem>>, vector<1x16xf32>,
      %broadcast_in_dim3A_195 = arith.constant 0.000000e+00 : f32
      %broadcast_in_dim3A_196 = vector.broadcast %broadcast_in_dim3A_195 : f32 to vector<16xf32>
      %swap3A_197 = arith.index_cast %scan3A_147 : i32 to index
      %swap3A_198 = arith.constant 112 : index
      %swap3A_199 = tpu.vector_load %arg8[%swap3A_197, %swap3A_198] {strides = array<i32>} : memref<80x128xf32, #tpu.memory_space<vmem>>, vector<1x16xf32>,
      %swap3A_200 = vector.shape_cast %swap3A_199 : vector<1x16xf32> to vector<16xf32>
      %swap3A_201 = vector.shape_cast %broadcast_in_dim3A_196 : vector<16xf32> to vector<1x16xf32>
      tpu.vector_store %arg8[%swap3A_197, %swap3A_198], %swap3A_201 {strides = array<i32>} : memref<80x128xf32, #tpu.memory_space<vmem>>, vector<1x16xf32>,
    }
    %scan3A_7 = arith.constant 80 : i32
    %add3A_8 = arith.constant 0 : i32
    %add3A_9 = arith.addi %mul3A_2, %add3A_8 : i32
    "tpu.region"() ({
      %run_scoped3A = tpu.sem_alloc : memref<!tpu.dma_semaphore, #tpu.memory_space<semaphore_mem>>
      %dma_start3A_147 = arith.constant 0 : i32
      %dma_start3A_148 = tpu.memref_slice %arg10[%add3A_9, %dma_start3A_147] : memref<10240x128xf32, #tpu.memory_space<vmem_shared>> -> memref<80x128xf32, #tpu.memory_space<vmem_shared>>
      %dma_start3A_149 = arith.constant 0 : i32
      %dma_start3A_150 = tpu.memref_slice %arg10[%add3A_9, %dma_start3A_149] : memref<10240x128xf32, #tpu.memory_space<vmem_shared>> -> memref<80x128xf32, #tpu.memory_space<vmem_shared>>
      tpu.enqueue_dma source(%arg8 : memref<80x128xf32, #tpu.memory_space<vmem>>) target(%dma_start3A_150 : memref<80x128xf32, #tpu.memory_space<vmem_shared>>) target_semaphore(%run_scoped3A : memref<!tpu.dma_semaphore, #tpu.memory_space<semaphore_mem>>)
      %dma_wait3A_151 = arith.constant 0 : i32
      %dma_wait3A_152 = tpu.memref_slice %arg10[%add3A_9, %dma_wait3A_151] : memref<10240x128xf32, #tpu.memory_space<vmem_shared>> -> memref<80x128xf32, #tpu.memory_space<vmem_shared>>
      %dma_wait3A_153 = arith.constant 0 : i32
      %dma_wait3A_154 = tpu.memref_slice %arg10[%add3A_9, %dma_wait3A_153] : memref<10240x128xf32, #tpu.memory_space<vmem_shared>> -> memref<80x128xf32, #tpu.memory_space<vmem_shared>>
      tpu.wait_dma2 semaphore(%run_scoped3A : memref<!tpu.dma_semaphore, #tpu.memory_space<semaphore_mem>>) src(%arg8 : memref<80x128xf32, #tpu.memory_space<vmem>>) dst(%dma_wait3A_154 : memref<80x128xf32, #tpu.memory_space<vmem_shared>>)
      tpu.yield
    }) : () -> ()
    %add3A_10 = arith.constant 80 : i32
    %add3A_11 = arith.addi %mul3A_2, %add3A_10 : i32
    "tpu.region"() ({
      %run_scoped3A = tpu.sem_alloc : memref<!tpu.dma_semaphore, #tpu.memory_space<semaphore_mem>>
      %dma_start3A_147 = arith.constant 0 : i32
      %dma_start3A_148 = tpu.memref_slice %arg10[%add3A_11, %dma_start3A_147] : memref<10240x128xf32, #tpu.memory_space<vmem_shared>> -> memref<80x128xf32, #tpu.memory_space<vmem_shared>>
      %dma_start3A_149 = arith.constant 0 : i32
      %dma_start3A_150 = tpu.memref_slice %arg10[%add3A_11, %dma_start3A_149] : memref<10240x128xf32, #tpu.memory_space<vmem_shared>> -> memref<80x128xf32, #tpu.memory_space<vmem_shared>>
      tpu.enqueue_dma source(%arg8 : memref<80x128xf32, #tpu.memory_space<vmem>>) target(%dma_start3A_150 : memref<80x128xf32, #tpu.memory_space<vmem_shared>>) target_semaphore(%run_scoped3A : memref<!tpu.dma_semaphore, #tpu.memory_space<semaphore_mem>>)
      %dma_wait3A_151 = arith.constant 0 : i32
      %dma_wait3A_152 = tpu.memref_slice %arg10[%add3A_11, %dma_wait3A_151] : memref<10240x128xf32, #tpu.memory_space<vmem_shared>> -> memref<80x128xf32, #tpu.memory_space<vmem_shared>>
      %dma_wait3A_153 = arith.constant 0 : i32
      %dma_wait3A_154 = tpu.memref_slice %arg10[%add3A_11, %dma_wait3A_153] : memref<10240x128xf32, #tpu.memory_space<vmem_shared>> -> memref<80x128xf32, #tpu.memory_space<vmem_shared>>
      tpu.wait_dma2 semaphore(%run_scoped3A : memref<!tpu.dma_semaphore, #tpu.memory_space<semaphore_mem>>) src(%arg8 : memref<80x128xf32, #tpu.memory_space<vmem>>) dst(%dma_wait3A_154 : memref<80x128xf32, #tpu.memory_space<vmem_shared>>)
      tpu.yield
    }) : () -> ()
    %add3A_12 = arith.constant 160 : i32
    %add3A_13 = arith.addi %mul3A_2, %add3A_12 : i32
    "tpu.region"() ({
      %run_scoped3A = tpu.sem_alloc : memref<!tpu.dma_semaphore, #tpu.memory_space<semaphore_mem>>
      %dma_start3A_147 = arith.constant 0 : i32
      %dma_start3A_148 = tpu.memref_slice %arg10[%add3A_13, %dma_start3A_147] : memref<10240x128xf32, #tpu.memory_space<vmem_shared>> -> memref<80x128xf32, #tpu.memory_space<vmem_shared>>
      %dma_start3A_149 = arith.constant 0 : i32
      %dma_start3A_150 = tpu.memref_slice %arg10[%add3A_13, %dma_start3A_149] : memref<10240x128xf32, #tpu.memory_space<vmem_shared>> -> memref<80x128xf32, #tpu.memory_space<vmem_shared>>
      tpu.enqueue_dma source(%arg8 : memref<80x128xf32, #tpu.memory_space<vmem>>) target(%dma_start3A_150 : memref<80x128xf32, #tpu.memory_space<vmem_shared>>) target_semaphore(%run_scoped3A : memref<!tpu.dma_semaphore, #tpu.memory_space<semaphore_mem>>)
      %dma_wait3A_151 = arith.constant 0 : i32
      %dma_wait3A_152 = tpu.memref_slice %arg10[%add3A_13, %dma_wait3A_151] : memref<10240x128xf32, #tpu.memory_space<vmem_shared>> -> memref<80x128xf32, #tpu.memory_space<vmem_shared>>
      %dma_wait3A_153 = arith.constant 0 : i32
      %dma_wait3A_154 = tpu.memref_slice %arg10[%add3A_13, %dma_wait3A_153] : memref<10240x128xf32, #tpu.memory_space<vmem_shared>> -> memref<80x128xf32, #tpu.memory_space<vmem_shared>>
      tpu.wait_dma2 semaphore(%run_scoped3A : memref<!tpu.dma_semaphore, #tpu.memory_space<semaphore_mem>>) src(%arg8 : memref<80x128xf32, #tpu.memory_space<vmem>>) dst(%dma_wait3A_154 : memref<80x128xf32, #tpu.memory_space<vmem_shared>>)
      tpu.yield
    }) : () -> ()
    %add3A_14 = arith.constant 240 : i32
    %add3A_15 = arith.addi %mul3A_2, %add3A_14 : i32
    "tpu.region"() ({
      %run_scoped3A = tpu.sem_alloc : memref<!tpu.dma_semaphore, #tpu.memory_space<semaphore_mem>>
      %dma_start3A_147 = arith.constant 0 : i32
      %dma_start3A_148 = tpu.memref_slice %arg10[%add3A_15, %dma_start3A_147] : memref<10240x128xf32, #tpu.memory_space<vmem_shared>> -> memref<80x128xf32, #tpu.memory_space<vmem_shared>>
      %dma_start3A_149 = arith.constant 0 : i32
      %dma_start3A_150 = tpu.memref_slice %arg10[%add3A_15, %dma_start3A_149] : memref<10240x128xf32, #tpu.memory_space<vmem_shared>> -> memref<80x128xf32, #tpu.memory_space<vmem_shared>>
      tpu.enqueue_dma source(%arg8 : memref<80x128xf32, #tpu.memory_space<vmem>>) target(%dma_start3A_150 : memref<80x128xf32, #tpu.memory_space<vmem_shared>>) target_semaphore(%run_scoped3A : memref<!tpu.dma_semaphore, #tpu.memory_space<semaphore_mem>>)
      %dma_wait3A_151 = arith.constant 0 : i32
      %dma_wait3A_152 = tpu.memref_slice %arg10[%add3A_15, %dma_wait3A_151] : memref<10240x128xf32, #tpu.memory_space<vmem_shared>> -> memref<80x128xf32, #tpu.memory_space<vmem_shared>>
      %dma_wait3A_153 = arith.constant 0 : i32
      %dma_wait3A_154 = tpu.memref_slice %arg10[%add3A_15, %dma_wait3A_153] : memref<10240x128xf32, #tpu.memory_space<vmem_shared>> -> memref<80x128xf32, #tpu.memory_space<vmem_shared>>
      tpu.wait_dma2 semaphore(%run_scoped3A : memref<!tpu.dma_semaphore, #tpu.memory_space<semaphore_mem>>) src(%arg8 : memref<80x128xf32, #tpu.memory_space<vmem>>) dst(%dma_wait3A_154 : memref<80x128xf32, #tpu.memory_space<vmem_shared>>)
      tpu.yield
    }) : () -> ()
    %add3A_16 = arith.constant 320 : i32
    %add3A_17 = arith.addi %mul3A_2, %add3A_16 : i32
    "tpu.region"() ({
      %run_scoped3A = tpu.sem_alloc : memref<!tpu.dma_semaphore, #tpu.memory_space<semaphore_mem>>
      %dma_start3A_147 = arith.constant 0 : i32
      %dma_start3A_148 = tpu.memref_slice %arg10[%add3A_17, %dma_start3A_147] : memref<10240x128xf32, #tpu.memory_space<vmem_shared>> -> memref<80x128xf32, #tpu.memory_space<vmem_shared>>
      %dma_start3A_149 = arith.constant 0 : i32
      %dma_start3A_150 = tpu.memref_slice %arg10[%add3A_17, %dma_start3A_149] : memref<10240x128xf32, #tpu.memory_space<vmem_shared>> -> memref<80x128xf32, #tpu.memory_space<vmem_shared>>
      tpu.enqueue_dma source(%arg8 : memref<80x128xf32, #tpu.memory_space<vmem>>) target(%dma_start3A_150 : memref<80x128xf32, #tpu.memory_space<vmem_shared>>) target_semaphore(%run_scoped3A : memref<!tpu.dma_semaphore, #tpu.memory_space<semaphore_mem>>)
      %dma_wait3A_151 = arith.constant 0 : i32
      %dma_wait3A_152 = tpu.memref_slice %arg10[%add3A_17, %dma_wait3A_151] : memref<10240x128xf32, #tpu.memory_space<vmem_shared>> -> memref<80x128xf32, #tpu.memory_space<vmem_shared>>
      %dma_wait3A_153 = arith.constant 0 : i32
      %dma_wait3A_154 = tpu.memref_slice %arg10[%add3A_17, %dma_wait3A_153] : memref<10240x128xf32, #tpu.memory_space<vmem_shared>> -> memref<80x128xf32, #tpu.memory_space<vmem_shared>>
      tpu.wait_dma2 semaphore(%run_scoped3A : memref<!tpu.dma_semaphore, #tpu.memory_space<semaphore_mem>>) src(%arg8 : memref<80x128xf32, #tpu.memory_space<vmem>>) dst(%dma_wait3A_154 : memref<80x128xf32, #tpu.memory_space<vmem_shared>>)
      tpu.yield
    }) : () -> ()
    %add3A_18 = arith.constant 400 : i32
    %add3A_19 = arith.addi %mul3A_2, %add3A_18 : i32
    "tpu.region"() ({
      %run_scoped3A = tpu.sem_alloc : memref<!tpu.dma_semaphore, #tpu.memory_space<semaphore_mem>>
      %dma_start3A_147 = arith.constant 0 : i32
      %dma_start3A_148 = tpu.memref_slice %arg10[%add3A_19, %dma_start3A_147] : memref<10240x128xf32, #tpu.memory_space<vmem_shared>> -> memref<80x128xf32, #tpu.memory_space<vmem_shared>>
      %dma_start3A_149 = arith.constant 0 : i32
      %dma_start3A_150 = tpu.memref_slice %arg10[%add3A_19, %dma_start3A_149] : memref<10240x128xf32, #tpu.memory_space<vmem_shared>> -> memref<80x128xf32, #tpu.memory_space<vmem_shared>>
      tpu.enqueue_dma source(%arg8 : memref<80x128xf32, #tpu.memory_space<vmem>>) target(%dma_start3A_150 : memref<80x128xf32, #tpu.memory_space<vmem_shared>>) target_semaphore(%run_scoped3A : memref<!tpu.dma_semaphore, #tpu.memory_space<semaphore_mem>>)
      %dma_wait3A_151 = arith.constant 0 : i32
      %dma_wait3A_152 = tpu.memref_slice %arg10[%add3A_19, %dma_wait3A_151] : memref<10240x128xf32, #tpu.memory_space<vmem_shared>> -> memref<80x128xf32, #tpu.memory_space<vmem_shared>>
      %dma_wait3A_153 = arith.constant 0 : i32
      %dma_wait3A_154 = tpu.memref_slice %arg10[%add3A_19, %dma_wait3A_153] : memref<10240x128xf32, #tpu.memory_space<vmem_shared>> -> memref<80x128xf32, #tpu.memory_space<vmem_shared>>
      tpu.wait_dma2 semaphore(%run_scoped3A : memref<!tpu.dma_semaphore, #tpu.memory_space<semaphore_mem>>) src(%arg8 : memref<80x128xf32, #tpu.memory_space<vmem>>) dst(%dma_wait3A_154 : memref<80x128xf32, #tpu.memory_space<vmem_shared>>)
      tpu.yield
    }) : () -> ()
    %add3A_20 = arith.constant 480 : i32
    %add3A_21 = arith.addi %mul3A_2, %add3A_20 : i32
    "tpu.region"() ({
      %run_scoped3A = tpu.sem_alloc : memref<!tpu.dma_semaphore, #tpu.memory_space<semaphore_mem>>
      %dma_start3A_147 = arith.constant 0 : i32
      %dma_start3A_148 = tpu.memref_slice %arg10[%add3A_21, %dma_start3A_147] : memref<10240x128xf32, #tpu.memory_space<vmem_shared>> -> memref<80x128xf32, #tpu.memory_space<vmem_shared>>
      %dma_start3A_149 = arith.constant 0 : i32
      %dma_start3A_150 = tpu.memref_slice %arg10[%add3A_21, %dma_start3A_149] : memref<10240x128xf32, #tpu.memory_space<vmem_shared>> -> memref<80x128xf32, #tpu.memory_space<vmem_shared>>
      tpu.enqueue_dma source(%arg8 : memref<80x128xf32, #tpu.memory_space<vmem>>) target(%dma_start3A_150 : memref<80x128xf32, #tpu.memory_space<vmem_shared>>) target_semaphore(%run_scoped3A : memref<!tpu.dma_semaphore, #tpu.memory_space<semaphore_mem>>)
      %dma_wait3A_151 = arith.constant 0 : i32
      %dma_wait3A_152 = tpu.memref_slice %arg10[%add3A_21, %dma_wait3A_151] : memref<10240x128xf32, #tpu.memory_space<vmem_shared>> -> memref<80x128xf32, #tpu.memory_space<vmem_shared>>
      %dma_wait3A_153 = arith.constant 0 : i32
      %dma_wait3A_154 = tpu.memref_slice %arg10[%add3A_21, %dma_wait3A_153] : memref<10240x128xf32, #tpu.memory_space<vmem_shared>> -> memref<80x128xf32, #tpu.memory_space<vmem_shared>>
      tpu.wait_dma2 semaphore(%run_scoped3A : memref<!tpu.dma_semaphore, #tpu.memory_space<semaphore_mem>>) src(%arg8 : memref<80x128xf32, #tpu.memory_space<vmem>>) dst(%dma_wait3A_154 : memref<80x128xf32, #tpu.memory_space<vmem_shared>>)
      tpu.yield
    }) : () -> ()
    %add3A_22 = arith.constant 560 : i32
    %add3A_23 = arith.addi %mul3A_2, %add3A_22 : i32
    "tpu.region"() ({
      %run_scoped3A = tpu.sem_alloc : memref<!tpu.dma_semaphore, #tpu.memory_space<semaphore_mem>>
      %dma_start3A_147 = arith.constant 0 : i32
      %dma_start3A_148 = tpu.memref_slice %arg10[%add3A_23, %dma_start3A_147] : memref<10240x128xf32, #tpu.memory_space<vmem_shared>> -> memref<80x128xf32, #tpu.memory_space<vmem_shared>>
      %dma_start3A_149 = arith.constant 0 : i32
      %dma_start3A_150 = tpu.memref_slice %arg10[%add3A_23, %dma_start3A_149] : memref<10240x128xf32, #tpu.memory_space<vmem_shared>> -> memref<80x128xf32, #tpu.memory_space<vmem_shared>>
      tpu.enqueue_dma source(%arg8 : memref<80x128xf32, #tpu.memory_space<vmem>>) target(%dma_start3A_150 : memref<80x128xf32, #tpu.memory_space<vmem_shared>>) target_semaphore(%run_scoped3A : memref<!tpu.dma_semaphore, #tpu.memory_space<semaphore_mem>>)
      %dma_wait3A_151 = arith.constant 0 : i32
      %dma_wait3A_152 = tpu.memref_slice %arg10[%add3A_23, %dma_wait3A_151] : memref<10240x128xf32, #tpu.memory_space<vmem_shared>> -> memref<80x128xf32, #tpu.memory_space<vmem_shared>>
      %dma_wait3A_153 = arith.constant 0 : i32
      %dma_wait3A_154 = tpu.memref_slice %arg10[%add3A_23, %dma_wait3A_153] : memref<10240x128xf32, #tpu.memory_space<vmem_shared>> -> memref<80x128xf32, #tpu.memory_space<vmem_shared>>
      tpu.wait_dma2 semaphore(%run_scoped3A : memref<!tpu.dma_semaphore, #tpu.memory_space<semaphore_mem>>) src(%arg8 : memref<80x128xf32, #tpu.memory_space<vmem>>) dst(%dma_wait3A_154 : memref<80x128xf32, #tpu.memory_space<vmem_shared>>)
      tpu.yield
    }) : () -> ()
    %mul3A_24 = arith.constant 10000 : i32
    %mul3A_25 = arith.muli %add3A, %mul3A_24 : i32
    "tpu.region"() ({
      %run_scoped3A = tpu.sem_alloc : memref<!tpu.dma_semaphore, #tpu.memory_space<semaphore_mem>>
      %dma_start3A_147 = tpu.memref_slice %arg3[%mul3A_25] : memref<320000xi32, #tpu.memory_space<hbm>> -> memref<10000xi32, #tpu.memory_space<hbm>>
      %dma_start3A_148 = tpu.memref_slice %arg3[%mul3A_25] : memref<320000xi32, #tpu.memory_space<hbm>> -> memref<10000xi32, #tpu.memory_space<hbm>>
      tpu.enqueue_dma source(%dma_start3A_148 : memref<10000xi32, #tpu.memory_space<hbm>>) target(%arg6 : memref<10000xi32, #tpu.memory_space<vmem>>) target_semaphore(%run_scoped3A : memref<!tpu.dma_semaphore, #tpu.memory_space<semaphore_mem>>)
      %dma_wait3A_149 = tpu.memref_slice %arg3[%mul3A_25] : memref<320000xi32, #tpu.memory_space<hbm>> -> memref<10000xi32, #tpu.memory_space<hbm>>
      %dma_wait3A_150 = tpu.memref_slice %arg3[%mul3A_25] : memref<320000xi32, #tpu.memory_space<hbm>> -> memref<10000xi32, #tpu.memory_space<hbm>>
      tpu.wait_dma2 semaphore(%run_scoped3A : memref<!tpu.dma_semaphore, #tpu.memory_space<semaphore_mem>>) src(%dma_wait3A_150 : memref<10000xi32, #tpu.memory_space<hbm>>) dst(%arg6 : memref<10000xi32, #tpu.memory_space<vmem>>)
      tpu.yield
    }) : () -> ()
    "tpu.region"() ({
      %run_scoped3A = tpu.sem_alloc : memref<!tpu.dma_semaphore, #tpu.memory_space<semaphore_mem>>
      %dma_start3A_147 = tpu.memref_slice %arg4[%mul3A_25] : memref<320000xi32, #tpu.memory_space<hbm>> -> memref<10000xi32, #tpu.memory_space<hbm>>
      %dma_start3A_148 = tpu.memref_slice %arg4[%mul3A_25] : memref<320000xi32, #tpu.memory_space<hbm>> -> memref<10000xi32, #tpu.memory_space<hbm>>
      tpu.enqueue_dma source(%dma_start3A_148 : memref<10000xi32, #tpu.memory_space<hbm>>) target(%arg7 : memref<10000xi32, #tpu.memory_space<vmem>>) target_semaphore(%run_scoped3A : memref<!tpu.dma_semaphore, #tpu.memory_space<semaphore_mem>>)
      %dma_wait3A_149 = tpu.memref_slice %arg4[%mul3A_25] : memref<320000xi32, #tpu.memory_space<hbm>> -> memref<10000xi32, #tpu.memory_space<hbm>>
      %dma_wait3A_150 = tpu.memref_slice %arg4[%mul3A_25] : memref<320000xi32, #tpu.memory_space<hbm>> -> memref<10000xi32, #tpu.memory_space<hbm>>
      tpu.wait_dma2 semaphore(%run_scoped3A : memref<!tpu.dma_semaphore, #tpu.memory_space<semaphore_mem>>) src(%dma_wait3A_150 : memref<10000xi32, #tpu.memory_space<hbm>>) dst(%arg7 : memref<10000xi32, #tpu.memory_space<vmem>>)
      tpu.yield
    }) : () -> ()
    %barrier3A = arith.constant 0 : index
    tpu.barrier barrier_id(%barrier3A)
    %dma_start3A = arith.constant 0 : i32
    %dma_start3A_26 = tpu.memref_slice %arg6[%dma_start3A] : memref<10000xi32, #tpu.memory_space<vmem>> -> memref<80xi32, #tpu.memory_space<vmem>>
    %dma_start3A_27 = arith.constant 0 : i32
    %dma_start3A_28 = arith.constant 0 : i32
    %dma_start3A_29 = tpu.memref_slice %arg2[%dma_start3A_27, %dma_start3A_28] : memref<10000x128xf32, #tpu.memory_space<hbm>> -> memref<10000x128xf32, #tpu.memory_space<hbm>>
    tpu.enqueue_indirect_dma source(%dma_start3A_29 : memref<10000x128xf32, #tpu.memory_space<hbm>>) target(%arg8 : memref<80x128xf32, #tpu.memory_space<vmem>>) offsets(%dma_start3A_26 : memref<80xi32, #tpu.memory_space<vmem>>) semaphore(%arg11 : memref<!tpu.dma_semaphore, #tpu.memory_space<semaphore_mem>>)
    %scan3A_30 = arith.constant 0 : i32
    %scan3A_31 = arith.constant 0 : i32
    %scan3A_32 = arith.constant 62 : i32
    %scan3A_33 = arith.addi %scan3A_31, %scan3A_32 : i32
    %scan3A_34 = arith.constant 1 : i32
    scf.for %scan3A_147 = %scan3A_31 to %scan3A_33 step %scan3A_34  : i32 {
      %mul3A_148 = arith.constant 2 : i32
      %mul3A_149 = arith.muli %mul3A_148, %scan3A_147 : i32
      %mul3A_150 = arith.constant 80 : i32
      %mul3A_151 = arith.muli %mul3A_149, %mul3A_150 : i32
      %dma_wait3A_152 = tpu.memref_slice %arg6[%mul3A_151] : memref<10000xi32, #tpu.memory_space<vmem>> -> memref<80xi32, #tpu.memory_space<vmem>>
      %dma_wait3A_153 = arith.constant 0 : i32
      %dma_wait3A_154 = arith.constant 0 : i32
      %dma_wait3A_155 = tpu.memref_slice %arg2[%dma_wait3A_153, %dma_wait3A_154] : memref<10000x128xf32, #tpu.memory_space<hbm>> -> memref<10000x128xf32, #tpu.memory_space<hbm>>
      tpu.wait_indirect_dma semaphore(%arg11 : memref<!tpu.dma_semaphore, #tpu.memory_space<semaphore_mem>>) src(%dma_wait3A_155 : memref<10000x128xf32, #tpu.memory_space<hbm>>) dst(%arg8 : memref<80x128xf32, #tpu.memory_space<vmem>>)
      %add3A_156 = arith.constant 1 : i32
      %add3A_157 = arith.addi %mul3A_149, %add3A_156 : i32
      %mul3A_158 = arith.constant 80 : i32
      %mul3A_159 = arith.muli %add3A_157, %mul3A_158 : i32
      %dma_start3A_160 = tpu.memref_slice %arg6[%mul3A_159] : memref<10000xi32, #tpu.memory_space<vmem>> -> memref<80xi32, #tpu.memory_space<vmem>>
      %dma_start3A_161 = arith.constant 0 : i32
      %dma_start3A_162 = arith.constant 0 : i32
      %dma_start3A_163 = tpu.memref_slice %arg2[%dma_start3A_161, %dma_start3A_162] : memref<10000x128xf32, #tpu.memory_space<hbm>> -> memref<10000x128xf32, #tpu.memory_space<hbm>>
      tpu.enqueue_indirect_dma source(%dma_start3A_163 : memref<10000x128xf32, #tpu.memory_space<hbm>>) target(%arg9 : memref<80x128xf32, #tpu.memory_space<vmem>>) offsets(%dma_start3A_160 : memref<80xi32, #tpu.memory_space<vmem>>) semaphore(%arg12 : memref<!tpu.dma_semaphore, #tpu.memory_space<semaphore_mem>>)
      %mul3A_164 = arith.constant 80 : i32
      %mul3A_165 = arith.muli %mul3A_149, %mul3A_164 : i32
      %add3A_166 = arith.constant 0 : i32
      %add3A_167 = arith.addi %mul3A_165, %add3A_166 : i32
      %get3A_168 = arith.index_cast %add3A_167 : i32 to index
      %get3A_169 = tpu.vector_load %arg7[%get3A_168] {strides = array<i32>} : memref<10000xi32, #tpu.memory_space<vmem>>, vector<16xi32>,
      %get3A_170 = vector.shape_cast %get3A_169 : vector<16xi32> to vector<16xi32>
      %dma_start3A_171 = arith.constant 0 : i32
      %dma_start3A_172 = arith.constant 0 : i32
      %dma_start3A_173 = tpu.memref_slice %arg8[%dma_start3A_171, %dma_start3A_172] : memref<80x128xf32, #tpu.memory_space<vmem>> -> memref<16x128xf32, #tpu.memory_space<vmem>>
      %dma_start3A_174 = arith.constant 0 : i32
      %dma_start3A_175 = arith.constant 0 : i32
      %dma_start3A_176 = tpu.memref_slice %arg10[%dma_start3A_174, %dma_start3A_175] : memref<10240x128xf32, #tpu.memory_space<vmem_shared>> -> memref<10240x128xf32, #tpu.memory_space<vmem_shared>>
      tpu.enqueue_indirect_dma source(%dma_start3A_173 : memref<16x128xf32, #tpu.memory_space<vmem>>) target(%dma_start3A_176 : memref<10240x128xf32, #tpu.memory_space<vmem_shared>>) offsets(%get3A_170 : vector<16xi32>) semaphore(%arg13 : memref<!tpu.dma_semaphore, #tpu.memory_space<semaphore_mem>>) {add = true}
      %add3A_177 = arith.constant 16 : i32
      %add3A_178 = arith.addi %mul3A_165, %add3A_177 : i32
      %get3A_179 = arith.index_cast %add3A_178 : i32 to index
      %get3A_180 = tpu.vector_load %arg7[%get3A_179] {strides = array<i32>} : memref<10000xi32, #tpu.memory_space<vmem>>, vector<16xi32>,
      %get3A_181 = vector.shape_cast %get3A_180 : vector<16xi32> to vector<16xi32>
      %dma_start3A_182 = arith.constant 16 : i32
      %dma_start3A_183 = arith.constant 0 : i32
      %dma_start3A_184 = tpu.memref_slice %arg8[%dma_start3A_182, %dma_start3A_183] : memref<80x128xf32, #tpu.memory_space<vmem>> -> memref<16x128xf32, #tpu.memory_space<vmem>>
      %dma_start3A_185 = arith.constant 0 : i32
      %dma_start3A_186 = arith.constant 0 : i32
      %dma_start3A_187 = tpu.memref_slice %arg10[%dma_start3A_185, %dma_start3A_186] : memref<10240x128xf32, #tpu.memory_space<vmem_shared>> -> memref<10240x128xf32, #tpu.memory_space<vmem_shared>>
      tpu.enqueue_indirect_dma source(%dma_start3A_184 : memref<16x128xf32, #tpu.memory_space<vmem>>) target(%dma_start3A_187 : memref<10240x128xf32, #tpu.memory_space<vmem_shared>>) offsets(%get3A_181 : vector<16xi32>) semaphore(%arg13 : memref<!tpu.dma_semaphore, #tpu.memory_space<semaphore_mem>>) {add = true}
      %add3A_188 = arith.constant 32 : i32
      %add3A_189 = arith.addi %mul3A_165, %add3A_188 : i32
      %get3A_190 = arith.index_cast %add3A_189 : i32 to index
      %get3A_191 = tpu.vector_load %arg7[%get3A_190] {strides = array<i32>} : memref<10000xi32, #tpu.memory_space<vmem>>, vector<16xi32>,
      %get3A_192 = vector.shape_cast %get3A_191 : vector<16xi32> to vector<16xi32>
      %dma_start3A_193 = arith.constant 32 : i32
      %dma_start3A_194 = arith.constant 0 : i32
      %dma_start3A_195 = tpu.memref_slice %arg8[%dma_start3A_193, %dma_start3A_194] : memref<80x128xf32, #tpu.memory_space<vmem>> -> memref<16x128xf32, #tpu.memory_space<vmem>>
      %dma_start3A_196 = arith.constant 0 : i32
      %dma_start3A_197 = arith.constant 0 : i32
      %dma_start3A_198 = tpu.memref_slice %arg10[%dma_start3A_196, %dma_start3A_197] : memref<10240x128xf32, #tpu.memory_space<vmem_shared>> -> memref<10240x128xf32, #tpu.memory_space<vmem_shared>>
      tpu.enqueue_indirect_dma source(%dma_start3A_195 : memref<16x128xf32, #tpu.memory_space<vmem>>) target(%dma_start3A_198 : memref<10240x128xf32, #tpu.memory_space<vmem_shared>>) offsets(%get3A_192 : vector<16xi32>) semaphore(%arg13 : memref<!tpu.dma_semaphore, #tpu.memory_space<semaphore_mem>>) {add = true}
      %add3A_199 = arith.constant 48 : i32
      %add3A_200 = arith.addi %mul3A_165, %add3A_199 : i32
      %get3A_201 = arith.index_cast %add3A_200 : i32 to index
      %get3A_202 = tpu.vector_load %arg7[%get3A_201] {strides = array<i32>} : memref<10000xi32, #tpu.memory_space<vmem>>, vector<16xi32>,
      %get3A_203 = vector.shape_cast %get3A_202 : vector<16xi32> to vector<16xi32>
      %dma_start3A_204 = arith.constant 48 : i32
      %dma_start3A_205 = arith.constant 0 : i32
      %dma_start3A_206 = tpu.memref_slice %arg8[%dma_start3A_204, %dma_start3A_205] : memref<80x128xf32, #tpu.memory_space<vmem>> -> memref<16x128xf32, #tpu.memory_space<vmem>>
      %dma_start3A_207 = arith.constant 0 : i32
      %dma_start3A_208 = arith.constant 0 : i32
      %dma_start3A_209 = tpu.memref_slice %arg10[%dma_start3A_207, %dma_start3A_208] : memref<10240x128xf32, #tpu.memory_space<vmem_shared>> -> memref<10240x128xf32, #tpu.memory_space<vmem_shared>>
      tpu.enqueue_indirect_dma source(%dma_start3A_206 : memref<16x128xf32, #tpu.memory_space<vmem>>) target(%dma_start3A_209 : memref<10240x128xf32, #tpu.memory_space<vmem_shared>>) offsets(%get3A_203 : vector<16xi32>) semaphore(%arg13 : memref<!tpu.dma_semaphore, #tpu.memory_space<semaphore_mem>>) {add = true}
      %add3A_210 = arith.constant 64 : i32
      %add3A_211 = arith.addi %mul3A_165, %add3A_210 : i32
      %get3A_212 = arith.index_cast %add3A_211 : i32 to index
      %get3A_213 = tpu.vector_load %arg7[%get3A_212] {strides = array<i32>} : memref<10000xi32, #tpu.memory_space<vmem>>, vector<16xi32>,
      %get3A_214 = vector.shape_cast %get3A_213 : vector<16xi32> to vector<16xi32>
      %dma_start3A_215 = arith.constant 64 : i32
      %dma_start3A_216 = arith.constant 0 : i32
      %dma_start3A_217 = tpu.memref_slice %arg8[%dma_start3A_215, %dma_start3A_216] : memref<80x128xf32, #tpu.memory_space<vmem>> -> memref<16x128xf32, #tpu.memory_space<vmem>>
      %dma_start3A_218 = arith.constant 0 : i32
      %dma_start3A_219 = arith.constant 0 : i32
      %dma_start3A_220 = tpu.memref_slice %arg10[%dma_start3A_218, %dma_start3A_219] : memref<10240x128xf32, #tpu.memory_space<vmem_shared>> -> memref<10240x128xf32, #tpu.memory_space<vmem_shared>>
      tpu.enqueue_indirect_dma source(%dma_start3A_217 : memref<16x128xf32, #tpu.memory_space<vmem>>) target(%dma_start3A_220 : memref<10240x128xf32, #tpu.memory_space<vmem_shared>>) offsets(%get3A_214 : vector<16xi32>) semaphore(%arg13 : memref<!tpu.dma_semaphore, #tpu.memory_space<semaphore_mem>>) {add = true}
      %dma_wait3A_221 = arith.constant 0 : i32
      %dma_wait3A_222 = arith.constant 0 : i32
      %dma_wait3A_223 = tpu.memref_slice %arg8[%dma_wait3A_221, %dma_wait3A_222] : memref<80x128xf32, #tpu.memory_space<vmem>> -> memref<16x128xf32, #tpu.memory_space<vmem>>
      %dma_wait3A_224 = arith.constant 0 : i32
      %dma_wait3A_225 = arith.constant 0 : i32
      %dma_wait3A_226 = tpu.memref_slice %arg10[%dma_wait3A_224, %dma_wait3A_225] : memref<10240x128xf32, #tpu.memory_space<vmem_shared>> -> memref<10240x128xf32, #tpu.memory_space<vmem_shared>>
      tpu.wait_indirect_dma semaphore(%arg13 : memref<!tpu.dma_semaphore, #tpu.memory_space<semaphore_mem>>) src(%dma_wait3A_223 : memref<16x128xf32, #tpu.memory_space<vmem>>) dst(%dma_wait3A_226 : memref<10240x128xf32, #tpu.memory_space<vmem_shared>>)
      %dma_wait3A_227 = arith.constant 16 : i32
      %dma_wait3A_228 = arith.constant 0 : i32
      %dma_wait3A_229 = tpu.memref_slice %arg8[%dma_wait3A_227, %dma_wait3A_228] : memref<80x128xf32, #tpu.memory_space<vmem>> -> memref<16x128xf32, #tpu.memory_space<vmem>>
      %dma_wait3A_230 = arith.constant 0 : i32
      %dma_wait3A_231 = arith.constant 0 : i32
      %dma_wait3A_232 = tpu.memref_slice %arg10[%dma_wait3A_230, %dma_wait3A_231] : memref<10240x128xf32, #tpu.memory_space<vmem_shared>> -> memref<10240x128xf32, #tpu.memory_space<vmem_shared>>
      tpu.wait_indirect_dma semaphore(%arg13 : memref<!tpu.dma_semaphore, #tpu.memory_space<semaphore_mem>>) src(%dma_wait3A_229 : memref<16x128xf32, #tpu.memory_space<vmem>>) dst(%dma_wait3A_232 : memref<10240x128xf32, #tpu.memory_space<vmem_shared>>)
      %dma_wait3A_233 = arith.constant 32 : i32
      %dma_wait3A_234 = arith.constant 0 : i32
      %dma_wait3A_235 = tpu.memref_slice %arg8[%dma_wait3A_233, %dma_wait3A_234] : memref<80x128xf32, #tpu.memory_space<vmem>> -> memref<16x128xf32, #tpu.memory_space<vmem>>
      %dma_wait3A_236 = arith.constant 0 : i32
      %dma_wait3A_237 = arith.constant 0 : i32
      %dma_wait3A_238 = tpu.memref_slice %arg10[%dma_wait3A_236, %dma_wait3A_237] : memref<10240x128xf32, #tpu.memory_space<vmem_shared>> -> memref<10240x128xf32, #tpu.memory_space<vmem_shared>>
      tpu.wait_indirect_dma semaphore(%arg13 : memref<!tpu.dma_semaphore, #tpu.memory_space<semaphore_mem>>) src(%dma_wait3A_235 : memref<16x128xf32, #tpu.memory_space<vmem>>) dst(%dma_wait3A_238 : memref<10240x128xf32, #tpu.memory_space<vmem_shared>>)
      %dma_wait3A_239 = arith.constant 48 : i32
      %dma_wait3A_240 = arith.constant 0 : i32
      %dma_wait3A_241 = tpu.memref_slice %arg8[%dma_wait3A_239, %dma_wait3A_240] : memref<80x128xf32, #tpu.memory_space<vmem>> -> memref<16x128xf32, #tpu.memory_space<vmem>>
      %dma_wait3A_242 = arith.constant 0 : i32
      %dma_wait3A_243 = arith.constant 0 : i32
      %dma_wait3A_244 = tpu.memref_slice %arg10[%dma_wait3A_242, %dma_wait3A_243] : memref<10240x128xf32, #tpu.memory_space<vmem_shared>> -> memref<10240x128xf32, #tpu.memory_space<vmem_shared>>
      tpu.wait_indirect_dma semaphore(%arg13 : memref<!tpu.dma_semaphore, #tpu.memory_space<semaphore_mem>>) src(%dma_wait3A_241 : memref<16x128xf32, #tpu.memory_space<vmem>>) dst(%dma_wait3A_244 : memref<10240x128xf32, #tpu.memory_space<vmem_shared>>)
      %dma_wait3A_245 = arith.constant 64 : i32
      %dma_wait3A_246 = arith.constant 0 : i32
      %dma_wait3A_247 = tpu.memref_slice %arg8[%dma_wait3A_245, %dma_wait3A_246] : memref<80x128xf32, #tpu.memory_space<vmem>> -> memref<16x128xf32, #tpu.memory_space<vmem>>
      %dma_wait3A_248 = arith.constant 0 : i32
      %dma_wait3A_249 = arith.constant 0 : i32
      %dma_wait3A_250 = tpu.memref_slice %arg10[%dma_wait3A_248, %dma_wait3A_249] : memref<10240x128xf32, #tpu.memory_space<vmem_shared>> -> memref<10240x128xf32, #tpu.memory_space<vmem_shared>>
      tpu.wait_indirect_dma semaphore(%arg13 : memref<!tpu.dma_semaphore, #tpu.memory_space<semaphore_mem>>) src(%dma_wait3A_247 : memref<16x128xf32, #tpu.memory_space<vmem>>) dst(%dma_wait3A_250 : memref<10240x128xf32, #tpu.memory_space<vmem_shared>>)
      %add3A_251 = arith.constant 2 : i32
      %add3A_252 = arith.addi %mul3A_149, %add3A_251 : i32
      %mul3A_253 = arith.constant 80 : i32
      %mul3A_254 = arith.muli %add3A_252, %mul3A_253 : i32
      %dma_start3A_255 = tpu.memref_slice %arg6[%mul3A_254] : memref<10000xi32, #tpu.memory_space<vmem>> -> memref<80xi32, #tpu.memory_space<vmem>>
      %dma_start3A_256 = arith.constant 0 : i32
      %dma_start3A_257 = arith.constant 0 : i32
      %dma_start3A_258 = tpu.memref_slice %arg2[%dma_start3A_256, %dma_start3A_257] : memref<10000x128xf32, #tpu.memory_space<hbm>> -> memref<10000x128xf32, #tpu.memory_space<hbm>>
      tpu.enqueue_indirect_dma source(%dma_start3A_258 : memref<10000x128xf32, #tpu.memory_space<hbm>>) target(%arg8 : memref<80x128xf32, #tpu.memory_space<vmem>>) offsets(%dma_start3A_255 : memref<80xi32, #tpu.memory_space<vmem>>) semaphore(%arg11 : memref<!tpu.dma_semaphore, #tpu.memory_space<semaphore_mem>>)
      %add3A_259 = arith.constant 1 : i32
      %add3A_260 = arith.addi %mul3A_149, %add3A_259 : i32
      %mul3A_261 = arith.constant 80 : i32
      %mul3A_262 = arith.muli %add3A_260, %mul3A_261 : i32
      %dma_wait3A_263 = tpu.memref_slice %arg6[%mul3A_262] : memref<10000xi32, #tpu.memory_space<vmem>> -> memref<80xi32, #tpu.memory_space<vmem>>
      %dma_wait3A_264 = arith.constant 0 : i32
      %dma_wait3A_265 = arith.constant 0 : i32
      %dma_wait3A_266 = tpu.memref_slice %arg2[%dma_wait3A_264, %dma_wait3A_265] : memref<10000x128xf32, #tpu.memory_space<hbm>> -> memref<10000x128xf32, #tpu.memory_space<hbm>>
      tpu.wait_indirect_dma semaphore(%arg12 : memref<!tpu.dma_semaphore, #tpu.memory_space<semaphore_mem>>) src(%dma_wait3A_266 : memref<10000x128xf32, #tpu.memory_space<hbm>>) dst(%arg9 : memref<80x128xf32, #tpu.memory_space<vmem>>)
      %add3A_267 = arith.constant 1 : i32
      %add3A_268 = arith.addi %mul3A_149, %add3A_267 : i32
      %mul3A_269 = arith.constant 80 : i32
      %mul3A_270 = arith.muli %add3A_268, %mul3A_269 : i32
      %add3A_271 = arith.constant 0 : i32
      %add3A_272 = arith.addi %mul3A_270, %add3A_271 : i32
      %get3A_273 = arith.index_cast %add3A_272 : i32 to index
      %get3A_274 = tpu.vector_load %arg7[%get3A_273] {strides = array<i32>} : memref<10000xi32, #tpu.memory_space<vmem>>, vector<16xi32>,
      %get3A_275 = vector.shape_cast %get3A_274 : vector<16xi32> to vector<16xi32>
      %dma_start3A_276 = arith.constant 0 : i32
      %dma_start3A_277 = arith.constant 0 : i32
      %dma_start3A_278 = tpu.memref_slice %arg9[%dma_start3A_276, %dma_start3A_277] : memref<80x128xf32, #tpu.memory_space<vmem>> -> memref<16x128xf32, #tpu.memory_space<vmem>>
      %dma_start3A_279 = arith.constant 0 : i32
      %dma_start3A_280 = arith.constant 0 : i32
      %dma_start3A_281 = tpu.memref_slice %arg10[%dma_start3A_279, %dma_start3A_280] : memref<10240x128xf32, #tpu.memory_space<vmem_shared>> -> memref<10240x128xf32, #tpu.memory_space<vmem_shared>>
      tpu.enqueue_indirect_dma source(%dma_start3A_278 : memref<16x128xf32, #tpu.memory_space<vmem>>) target(%dma_start3A_281 : memref<10240x128xf32, #tpu.memory_space<vmem_shared>>) offsets(%get3A_275 : vector<16xi32>) semaphore(%arg13 : memref<!tpu.dma_semaphore, #tpu.memory_space<semaphore_mem>>) {add = true}
      %add3A_282 = arith.constant 16 : i32
      %add3A_283 = arith.addi %mul3A_270, %add3A_282 : i32
      %get3A_284 = arith.index_cast %add3A_283 : i32 to index
      %get3A_285 = tpu.vector_load %arg7[%get3A_284] {strides = array<i32>} : memref<10000xi32, #tpu.memory_space<vmem>>, vector<16xi32>,
      %get3A_286 = vector.shape_cast %get3A_285 : vector<16xi32> to vector<16xi32>
      %dma_start3A_287 = arith.constant 16 : i32
      %dma_start3A_288 = arith.constant 0 : i32
      %dma_start3A_289 = tpu.memref_slice %arg9[%dma_start3A_287, %dma_start3A_288] : memref<80x128xf32, #tpu.memory_space<vmem>> -> memref<16x128xf32, #tpu.memory_space<vmem>>
      %dma_start3A_290 = arith.constant 0 : i32
      %dma_start3A_291 = arith.constant 0 : i32
      %dma_start3A_292 = tpu.memref_slice %arg10[%dma_start3A_290, %dma_start3A_291] : memref<10240x128xf32, #tpu.memory_space<vmem_shared>> -> memref<10240x128xf32, #tpu.memory_space<vmem_shared>>
      tpu.enqueue_indirect_dma source(%dma_start3A_289 : memref<16x128xf32, #tpu.memory_space<vmem>>) target(%dma_start3A_292 : memref<10240x128xf32, #tpu.memory_space<vmem_shared>>) offsets(%get3A_286 : vector<16xi32>) semaphore(%arg13 : memref<!tpu.dma_semaphore, #tpu.memory_space<semaphore_mem>>) {add = true}
      %add3A_293 = arith.constant 32 : i32
      %add3A_294 = arith.addi %mul3A_270, %add3A_293 : i32
      %get3A_295 = arith.index_cast %add3A_294 : i32 to index
      %get3A_296 = tpu.vector_load %arg7[%get3A_295] {strides = array<i32>} : memref<10000xi32, #tpu.memory_space<vmem>>, vector<16xi32>,
      %get3A_297 = vector.shape_cast %get3A_296 : vector<16xi32> to vector<16xi32>
      %dma_start3A_298 = arith.constant 32 : i32
      %dma_start3A_299 = arith.constant 0 : i32
      %dma_start3A_300 = tpu.memref_slice %arg9[%dma_start3A_298, %dma_start3A_299] : memref<80x128xf32, #tpu.memory_space<vmem>> -> memref<16x128xf32, #tpu.memory_space<vmem>>
      %dma_start3A_301 = arith.constant 0 : i32
      %dma_start3A_302 = arith.constant 0 : i32
      %dma_start3A_303 = tpu.memref_slice %arg10[%dma_start3A_301, %dma_start3A_302] : memref<10240x128xf32, #tpu.memory_space<vmem_shared>> -> memref<10240x128xf32, #tpu.memory_space<vmem_shared>>
      tpu.enqueue_indirect_dma source(%dma_start3A_300 : memref<16x128xf32, #tpu.memory_space<vmem>>) target(%dma_start3A_303 : memref<10240x128xf32, #tpu.memory_space<vmem_shared>>) offsets(%get3A_297 : vector<16xi32>) semaphore(%arg13 : memref<!tpu.dma_semaphore, #tpu.memory_space<semaphore_mem>>) {add = true}
      %add3A_304 = arith.constant 48 : i32
      %add3A_305 = arith.addi %mul3A_270, %add3A_304 : i32
      %get3A_306 = arith.index_cast %add3A_305 : i32 to index
      %get3A_307 = tpu.vector_load %arg7[%get3A_306] {strides = array<i32>} : memref<10000xi32, #tpu.memory_space<vmem>>, vector<16xi32>,
      %get3A_308 = vector.shape_cast %get3A_307 : vector<16xi32> to vector<16xi32>
      %dma_start3A_309 = arith.constant 48 : i32
      %dma_start3A_310 = arith.constant 0 : i32
      %dma_start3A_311 = tpu.memref_slice %arg9[%dma_start3A_309, %dma_start3A_310] : memref<80x128xf32, #tpu.memory_space<vmem>> -> memref<16x128xf32, #tpu.memory_space<vmem>>
      %dma_start3A_312 = arith.constant 0 : i32
      %dma_start3A_313 = arith.constant 0 : i32
      %dma_start3A_314 = tpu.memref_slice %arg10[%dma_start3A_312, %dma_start3A_313] : memref<10240x128xf32, #tpu.memory_space<vmem_shared>> -> memref<10240x128xf32, #tpu.memory_space<vmem_shared>>
      tpu.enqueue_indirect_dma source(%dma_start3A_311 : memref<16x128xf32, #tpu.memory_space<vmem>>) target(%dma_start3A_314 : memref<10240x128xf32, #tpu.memory_space<vmem_shared>>) offsets(%get3A_308 : vector<16xi32>) semaphore(%arg13 : memref<!tpu.dma_semaphore, #tpu.memory_space<semaphore_mem>>) {add = true}
      %add3A_315 = arith.constant 64 : i32
      %add3A_316 = arith.addi %mul3A_270, %add3A_315 : i32
      %get3A_317 = arith.index_cast %add3A_316 : i32 to index
      %get3A_318 = tpu.vector_load %arg7[%get3A_317] {strides = array<i32>} : memref<10000xi32, #tpu.memory_space<vmem>>, vector<16xi32>,
      %get3A_319 = vector.shape_cast %get3A_318 : vector<16xi32> to vector<16xi32>
      %dma_start3A_320 = arith.constant 64 : i32
      %dma_start3A_321 = arith.constant 0 : i32
      %dma_start3A_322 = tpu.memref_slice %arg9[%dma_start3A_320, %dma_start3A_321] : memref<80x128xf32, #tpu.memory_space<vmem>> -> memref<16x128xf32, #tpu.memory_space<vmem>>
      %dma_start3A_323 = arith.constant 0 : i32
      %dma_start3A_324 = arith.constant 0 : i32
      %dma_start3A_325 = tpu.memref_slice %arg10[%dma_start3A_323, %dma_start3A_324] : memref<10240x128xf32, #tpu.memory_space<vmem_shared>> -> memref<10240x128xf32, #tpu.memory_space<vmem_shared>>
      tpu.enqueue_indirect_dma source(%dma_start3A_322 : memref<16x128xf32, #tpu.memory_space<vmem>>) target(%dma_start3A_325 : memref<10240x128xf32, #tpu.memory_space<vmem_shared>>) offsets(%get3A_319 : vector<16xi32>) semaphore(%arg13 : memref<!tpu.dma_semaphore, #tpu.memory_space<semaphore_mem>>) {add = true}
      %dma_wait3A_326 = arith.constant 0 : i32
      %dma_wait3A_327 = arith.constant 0 : i32
      %dma_wait3A_328 = tpu.memref_slice %arg9[%dma_wait3A_326, %dma_wait3A_327] : memref<80x128xf32, #tpu.memory_space<vmem>> -> memref<16x128xf32, #tpu.memory_space<vmem>>
      %dma_wait3A_329 = arith.constant 0 : i32
      %dma_wait3A_330 = arith.constant 0 : i32
      %dma_wait3A_331 = tpu.memref_slice %arg10[%dma_wait3A_329, %dma_wait3A_330] : memref<10240x128xf32, #tpu.memory_space<vmem_shared>> -> memref<10240x128xf32, #tpu.memory_space<vmem_shared>>
      tpu.wait_indirect_dma semaphore(%arg13 : memref<!tpu.dma_semaphore, #tpu.memory_space<semaphore_mem>>) src(%dma_wait3A_328 : memref<16x128xf32, #tpu.memory_space<vmem>>) dst(%dma_wait3A_331 : memref<10240x128xf32, #tpu.memory_space<vmem_shared>>)
      %dma_wait3A_332 = arith.constant 16 : i32
      %dma_wait3A_333 = arith.constant 0 : i32
      %dma_wait3A_334 = tpu.memref_slice %arg9[%dma_wait3A_332, %dma_wait3A_333] : memref<80x128xf32, #tpu.memory_space<vmem>> -> memref<16x128xf32, #tpu.memory_space<vmem>>
      %dma_wait3A_335 = arith.constant 0 : i32
      %dma_wait3A_336 = arith.constant 0 : i32
      %dma_wait3A_337 = tpu.memref_slice %arg10[%dma_wait3A_335, %dma_wait3A_336] : memref<10240x128xf32, #tpu.memory_space<vmem_shared>> -> memref<10240x128xf32, #tpu.memory_space<vmem_shared>>
      tpu.wait_indirect_dma semaphore(%arg13 : memref<!tpu.dma_semaphore, #tpu.memory_space<semaphore_mem>>) src(%dma_wait3A_334 : memref<16x128xf32, #tpu.memory_space<vmem>>) dst(%dma_wait3A_337 : memref<10240x128xf32, #tpu.memory_space<vmem_shared>>)
      %dma_wait3A_338 = arith.constant 32 : i32
      %dma_wait3A_339 = arith.constant 0 : i32
      %dma_wait3A_340 = tpu.memref_slice %arg9[%dma_wait3A_338, %dma_wait3A_339] : memref<80x128xf32, #tpu.memory_space<vmem>> -> memref<16x128xf32, #tpu.memory_space<vmem>>
      %dma_wait3A_341 = arith.constant 0 : i32
      %dma_wait3A_342 = arith.constant 0 : i32
      %dma_wait3A_343 = tpu.memref_slice %arg10[%dma_wait3A_341, %dma_wait3A_342] : memref<10240x128xf32, #tpu.memory_space<vmem_shared>> -> memref<10240x128xf32, #tpu.memory_space<vmem_shared>>
      tpu.wait_indirect_dma semaphore(%arg13 : memref<!tpu.dma_semaphore, #tpu.memory_space<semaphore_mem>>) src(%dma_wait3A_340 : memref<16x128xf32, #tpu.memory_space<vmem>>) dst(%dma_wait3A_343 : memref<10240x128xf32, #tpu.memory_space<vmem_shared>>)
      %dma_wait3A_344 = arith.constant 48 : i32
      %dma_wait3A_345 = arith.constant 0 : i32
      %dma_wait3A_346 = tpu.memref_slice %arg9[%dma_wait3A_344, %dma_wait3A_345] : memref<80x128xf32, #tpu.memory_space<vmem>> -> memref<16x128xf32, #tpu.memory_space<vmem>>
      %dma_wait3A_347 = arith.constant 0 : i32
      %dma_wait3A_348 = arith.constant 0 : i32
      %dma_wait3A_349 = tpu.memref_slice %arg10[%dma_wait3A_347, %dma_wait3A_348] : memref<10240x128xf32, #tpu.memory_space<vmem_shared>> -> memref<10240x128xf32, #tpu.memory_space<vmem_shared>>
      tpu.wait_indirect_dma semaphore(%arg13 : memref<!tpu.dma_semaphore, #tpu.memory_space<semaphore_mem>>) src(%dma_wait3A_346 : memref<16x128xf32, #tpu.memory_space<vmem>>) dst(%dma_wait3A_349 : memref<10240x128xf32, #tpu.memory_space<vmem_shared>>)
      %dma_wait3A_350 = arith.constant 64 : i32
      %dma_wait3A_351 = arith.constant 0 : i32
      %dma_wait3A_352 = tpu.memref_slice %arg9[%dma_wait3A_350, %dma_wait3A_351] : memref<80x128xf32, #tpu.memory_space<vmem>> -> memref<16x128xf32, #tpu.memory_space<vmem>>
      %dma_wait3A_353 = arith.constant 0 : i32
      %dma_wait3A_354 = arith.constant 0 : i32
      %dma_wait3A_355 = tpu.memref_slice %arg10[%dma_wait3A_353, %dma_wait3A_354] : memref<10240x128xf32, #tpu.memory_space<vmem_shared>> -> memref<10240x128xf32, #tpu.memory_space<vmem_shared>>
      tpu.wait_indirect_dma semaphore(%arg13 : memref<!tpu.dma_semaphore, #tpu.memory_space<semaphore_mem>>) src(%dma_wait3A_352 : memref<16x128xf32, #tpu.memory_space<vmem>>) dst(%dma_wait3A_355 : memref<10240x128xf32, #tpu.memory_space<vmem_shared>>)
    }
    %scan3A_35 = arith.constant 62 : i32
    %dma_wait3A = arith.constant 9920 : i32
    %dma_wait3A_36 = tpu.memref_slice %arg6[%dma_wait3A] : memref<10000xi32, #tpu.memory_space<vmem>> -> memref<80xi32, #tpu.memory_space<vmem>>
    %dma_wait3A_37 = arith.constant 0 : i32
    %dma_wait3A_38 = arith.constant 0 : i32
    %dma_wait3A_39 = tpu.memref_slice %arg2[%dma_wait3A_37, %dma_wait3A_38] : memref<10000x128xf32, #tpu.memory_space<hbm>> -> memref<10000x128xf32, #tpu.memory_space<hbm>>
    tpu.wait_indirect_dma semaphore(%arg11 : memref<!tpu.dma_semaphore, #tpu.memory_space<semaphore_mem>>) src(%dma_wait3A_39 : memref<10000x128xf32, #tpu.memory_space<hbm>>) dst(%arg8 : memref<80x128xf32, #tpu.memory_space<vmem>>)
    %get3A = arith.constant 9920 : index
    %get3A_40 = tpu.vector_load %arg7[%get3A] {strides = array<i32>} : memref<10000xi32, #tpu.memory_space<vmem>>, vector<16xi32>,
    %get3A_41 = vector.shape_cast %get3A_40 : vector<16xi32> to vector<16xi32>
    %dma_start3A_42 = arith.constant 0 : i32
    %dma_start3A_43 = arith.constant 0 : i32
    %dma_start3A_44 = tpu.memref_slice %arg8[%dma_start3A_42, %dma_start3A_43] : memref<80x128xf32, #tpu.memory_space<vmem>> -> memref<16x128xf32, #tpu.memory_space<vmem>>
    %dma_start3A_45 = arith.constant 0 : i32
    %dma_start3A_46 = arith.constant 0 : i32
    %dma_start3A_47 = tpu.memref_slice %arg10[%dma_start3A_45, %dma_start3A_46] : memref<10240x128xf32, #tpu.memory_space<vmem_shared>> -> memref<10240x128xf32, #tpu.memory_space<vmem_shared>>
    tpu.enqueue_indirect_dma source(%dma_start3A_44 : memref<16x128xf32, #tpu.memory_space<vmem>>) target(%dma_start3A_47 : memref<10240x128xf32, #tpu.memory_space<vmem_shared>>) offsets(%get3A_41 : vector<16xi32>) semaphore(%arg13 : memref<!tpu.dma_semaphore, #tpu.memory_space<semaphore_mem>>) {add = true}
    %get3A_48 = arith.constant 9936 : index
    %get3A_49 = tpu.vector_load %arg7[%get3A_48] {strides = array<i32>} : memref<10000xi32, #tpu.memory_space<vmem>>, vector<16xi32>,
    %get3A_50 = vector.shape_cast %get3A_49 : vector<16xi32> to vector<16xi32>
    %dma_start3A_51 = arith.constant 16 : i32
    %dma_start3A_52 = arith.constant 0 : i32
    %dma_start3A_53 = tpu.memref_slice %arg8[%dma_start3A_51, %dma_start3A_52] : memref<80x128xf32, #tpu.memory_space<vmem>> -> memref<16x128xf32, #tpu.memory_space<vmem>>
    %dma_start3A_54 = arith.constant 0 : i32
    %dma_start3A_55 = arith.constant 0 : i32
    %dma_start3A_56 = tpu.memref_slice %arg10[%dma_start3A_54, %dma_start3A_55] : memref<10240x128xf32, #tpu.memory_space<vmem_shared>> -> memref<10240x128xf32, #tpu.memory_space<vmem_shared>>
    tpu.enqueue_indirect_dma source(%dma_start3A_53 : memref<16x128xf32, #tpu.memory_space<vmem>>) target(%dma_start3A_56 : memref<10240x128xf32, #tpu.memory_space<vmem_shared>>) offsets(%get3A_50 : vector<16xi32>) semaphore(%arg13 : memref<!tpu.dma_semaphore, #tpu.memory_space<semaphore_mem>>) {add = true}
    %get3A_57 = arith.constant 9952 : index
    %get3A_58 = tpu.vector_load %arg7[%get3A_57] {strides = array<i32>} : memref<10000xi32, #tpu.memory_space<vmem>>, vector<16xi32>,
    %get3A_59 = vector.shape_cast %get3A_58 : vector<16xi32> to vector<16xi32>
    %dma_start3A_60 = arith.constant 32 : i32
    %dma_start3A_61 = arith.constant 0 : i32
    %dma_start3A_62 = tpu.memref_slice %arg8[%dma_start3A_60, %dma_start3A_61] : memref<80x128xf32, #tpu.memory_space<vmem>> -> memref<16x128xf32, #tpu.memory_space<vmem>>
    %dma_start3A_63 = arith.constant 0 : i32
    %dma_start3A_64 = arith.constant 0 : i32
    %dma_start3A_65 = tpu.memref_slice %arg10[%dma_start3A_63, %dma_start3A_64] : memref<10240x128xf32, #tpu.memory_space<vmem_shared>> -> memref<10240x128xf32, #tpu.memory_space<vmem_shared>>
    tpu.enqueue_indirect_dma source(%dma_start3A_62 : memref<16x128xf32, #tpu.memory_space<vmem>>) target(%dma_start3A_65 : memref<10240x128xf32, #tpu.memory_space<vmem_shared>>) offsets(%get3A_59 : vector<16xi32>) semaphore(%arg13 : memref<!tpu.dma_semaphore, #tpu.memory_space<semaphore_mem>>) {add = true}
    %get3A_66 = arith.constant 9968 : index
    %get3A_67 = tpu.vector_load %arg7[%get3A_66] {strides = array<i32>} : memref<10000xi32, #tpu.memory_space<vmem>>, vector<16xi32>,
    %get3A_68 = vector.shape_cast %get3A_67 : vector<16xi32> to vector<16xi32>
    %dma_start3A_69 = arith.constant 48 : i32
    %dma_start3A_70 = arith.constant 0 : i32
    %dma_start3A_71 = tpu.memref_slice %arg8[%dma_start3A_69, %dma_start3A_70] : memref<80x128xf32, #tpu.memory_space<vmem>> -> memref<16x128xf32, #tpu.memory_space<vmem>>
    %dma_start3A_72 = arith.constant 0 : i32
    %dma_start3A_73 = arith.constant 0 : i32
    %dma_start3A_74 = tpu.memref_slice %arg10[%dma_start3A_72, %dma_start3A_73] : memref<10240x128xf32, #tpu.memory_space<vmem_shared>> -> memref<10240x128xf32, #tpu.memory_space<vmem_shared>>
    tpu.enqueue_indirect_dma source(%dma_start3A_71 : memref<16x128xf32, #tpu.memory_space<vmem>>) target(%dma_start3A_74 : memref<10240x128xf32, #tpu.memory_space<vmem_shared>>) offsets(%get3A_68 : vector<16xi32>) semaphore(%arg13 : memref<!tpu.dma_semaphore, #tpu.memory_space<semaphore_mem>>) {add = true}
    %get3A_75 = arith.constant 9984 : index
    %get3A_76 = tpu.vector_load %arg7[%get3A_75] {strides = array<i32>} : memref<10000xi32, #tpu.memory_space<vmem>>, vector<16xi32>,
    %get3A_77 = vector.shape_cast %get3A_76 : vector<16xi32> to vector<16xi32>
    %dma_start3A_78 = arith.constant 64 : i32
    %dma_start3A_79 = arith.constant 0 : i32
    %dma_start3A_80 = tpu.memref_slice %arg8[%dma_start3A_78, %dma_start3A_79] : memref<80x128xf32, #tpu.memory_space<vmem>> -> memref<16x128xf32, #tpu.memory_space<vmem>>
    %dma_start3A_81 = arith.constant 0 : i32
    %dma_start3A_82 = arith.constant 0 : i32
    %dma_start3A_83 = tpu.memref_slice %arg10[%dma_start3A_81, %dma_start3A_82] : memref<10240x128xf32, #tpu.memory_space<vmem_shared>> -> memref<10240x128xf32, #tpu.memory_space<vmem_shared>>
    tpu.enqueue_indirect_dma source(%dma_start3A_80 : memref<16x128xf32, #tpu.memory_space<vmem>>) target(%dma_start3A_83 : memref<10240x128xf32, #tpu.memory_space<vmem_shared>>) offsets(%get3A_77 : vector<16xi32>) semaphore(%arg13 : memref<!tpu.dma_semaphore, #tpu.memory_space<semaphore_mem>>) {add = true}
    %dma_wait3A_84 = arith.constant 0 : i32
    %dma_wait3A_85 = arith.constant 0 : i32
    %dma_wait3A_86 = tpu.memref_slice %arg8[%dma_wait3A_84, %dma_wait3A_85] : memref<80x128xf32, #tpu.memory_space<vmem>> -> memref<16x128xf32, #tpu.memory_space<vmem>>
    %dma_wait3A_87 = arith.constant 0 : i32
    %dma_wait3A_88 = arith.constant 0 : i32
    %dma_wait3A_89 = tpu.memref_slice %arg10[%dma_wait3A_87, %dma_wait3A_88] : memref<10240x128xf32, #tpu.memory_space<vmem_shared>> -> memref<10240x128xf32, #tpu.memory_space<vmem_shared>>
    tpu.wait_indirect_dma semaphore(%arg13 : memref<!tpu.dma_semaphore, #tpu.memory_space<semaphore_mem>>) src(%dma_wait3A_86 : memref<16x128xf32, #tpu.memory_space<vmem>>) dst(%dma_wait3A_89 : memref<10240x128xf32, #tpu.memory_space<vmem_shared>>)
    %dma_wait3A_90 = arith.constant 16 : i32
    %dma_wait3A_91 = arith.constant 0 : i32
    %dma_wait3A_92 = tpu.memref_slice %arg8[%dma_wait3A_90, %dma_wait3A_91] : memref<80x128xf32, #tpu.memory_space<vmem>> -> memref<16x128xf32, #tpu.memory_space<vmem>>
    %dma_wait3A_93 = arith.constant 0 : i32
    %dma_wait3A_94 = arith.constant 0 : i32
    %dma_wait3A_95 = tpu.memref_slice %arg10[%dma_wait3A_93, %dma_wait3A_94] : memref<10240x128xf32, #tpu.memory_space<vmem_shared>> -> memref<10240x128xf32, #tpu.memory_space<vmem_shared>>
    tpu.wait_indirect_dma semaphore(%arg13 : memref<!tpu.dma_semaphore, #tpu.memory_space<semaphore_mem>>) src(%dma_wait3A_92 : memref<16x128xf32, #tpu.memory_space<vmem>>) dst(%dma_wait3A_95 : memref<10240x128xf32, #tpu.memory_space<vmem_shared>>)
    %dma_wait3A_96 = arith.constant 32 : i32
    %dma_wait3A_97 = arith.constant 0 : i32
    %dma_wait3A_98 = tpu.memref_slice %arg8[%dma_wait3A_96, %dma_wait3A_97] : memref<80x128xf32, #tpu.memory_space<vmem>> -> memref<16x128xf32, #tpu.memory_space<vmem>>
    %dma_wait3A_99 = arith.constant 0 : i32
    %dma_wait3A_100 = arith.constant 0 : i32
    %dma_wait3A_101 = tpu.memref_slice %arg10[%dma_wait3A_99, %dma_wait3A_100] : memref<10240x128xf32, #tpu.memory_space<vmem_shared>> -> memref<10240x128xf32, #tpu.memory_space<vmem_shared>>
    tpu.wait_indirect_dma semaphore(%arg13 : memref<!tpu.dma_semaphore, #tpu.memory_space<semaphore_mem>>) src(%dma_wait3A_98 : memref<16x128xf32, #tpu.memory_space<vmem>>) dst(%dma_wait3A_101 : memref<10240x128xf32, #tpu.memory_space<vmem_shared>>)
    %dma_wait3A_102 = arith.constant 48 : i32
    %dma_wait3A_103 = arith.constant 0 : i32
    %dma_wait3A_104 = tpu.memref_slice %arg8[%dma_wait3A_102, %dma_wait3A_103] : memref<80x128xf32, #tpu.memory_space<vmem>> -> memref<16x128xf32, #tpu.memory_space<vmem>>
    %dma_wait3A_105 = arith.constant 0 : i32
    %dma_wait3A_106 = arith.constant 0 : i32
    %dma_wait3A_107 = tpu.memref_slice %arg10[%dma_wait3A_105, %dma_wait3A_106] : memref<10240x128xf32, #tpu.memory_space<vmem_shared>> -> memref<10240x128xf32, #tpu.memory_space<vmem_shared>>
    tpu.wait_indirect_dma semaphore(%arg13 : memref<!tpu.dma_semaphore, #tpu.memory_space<semaphore_mem>>) src(%dma_wait3A_104 : memref<16x128xf32, #tpu.memory_space<vmem>>) dst(%dma_wait3A_107 : memref<10240x128xf32, #tpu.memory_space<vmem_shared>>)
    %dma_wait3A_108 = arith.constant 64 : i32
    %dma_wait3A_109 = arith.constant 0 : i32
    %dma_wait3A_110 = tpu.memref_slice %arg8[%dma_wait3A_108, %dma_wait3A_109] : memref<80x128xf32, #tpu.memory_space<vmem>> -> memref<16x128xf32, #tpu.memory_space<vmem>>
    %dma_wait3A_111 = arith.constant 0 : i32
    %dma_wait3A_112 = arith.constant 0 : i32
    %dma_wait3A_113 = tpu.memref_slice %arg10[%dma_wait3A_111, %dma_wait3A_112] : memref<10240x128xf32, #tpu.memory_space<vmem_shared>> -> memref<10240x128xf32, #tpu.memory_space<vmem_shared>>
    tpu.wait_indirect_dma semaphore(%arg13 : memref<!tpu.dma_semaphore, #tpu.memory_space<semaphore_mem>>) src(%dma_wait3A_110 : memref<16x128xf32, #tpu.memory_space<vmem>>) dst(%dma_wait3A_113 : memref<10240x128xf32, #tpu.memory_space<vmem_shared>>)
    %barrier3A_114 = arith.constant 0 : index
    tpu.barrier barrier_id(%barrier3A_114)
    %add3A_115 = arith.constant 0 : i32
    %add3A_116 = arith.addi %mul3A_2, %add3A_115 : i32
    "tpu.region"() ({
      %run_scoped3A = tpu.sem_alloc : memref<!tpu.dma_semaphore, #tpu.memory_space<semaphore_mem>>
      %dma_start3A_147 = arith.constant 0 : i32
      %dma_start3A_148 = tpu.memref_slice %arg10[%add3A_116, %dma_start3A_147] : memref<10240x128xf32, #tpu.memory_space<vmem_shared>> -> memref<80x128xf32, #tpu.memory_space<vmem_shared>>
      %dma_start3A_149 = arith.constant 0 : i32
      %dma_start3A_150 = tpu.memref_slice %arg10[%add3A_116, %dma_start3A_149] : memref<10240x128xf32, #tpu.memory_space<vmem_shared>> -> memref<80x128xf32, #tpu.memory_space<vmem_shared>>
      tpu.enqueue_dma source(%dma_start3A_150 : memref<80x128xf32, #tpu.memory_space<vmem_shared>>) target(%arg8 : memref<80x128xf32, #tpu.memory_space<vmem>>) target_semaphore(%run_scoped3A : memref<!tpu.dma_semaphore, #tpu.memory_space<semaphore_mem>>)
      %dma_wait3A_151 = arith.constant 0 : i32
      %dma_wait3A_152 = tpu.memref_slice %arg10[%add3A_116, %dma_wait3A_151] : memref<10240x128xf32, #tpu.memory_space<vmem_shared>> -> memref<80x128xf32, #tpu.memory_space<vmem_shared>>
      %dma_wait3A_153 = arith.constant 0 : i32
      %dma_wait3A_154 = tpu.memref_slice %arg10[%add3A_116, %dma_wait3A_153] : memref<10240x128xf32, #tpu.memory_space<vmem_shared>> -> memref<80x128xf32, #tpu.memory_space<vmem_shared>>
      tpu.wait_dma2 semaphore(%run_scoped3A : memref<!tpu.dma_semaphore, #tpu.memory_space<semaphore_mem>>) src(%dma_wait3A_154 : memref<80x128xf32, #tpu.memory_space<vmem_shared>>) dst(%arg8 : memref<80x128xf32, #tpu.memory_space<vmem>>)
      tpu.yield
    }) : () -> ()
    %add3A_117 = arith.constant 0 : i32
    %add3A_118 = arith.addi %mul3A_2, %add3A_117 : i32
    "tpu.region"() ({
      %run_scoped3A = tpu.sem_alloc : memref<!tpu.dma_semaphore, #tpu.memory_space<semaphore_mem>>
      %dma_start3A_147 = arith.constant 0 : i32
      %dma_start3A_148 = tpu.memref_slice %arg5[%arg0, %add3A_118, %dma_start3A_147] : memref<2x10240x128xf32, #tpu.memory_space<hbm>> -> memref<1x80x128xf32, #tpu.memory_space<hbm>>
      %dma_start3A_149 = tpu.memref_squeeze %dma_start3A_148 : memref<1x80x128xf32, #tpu.memory_space<hbm>> -> memref<80x128xf32, #tpu.memory_space<hbm>>
      %dma_start3A_150 = arith.constant 0 : i32
      %dma_start3A_151 = tpu.memref_slice %arg5[%arg0, %add3A_118, %dma_start3A_150] : memref<2x10240x128xf32, #tpu.memory_space<hbm>> -> memref<1x80x128xf32, #tpu.memory_space<hbm>>
      %dma_start3A_152 = tpu.memref_squeeze %dma_start3A_151 : memref<1x80x128xf32, #tpu.memory_space<hbm>> -> memref<80x128xf32, #tpu.memory_space<hbm>>
      tpu.enqueue_dma source(%arg8 : memref<80x128xf32, #tpu.memory_space<vmem>>) target(%dma_start3A_152 : memref<80x128xf32, #tpu.memory_space<hbm>>) target_semaphore(%run_scoped3A : memref<!tpu.dma_semaphore, #tpu.memory_space<semaphore_mem>>)
      %dma_wait3A_153 = arith.constant 0 : i32
      %dma_wait3A_154 = tpu.memref_slice %arg5[%arg0, %add3A_118, %dma_wait3A_153] : memref<2x10240x128xf32, #tpu.memory_space<hbm>> -> memref<1x80x128xf32, #tpu.memory_space<hbm>>
      %dma_wait3A_155 = tpu.memref_squeeze %dma_wait3A_154 : memref<1x80x128xf32, #tpu.memory_space<hbm>> -> memref<80x128xf32, #tpu.memory_space<hbm>>
      %dma_wait3A_156 = arith.constant 0 : i32
      %dma_wait3A_157 = tpu.memref_slice %arg5[%arg0, %add3A_118, %dma_wait3A_156] : memref<2x10240x128xf32, #tpu.memory_space<hbm>> -> memref<1x80x128xf32, #tpu.memory_space<hbm>>
      %dma_wait3A_158 = tpu.memref_squeeze %dma_wait3A_157 : memref<1x80x128xf32, #tpu.memory_space<hbm>> -> memref<80x128xf32, #tpu.memory_space<hbm>>
      tpu.wait_dma2 semaphore(%run_scoped3A : memref<!tpu.dma_semaphore, #tpu.memory_space<semaphore_mem>>) src(%arg8 : memref<80x128xf32, #tpu.memory_space<vmem>>) dst(%dma_wait3A_158 : memref<80x128xf32, #tpu.memory_space<hbm>>)
      tpu.yield
    }) : () -> ()
    %add3A_119 = arith.constant 80 : i32
    %add3A_120 = arith.addi %mul3A_2, %add3A_119 : i32
    "tpu.region"() ({
      %run_scoped3A = tpu.sem_alloc : memref<!tpu.dma_semaphore, #tpu.memory_space<semaphore_mem>>
      %dma_start3A_147 = arith.constant 0 : i32
      %dma_start3A_148 = tpu.memref_slice %arg10[%add3A_120, %dma_start3A_147] : memref<10240x128xf32, #tpu.memory_space<vmem_shared>> -> memref<80x128xf32, #tpu.memory_space<vmem_shared>>
      %dma_start3A_149 = arith.constant 0 : i32
      %dma_start3A_150 = tpu.memref_slice %arg10[%add3A_120, %dma_start3A_149] : memref<10240x128xf32, #tpu.memory_space<vmem_shared>> -> memref<80x128xf32, #tpu.memory_space<vmem_shared>>
      tpu.enqueue_dma source(%dma_start3A_150 : memref<80x128xf32, #tpu.memory_space<vmem_shared>>) target(%arg8 : memref<80x128xf32, #tpu.memory_space<vmem>>) target_semaphore(%run_scoped3A : memref<!tpu.dma_semaphore, #tpu.memory_space<semaphore_mem>>)
      %dma_wait3A_151 = arith.constant 0 : i32
      %dma_wait3A_152 = tpu.memref_slice %arg10[%add3A_120, %dma_wait3A_151] : memref<10240x128xf32, #tpu.memory_space<vmem_shared>> -> memref<80x128xf32, #tpu.memory_space<vmem_shared>>
      %dma_wait3A_153 = arith.constant 0 : i32
      %dma_wait3A_154 = tpu.memref_slice %arg10[%add3A_120, %dma_wait3A_153] : memref<10240x128xf32, #tpu.memory_space<vmem_shared>> -> memref<80x128xf32, #tpu.memory_space<vmem_shared>>
      tpu.wait_dma2 semaphore(%run_scoped3A : memref<!tpu.dma_semaphore, #tpu.memory_space<semaphore_mem>>) src(%dma_wait3A_154 : memref<80x128xf32, #tpu.memory_space<vmem_shared>>) dst(%arg8 : memref<80x128xf32, #tpu.memory_space<vmem>>)
      tpu.yield
    }) : () -> ()
    %add3A_121 = arith.constant 80 : i32
    %add3A_122 = arith.addi %mul3A_2, %add3A_121 : i32
    "tpu.region"() ({
      %run_scoped3A = tpu.sem_alloc : memref<!tpu.dma_semaphore, #tpu.memory_space<semaphore_mem>>
      %dma_start3A_147 = arith.constant 0 : i32
      %dma_start3A_148 = tpu.memref_slice %arg5[%arg0, %add3A_122, %dma_start3A_147] : memref<2x10240x128xf32, #tpu.memory_space<hbm>> -> memref<1x80x128xf32, #tpu.memory_space<hbm>>
      %dma_start3A_149 = tpu.memref_squeeze %dma_start3A_148 : memref<1x80x128xf32, #tpu.memory_space<hbm>> -> memref<80x128xf32, #tpu.memory_space<hbm>>
      %dma_start3A_150 = arith.constant 0 : i32
      %dma_start3A_151 = tpu.memref_slice %arg5[%arg0, %add3A_122, %dma_start3A_150] : memref<2x10240x128xf32, #tpu.memory_space<hbm>> -> memref<1x80x128xf32, #tpu.memory_space<hbm>>
      %dma_start3A_152 = tpu.memref_squeeze %dma_start3A_151 : memref<1x80x128xf32, #tpu.memory_space<hbm>> -> memref<80x128xf32, #tpu.memory_space<hbm>>
      tpu.enqueue_dma source(%arg8 : memref<80x128xf32, #tpu.memory_space<vmem>>) target(%dma_start3A_152 : memref<80x128xf32, #tpu.memory_space<hbm>>) target_semaphore(%run_scoped3A : memref<!tpu.dma_semaphore, #tpu.memory_space<semaphore_mem>>)
      %dma_wait3A_153 = arith.constant 0 : i32
      %dma_wait3A_154 = tpu.memref_slice %arg5[%arg0, %add3A_122, %dma_wait3A_153] : memref<2x10240x128xf32, #tpu.memory_space<hbm>> -> memref<1x80x128xf32, #tpu.memory_space<hbm>>
      %dma_wait3A_155 = tpu.memref_squeeze %dma_wait3A_154 : memref<1x80x128xf32, #tpu.memory_space<hbm>> -> memref<80x128xf32, #tpu.memory_space<hbm>>
      %dma_wait3A_156 = arith.constant 0 : i32
      %dma_wait3A_157 = tpu.memref_slice %arg5[%arg0, %add3A_122, %dma_wait3A_156] : memref<2x10240x128xf32, #tpu.memory_space<hbm>> -> memref<1x80x128xf32, #tpu.memory_space<hbm>>
      %dma_wait3A_158 = tpu.memref_squeeze %dma_wait3A_157 : memref<1x80x128xf32, #tpu.memory_space<hbm>> -> memref<80x128xf32, #tpu.memory_space<hbm>>
      tpu.wait_dma2 semaphore(%run_scoped3A : memref<!tpu.dma_semaphore, #tpu.memory_space<semaphore_mem>>) src(%arg8 : memref<80x128xf32, #tpu.memory_space<vmem>>) dst(%dma_wait3A_158 : memref<80x128xf32, #tpu.memory_space<hbm>>)
      tpu.yield
    }) : () -> ()
    %add3A_123 = arith.constant 160 : i32
    %add3A_124 = arith.addi %mul3A_2, %add3A_123 : i32
    "tpu.region"() ({
      %run_scoped3A = tpu.sem_alloc : memref<!tpu.dma_semaphore, #tpu.memory_space<semaphore_mem>>
      %dma_start3A_147 = arith.constant 0 : i32
      %dma_start3A_148 = tpu.memref_slice %arg10[%add3A_124, %dma_start3A_147] : memref<10240x128xf32, #tpu.memory_space<vmem_shared>> -> memref<80x128xf32, #tpu.memory_space<vmem_shared>>
      %dma_start3A_149 = arith.constant 0 : i32
      %dma_start3A_150 = tpu.memref_slice %arg10[%add3A_124, %dma_start3A_149] : memref<10240x128xf32, #tpu.memory_space<vmem_shared>> -> memref<80x128xf32, #tpu.memory_space<vmem_shared>>
      tpu.enqueue_dma source(%dma_start3A_150 : memref<80x128xf32, #tpu.memory_space<vmem_shared>>) target(%arg8 : memref<80x128xf32, #tpu.memory_space<vmem>>) target_semaphore(%run_scoped3A : memref<!tpu.dma_semaphore, #tpu.memory_space<semaphore_mem>>)
      %dma_wait3A_151 = arith.constant 0 : i32
      %dma_wait3A_152 = tpu.memref_slice %arg10[%add3A_124, %dma_wait3A_151] : memref<10240x128xf32, #tpu.memory_space<vmem_shared>> -> memref<80x128xf32, #tpu.memory_space<vmem_shared>>
      %dma_wait3A_153 = arith.constant 0 : i32
      %dma_wait3A_154 = tpu.memref_slice %arg10[%add3A_124, %dma_wait3A_153] : memref<10240x128xf32, #tpu.memory_space<vmem_shared>> -> memref<80x128xf32, #tpu.memory_space<vmem_shared>>
      tpu.wait_dma2 semaphore(%run_scoped3A : memref<!tpu.dma_semaphore, #tpu.memory_space<semaphore_mem>>) src(%dma_wait3A_154 : memref<80x128xf32, #tpu.memory_space<vmem_shared>>) dst(%arg8 : memref<80x128xf32, #tpu.memory_space<vmem>>)
      tpu.yield
    }) : () -> ()
    %add3A_125 = arith.constant 160 : i32
    %add3A_126 = arith.addi %mul3A_2, %add3A_125 : i32
    "tpu.region"() ({
      %run_scoped3A = tpu.sem_alloc : memref<!tpu.dma_semaphore, #tpu.memory_space<semaphore_mem>>
      %dma_start3A_147 = arith.constant 0 : i32
      %dma_start3A_148 = tpu.memref_slice %arg5[%arg0, %add3A_126, %dma_start3A_147] : memref<2x10240x128xf32, #tpu.memory_space<hbm>> -> memref<1x80x128xf32, #tpu.memory_space<hbm>>
      %dma_start3A_149 = tpu.memref_squeeze %dma_start3A_148 : memref<1x80x128xf32, #tpu.memory_space<hbm>> -> memref<80x128xf32, #tpu.memory_space<hbm>>
      %dma_start3A_150 = arith.constant 0 : i32
      %dma_start3A_151 = tpu.memref_slice %arg5[%arg0, %add3A_126, %dma_start3A_150] : memref<2x10240x128xf32, #tpu.memory_space<hbm>> -> memref<1x80x128xf32, #tpu.memory_space<hbm>>
      %dma_start3A_152 = tpu.memref_squeeze %dma_start3A_151 : memref<1x80x128xf32, #tpu.memory_space<hbm>> -> memref<80x128xf32, #tpu.memory_space<hbm>>
      tpu.enqueue_dma source(%arg8 : memref<80x128xf32, #tpu.memory_space<vmem>>) target(%dma_start3A_152 : memref<80x128xf32, #tpu.memory_space<hbm>>) target_semaphore(%run_scoped3A : memref<!tpu.dma_semaphore, #tpu.memory_space<semaphore_mem>>)
      %dma_wait3A_153 = arith.constant 0 : i32
      %dma_wait3A_154 = tpu.memref_slice %arg5[%arg0, %add3A_126, %dma_wait3A_153] : memref<2x10240x128xf32, #tpu.memory_space<hbm>> -> memref<1x80x128xf32, #tpu.memory_space<hbm>>
      %dma_wait3A_155 = tpu.memref_squeeze %dma_wait3A_154 : memref<1x80x128xf32, #tpu.memory_space<hbm>> -> memref<80x128xf32, #tpu.memory_space<hbm>>
      %dma_wait3A_156 = arith.constant 0 : i32
      %dma_wait3A_157 = tpu.memref_slice %arg5[%arg0, %add3A_126, %dma_wait3A_156] : memref<2x10240x128xf32, #tpu.memory_space<hbm>> -> memref<1x80x128xf32, #tpu.memory_space<hbm>>
      %dma_wait3A_158 = tpu.memref_squeeze %dma_wait3A_157 : memref<1x80x128xf32, #tpu.memory_space<hbm>> -> memref<80x128xf32, #tpu.memory_space<hbm>>
      tpu.wait_dma2 semaphore(%run_scoped3A : memref<!tpu.dma_semaphore, #tpu.memory_space<semaphore_mem>>) src(%arg8 : memref<80x128xf32, #tpu.memory_space<vmem>>) dst(%dma_wait3A_158 : memref<80x128xf32, #tpu.memory_space<hbm>>)
      tpu.yield
    }) : () -> ()
    %add3A_127 = arith.constant 240 : i32
    %add3A_128 = arith.addi %mul3A_2, %add3A_127 : i32
    "tpu.region"() ({
      %run_scoped3A = tpu.sem_alloc : memref<!tpu.dma_semaphore, #tpu.memory_space<semaphore_mem>>
      %dma_start3A_147 = arith.constant 0 : i32
      %dma_start3A_148 = tpu.memref_slice %arg10[%add3A_128, %dma_start3A_147] : memref<10240x128xf32, #tpu.memory_space<vmem_shared>> -> memref<80x128xf32, #tpu.memory_space<vmem_shared>>
      %dma_start3A_149 = arith.constant 0 : i32
      %dma_start3A_150 = tpu.memref_slice %arg10[%add3A_128, %dma_start3A_149] : memref<10240x128xf32, #tpu.memory_space<vmem_shared>> -> memref<80x128xf32, #tpu.memory_space<vmem_shared>>
      tpu.enqueue_dma source(%dma_start3A_150 : memref<80x128xf32, #tpu.memory_space<vmem_shared>>) target(%arg8 : memref<80x128xf32, #tpu.memory_space<vmem>>) target_semaphore(%run_scoped3A : memref<!tpu.dma_semaphore, #tpu.memory_space<semaphore_mem>>)
      %dma_wait3A_151 = arith.constant 0 : i32
      %dma_wait3A_152 = tpu.memref_slice %arg10[%add3A_128, %dma_wait3A_151] : memref<10240x128xf32, #tpu.memory_space<vmem_shared>> -> memref<80x128xf32, #tpu.memory_space<vmem_shared>>
      %dma_wait3A_153 = arith.constant 0 : i32
      %dma_wait3A_154 = tpu.memref_slice %arg10[%add3A_128, %dma_wait3A_153] : memref<10240x128xf32, #tpu.memory_space<vmem_shared>> -> memref<80x128xf32, #tpu.memory_space<vmem_shared>>
      tpu.wait_dma2 semaphore(%run_scoped3A : memref<!tpu.dma_semaphore, #tpu.memory_space<semaphore_mem>>) src(%dma_wait3A_154 : memref<80x128xf32, #tpu.memory_space<vmem_shared>>) dst(%arg8 : memref<80x128xf32, #tpu.memory_space<vmem>>)
      tpu.yield
    }) : () -> ()
    %add3A_129 = arith.constant 240 : i32
    %add3A_130 = arith.addi %mul3A_2, %add3A_129 : i32
    "tpu.region"() ({
      %run_scoped3A = tpu.sem_alloc : memref<!tpu.dma_semaphore, #tpu.memory_space<semaphore_mem>>
      %dma_start3A_147 = arith.constant 0 : i32
      %dma_start3A_148 = tpu.memref_slice %arg5[%arg0, %add3A_130, %dma_start3A_147] : memref<2x10240x128xf32, #tpu.memory_space<hbm>> -> memref<1x80x128xf32, #tpu.memory_space<hbm>>
      %dma_start3A_149 = tpu.memref_squeeze %dma_start3A_148 : memref<1x80x128xf32, #tpu.memory_space<hbm>> -> memref<80x128xf32, #tpu.memory_space<hbm>>
      %dma_start3A_150 = arith.constant 0 : i32
      %dma_start3A_151 = tpu.memref_slice %arg5[%arg0, %add3A_130, %dma_start3A_150] : memref<2x10240x128xf32, #tpu.memory_space<hbm>> -> memref<1x80x128xf32, #tpu.memory_space<hbm>>
      %dma_start3A_152 = tpu.memref_squeeze %dma_start3A_151 : memref<1x80x128xf32, #tpu.memory_space<hbm>> -> memref<80x128xf32, #tpu.memory_space<hbm>>
      tpu.enqueue_dma source(%arg8 : memref<80x128xf32, #tpu.memory_space<vmem>>) target(%dma_start3A_152 : memref<80x128xf32, #tpu.memory_space<hbm>>) target_semaphore(%run_scoped3A : memref<!tpu.dma_semaphore, #tpu.memory_space<semaphore_mem>>)
      %dma_wait3A_153 = arith.constant 0 : i32
      %dma_wait3A_154 = tpu.memref_slice %arg5[%arg0, %add3A_130, %dma_wait3A_153] : memref<2x10240x128xf32, #tpu.memory_space<hbm>> -> memref<1x80x128xf32, #tpu.memory_space<hbm>>
      %dma_wait3A_155 = tpu.memref_squeeze %dma_wait3A_154 : memref<1x80x128xf32, #tpu.memory_space<hbm>> -> memref<80x128xf32, #tpu.memory_space<hbm>>
      %dma_wait3A_156 = arith.constant 0 : i32
      %dma_wait3A_157 = tpu.memref_slice %arg5[%arg0, %add3A_130, %dma_wait3A_156] : memref<2x10240x128xf32, #tpu.memory_space<hbm>> -> memref<1x80x128xf32, #tpu.memory_space<hbm>>
      %dma_wait3A_158 = tpu.memref_squeeze %dma_wait3A_157 : memref<1x80x128xf32, #tpu.memory_space<hbm>> -> memref<80x128xf32, #tpu.memory_space<hbm>>
      tpu.wait_dma2 semaphore(%run_scoped3A : memref<!tpu.dma_semaphore, #tpu.memory_space<semaphore_mem>>) src(%arg8 : memref<80x128xf32, #tpu.memory_space<vmem>>) dst(%dma_wait3A_158 : memref<80x128xf32, #tpu.memory_space<hbm>>)
      tpu.yield
    }) : () -> ()
    %add3A_131 = arith.constant 320 : i32
    %add3A_132 = arith.addi %mul3A_2, %add3A_131 : i32
    "tpu.region"() ({
      %run_scoped3A = tpu.sem_alloc : memref<!tpu.dma_semaphore, #tpu.memory_space<semaphore_mem>>
      %dma_start3A_147 = arith.constant 0 : i32
      %dma_start3A_148 = tpu.memref_slice %arg10[%add3A_132, %dma_start3A_147] : memref<10240x128xf32, #tpu.memory_space<vmem_shared>> -> memref<80x128xf32, #tpu.memory_space<vmem_shared>>
      %dma_start3A_149 = arith.constant 0 : i32
      %dma_start3A_150 = tpu.memref_slice %arg10[%add3A_132, %dma_start3A_149] : memref<10240x128xf32, #tpu.memory_space<vmem_shared>> -> memref<80x128xf32, #tpu.memory_space<vmem_shared>>
      tpu.enqueue_dma source(%dma_start3A_150 : memref<80x128xf32, #tpu.memory_space<vmem_shared>>) target(%arg8 : memref<80x128xf32, #tpu.memory_space<vmem>>) target_semaphore(%run_scoped3A : memref<!tpu.dma_semaphore, #tpu.memory_space<semaphore_mem>>)
      %dma_wait3A_151 = arith.constant 0 : i32
      %dma_wait3A_152 = tpu.memref_slice %arg10[%add3A_132, %dma_wait3A_151] : memref<10240x128xf32, #tpu.memory_space<vmem_shared>> -> memref<80x128xf32, #tpu.memory_space<vmem_shared>>
      %dma_wait3A_153 = arith.constant 0 : i32
      %dma_wait3A_154 = tpu.memref_slice %arg10[%add3A_132, %dma_wait3A_153] : memref<10240x128xf32, #tpu.memory_space<vmem_shared>> -> memref<80x128xf32, #tpu.memory_space<vmem_shared>>
      tpu.wait_dma2 semaphore(%run_scoped3A : memref<!tpu.dma_semaphore, #tpu.memory_space<semaphore_mem>>) src(%dma_wait3A_154 : memref<80x128xf32, #tpu.memory_space<vmem_shared>>) dst(%arg8 : memref<80x128xf32, #tpu.memory_space<vmem>>)
      tpu.yield
    }) : () -> ()
    %add3A_133 = arith.constant 320 : i32
    %add3A_134 = arith.addi %mul3A_2, %add3A_133 : i32
    "tpu.region"() ({
      %run_scoped3A = tpu.sem_alloc : memref<!tpu.dma_semaphore, #tpu.memory_space<semaphore_mem>>
      %dma_start3A_147 = arith.constant 0 : i32
      %dma_start3A_148 = tpu.memref_slice %arg5[%arg0, %add3A_134, %dma_start3A_147] : memref<2x10240x128xf32, #tpu.memory_space<hbm>> -> memref<1x80x128xf32, #tpu.memory_space<hbm>>
      %dma_start3A_149 = tpu.memref_squeeze %dma_start3A_148 : memref<1x80x128xf32, #tpu.memory_space<hbm>> -> memref<80x128xf32, #tpu.memory_space<hbm>>
      %dma_start3A_150 = arith.constant 0 : i32
      %dma_start3A_151 = tpu.memref_slice %arg5[%arg0, %add3A_134, %dma_start3A_150] : memref<2x10240x128xf32, #tpu.memory_space<hbm>> -> memref<1x80x128xf32, #tpu.memory_space<hbm>>
      %dma_start3A_152 = tpu.memref_squeeze %dma_start3A_151 : memref<1x80x128xf32, #tpu.memory_space<hbm>> -> memref<80x128xf32, #tpu.memory_space<hbm>>
      tpu.enqueue_dma source(%arg8 : memref<80x128xf32, #tpu.memory_space<vmem>>) target(%dma_start3A_152 : memref<80x128xf32, #tpu.memory_space<hbm>>) target_semaphore(%run_scoped3A : memref<!tpu.dma_semaphore, #tpu.memory_space<semaphore_mem>>)
      %dma_wait3A_153 = arith.constant 0 : i32
      %dma_wait3A_154 = tpu.memref_slice %arg5[%arg0, %add3A_134, %dma_wait3A_153] : memref<2x10240x128xf32, #tpu.memory_space<hbm>> -> memref<1x80x128xf32, #tpu.memory_space<hbm>>
      %dma_wait3A_155 = tpu.memref_squeeze %dma_wait3A_154 : memref<1x80x128xf32, #tpu.memory_space<hbm>> -> memref<80x128xf32, #tpu.memory_space<hbm>>
      %dma_wait3A_156 = arith.constant 0 : i32
      %dma_wait3A_157 = tpu.memref_slice %arg5[%arg0, %add3A_134, %dma_wait3A_156] : memref<2x10240x128xf32, #tpu.memory_space<hbm>> -> memref<1x80x128xf32, #tpu.memory_space<hbm>>
      %dma_wait3A_158 = tpu.memref_squeeze %dma_wait3A_157 : memref<1x80x128xf32, #tpu.memory_space<hbm>> -> memref<80x128xf32, #tpu.memory_space<hbm>>
      tpu.wait_dma2 semaphore(%run_scoped3A : memref<!tpu.dma_semaphore, #tpu.memory_space<semaphore_mem>>) src(%arg8 : memref<80x128xf32, #tpu.memory_space<vmem>>) dst(%dma_wait3A_158 : memref<80x128xf32, #tpu.memory_space<hbm>>)
      tpu.yield
    }) : () -> ()
    %add3A_135 = arith.constant 400 : i32
    %add3A_136 = arith.addi %mul3A_2, %add3A_135 : i32
    "tpu.region"() ({
      %run_scoped3A = tpu.sem_alloc : memref<!tpu.dma_semaphore, #tpu.memory_space<semaphore_mem>>
      %dma_start3A_147 = arith.constant 0 : i32
      %dma_start3A_148 = tpu.memref_slice %arg10[%add3A_136, %dma_start3A_147] : memref<10240x128xf32, #tpu.memory_space<vmem_shared>> -> memref<80x128xf32, #tpu.memory_space<vmem_shared>>
      %dma_start3A_149 = arith.constant 0 : i32
      %dma_start3A_150 = tpu.memref_slice %arg10[%add3A_136, %dma_start3A_149] : memref<10240x128xf32, #tpu.memory_space<vmem_shared>> -> memref<80x128xf32, #tpu.memory_space<vmem_shared>>
      tpu.enqueue_dma source(%dma_start3A_150 : memref<80x128xf32, #tpu.memory_space<vmem_shared>>) target(%arg8 : memref<80x128xf32, #tpu.memory_space<vmem>>) target_semaphore(%run_scoped3A : memref<!tpu.dma_semaphore, #tpu.memory_space<semaphore_mem>>)
      %dma_wait3A_151 = arith.constant 0 : i32
      %dma_wait3A_152 = tpu.memref_slice %arg10[%add3A_136, %dma_wait3A_151] : memref<10240x128xf32, #tpu.memory_space<vmem_shared>> -> memref<80x128xf32, #tpu.memory_space<vmem_shared>>
      %dma_wait3A_153 = arith.constant 0 : i32
      %dma_wait3A_154 = tpu.memref_slice %arg10[%add3A_136, %dma_wait3A_153] : memref<10240x128xf32, #tpu.memory_space<vmem_shared>> -> memref<80x128xf32, #tpu.memory_space<vmem_shared>>
      tpu.wait_dma2 semaphore(%run_scoped3A : memref<!tpu.dma_semaphore, #tpu.memory_space<semaphore_mem>>) src(%dma_wait3A_154 : memref<80x128xf32, #tpu.memory_space<vmem_shared>>) dst(%arg8 : memref<80x128xf32, #tpu.memory_space<vmem>>)
      tpu.yield
    }) : () -> ()
    %add3A_137 = arith.constant 400 : i32
    %add3A_138 = arith.addi %mul3A_2, %add3A_137 : i32
    "tpu.region"() ({
      %run_scoped3A = tpu.sem_alloc : memref<!tpu.dma_semaphore, #tpu.memory_space<semaphore_mem>>
      %dma_start3A_147 = arith.constant 0 : i32
      %dma_start3A_148 = tpu.memref_slice %arg5[%arg0, %add3A_138, %dma_start3A_147] : memref<2x10240x128xf32, #tpu.memory_space<hbm>> -> memref<1x80x128xf32, #tpu.memory_space<hbm>>
      %dma_start3A_149 = tpu.memref_squeeze %dma_start3A_148 : memref<1x80x128xf32, #tpu.memory_space<hbm>> -> memref<80x128xf32, #tpu.memory_space<hbm>>
      %dma_start3A_150 = arith.constant 0 : i32
      %dma_start3A_151 = tpu.memref_slice %arg5[%arg0, %add3A_138, %dma_start3A_150] : memref<2x10240x128xf32, #tpu.memory_space<hbm>> -> memref<1x80x128xf32, #tpu.memory_space<hbm>>
      %dma_start3A_152 = tpu.memref_squeeze %dma_start3A_151 : memref<1x80x128xf32, #tpu.memory_space<hbm>> -> memref<80x128xf32, #tpu.memory_space<hbm>>
      tpu.enqueue_dma source(%arg8 : memref<80x128xf32, #tpu.memory_space<vmem>>) target(%dma_start3A_152 : memref<80x128xf32, #tpu.memory_space<hbm>>) target_semaphore(%run_scoped3A : memref<!tpu.dma_semaphore, #tpu.memory_space<semaphore_mem>>)
      %dma_wait3A_153 = arith.constant 0 : i32
      %dma_wait3A_154 = tpu.memref_slice %arg5[%arg0, %add3A_138, %dma_wait3A_153] : memref<2x10240x128xf32, #tpu.memory_space<hbm>> -> memref<1x80x128xf32, #tpu.memory_space<hbm>>
      %dma_wait3A_155 = tpu.memref_squeeze %dma_wait3A_154 : memref<1x80x128xf32, #tpu.memory_space<hbm>> -> memref<80x128xf32, #tpu.memory_space<hbm>>
      %dma_wait3A_156 = arith.constant 0 : i32
      %dma_wait3A_157 = tpu.memref_slice %arg5[%arg0, %add3A_138, %dma_wait3A_156] : memref<2x10240x128xf32, #tpu.memory_space<hbm>> -> memref<1x80x128xf32, #tpu.memory_space<hbm>>
      %dma_wait3A_158 = tpu.memref_squeeze %dma_wait3A_157 : memref<1x80x128xf32, #tpu.memory_space<hbm>> -> memref<80x128xf32, #tpu.memory_space<hbm>>
      tpu.wait_dma2 semaphore(%run_scoped3A : memref<!tpu.dma_semaphore, #tpu.memory_space<semaphore_mem>>) src(%arg8 : memref<80x128xf32, #tpu.memory_space<vmem>>) dst(%dma_wait3A_158 : memref<80x128xf32, #tpu.memory_space<hbm>>)
      tpu.yield
    }) : () -> ()
    %add3A_139 = arith.constant 480 : i32
    %add3A_140 = arith.addi %mul3A_2, %add3A_139 : i32
    "tpu.region"() ({
      %run_scoped3A = tpu.sem_alloc : memref<!tpu.dma_semaphore, #tpu.memory_space<semaphore_mem>>
      %dma_start3A_147 = arith.constant 0 : i32
      %dma_start3A_148 = tpu.memref_slice %arg10[%add3A_140, %dma_start3A_147] : memref<10240x128xf32, #tpu.memory_space<vmem_shared>> -> memref<80x128xf32, #tpu.memory_space<vmem_shared>>
      %dma_start3A_149 = arith.constant 0 : i32
      %dma_start3A_150 = tpu.memref_slice %arg10[%add3A_140, %dma_start3A_149] : memref<10240x128xf32, #tpu.memory_space<vmem_shared>> -> memref<80x128xf32, #tpu.memory_space<vmem_shared>>
      tpu.enqueue_dma source(%dma_start3A_150 : memref<80x128xf32, #tpu.memory_space<vmem_shared>>) target(%arg8 : memref<80x128xf32, #tpu.memory_space<vmem>>) target_semaphore(%run_scoped3A : memref<!tpu.dma_semaphore, #tpu.memory_space<semaphore_mem>>)
      %dma_wait3A_151 = arith.constant 0 : i32
      %dma_wait3A_152 = tpu.memref_slice %arg10[%add3A_140, %dma_wait3A_151] : memref<10240x128xf32, #tpu.memory_space<vmem_shared>> -> memref<80x128xf32, #tpu.memory_space<vmem_shared>>
      %dma_wait3A_153 = arith.constant 0 : i32
      %dma_wait3A_154 = tpu.memref_slice %arg10[%add3A_140, %dma_wait3A_153] : memref<10240x128xf32, #tpu.memory_space<vmem_shared>> -> memref<80x128xf32, #tpu.memory_space<vmem_shared>>
      tpu.wait_dma2 semaphore(%run_scoped3A : memref<!tpu.dma_semaphore, #tpu.memory_space<semaphore_mem>>) src(%dma_wait3A_154 : memref<80x128xf32, #tpu.memory_space<vmem_shared>>) dst(%arg8 : memref<80x128xf32, #tpu.memory_space<vmem>>)
      tpu.yield
    }) : () -> ()
    %add3A_141 = arith.constant 480 : i32
    %add3A_142 = arith.addi %mul3A_2, %add3A_141 : i32
    "tpu.region"() ({
      %run_scoped3A = tpu.sem_alloc : memref<!tpu.dma_semaphore, #tpu.memory_space<semaphore_mem>>
      %dma_start3A_147 = arith.constant 0 : i32
      %dma_start3A_148 = tpu.memref_slice %arg5[%arg0, %add3A_142, %dma_start3A_147] : memref<2x10240x128xf32, #tpu.memory_space<hbm>> -> memref<1x80x128xf32, #tpu.memory_space<hbm>>
      %dma_start3A_149 = tpu.memref_squeeze %dma_start3A_148 : memref<1x80x128xf32, #tpu.memory_space<hbm>> -> memref<80x128xf32, #tpu.memory_space<hbm>>
      %dma_start3A_150 = arith.constant 0 : i32
      %dma_start3A_151 = tpu.memref_slice %arg5[%arg0, %add3A_142, %dma_start3A_150] : memref<2x10240x128xf32, #tpu.memory_space<hbm>> -> memref<1x80x128xf32, #tpu.memory_space<hbm>>
      %dma_start3A_152 = tpu.memref_squeeze %dma_start3A_151 : memref<1x80x128xf32, #tpu.memory_space<hbm>> -> memref<80x128xf32, #tpu.memory_space<hbm>>
      tpu.enqueue_dma source(%arg8 : memref<80x128xf32, #tpu.memory_space<vmem>>) target(%dma_start3A_152 : memref<80x128xf32, #tpu.memory_space<hbm>>) target_semaphore(%run_scoped3A : memref<!tpu.dma_semaphore, #tpu.memory_space<semaphore_mem>>)
      %dma_wait3A_153 = arith.constant 0 : i32
      %dma_wait3A_154 = tpu.memref_slice %arg5[%arg0, %add3A_142, %dma_wait3A_153] : memref<2x10240x128xf32, #tpu.memory_space<hbm>> -> memref<1x80x128xf32, #tpu.memory_space<hbm>>
      %dma_wait3A_155 = tpu.memref_squeeze %dma_wait3A_154 : memref<1x80x128xf32, #tpu.memory_space<hbm>> -> memref<80x128xf32, #tpu.memory_space<hbm>>
      %dma_wait3A_156 = arith.constant 0 : i32
      %dma_wait3A_157 = tpu.memref_slice %arg5[%arg0, %add3A_142, %dma_wait3A_156] : memref<2x10240x128xf32, #tpu.memory_space<hbm>> -> memref<1x80x128xf32, #tpu.memory_space<hbm>>
      %dma_wait3A_158 = tpu.memref_squeeze %dma_wait3A_157 : memref<1x80x128xf32, #tpu.memory_space<hbm>> -> memref<80x128xf32, #tpu.memory_space<hbm>>
      tpu.wait_dma2 semaphore(%run_scoped3A : memref<!tpu.dma_semaphore, #tpu.memory_space<semaphore_mem>>) src(%arg8 : memref<80x128xf32, #tpu.memory_space<vmem>>) dst(%dma_wait3A_158 : memref<80x128xf32, #tpu.memory_space<hbm>>)
      tpu.yield
    }) : () -> ()
    %add3A_143 = arith.constant 560 : i32
    %add3A_144 = arith.addi %mul3A_2, %add3A_143 : i32
    "tpu.region"() ({
      %run_scoped3A = tpu.sem_alloc : memref<!tpu.dma_semaphore, #tpu.memory_space<semaphore_mem>>
      %dma_start3A_147 = arith.constant 0 : i32
      %dma_start3A_148 = tpu.memref_slice %arg10[%add3A_144, %dma_start3A_147] : memref<10240x128xf32, #tpu.memory_space<vmem_shared>> -> memref<80x128xf32, #tpu.memory_space<vmem_shared>>
      %dma_start3A_149 = arith.constant 0 : i32
      %dma_start3A_150 = tpu.memref_slice %arg10[%add3A_144, %dma_start3A_149] : memref<10240x128xf32, #tpu.memory_space<vmem_shared>> -> memref<80x128xf32, #tpu.memory_space<vmem_shared>>
      tpu.enqueue_dma source(%dma_start3A_150 : memref<80x128xf32, #tpu.memory_space<vmem_shared>>) target(%arg8 : memref<80x128xf32, #tpu.memory_space<vmem>>) target_semaphore(%run_scoped3A : memref<!tpu.dma_semaphore, #tpu.memory_space<semaphore_mem>>)
      %dma_wait3A_151 = arith.constant 0 : i32
      %dma_wait3A_152 = tpu.memref_slice %arg10[%add3A_144, %dma_wait3A_151] : memref<10240x128xf32, #tpu.memory_space<vmem_shared>> -> memref<80x128xf32, #tpu.memory_space<vmem_shared>>
      %dma_wait3A_153 = arith.constant 0 : i32
      %dma_wait3A_154 = tpu.memref_slice %arg10[%add3A_144, %dma_wait3A_153] : memref<10240x128xf32, #tpu.memory_space<vmem_shared>> -> memref<80x128xf32, #tpu.memory_space<vmem_shared>>
      tpu.wait_dma2 semaphore(%run_scoped3A : memref<!tpu.dma_semaphore, #tpu.memory_space<semaphore_mem>>) src(%dma_wait3A_154 : memref<80x128xf32, #tpu.memory_space<vmem_shared>>) dst(%arg8 : memref<80x128xf32, #tpu.memory_space<vmem>>)
      tpu.yield
    }) : () -> ()
    %add3A_145 = arith.constant 560 : i32
    %add3A_146 = arith.addi %mul3A_2, %add3A_145 : i32
    "tpu.region"() ({
      %run_scoped3A = tpu.sem_alloc : memref<!tpu.dma_semaphore, #tpu.memory_space<semaphore_mem>>
      %dma_start3A_147 = arith.constant 0 : i32
      %dma_start3A_148 = tpu.memref_slice %arg5[%arg0, %add3A_146, %dma_start3A_147] : memref<2x10240x128xf32, #tpu.memory_space<hbm>> -> memref<1x80x128xf32, #tpu.memory_space<hbm>>
      %dma_start3A_149 = tpu.memref_squeeze %dma_start3A_148 : memref<1x80x128xf32, #tpu.memory_space<hbm>> -> memref<80x128xf32, #tpu.memory_space<hbm>>
      %dma_start3A_150 = arith.constant 0 : i32
      %dma_start3A_151 = tpu.memref_slice %arg5[%arg0, %add3A_146, %dma_start3A_150] : memref<2x10240x128xf32, #tpu.memory_space<hbm>> -> memref<1x80x128xf32, #tpu.memory_space<hbm>>
      %dma_start3A_152 = tpu.memref_squeeze %dma_start3A_151 : memref<1x80x128xf32, #tpu.memory_space<hbm>> -> memref<80x128xf32, #tpu.memory_space<hbm>>
      tpu.enqueue_dma source(%arg8 : memref<80x128xf32, #tpu.memory_space<vmem>>) target(%dma_start3A_152 : memref<80x128xf32, #tpu.memory_space<hbm>>) target_semaphore(%run_scoped3A : memref<!tpu.dma_semaphore, #tpu.memory_space<semaphore_mem>>)
      %dma_wait3A_153 = arith.constant 0 : i32
      %dma_wait3A_154 = tpu.memref_slice %arg5[%arg0, %add3A_146, %dma_wait3A_153] : memref<2x10240x128xf32, #tpu.memory_space<hbm>> -> memref<1x80x128xf32, #tpu.memory_space<hbm>>
      %dma_wait3A_155 = tpu.memref_squeeze %dma_wait3A_154 : memref<1x80x128xf32, #tpu.memory_space<hbm>> -> memref<80x128xf32, #tpu.memory_space<hbm>>
      %dma_wait3A_156 = arith.constant 0 : i32
      %dma_wait3A_157 = tpu.memref_slice %arg5[%arg0, %add3A_146, %dma_wait3A_156] : memref<2x10240x128xf32, #tpu.memory_space<hbm>> -> memref<1x80x128xf32, #tpu.memory_space<hbm>>
      %dma_wait3A_158 = tpu.memref_squeeze %dma_wait3A_157 : memref<1x80x128xf32, #tpu.memory_space<hbm>> -> memref<80x128xf32, #tpu.memory_space<hbm>>
      tpu.wait_dma2 semaphore(%run_scoped3A : memref<!tpu.dma_semaphore, #tpu.memory_space<semaphore_mem>>) src(%arg8 : memref<80x128xf32, #tpu.memory_space<vmem>>) dst(%dma_wait3A_158 : memref<80x128xf32, #tpu.memory_space<hbm>>)
      tpu.yield
    }) : () -> ()
    return
  }
}

module attributes {stable_mosaic.version = 14 : i64} {
  func.func @body(%arg0: i32, %arg1: memref<1000x128xf32, #tpu.memory_space<vmem>>, %arg2: memref<2x1000x128xf32, #tpu.memory_space<vmem>>, %arg3: memref<1000x1xf32, #tpu.memory_space<vmem>>, %arg4: memref<128x128xf32, #tpu.memory_space<vmem>>, %arg5: memref<128x128xf32, #tpu.memory_space<vmem>>, %arg6: memref<1x128xf32, #tpu.memory_space<vmem>>, %arg7: memref<1000x128xf32, #tpu.memory_space<vmem>>) attributes {dimension_semantics = [#tpu.dimension_semantics<arbitrary>], iteration_bounds = array<i64: 10>, scalar_prefetch = 0 : i64, scratch_operands = 0 : i64, tpu.core_type = #tpu.core_type<tc>, window_params = [{transform_indices = @transform_0, window_bounds = array<i64: 1000, 128>}, {transform_indices = @transform_1, window_bounds = array<i64: 2, 1000, 128>}, {transform_indices = @transform_2, window_bounds = array<i64: 1000, 1>}, {pipeline_mode = #tpu.pipeline_mode<synchronous>, transform_indices = @transform_3, window_bounds = array<i64: 128, 128>}, {pipeline_mode = #tpu.pipeline_mode<synchronous>, transform_indices = @transform_4, window_bounds = array<i64: 128, 128>}, {pipeline_mode = #tpu.pipeline_mode<synchronous>, transform_indices = @transform_5, window_bounds = array<i64: 1, 128>}, {transform_indices = @transform_6, window_bounds = array<i64: 1000, 128>}]} {
    %get3A = arith.constant 0 : index
    %get3A_0 = arith.constant 0 : index
    %get3A_1 = arith.constant 0 : index
    %get3A_2 = vector.load %arg2[%get3A, %get3A_0, %get3A_1] : memref<2x1000x128xf32, #tpu.memory_space<vmem>>, vector<1x1000x128xf32>
    %get3A_3 = vector.shape_cast %get3A_2 : vector<1x1000x128xf32> to vector<1000x128xf32>
    %get3A_4 = arith.constant 1 : index
    %get3A_5 = arith.constant 0 : index
    %get3A_6 = arith.constant 0 : index
    %get3A_7 = vector.load %arg2[%get3A_4, %get3A_5, %get3A_6] : memref<2x1000x128xf32, #tpu.memory_space<vmem>>, vector<1x1000x128xf32>
    %get3A_8 = vector.shape_cast %get3A_7 : vector<1x1000x128xf32> to vector<1000x128xf32>
    %add3A = arith.addf %get3A_3, %get3A_8 : vector<1000x128xf32>
    %get3A_9 = arith.constant 0 : index
    %get3A_10 = arith.constant 0 : index
    %get3A_11 = vector.load %arg3[%get3A_9, %get3A_10] : memref<1000x1xf32, #tpu.memory_space<vmem>>, vector<1000x1xf32>
    %mul3A = vector.broadcast %get3A_11 : vector<1000x1xf32> to vector<1000x128xf32>
    %mul3A_12 = arith.mulf %add3A, %mul3A : vector<1000x128xf32>
    %get3A_13 = arith.constant 0 : index
    %get3A_14 = arith.constant 0 : index
    %get3A_15 = vector.load %arg1[%get3A_13, %get3A_14] : memref<1000x128xf32, #tpu.memory_space<vmem>>, vector<1000x128xf32>
    %get3A_16 = arith.constant 0 : index
    %get3A_17 = arith.constant 0 : index
    %get3A_18 = vector.load %arg4[%get3A_16, %get3A_17] : memref<128x128xf32, #tpu.memory_space<vmem>>, vector<128x128xf32>
    %dot_general3A = arith.constant dense<0.000000e+00> : vector<1000x128xf32>
    %dot_general3A_19 = tpu.matmul %get3A_15, %get3A_18, %dot_general3A {dimension_numbers = #tpu.dot_dimension_numbers<[1], [0], [0], [1], [0, 0, 1, 1], [], []>, transpose_lhs_hint = false} : vector<1000x128xf32>, vector<128x128xf32>, vector<1000x128xf32> -> vector<1000x128xf32>
    %get3A_20 = arith.constant 0 : index
    %get3A_21 = arith.constant 0 : index
    %get3A_22 = vector.load %arg5[%get3A_20, %get3A_21] : memref<128x128xf32, #tpu.memory_space<vmem>>, vector<128x128xf32>
    %dot_general3A_23 = arith.constant dense<0.000000e+00> : vector<1000x128xf32>
    %dot_general3A_24 = tpu.matmul %mul3A_12, %get3A_22, %dot_general3A_23 {dimension_numbers = #tpu.dot_dimension_numbers<[1], [0], [0], [1], [0, 0, 1, 1], [], []>, transpose_lhs_hint = false} : vector<1000x128xf32>, vector<128x128xf32>, vector<1000x128xf32> -> vector<1000x128xf32>
    %add3A_25 = arith.addf %dot_general3A_19, %dot_general3A_24 : vector<1000x128xf32>
    %get3A_26 = arith.constant 0 : index
    %get3A_27 = arith.constant 0 : index
    %get3A_28 = vector.load %arg6[%get3A_26, %get3A_27] : memref<1x128xf32, #tpu.memory_space<vmem>>, vector<1x128xf32>
    %add3A_29 = vector.broadcast %get3A_28 : vector<1x128xf32> to vector<1000x128xf32>
    %add3A_30 = arith.addf %add3A_25, %add3A_29 : vector<1000x128xf32>
    %swap3A = arith.constant 0 : index
    %swap3A_31 = arith.constant 0 : index
    %swap3A_32 = vector.load %arg7[%swap3A, %swap3A_31] : memref<1000x128xf32, #tpu.memory_space<vmem>>, vector<1000x128xf32>
    tpu.vector_store %arg7[%swap3A, %swap3A_31], %add3A_30 {strides = array<i32>} : memref<1000x128xf32, #tpu.memory_space<vmem>>, vector<1000x128xf32>,
    return
  }
  func.func @transform_0(%arg0: i32) -> (i32, i32) {
    %c0_i32 = arith.constant 0 : i32
    %c0_i32_0 = arith.constant 0 : i32
    return %arg0, %c0_i32 : i32, i32
  }
  func.func @transform_1(%arg0: i32) -> (i32, i32, i32) {
    %c0_i32 = arith.constant 0 : i32
    %c0_i32_0 = arith.constant 0 : i32
    %c0_i32_1 = arith.constant 0 : i32
    return %c0_i32, %arg0, %c0_i32_0 : i32, i32, i32
  }
  func.func @transform_2(%arg0: i32) -> (i32, i32) {
    %c0_i32 = arith.constant 0 : i32
    %c0_i32_0 = arith.constant 0 : i32
    return %arg0, %c0_i32 : i32, i32
  }
  func.func @transform_3(%arg0: i32) -> (i32, i32) {
    %c0_i32 = arith.constant 0 : i32
    %c0_i32_0 = arith.constant 0 : i32
    %c0_i32_1 = arith.constant 0 : i32
    return %c0_i32, %c0_i32_0 : i32, i32
  }
  func.func @transform_4(%arg0: i32) -> (i32, i32) {
    %c0_i32 = arith.constant 0 : i32
    %c0_i32_0 = arith.constant 0 : i32
    %c0_i32_1 = arith.constant 0 : i32
    return %c0_i32, %c0_i32_0 : i32, i32
  }
  func.func @transform_5(%arg0: i32) -> (i32, i32) {
    %c0_i32 = arith.constant 0 : i32
    %c0_i32_0 = arith.constant 0 : i32
    %c0_i32_1 = arith.constant 0 : i32
    return %c0_i32, %c0_i32_0 : i32, i32
  }
  func.func @transform_6(%arg0: i32) -> (i32, i32) {
    %c0_i32 = arith.constant 0 : i32
    %c0_i32_0 = arith.constant 0 : i32
    return %arg0, %c0_i32 : i32, i32
  }
}

module attributes {stable_mosaic.version = 14 : i64} {
  func.func @body(%arg0: i32, %arg1: memref<1000x128xf32, #tpu.memory_space<vmem>>, %arg2: memref<2x1000x128xf32, #tpu.memory_space<vmem>>, %arg3: memref<2x1000x128xf32, #tpu.memory_space<vmem>>, %arg4: memref<128x128xf32, #tpu.memory_space<vmem>>, %arg5: memref<128x128xf32, #tpu.memory_space<vmem>>, %arg6: memref<1x128xf32, #tpu.memory_space<vmem>>, %arg7: memref<1000x128xf32, #tpu.memory_space<vmem>>, %arg8: memref<1000x1xf32, #tpu.memory_space<vmem>>) attributes {dimension_semantics = [#tpu.dimension_semantics<arbitrary>], iteration_bounds = array<i64: 10>, scalar_prefetch = 0 : i64, scratch_operands = 0 : i64, tpu.core_type = #tpu.core_type<tc>, window_params = [{transform_indices = @transform_0, window_bounds = array<i64: 1000, 128>}, {transform_indices = @transform_1, window_bounds = array<i64: 2, 1000, 128>}, {transform_indices = @transform_2, window_bounds = array<i64: 2, 1000, 128>}, {pipeline_mode = #tpu.pipeline_mode<synchronous>, transform_indices = @transform_3, window_bounds = array<i64: 128, 128>}, {pipeline_mode = #tpu.pipeline_mode<synchronous>, transform_indices = @transform_4, window_bounds = array<i64: 128, 128>}, {pipeline_mode = #tpu.pipeline_mode<synchronous>, transform_indices = @transform_5, window_bounds = array<i64: 1, 128>}, {transform_indices = @transform_6, window_bounds = array<i64: 1000, 128>}, {transform_indices = @transform_7, window_bounds = array<i64: 1000, 1>}]} {
    %get3A = arith.constant 0 : index
    %get3A_0 = arith.constant 0 : index
    %get3A_1 = arith.constant 0 : index
    %get3A_2 = vector.load %arg3[%get3A, %get3A_0, %get3A_1] : memref<2x1000x128xf32, #tpu.memory_space<vmem>>, vector<1x1000x1xf32>
    %get3A_3 = vector.shape_cast %get3A_2 : vector<1x1000x1xf32> to vector<1000x1xf32>
    %get3A_4 = arith.constant 1 : index
    %get3A_5 = arith.constant 0 : index
    %get3A_6 = arith.constant 0 : index
    %get3A_7 = vector.load %arg3[%get3A_4, %get3A_5, %get3A_6] : memref<2x1000x128xf32, #tpu.memory_space<vmem>>, vector<1x1000x1xf32>
    %get3A_8 = vector.shape_cast %get3A_7 : vector<1x1000x1xf32> to vector<1000x1xf32>
    %add3A = arith.addf %get3A_3, %get3A_8 : vector<1000x1xf32>
    %max3A = arith.constant 1.000000e+00 : f32
    %max3A_9 = vector.broadcast %max3A : f32 to vector<1000x1xf32>
    %max3A_10 = arith.maximumf %add3A, %max3A_9 : vector<1000x1xf32>
    %div3A = arith.constant 1.000000e+00 : f32
    %div3A_11 = vector.broadcast %div3A : f32 to vector<1000x1xf32>
    %div3A_12 = arith.divf %div3A_11, %max3A_10 : vector<1000x1xf32>
    %get3A_13 = arith.constant 0 : index
    %get3A_14 = arith.constant 0 : index
    %get3A_15 = arith.constant 0 : index
    %get3A_16 = vector.load %arg2[%get3A_13, %get3A_14, %get3A_15] : memref<2x1000x128xf32, #tpu.memory_space<vmem>>, vector<1x1000x128xf32>
    %get3A_17 = vector.shape_cast %get3A_16 : vector<1x1000x128xf32> to vector<1000x128xf32>
    %get3A_18 = arith.constant 1 : index
    %get3A_19 = arith.constant 0 : index
    %get3A_20 = arith.constant 0 : index
    %get3A_21 = vector.load %arg2[%get3A_18, %get3A_19, %get3A_20] : memref<2x1000x128xf32, #tpu.memory_space<vmem>>, vector<1x1000x128xf32>
    %get3A_22 = vector.shape_cast %get3A_21 : vector<1x1000x128xf32> to vector<1000x128xf32>
    %add3A_23 = arith.addf %get3A_17, %get3A_22 : vector<1000x128xf32>
    %mul3A = vector.broadcast %div3A_12 : vector<1000x1xf32> to vector<1000x128xf32>
    %mul3A_24 = arith.mulf %add3A_23, %mul3A : vector<1000x128xf32>
    %get3A_25 = arith.constant 0 : index
    %get3A_26 = arith.constant 0 : index
    %get3A_27 = vector.load %arg1[%get3A_25, %get3A_26] : memref<1000x128xf32, #tpu.memory_space<vmem>>, vector<1000x128xf32>
    %get3A_28 = arith.constant 0 : index
    %get3A_29 = arith.constant 0 : index
    %get3A_30 = vector.load %arg4[%get3A_28, %get3A_29] : memref<128x128xf32, #tpu.memory_space<vmem>>, vector<128x128xf32>
    %dot_general3A = arith.constant dense<0.000000e+00> : vector<1000x128xf32>
    %dot_general3A_31 = tpu.matmul %get3A_27, %get3A_30, %dot_general3A {dimension_numbers = #tpu.dot_dimension_numbers<[1], [0], [0], [1], [0, 0, 1, 1], [], []>, transpose_lhs_hint = false} : vector<1000x128xf32>, vector<128x128xf32>, vector<1000x128xf32> -> vector<1000x128xf32>
    %get3A_32 = arith.constant 0 : index
    %get3A_33 = arith.constant 0 : index
    %get3A_34 = vector.load %arg5[%get3A_32, %get3A_33] : memref<128x128xf32, #tpu.memory_space<vmem>>, vector<128x128xf32>
    %dot_general3A_35 = arith.constant dense<0.000000e+00> : vector<1000x128xf32>
    %dot_general3A_36 = tpu.matmul %mul3A_24, %get3A_34, %dot_general3A_35 {dimension_numbers = #tpu.dot_dimension_numbers<[1], [0], [0], [1], [0, 0, 1, 1], [], []>, transpose_lhs_hint = false} : vector<1000x128xf32>, vector<128x128xf32>, vector<1000x128xf32> -> vector<1000x128xf32>
    %add3A_37 = arith.addf %dot_general3A_31, %dot_general3A_36 : vector<1000x128xf32>
    %get3A_38 = arith.constant 0 : index
    %get3A_39 = arith.constant 0 : index
    %get3A_40 = vector.load %arg6[%get3A_38, %get3A_39] : memref<1x128xf32, #tpu.memory_space<vmem>>, vector<1x128xf32>
    %add3A_41 = vector.broadcast %get3A_40 : vector<1x128xf32> to vector<1000x128xf32>
    %add3A_42 = arith.addf %add3A_37, %add3A_41 : vector<1000x128xf32>
    %max3A_43 = arith.constant 0.000000e+00 : f32
    %max3A_44 = vector.broadcast %max3A_43 : f32 to vector<1000x128xf32>
    %max3A_45 = arith.maximumf %add3A_42, %max3A_44 : vector<1000x128xf32>
    %swap3A = arith.constant 0 : index
    %swap3A_46 = arith.constant 0 : index
    %swap3A_47 = vector.load %arg7[%swap3A, %swap3A_46] : memref<1000x128xf32, #tpu.memory_space<vmem>>, vector<1000x128xf32>
    tpu.vector_store %arg7[%swap3A, %swap3A_46], %max3A_45 {strides = array<i32>} : memref<1000x128xf32, #tpu.memory_space<vmem>>, vector<1000x128xf32>,
    %swap3A_48 = arith.constant 0 : index
    %swap3A_49 = arith.constant 0 : index
    %swap3A_50 = vector.load %arg8[%swap3A_48, %swap3A_49] : memref<1000x1xf32, #tpu.memory_space<vmem>>, vector<1000x1xf32>
    tpu.vector_store %arg8[%swap3A_48, %swap3A_49], %div3A_12 {strides = array<i32>} : memref<1000x1xf32, #tpu.memory_space<vmem>>, vector<1000x1xf32>,
    return
  }
  func.func @transform_0(%arg0: i32) -> (i32, i32) {
    %c0_i32 = arith.constant 0 : i32
    %c0_i32_0 = arith.constant 0 : i32
    return %arg0, %c0_i32 : i32, i32
  }
  func.func @transform_1(%arg0: i32) -> (i32, i32, i32) {
    %c0_i32 = arith.constant 0 : i32
    %c0_i32_0 = arith.constant 0 : i32
    %c0_i32_1 = arith.constant 0 : i32
    return %c0_i32, %arg0, %c0_i32_0 : i32, i32, i32
  }
  func.func @transform_2(%arg0: i32) -> (i32, i32, i32) {
    %c0_i32 = arith.constant 0 : i32
    %c0_i32_0 = arith.constant 0 : i32
    %c0_i32_1 = arith.constant 0 : i32
    return %c0_i32, %arg0, %c0_i32_0 : i32, i32, i32
  }
  func.func @transform_3(%arg0: i32) -> (i32, i32) {
    %c0_i32 = arith.constant 0 : i32
    %c0_i32_0 = arith.constant 0 : i32
    %c0_i32_1 = arith.constant 0 : i32
    return %c0_i32, %c0_i32_0 : i32, i32
  }
  func.func @transform_4(%arg0: i32) -> (i32, i32) {
    %c0_i32 = arith.constant 0 : i32
    %c0_i32_0 = arith.constant 0 : i32
    %c0_i32_1 = arith.constant 0 : i32
    return %c0_i32, %c0_i32_0 : i32, i32
  }
  func.func @transform_5(%arg0: i32) -> (i32, i32) {
    %c0_i32 = arith.constant 0 : i32
    %c0_i32_0 = arith.constant 0 : i32
    %c0_i32_1 = arith.constant 0 : i32
    return %c0_i32, %c0_i32_0 : i32, i32
  }
  func.func @transform_6(%arg0: i32) -> (i32, i32) {
    %c0_i32 = arith.constant 0 : i32
    %c0_i32_0 = arith.constant 0 : i32
    return %arg0, %c0_i32 : i32, i32
  }
  func.func @transform_7(%arg0: i32) -> (i32, i32) {
    %c0_i32 = arith.constant 0 : i32
    %c0_i32_0 = arith.constant 0 : i32
    return %arg0, %c0_i32 : i32, i32
  }
}

</mosaic_0001>

<sc_bundles>
// kernel: kernel.10.cloned.1.call-start
scs
__scs_entry_jumppad:
0x0: {  	(pc) =	sbr.rel $0x88, $3  }
0x1: {  	(tag) =	ssettag $0x0;
	lr =	simm.s32 $0x1  }
0x2: {  	[smem:$0x3F99] =	sst lr;
	_ =	strace $0xD0000000  }
0x3: {  	_ = 	snop  }
0x4: {  	_ = 	snop  }
0x5: {  	_ = 	snop  }
0x6: {  	_ = 	snop  }
0x7: {  	_ = 	snop  }
__scs_overlays_trampoline_lowered:
0x8: {  	[smem:$0x3FA8] =	sst s0  }
0x9: {  	[smem:$0x3FA9] =	sst s1  }
0xa: {  	[smem:$0x3FAA] =	sst s2  }
0xb: {  	[smem:$0x3FAB] =	sst s3  }
0xc: {  	[smem:$0x3FAC] =	sst s4  }
0xd: {  	[smem:$0x3FAD] =	sst s5  }
0xe: {  	[smem:$0x3FAE] =	sst s6  }
0xf: {  	[smem:$0x3FAF] =	sst s7  }
0x10: {  	[smem:$0x3FB0] =	sst s8  }
0x11: {  	[smem:$0x3FB1] =	sst s9;
	s0 =	simm.s32 @!p0 $0x0  }
0x12: {  	s1 =	sld [smem:$0x3F97];
	s0 =	simm.s32 @p0 $0x1  }
0x13: {  	[smem:$0x3FB2] =	sst s0;
	s0 =	simm.s32 @!p1 $0x0  }
0x14: {  	s2 =	sld [smem:$0x3F96];
	s0 =	simm.s32 @p1 $0x1  }
0x15: {  	[smem:$0x3FB3] =	sst s0;
	s0 =	simm.s32 @!p2 $0x0  }
0x16: {  	s3 =	sld [smem:$0x3FDB];
	s0 =	simm.s32 @p2 $0x1  }
0x17: {  	s4 =	simm.s32 $0x1BF5;
	[smem:$0x3FB5] =	sst s0  }
0x18: {  	s0 =	sld [smem:$0x3F98];
	_ =	swait.ge [sflag:s4], $0x0  }
0x19: {  	s7 =	sld [smem:$0x3F99]  }
0x1a: {  	s8 =	sadd.s32 $0xFFFFE003, lr  }
0x1b: {  	s9 =	sadd.s32 $0xFFFFFEF7, lr;
	s5 =	simm.s32 $0xFFFFFFFF;
	p2 =	slt.u32 s8, $0xFFFFF086  }
0x1c: {  	p1 =	slt.u32 s9, $0xF7A;
	s5 =	simm.s32 @!p2 $0x0  }
0x1d: {  	s5 =	simm.s32 @p1 $0x1;
	p0 =	seq.s32 s7, s2  }
0x1e: {  	s7 =	smul.u32 @!p0 $0xF7A, s2;
	p2 =	seq.s32 @!p0 s5, $0x0  }
0x1f: {  	s9 =	smul.u32 $0xF7A, s1;
	s8 =	simm.s32 @!p0 $0x1BF5;
	p2 =	por !p2, p0  }
0x20: {  	[sflag:s8] =	ssyncset.s32 @!p0 $0xFFFFF086;
	s6 =	sadd.s32 @!p0 s3, s7;
	s7 =	simm.s32 @!p0 $0x108  }
0x21: {  	s3 =	sadd.s32 s3, s9;
	s6 =	sadd.s32 @!p0 $0x88, s6;
	s7 =	simm.s32 @p2 $0x1082  }
0x22: {  	[simem:s7], [sflag:s8] =	dma.local @!p0 [hbm:s6], $0xF7A  }
0x23: {  	s9 =	sor.u32 $0xD0000000, s2;
	s6 =	simm.s32 $0x108;
	_ =	swait.ge @!p0 [sflag:s8], $0x0  }
0x24: {  	s3 =	sadd.s32 $0x88, s3;
	s6 =	simm.s32 @!p1 $0x1082;
	[sflag:s4] =	ssyncset.s32 $0xFFFFF086  }
0x25: {  	[simem:s6], [sflag:s4] =	dma.local [hbm:s3], $0xF7A  }
0x26: {  	[smem:$0x3F99] =	sst s1;
	(tag) =	ssettag s2;
	_ =	strace s9  }
0x27: {  	s1 =	sld [smem:$0x3FA9]  }
0x28: {  	s2 =	sld [smem:$0x3FAA]  }
0x29: {  	s4 =	sld [smem:$0x3FAC]  }
0x2a: {  	p0 =	seq.s32 s5, $0x0;
	s5 =	sld [smem:$0x3FAD]  }
0x2b: {  	s6 =	sld [smem:$0x3FAE]  }
0x2c: {  	s7 =	sld [smem:$0x3FAF]  }
0x2d: {  	s3 =	simm.s32 $0x108;
	s8 =	sld [smem:$0x3FB0]  }
0x2e: {  	s3 =	simm.s32 @!p0 $0x1082;
	s9 =	sld [smem:$0x3FB1]  }
0x2f: {  	lr =	sadd.s32 s0, s3;
	s0 =	sld [smem:$0x3FA8]  }
0x30: {  	s3 =	sld [smem:$0x3FAB]  }
0x31: {  	[smem:$0x3FB4] =	sst s10  }
0x32: {  	s10 =	sld [smem:$0x3FB2];
	_ =	sdelay $0x3  }
0x33: {  	p0 =	seq.s32 s10, $0x1;
	s10 =	sld [smem:$0x3FB4];
	_ =	sdelay $0x3  }
0x34: {  	[smem:$0x3FB4] =	sst s10  }
0x35: {  	s10 =	sld [smem:$0x3FB3];
	_ =	sdelay $0x3  }
0x36: {  	p1 =	seq.s32 s10, $0x1;
	s10 =	sld [smem:$0x3FB4];
	_ =	sdelay $0x3  }
0x37: {  	[smem:$0x3FB4] =	sst s10  }
0x38: {  	s10 =	sld [smem:$0x3FB5]  }
0x39: {  	_ = 	snop;
	(pc) =	sbr.ind lr, $3  }
0x3a: {  	_ = 	snop  }
0x3b: {  	_ = 	snop  }
0x3c: {  	p2 =	seq.s32 s10, $0x1;
	s10 =	sld [smem:$0x3FB4]  }
0x3d: {  	_ =	shalt  }
0x3e: {  	_ =	shalt  }
0x3f: {  	_ =	shalt  }
0x40: {  	_ =	shalt  }
0x41: {  	_ =	shalt  }
0x42: {  	_ =	shalt  }
0x43: {  	_ =	shalt  }
0x44: {  	_ =	shalt  }
0x45: {  	_ =	shalt  }
0x46: {  	_ =	shalt  }
0x47: {  	_ =	shalt  }
0x48: {  	_ =	shalt  }
0x49: {  	_ =	shalt  }
0x4a: {  	_ =	shalt  }
0x4b: {  	_ =	shalt  }
0x4c: {  	_ =	shalt  }
0x4d: {  	_ =	shalt  }
0x4e: {  	_ =	shalt  }
0x4f: {  	_ =	shalt  }
0x50: {  	_ =	shalt  }
0x51: {  	_ =	shalt  }
0x52: {  	_ =	shalt  }
0x53: {  	_ =	shalt  }
0x54: {  	_ =	shalt  }
0x55: {  	_ =	shalt  }
0x56: {  	_ =	shalt  }
0x57: {  	_ =	shalt  }
0x58: {  	_ =	shalt  }
0x59: {  	_ =	shalt  }
0x5a: {  	_ =	shalt  }
0x5b: {  	_ =	shalt  }
0x5c: {  	_ =	shalt  }
0x5d: {  	_ =	shalt  }
0x5e: {  	_ =	shalt  }
0x5f: {  	_ =	shalt  }
0x60: {  	_ =	shalt  }
0x61: {  	_ =	shalt  }
0x62: {  	_ =	shalt  }
0x63: {  	_ =	shalt  }
0x64: {  	_ =	shalt  }
0x65: {  	_ =	shalt  }
0x66: {  	_ =	shalt  }
0x67: {  	_ =	shalt  }
0x68: {  	_ =	shalt  }
0x69: {  	_ =	shalt  }
0x6a: {  	_ =	shalt  }
0x6b: {  	_ =	shalt  }
0x6c: {  	_ =	shalt  }
0x6d: {  	_ =	shalt  }
0x6e: {  	_ =	shalt  }
0x6f: {  	_ =	shalt  }
0x70: {  	_ =	shalt  }
0x71: {  	_ =	shalt  }
0x72: {  	_ =	shalt  }
0x73: {  	_ =	shalt  }
0x74: {  	_ =	shalt  }
0x75: {  	_ =	shalt  }
0x76: {  	_ =	shalt  }
0x77: {  	_ =	shalt  }
0x78: {  	_ =	shalt  }
0x79: {  	_ =	shalt  }
0x7a: {  	_ =	shalt  }
0x7b: {  	_ =	shalt  }
0x7c: {  	_ =	shalt  }
0x7d: {  	_ =	shalt  }
0x7e: {  	_ =	shalt  }
0x7f: {  	_ =	shalt  }
0x80: {  	_ =	shalt  }
0x81: {  	_ =	shalt  }
0x82: {  	_ =	shalt  }
0x83: {  	_ =	shalt  }
0x84: {  	_ =	shalt  }
0x85: {  	_ =	shalt  }
0x86: {  	_ =	shalt  }
0x87: {  	_ =	shalt  }
.Lfunc_end0:
.L_simem_size_0:
called_computation.1_lowered:
.L_overlay_start_0:
0x88: {  	s2 =	sld [smem:$0x3FD9]  }
0x89: {  	s3 =	sld [smem:$0x3FFE];
	_ =	sdelay $0x1  }
0x8a: {  	s1 =	srdreg.scid  }
0x8b: {  	s0 =	sand.u32 $0x1, s1  }
0x8c: {  	s17 =	sshll.u32 s0, $0xA;
	s2 =	sadd.s32 s3, s2  }
0x8d: {  	s2 =	sadd.s32 s2, s17  }
0x8e: {  	[smem:$0x3FC0] =	sst s2  }
0x8f: {  	_ = 	snop  }
0x90: {  	(tm) =	ssettm $0x1  }
0x91: {  	s18 =	sld [smem:$0x3FFB];
	_ =	sdelay $0x3  }
0x92: {  	_ =	strace s18  }
0x93: {  	s2 =	sld [smem:$0x3FFC];
	_ =	sdelay $0x3  }
0x94: {  	_ =	strace s2  }
0x95: {  	s2 =	sld [smem:$0x3FFD];
	_ =	sdelay $0x3  }
0x96: {  	_ =	strace s2  }
0x97: {  	_ =	strace $0x8FFFFFFF  }
0x98: {  	s19 =	sld [smem:$0x3FDB];
	_ =	sdelay $0x1  }
0x99: {  	s20 =	simm.s32 $_scs_section_size  }
0x9a: {  	s4 =	simm.s32 $_size__tile_overlayer_lowered;
	s5 =	simm.s32 $_tile_overlayer_lowered  }
0x9b: {  	s6 =	simm.s32 $0x1BFF;
	s21 =	sshll.u32 s5, $0x1;
	s3 =	sadd.s32 s20, s19  }
0x9c: {  	s22 =	simm.s32 $0x0;
	s4 =	sshll.u32 s4, $0x1;
	s5 =	sadd.s32 s21, s3  }
0x9d: {  	[timem:s22], [sflag:s6] =	dma.local [hbm:s5], s4  }
0x9e: {  	_ =	swait.ge [sflag:s6], s4  }
0x9f: {  	s4 =	ssub.s32 $0x0, s4;
	[sflag:s6] =	ssyncset.done $0x0  }
0xa0: {  	[sflag:s6] =	ssyncadd.s32 s4;
	_ =	sdelay $0x1  }
0xa1: {  	s23 =	simm.s32 $0x1B8B  }
0xa2: {  	_ =	swait.ge [sflag:s23], $0x1  }
0xa3: {  	[sflag:s23] =	ssyncset.done $0x0  }
0xa4: {  	[sflag:s23] =	ssyncadd.s32 $0xFFFFFFFF  }
0xa5: {  	s4 =	sld [smem:$0x0]  }
0xa6: {  	s5 =	sand.u32 $0xFFFFFFFE, s1  }
0xa7: {  	p0 =	sne.s32 s1, s5  }
0xa8: {  	s5 =	sshll.u32 @p0 s5, $0xE  }
0xa9: {  	s5 =	sadd.s32 @p0 $0x11B8D, s5;
	s6 =	sshll.u32 @p0 s4, $0x11  }
0xaa: {  	s5 =	sor.u32 @p0 s6, s5  }
0xab: {  	[sflag:s5] =	ssyncadd.remote.s32 @p0 $0x1;
	_ =	sdelay $0x1  }
0xac: {  	s5 =	simm.s32 @p0 $0x1B8D  }
0xad: {  	_ =	swait.eq @p0 [sflag:s5], $0x1  }
0xae: {  	[sflag:s5] =	ssyncadd.s32 @p0 $0xFFFFFFFF  }
0xaf: {  	s6 =	sshll.u32 @!p0 s1, $0xE  }
0xb0: {  	s6 =	sor.u32 @!p0 $0x4000, s6;
	s5 =	simm.s32 @!p0 $0x1B8D  }
0xb1: {  	s4 =	sshll.u32 @!p0 s4, $0x11;
	s6 =	sadd.s32 @!p0 $0x11B8D, s6;
	_ =	swait.eq @!p0 [sflag:s5], $0x1  }
0xb2: {  	s4 =	sor.u32 @!p0 s4, s6;
	[sflag:s5] =	ssyncadd.s32 @!p0 $0xFFFFFFFF  }
0xb3: {  	s25 =	simm.s32 $0x1B8E;
	s24 =	sld [smem:$0x3FFE];
	[sflag:s4] =	ssyncadd.remote.s32 @!p0 $0x1  }
0xb4: {  	s26 =	simm.s32 $execute0_lowered;
	[smem:$0x3FD2] =	sst s25  }
0xb5: {  	s5 =	sshll.u32 s26, $0x1;
	_ =	strace $0x80000049;
	[dreg:$0x1] =	wrdreg $0xFFFFFFFF  }
0xb6: {  	s28 =	simm.s32 $_size_execute0_lowered;
	s3 =	sadd.s32 s3, s5;
	[dreg:$0x0] =	wrdreg $0x0  }
0xb7: {  	s5 =	sshll.u32 s28, $0x1;
	[dreg:$0x2] =	wrdreg s3  }
0xb8: {  	[dreg:$0x3] =	wrdreg s5  }
0xb9: {  	[dreg:$0x4] =	wrdreg $0xC0  }
0xba: {  	_ =	task [dreg:s22], $0x5FFFF  }
0xbb: {  	[dreg:$0x1] =	wrdreg $0xFFFFFFFF  }
0xbc: {  	[dreg:$0x0] =	wrdreg $0x60  }
0xbd: {  	[dreg:$0x2] =	wrdreg s24  }
0xbe: {  	[dreg:$0x3] =	wrdreg $0x57800  }
0xbf: {  	[dreg:$0x4] =	wrdreg $0xA  }
0xc0: {  	_ =	task.clear_ibuf [dreg:s22], $0x5FFFF;
	_ =	strace $0x90000049  }
0xc1: {  	s29 =	simm.s32 $0xA;
	_ =	strace $0x8000004B  }
0xc2: {  	_ =	swait.ge [sflag:s29], $0x1  }
0xc3: {  	[sflag:s29] =	ssyncadd.s32 $0xFFFFFFFF  }
0xc4: {  	_ =	strace $0x9000004B  }
0xc5: {  	_ =	sfence  }
0xc6: {  	s30 =	sld [smem:$0x0];
	_ =	sdelay $0x2  }
0xc7: {  	s31 =	sshll.u32 s1, $0xD;
	s1 =	sshrl.u32 s1, $0x2  }
0xc8: {  	s4 =	sand.u32 $0x4000, s31;
	s1 =	sadd.s32 s1, s30  }
0xc9: {  	s0 =	sor.u32 s4, s0;
	s1 =	sshll.u32 s1, $0x11  }
0xca: {  	s0 =	sor.u32 s1, s0  }
0xcb: {  	s0 =	sadd.s32 $0x8F2B, s0  }
0xcc: {  	[sflag:s0] =	ssyncadd.remote.s32 $0x1  }
0xcd: {  	_ =	sfence.sel $0xFFFF  }
0xce: {  	[dreg:$0x0] =	wrdreg $0xFFFFFFFF;
	(pc) =	sbr.abs _section_cstart, $3  }
0xcf: {  	[dreg:$0x1] =	wrdreg $0xFFFFFFFF  }
0xd0: {  	_ =	task.clear_ibuf [dreg:s22], $0x2FFFF;
	_ =	strace $0x9FFFFFFF  }
0xd1: {  	(tm) =	ssettm $0x7FFFFFFF  }
tec
execute0_lowered:
.L_overlay_start_1:
0x0: {  	(tag) =	ssettag $0x1  }
0x1: {  	s4 =	rddreg [dreg:$0x0];
	s1 =	srdreg.scid  }
0x2: {  	s0 =	stileid.u32;
	s2 =	rddreg [dreg:$0x1]  }
0x3: {  	s3 =	simm.s32 $0x0;
	s25 =	simm.s32 $0x1;
	s26 =	simm.s32 $0x0  }
0x4: {  	s8 =	sand.u32 $0x1, s1;
	s1 =	rddreg [dreg:$0x2];
	s6 =	smul.u32 $0x50000, s0  }
0x5: {  	s5 =	sshll.u32 s0, $0x1;
	[smem:$0x7FF] =	sst s3;
	s11 =	smul.u32 $0x14000, s0  }
0x6: {  	s20 =	sadd.s32 $0x66200, s4;
	s5 =	sor.u32 s8, s5;
	s22 =	smul.u32 $0x140000, s8  }
0x7: {  	_ =	strace $0x8000004A;
	s30 =	ssub.s32 $0x2, s8;
	s5 =	smul.u32 $0x4E2, s5  }
0x8: {  	s31 =	sshrl.u32 s30, $0x1;
	s6 =	sshrl.u32 s6, $0x2;
	s13 =	sor.u32 $0x2800, s11  }
0x9: {  	s15 =	sadd.s32 $0x5000, s11;
	s16 =	sadd.s32 $0x7800, s11;
	s17 =	sadd.s32 $0xA000, s11  }
0xa: {  	s18 =	sadd.s32 $0xC800, s11;
	s19 =	sadd.s32 $0xF000, s11;
	s23 =	sadd.s32 $0x11800, s11  }
0xb: {  	s21 =	ssub.s32 s30, s31;
	s7 =	sadd.s32 s16, s2;
	s8 =	sadd.s32 s17, s2  }
0xc: {  	s9 =	sadd.s32 s18, s2;
	s10 =	sadd.s32 s19, s2;
	s14 =	sadd.s32 s11, s22  }
0xd: {  	s11 =	sadd.s32 s23, s2;
	s16 =	sadd.s32 s22, s16;
	s17 =	sadd.s32 s22, s17  }
0xe: {  	s18 =	sadd.s32 s22, s18;
	s19 =	sadd.s32 s22, s19;
	s12 =	sadd.s32 s5, s4  }
0xf: {  	s4 =	sadd.s32 s6, s2;
	s5 =	sadd.s32 s13, s2;
	s6 =	sadd.s32 s15, s2  }
0x10: {  	s13 =	sadd.s32 s22, s13;
	s14 =	sshrl.u32 s14, $0x3;
	s15 =	sadd.s32 s22, s15  }
0x11: {  	s16 =	sshrl.u32 s16, $0x3;
	s17 =	sshrl.u32 s17, $0x3;
	s22 =	sadd.s32 s22, s23  }
0x12: {  	s18 =	sshrl.u32 s18, $0x3;
	s19 =	sshrl.u32 s19, $0x3;
	s21 =	smax.u32 s21, $0x1  }
0x13: {  	s23 =	simm.s32 $0x2;
	s24 =	sshrl.u32 s13, $0x3;
	s12 =	sadd.s32 $0x2600, s12  }
0x14: {  	s13 =	sadd.s32 s20, s14;
	s15 =	sshrl.u32 s15, $0x3;
	s16 =	sadd.s32 s20, s16  }
0x15: {  	s17 =	sadd.s32 s20, s17;
	s22 =	sshrl.u32 s22, $0x3;
	s18 =	sadd.s32 s20, s18  }
0x16: {  	s19 =	sadd.s32 s20, s19;
	s14 =	sadd.s32 s20, s24;
	s15 =	sadd.s32 s20, s15  }
0x17: {  	v0 =	vimm.f32 $0.0e+00;
	v1 =	vimm.f32 $1.000000000e+00;
	vm0 =	vmmov $0xffff;
	s20 =	sadd.s32 s20, s22;
	s22 =	simm.s32 $0x2780;
	s24 =	simm.s32 $0x4F80  }
.LBB2_1:
0x18: {  	s28 =	simm.s32 $0x0;
	s29 =	simm.s32 $0x200  }
.LBB2_2:
0x19: {  	p0 =	sne.s32 s29, $0x9E00;
	[tilespmem:s28+$0x27F0] =	vst v0  }
0x1a: {  	[tilespmem:s28+$0x2780] =	vst v0  }
0x1b: {  	[tilespmem:s28+$0x2790] =	vst v0  }
.Ltmp0:
0x1c: {  	[tilespmem:s28+$0x27A0] =	vst v0;
	(pc) =	sbr.rel @p0 .LBB2_2-.Ltmp0, $4  }
0x1d: {  	[tilespmem:s28+$0x27B0] =	vst v0  }
0x1e: {  	[tilespmem:s28+$0x27C0] =	vst v0  }
0x1f: {  	[tilespmem:s28+$0x27D0] =	vst v0  }
0x20: {  	[tilespmem:s28+$0x27E0] =	vst v0;
	s28 =	sshra.s32 s29, $0x2;
	s29 =	sadd.s32 $0x200, s29  }
0x21: {  	[tilespmem:s28+$0x27F0] =	vst v0  }
0x22: {  	[tilespmem:s28+$0x2780] =	vst v0  }
0x23: {  	[tilespmem:s28+$0x2790] =	vst v0  }
0x24: {  	[tilespmem:s28+$0x27A0] =	vst v0  }
0x25: {  	[tilespmem:s28+$0x27B0] =	vst v0  }
0x26: {  	[tilespmem:s28+$0x27C0] =	vst v0  }
0x27: {  	[tilespmem:s28+$0x27D0] =	vst v0  }
0x28: {  	[tilespmem:s28+$0x27E0] =	vst v0  }
0x29: {  	[spmem:s4] =	stream.linear.scatter [tilespmem:s22], [sflag:$0x2], $0x2800, $0x38;
	[tilespmem:$0x19780] =	vst v63  }
0x2a: {  	_ =	swait.ge [sflag:s23], $0x2800  }
0x2b: {  	[sflag:s23] =	ssyncset.done $0x0  }
0x2c: {  	[sflag:s23] =	ssyncadd.s32 $0xFFFFD800  }
0x2d: {  	[spmem:s5] =	stream.linear.scatter [tilespmem:s22], [sflag:$0x2], $0x2800, $0x38;
	[tilespmem:$0x19780] =	vst v63  }
0x2e: {  	_ =	swait.ge [sflag:s23], $0x2800  }
0x2f: {  	[sflag:s23] =	ssyncset.done $0x0  }
0x30: {  	[sflag:s23] =	ssyncadd.s32 $0xFFFFD800  }
0x31: {  	[spmem:s6] =	stream.linear.scatter [tilespmem:s22], [sflag:$0x2], $0x2800, $0x38;
	[tilespmem:$0x19780] =	vst v63  }
0x32: {  	_ =	swait.ge [sflag:s23], $0x2800  }
0x33: {  	[sflag:s23] =	ssyncset.done $0x0  }
0x34: {  	[sflag:s23] =	ssyncadd.s32 $0xFFFFD800  }
0x35: {  	[spmem:s7] =	stream.linear.scatter [tilespmem:s22], [sflag:$0x2], $0x2800, $0x38;
	[tilespmem:$0x19780] =	vst v63  }
0x36: {  	_ =	swait.ge [sflag:s23], $0x2800  }
0x37: {  	[sflag:s23] =	ssyncset.done $0x0  }
0x38: {  	[sflag:s23] =	ssyncadd.s32 $0xFFFFD800  }
0x39: {  	[spmem:s8] =	stream.linear.scatter [tilespmem:s22], [sflag:$0x2], $0x2800, $0x38;
	[tilespmem:$0x19780] =	vst v63  }
0x3a: {  	_ =	swait.ge [sflag:s23], $0x2800  }
0x3b: {  	[sflag:s23] =	ssyncset.done $0x0  }
0x3c: {  	[sflag:s23] =	ssyncadd.s32 $0xFFFFD800  }
0x3d: {  	[spmem:s9] =	stream.linear.scatter [tilespmem:s22], [sflag:$0x2], $0x2800, $0x38;
	[tilespmem:$0x19780] =	vst v63  }
0x3e: {  	_ =	swait.ge [sflag:s23], $0x2800  }
0x3f: {  	[sflag:s23] =	ssyncset.done $0x0  }
0x40: {  	[sflag:s23] =	ssyncadd.s32 $0xFFFFD800  }
0x41: {  	[spmem:s10] =	stream.linear.scatter [tilespmem:s22], [sflag:$0x2], $0x2800, $0x38;
	[tilespmem:$0x19780] =	vst v63  }
0x42: {  	_ =	swait.ge [sflag:s23], $0x2800  }
0x43: {  	[sflag:s23] =	ssyncset.done $0x0  }
0x44: {  	[sflag:s23] =	ssyncadd.s32 $0xFFFFD800  }
0x45: {  	[spmem:s11] =	stream.linear.scatter [tilespmem:s22], [sflag:$0x2], $0x2800, $0x38;
	[tilespmem:$0x19780] =	vst v63  }
0x46: {  	_ =	swait.ge [sflag:s23], $0x2800  }
0x47: {  	[sflag:s23] =	ssyncset.done $0x0  }
0x48: {  	s28 =	simm.s32 $0x0;
	s29 =	simm.s32 $0x200;
	[sflag:s23] =	ssyncadd.s32 $0xFFFFD800  }
.LBB2_4:
0x49: {  	p0 =	sne.s32 s29, $0x1E00;
	[tilespmem:s28+$0x4FF0] =	vst v1  }
0x4a: {  	[tilespmem:s28+$0x4F80] =	vst v1  }
0x4b: {  	[tilespmem:s28+$0x4F90] =	vst v1  }
.Ltmp1:
0x4c: {  	[tilespmem:s28+$0x4FA0] =	vst v1;
	(pc) =	sbr.rel @p0 .LBB2_4-.Ltmp1, $4  }
0x4d: {  	[tilespmem:s28+$0x4FB0] =	vst v1  }
0x4e: {  	[tilespmem:s28+$0x4FC0] =	vst v1  }
0x4f: {  	[tilespmem:s28+$0x4FD0] =	vst v1  }
0x50: {  	[tilespmem:s28+$0x4FE0] =	vst v1;
	s28 =	sshra.s32 s29, $0x2;
	s29 =	sadd.s32 $0x200, s29  }
0x51: {  	[tilespmem:s28+$0x4FF0] =	vst v1  }
0x52: {  	[tilespmem:s28+$0x4F80] =	vst v1  }
0x53: {  	[tilespmem:s28+$0x4F90] =	vst v1  }
0x54: {  	[tilespmem:s28+$0x4FA0] =	vst v1  }
0x55: {  	[tilespmem:s28+$0x4FB0] =	vst v1  }
0x56: {  	[tilespmem:s28+$0x4FC0] =	vst v1  }
0x57: {  	[tilespmem:s28+$0x4FD0] =	vst v1  }
0x58: {  	[tilespmem:s28+$0x4FE0] =	vst v1;
	s28 =	simm.s32 $0x0  }
0x59: {  	[tilespmem:s28], [sflag:$0x2] =	stream.linear.gather [hbm4b:s12+s28], $0x2710, $0x38;
	[tilespmem:$0x19780] =	vst v63  }
0x5a: {  	_ =	swait.ge [sflag:s23], $0x2710  }
0x5b: {  	[sflag:s23] =	ssyncset.done $0x0  }
0x5c: {  	[sflag:s23] =	ssyncadd.s32 $0xFFFFD8F0  }
0x5d: {  	[bflag:$0x0] =	sbarrier.arrive $0xFFFF  }
.LBB2_6:
0x5e: {  	s29 =	sshra.s32 s28, $0x2  }
0x5f: {  	v2 =	vld [tilespmem:s29+$0x0];
	_ =	sdelay $0x7  }
0x60: {  	[spmem:s2] =	stream.indirect_vreg.scatter.add.f32 [tilespmem:s24], [sflag:$0x1], $0x80, v2, vm0, $0xb8;
	[tilespmem:$0x19780] =	vst v63  }
0x61: {  	v2 =	vld [tilespmem:s29+$0x10];
	_ =	sdelay $0x7  }
0x62: {  	[spmem:s2] =	stream.indirect_vreg.scatter.add.f32 [tilespmem:s24], [sflag:$0x1], $0x80, v2, vm0, $0xb8;
	[tilespmem:$0x19780] =	vst v63  }
0x63: {  	v2 =	vld [tilespmem:s29+$0x20];
	_ =	sdelay $0x7  }
0x64: {  	[spmem:s2] =	stream.indirect_vreg.scatter.add.f32 [tilespmem:s24], [sflag:$0x1], $0x80, v2, vm0, $0xb8;
	[tilespmem:$0x19780] =	vst v63  }
0x65: {  	v2 =	vld [tilespmem:s29+$0x30];
	_ =	sdelay $0x7  }
0x66: {  	[spmem:s2] =	stream.indirect_vreg.scatter.add.f32 [tilespmem:s24], [sflag:$0x1], $0x80, v2, vm0, $0xb8;
	[tilespmem:$0x19780] =	vst v63  }
0x67: {  	v2 =	vld [tilespmem:s29+$0x40];
	_ =	sdelay $0x7  }
0x68: {  	[spmem:s2] =	stream.indirect_vreg.scatter.add.f32 [tilespmem:s24], [sflag:$0x1], $0x80, v2, vm0, $0xb8;
	[tilespmem:$0x19780] =	vst v63  }
0x69: {  	_ =	swait.ge [sflag:s25], $0x800  }
0x6a: {  	[sflag:s25] =	ssyncset.done $0x0  }
0x6b: {  	[sflag:s25] =	ssyncadd.s32 $0xFFFFF800  }
0x6c: {  	_ =	swait.ge [sflag:s25], $0x800  }
0x6d: {  	[sflag:s25] =	ssyncset.done $0x0  }
0x6e: {  	[sflag:s25] =	ssyncadd.s32 $0xFFFFF800  }
0x6f: {  	_ =	swait.ge [sflag:s25], $0x800  }
0x70: {  	[sflag:s25] =	ssyncset.done $0x0  }
0x71: {  	[sflag:s25] =	ssyncadd.s32 $0xFFFFF800  }
0x72: {  	p0 =	sne.s32 s28, $0x9B00;
	_ =	swait.ge [sflag:s25], $0x800  }
.Ltmp2:
0x73: {  	[sflag:s25] =	ssyncset.done $0x0;
	(pc) =	sbr.rel @p0 .LBB2_6-.Ltmp2, $4  }
0x74: {  	[sflag:s25] =	ssyncadd.s32 $0xFFFFF800  }
0x75: {  	_ =	swait.ge [sflag:s25], $0x800  }
0x76: {  	[sflag:s25] =	ssyncset.done $0x0  }
0x77: {  	s28 =	sadd.s32 $0x140, s28;
	[sflag:s25] =	ssyncadd.s32 $0xFFFFF800  }
0x78: {  	[bflag:$0x0] =	sbarrier.arrive $0xFFFF  }
0x79: {  	[tilespmem:s22], [sflag:$0x2] =	stream.linear.gather [spmem:s4], $0x2800, $0x38;
	[tilespmem:$0x19780] =	vst v63  }
0x7a: {  	_ =	swait.ge [sflag:s23], $0x2800  }
0x7b: {  	[sflag:s23] =	ssyncset.done $0x0  }
0x7c: {  	[sflag:s23] =	ssyncadd.s32 $0xFFFFD800  }
0x7d: {  	[hbm4b:s13+s3] =	stream.linear.scatter [tilespmem:s22], [sflag:$0x2], $0x2800, $0x38;
	[tilespmem:$0x19780] =	vst v63  }
0x7e: {  	_ =	swait.ge [sflag:s23], $0x2800  }
0x7f: {  	[sflag:s23] =	ssyncset.done $0x0  }
0x80: {  	[sflag:s23] =	ssyncadd.s32 $0xFFFFD800  }
0x81: {  	[tilespmem:s22], [sflag:$0x2] =	stream.linear.gather [spmem:s5], $0x2800, $0x38;
	[tilespmem:$0x19780] =	vst v63  }
0x82: {  	_ =	swait.ge [sflag:s23], $0x2800  }
0x83: {  	[sflag:s23] =	ssyncset.done $0x0  }
0x84: {  	[sflag:s23] =	ssyncadd.s32 $0xFFFFD800  }
0x85: {  	[hbm4b:s14+s3] =	stream.linear.scatter [tilespmem:s22], [sflag:$0x2], $0x2800, $0x38;
	[tilespmem:$0x19780] =	vst v63  }
0x86: {  	_ =	swait.ge [sflag:s23], $0x2800  }
0x87: {  	[sflag:s23] =	ssyncset.done $0x0  }
0x88: {  	[sflag:s23] =	ssyncadd.s32 $0xFFFFD800  }
0x89: {  	[tilespmem:s22], [sflag:$0x2] =	stream.linear.gather [spmem:s6], $0x2800, $0x38;
	[tilespmem:$0x19780] =	vst v63  }
0x8a: {  	_ =	swait.ge [sflag:s23], $0x2800  }
0x8b: {  	[sflag:s23] =	ssyncset.done $0x0  }
0x8c: {  	[sflag:s23] =	ssyncadd.s32 $0xFFFFD800  }
0x8d: {  	[hbm4b:s15+s3] =	stream.linear.scatter [tilespmem:s22], [sflag:$0x2], $0x2800, $0x38;
	[tilespmem:$0x19780] =	vst v63  }
0x8e: {  	_ =	swait.ge [sflag:s23], $0x2800  }
0x8f: {  	[sflag:s23] =	ssyncset.done $0x0  }
0x90: {  	[sflag:s23] =	ssyncadd.s32 $0xFFFFD800  }
0x91: {  	[tilespmem:s22], [sflag:$0x2] =	stream.linear.gather [spmem:s7], $0x2800, $0x38;
	[tilespmem:$0x19780] =	vst v63  }
0x92: {  	_ =	swait.ge [sflag:s23], $0x2800  }
0x93: {  	[sflag:s23] =	ssyncset.done $0x0  }
0x94: {  	[sflag:s23] =	ssyncadd.s32 $0xFFFFD800  }
0x95: {  	[hbm4b:s16+s3] =	stream.linear.scatter [tilespmem:s22], [sflag:$0x2], $0x2800, $0x38;
	[tilespmem:$0x19780] =	vst v63  }
0x96: {  	_ =	swait.ge [sflag:s23], $0x2800  }
0x97: {  	[sflag:s23] =	ssyncset.done $0x0  }
0x98: {  	[sflag:s23] =	ssyncadd.s32 $0xFFFFD800  }
0x99: {  	[tilespmem:s22], [sflag:$0x2] =	stream.linear.gather [spmem:s8], $0x2800, $0x38;
	[tilespmem:$0x19780] =	vst v63  }
0x9a: {  	_ =	swait.ge [sflag:s23], $0x2800  }
0x9b: {  	[sflag:s23] =	ssyncset.done $0x0  }
0x9c: {  	[sflag:s23] =	ssyncadd.s32 $0xFFFFD800  }
0x9d: {  	[hbm4b:s17+s3] =	stream.linear.scatter [tilespmem:s22], [sflag:$0x2], $0x2800, $0x38;
	[tilespmem:$0x19780] =	vst v63  }
0x9e: {  	_ =	swait.ge [sflag:s23], $0x2800  }
0x9f: {  	[sflag:s23] =	ssyncset.done $0x0  }
0xa0: {  	[sflag:s23] =	ssyncadd.s32 $0xFFFFD800  }
0xa1: {  	[tilespmem:s22], [sflag:$0x2] =	stream.linear.gather [spmem:s9], $0x2800, $0x38;
	[tilespmem:$0x19780] =	vst v63  }
0xa2: {  	_ =	swait.ge [sflag:s23], $0x2800  }
0xa3: {  	[sflag:s23] =	ssyncset.done $0x0  }
0xa4: {  	[sflag:s23] =	ssyncadd.s32 $0xFFFFD800  }
0xa5: {  	[hbm4b:s18+s3] =	stream.linear.scatter [tilespmem:s22], [sflag:$0x2], $0x2800, $0x38;
	[tilespmem:$0x19780] =	vst v63  }
0xa6: {  	_ =	swait.ge [sflag:s23], $0x2800  }
0xa7: {  	[sflag:s23] =	ssyncset.done $0x0  }
0xa8: {  	[sflag:s23] =	ssyncadd.s32 $0xFFFFD800  }
0xa9: {  	[tilespmem:s22], [sflag:$0x2] =	stream.linear.gather [spmem:s10], $0x2800, $0x38;
	[tilespmem:$0x19780] =	vst v63  }
0xaa: {  	_ =	swait.ge [sflag:s23], $0x2800  }
0xab: {  	[sflag:s23] =	ssyncset.done $0x0  }
0xac: {  	[sflag:s23] =	ssyncadd.s32 $0xFFFFD800  }
0xad: {  	[hbm4b:s19+s3] =	stream.linear.scatter [tilespmem:s22], [sflag:$0x2], $0x2800, $0x38;
	[tilespmem:$0x19780] =	vst v63  }
0xae: {  	_ =	swait.ge [sflag:s23], $0x2800  }
0xaf: {  	[sflag:s23] =	ssyncset.done $0x0  }
0xb0: {  	[sflag:s23] =	ssyncadd.s32 $0xFFFFD800  }
0xb1: {  	[tilespmem:s22], [sflag:$0x2] =	stream.linear.gather [spmem:s11], $0x2800, $0x38;
	[tilespmem:$0x19780] =	vst v63  }
0xb2: {  	s26 =	sadd.s32 $0x1, s26;
	_ =	swait.ge [sflag:s23], $0x2800  }
0xb3: {  	p0 =	sne.s32 s26, s21;
	[sflag:s23] =	ssyncset.done $0x0  }
.Ltmp3:
0xb4: {  	[sflag:s23] =	ssyncadd.s32 $0xFFFFD800;
	(pc) =	sbr.rel @p0 .LBB2_1-.Ltmp3, $4  }
0xb5: {  	[hbm4b:s20+s3] =	stream.linear.scatter [tilespmem:s22], [sflag:$0x2], $0x2800, $0x38;
	[tilespmem:$0x19780] =	vst v63  }
0xb6: {  	_ =	swait.ge [sflag:s23], $0x2800  }
0xb7: {  	[sflag:s23] =	ssyncset.done $0x0  }
0xb8: {  	[sflag:s23] =	ssyncadd.s32 $0xFFFFD800  }
0xb9: {  	_ =	sfence.sel $0x180000  }
0xba: {  	[bflag:$0x0] =	sbarrier.arrive $0xFFFF  }
0xbb: {  	p0 =	sne.s32 s0, $0x0;
	_ =	strace $0x9000004A  }
0xbc: {  	s0 =	sadd.s32 @!p0 $0x100000, s1;
	[bflag:$0x2] =	sbarrier.arrive $0xFFFF  }
0xbd: {  	[sflag:s0] =	ssyncadd.tile.s32 @!p0 $0x1;
	_ =	shalt  }
.Lfunc_end2:
_tile_overlayer_lowered:
.L_overlay_start_2:
0xbe: {  	(tag) =	ssettag $0x2  }
0xbf: {  	s0 =	rddreg [dreg:$0x0];
	s2 =	stileid.u32  }
0xc0: {  	s1 =	rddreg [dreg:$0x1];
	p0 =	sne.s32 s2, $0x0  }
0xc1: {  	s3 =	rddreg [dreg:$0x2];
	[bflag:$0x3] =	sbarrier.arrive $0xFFFF;
	s2 =	simm.s32 @!p0 $0x1C02  }
0xc2: {  	[timem:s3], [sflag:s2] =	dma.local @!p0 [hbm:s0], s1  }
0xc3: {  	s0 =	simm.s32 @!p0 $0x2  }
0xc4: {  	_ =	swait.ge @!p0 [sflag:s0], s1  }
0xc5: {  	s1 =	ssub.s32 @!p0 $0x0, s1;
	[sflag:s0] =	ssyncset.done @!p0 $0x0  }
0xc6: {  	[sflag:s0] =	ssyncadd.s32 @!p0 s1  }
0xc7: {  	[bflag:$0x3] =	sbarrier.arrive $0xFFFF  }
0xc8: {  	_ =	shalt  }

// kernel: kernel.13.cloned.1.call-start
scs
__scs_entry_jumppad:
0x0: {  	(pc) =	sbr.rel $0x88, $3  }
0x1: {  	(tag) =	ssettag $0x0;
	lr =	simm.s32 $0x1  }
0x2: {  	[smem:$0x3F99] =	sst lr;
	_ =	strace $0xD0000000  }
0x3: {  	_ = 	snop  }
0x4: {  	_ = 	snop  }
0x5: {  	_ = 	snop  }
0x6: {  	_ = 	snop  }
0x7: {  	_ = 	snop  }
__scs_overlays_trampoline_lowered:
0x8: {  	[smem:$0x3FA8] =	sst s0  }
0x9: {  	[smem:$0x3FA9] =	sst s1  }
0xa: {  	[smem:$0x3FAA] =	sst s2  }
0xb: {  	[smem:$0x3FAB] =	sst s3  }
0xc: {  	[smem:$0x3FAC] =	sst s4  }
0xd: {  	[smem:$0x3FAD] =	sst s5  }
0xe: {  	[smem:$0x3FAE] =	sst s6  }
0xf: {  	[smem:$0x3FAF] =	sst s7  }
0x10: {  	[smem:$0x3FB0] =	sst s8  }
0x11: {  	[smem:$0x3FB1] =	sst s9;
	s0 =	simm.s32 @!p0 $0x0  }
0x12: {  	s1 =	sld [smem:$0x3F97];
	s0 =	simm.s32 @p0 $0x1  }
0x13: {  	[smem:$0x3FB2] =	sst s0;
	s0 =	simm.s32 @!p1 $0x0  }
0x14: {  	s2 =	sld [smem:$0x3F96];
	s0 =	simm.s32 @p1 $0x1  }
0x15: {  	[smem:$0x3FB3] =	sst s0;
	s0 =	simm.s32 @!p2 $0x0  }
0x16: {  	s3 =	sld [smem:$0x3FDB];
	s0 =	simm.s32 @p2 $0x1  }
0x17: {  	s4 =	simm.s32 $0x1BF5;
	[smem:$0x3FB5] =	sst s0  }
0x18: {  	s0 =	sld [smem:$0x3F98];
	_ =	swait.ge [sflag:s4], $0x0  }
0x19: {  	s7 =	sld [smem:$0x3F99]  }
0x1a: {  	s8 =	sadd.s32 $0xFFFFE003, lr  }
0x1b: {  	s9 =	sadd.s32 $0xFFFFFEF7, lr;
	s5 =	simm.s32 $0xFFFFFFFF;
	p2 =	slt.u32 s8, $0xFFFFF086  }
0x1c: {  	p1 =	slt.u32 s9, $0xF7A;
	s5 =	simm.s32 @!p2 $0x0  }
0x1d: {  	s5 =	simm.s32 @p1 $0x1;
	p0 =	seq.s32 s7, s2  }
0x1e: {  	s7 =	smul.u32 @!p0 $0xF7A, s2;
	p2 =	seq.s32 @!p0 s5, $0x0  }
0x1f: {  	s9 =	smul.u32 $0xF7A, s1;
	s8 =	simm.s32 @!p0 $0x1BF5;
	p2 =	por !p2, p0  }
0x20: {  	[sflag:s8] =	ssyncset.s32 @!p0 $0xFFFFF086;
	s6 =	sadd.s32 @!p0 s3, s7;
	s7 =	simm.s32 @!p0 $0x108  }
0x21: {  	s3 =	sadd.s32 s3, s9;
	s6 =	sadd.s32 @!p0 $0x88, s6;
	s7 =	simm.s32 @p2 $0x1082  }
0x22: {  	[simem:s7], [sflag:s8] =	dma.local @!p0 [hbm:s6], $0xF7A  }
0x23: {  	s9 =	sor.u32 $0xD0000000, s2;
	s6 =	simm.s32 $0x108;
	_ =	swait.ge @!p0 [sflag:s8], $0x0  }
0x24: {  	s3 =	sadd.s32 $0x88, s3;
	s6 =	simm.s32 @!p1 $0x1082;
	[sflag:s4] =	ssyncset.s32 $0xFFFFF086  }
0x25: {  	[simem:s6], [sflag:s4] =	dma.local [hbm:s3], $0xF7A  }
0x26: {  	[smem:$0x3F99] =	sst s1;
	(tag) =	ssettag s2;
	_ =	strace s9  }
0x27: {  	s1 =	sld [smem:$0x3FA9]  }
0x28: {  	s2 =	sld [smem:$0x3FAA]  }
0x29: {  	s4 =	sld [smem:$0x3FAC]  }
0x2a: {  	p0 =	seq.s32 s5, $0x0;
	s5 =	sld [smem:$0x3FAD]  }
0x2b: {  	s6 =	sld [smem:$0x3FAE]  }
0x2c: {  	s7 =	sld [smem:$0x3FAF]  }
0x2d: {  	s3 =	simm.s32 $0x108;
	s8 =	sld [smem:$0x3FB0]  }
0x2e: {  	s3 =	simm.s32 @!p0 $0x1082;
	s9 =	sld [smem:$0x3FB1]  }
0x2f: {  	lr =	sadd.s32 s0, s3;
	s0 =	sld [smem:$0x3FA8]  }
0x30: {  	s3 =	sld [smem:$0x3FAB]  }
0x31: {  	[smem:$0x3FB4] =	sst s10  }
0x32: {  	s10 =	sld [smem:$0x3FB2];
	_ =	sdelay $0x3  }
0x33: {  	p0 =	seq.s32 s10, $0x1;
	s10 =	sld [smem:$0x3FB4];
	_ =	sdelay $0x3  }
0x34: {  	[smem:$0x3FB4] =	sst s10  }
0x35: {  	s10 =	sld [smem:$0x3FB3];
	_ =	sdelay $0x3  }
0x36: {  	p1 =	seq.s32 s10, $0x1;
	s10 =	sld [smem:$0x3FB4];
	_ =	sdelay $0x3  }
0x37: {  	[smem:$0x3FB4] =	sst s10  }
0x38: {  	s10 =	sld [smem:$0x3FB5]  }
0x39: {  	_ = 	snop;
	(pc) =	sbr.ind lr, $3  }
0x3a: {  	_ = 	snop  }
0x3b: {  	_ = 	snop  }
0x3c: {  	p2 =	seq.s32 s10, $0x1;
	s10 =	sld [smem:$0x3FB4]  }
0x3d: {  	_ =	shalt  }
0x3e: {  	_ =	shalt  }
0x3f: {  	_ =	shalt  }
0x40: {  	_ =	shalt  }
0x41: {  	_ =	shalt  }
0x42: {  	_ =	shalt  }
0x43: {  	_ =	shalt  }
0x44: {  	_ =	shalt  }
0x45: {  	_ =	shalt  }
0x46: {  	_ =	shalt  }
0x47: {  	_ =	shalt  }
0x48: {  	_ =	shalt  }
0x49: {  	_ =	shalt  }
0x4a: {  	_ =	shalt  }
0x4b: {  	_ =	shalt  }
0x4c: {  	_ =	shalt  }
0x4d: {  	_ =	shalt  }
0x4e: {  	_ =	shalt  }
0x4f: {  	_ =	shalt  }
0x50: {  	_ =	shalt  }
0x51: {  	_ =	shalt  }
0x52: {  	_ =	shalt  }
0x53: {  	_ =	shalt  }
0x54: {  	_ =	shalt  }
0x55: {  	_ =	shalt  }
0x56: {  	_ =	shalt  }
0x57: {  	_ =	shalt  }
0x58: {  	_ =	shalt  }
0x59: {  	_ =	shalt  }
0x5a: {  	_ =	shalt  }
0x5b: {  	_ =	shalt  }
0x5c: {  	_ =	shalt  }
0x5d: {  	_ =	shalt  }
0x5e: {  	_ =	shalt  }
0x5f: {  	_ =	shalt  }
0x60: {  	_ =	shalt  }
0x61: {  	_ =	shalt  }
0x62: {  	_ =	shalt  }
0x63: {  	_ =	shalt  }
0x64: {  	_ =	shalt  }
0x65: {  	_ =	shalt  }
0x66: {  	_ =	shalt  }
0x67: {  	_ =	shalt  }
0x68: {  	_ =	shalt  }
0x69: {  	_ =	shalt  }
0x6a: {  	_ =	shalt  }
0x6b: {  	_ =	shalt  }
0x6c: {  	_ =	shalt  }
0x6d: {  	_ =	shalt  }
0x6e: {  	_ =	shalt  }
0x6f: {  	_ =	shalt  }
0x70: {  	_ =	shalt  }
0x71: {  	_ =	shalt  }
0x72: {  	_ =	shalt  }
0x73: {  	_ =	shalt  }
0x74: {  	_ =	shalt  }
0x75: {  	_ =	shalt  }
0x76: {  	_ =	shalt  }
0x77: {  	_ =	shalt  }
0x78: {  	_ =	shalt  }
0x79: {  	_ =	shalt  }
0x7a: {  	_ =	shalt  }
0x7b: {  	_ =	shalt  }
0x7c: {  	_ =	shalt  }
0x7d: {  	_ =	shalt  }
0x7e: {  	_ =	shalt  }
0x7f: {  	_ =	shalt  }
0x80: {  	_ =	shalt  }
0x81: {  	_ =	shalt  }
0x82: {  	_ =	shalt  }
0x83: {  	_ =	shalt  }
0x84: {  	_ =	shalt  }
0x85: {  	_ =	shalt  }
0x86: {  	_ =	shalt  }
0x87: {  	_ =	shalt  }
.Lfunc_end0:
.L_simem_size_0:
called_computation.2_lowered:
.L_overlay_start_0:
0x88: {  	s2 =	sld [smem:$0x3FD9]  }
0x89: {  	s3 =	sld [smem:$0x3FFE];
	_ =	sdelay $0x1  }
0x8a: {  	s1 =	srdreg.scid  }
0x8b: {  	s0 =	sand.u32 $0x1, s1  }
0x8c: {  	s17 =	sshll.u32 s0, $0xA;
	s2 =	sadd.s32 s3, s2  }
0x8d: {  	s2 =	sadd.s32 s2, s17  }
0x8e: {  	[smem:$0x3FC0] =	sst s2  }
0x8f: {  	_ = 	snop  }
0x90: {  	s2 =	sld [smem:$0x3FD0];
	(tm) =	ssettm $0x1  }
0x91: {  	s18 =	sld [smem:$0x3FFB];
	_ =	sdelay $0x3  }
0x92: {  	_ =	strace s18  }
0x93: {  	s3 =	sld [smem:$0x3FFC];
	_ =	sdelay $0x3  }
0x94: {  	_ =	strace s3  }
0x95: {  	s3 =	sld [smem:$0x3FFD];
	_ =	sdelay $0x3  }
0x96: {  	_ =	strace s3  }
0x97: {  	_ =	strace $0x8FFFFFFF  }
0x98: {  	s19 =	sld [smem:$0x3FDB];
	_ =	sdelay $0x1  }
0x99: {  	s4 =	simm.s32 $_scs_section_size  }
0x9a: {  	s5 =	simm.s32 $_size__tile_overlayer_lowered;
	s6 =	simm.s32 $_tile_overlayer_lowered  }
0x9b: {  	s22 =	simm.s32 $0x1BFF;
	s21 =	sshll.u32 s6, $0x1;
	s3 =	sadd.s32 s4, s19  }
0x9c: {  	s7 =	simm.s32 $0x0;
	s20 =	sshll.u32 s5, $0x1;
	s5 =	sadd.s32 s21, s3  }
0x9d: {  	[timem:s7], [sflag:s22] =	dma.local [hbm:s5], s20  }
0x9e: {  	_ =	swait.ge [sflag:s22], s20  }
0x9f: {  	s4 =	ssub.s32 $0x0, s20;
	[sflag:s22] =	ssyncset.done $0x0  }
0xa0: {  	[sflag:s22] =	ssyncadd.s32 s4;
	_ =	sdelay $0x1  }
0xa1: {  	s23 =	simm.s32 $0x1B8B  }
0xa2: {  	_ =	swait.ge [sflag:s23], $0x1  }
0xa3: {  	[sflag:s23] =	ssyncset.done $0x0  }
0xa4: {  	s25 =	simm.s32 $0x1B8E;
	s24 =	sld [smem:$0x3FFE];
	[sflag:s23] =	ssyncadd.s32 $0xFFFFFFFF  }
0xa5: {  	s26 =	simm.s32 $execute0_lowered;
	[smem:$0x3FD2] =	sst s25  }
0xa6: {  	s5 =	sshll.u32 s26, $0x1;
	_ =	strace $0x8000004C;
	[dreg:$0x1] =	wrdreg $0xFFFFFFFF  }
0xa7: {  	s28 =	simm.s32 $_size_execute0_lowered;
	s3 =	sadd.s32 s3, s5;
	[dreg:$0x0] =	wrdreg $0x0  }
0xa8: {  	s5 =	sshll.u32 s28, $0x1;
	[dreg:$0x2] =	wrdreg s3  }
0xa9: {  	[dreg:$0x3] =	wrdreg s5  }
0xaa: {  	[dreg:$0x4] =	wrdreg $0xC0  }
0xab: {  	_ =	task [dreg:s7], $0x5FFFF  }
0xac: {  	[dreg:$0x1] =	wrdreg $0xFFFFFFFF  }
0xad: {  	[dreg:$0x0] =	wrdreg $0x60  }
0xae: {  	[dreg:$0x2] =	wrdreg s2  }
0xaf: {  	[dreg:$0x3] =	wrdreg s24  }
0xb0: {  	[dreg:$0x4] =	wrdreg $0x9F000  }
0xb1: {  	[dreg:$0x5] =	wrdreg $0x9  }
0xb2: {  	_ =	task.clear_ibuf [dreg:s7], $0x6FFFF;
	_ =	strace $0x9000004C  }
0xb3: {  	s29 =	simm.s32 $0x9;
	_ =	strace $0x8000004E  }
0xb4: {  	_ =	swait.ge [sflag:s29], $0x1  }
0xb5: {  	[sflag:s29] =	ssyncadd.s32 $0xFFFFFFFF  }
0xb6: {  	_ =	strace $0x9000004E  }
0xb7: {  	_ =	sfence  }
0xb8: {  	s30 =	sld [smem:$0x0];
	_ =	sdelay $0x2  }
0xb9: {  	s31 =	sshll.u32 s1, $0xD;
	s1 =	sshrl.u32 s1, $0x2  }
0xba: {  	s3 =	sand.u32 $0x4000, s31;
	s1 =	sadd.s32 s1, s30  }
0xbb: {  	s0 =	sor.u32 s3, s0;
	s1 =	sshll.u32 s1, $0x11  }
0xbc: {  	s0 =	sor.u32 s1, s0  }
0xbd: {  	s0 =	sadd.s32 $0x8F2B, s0  }
0xbe: {  	[sflag:s0] =	ssyncadd.remote.s32 $0x1  }
0xbf: {  	_ =	sfence.sel $0xFFFF  }
0xc0: {  	[dreg:$0x0] =	wrdreg $0xFFFFFFFF;
	(pc) =	sbr.abs _section_cstart, $3  }
0xc1: {  	[dreg:$0x1] =	wrdreg $0xFFFFFFFF  }
0xc2: {  	_ =	task.clear_ibuf [dreg:s7], $0x2FFFF;
	_ =	strace $0x9FFFFFFF  }
0xc3: {  	(tm) =	ssettm $0x7FFFFFFF  }
tec
execute0_lowered:
.L_overlay_start_1:
0x0: {  	(tag) =	ssettag $0x1  }
0x1: {  	s1 =	rddreg [dreg:$0x0]  }
0x2: {  	s0 =	srdreg.scid;
	s2 =	rddreg [dreg:$0x1]  }
0x3: {  	s7 =	stileid.u32;
	s3 =	rddreg [dreg:$0x2];
	s28 =	simm.s32 $0x50  }
0x4: {  	s29 =	simm.s32 $0x1;
	s30 =	simm.s32 $0x7700;
	s6 =	smul.u32 $0x50000, s7  }
0x5: {  	s0 =	sand.u32 $0x1, s0;
	s4 =	sshll.u32 s7, $0x1;
	s13 =	smul.u32 $0x14000, s7  }
0x6: {  	s5 =	sor.u32 s0, s4;
	s24 =	ssub.s32 $0x2, s0;
	s0 =	smul.u32 $0x140000, s0  }
0x7: {  	s31 =	simm.s32 $0x5700;
	s4 =	simm.s32 $0x0;
	s5 =	smul.u32 $0x4E2, s5  }
0x8: {  	[smem:$0x7FF] =	sst s4;
	s25 =	sshrl.u32 s24, $0x1;
	s6 =	sshrl.u32 s6, $0x2  }
0x9: {  	s15 =	sor.u32 $0x2800, s13;
	s17 =	sadd.s32 $0x5000, s13;
	s18 =	sadd.s32 $0x7800, s13  }
0xa: {  	s19 =	sadd.s32 $0xA000, s13;
	s20 =	sadd.s32 $0xC800, s13;
	s21 =	sadd.s32 $0xF000, s13  }
0xb: {  	s22 =	sadd.s32 $0x11800, s13;
	_ =	strace $0x8000004D;
	s16 =	ssub.s32 s24, s25  }
0xc: {  	s7 =	sadd.s32 s17, s3;
	s8 =	sadd.s32 s18, s3;
	s9 =	sadd.s32 s19, s3  }
0xd: {  	s10 =	sadd.s32 s20, s3;
	s11 =	sadd.s32 s21, s3;
	s12 =	sadd.s32 s22, s3  }
0xe: {  	s13 =	sadd.s32 s13, s0;
	s14 =	sadd.s32 s5, s2;
	s2 =	sadd.s32 $0x16200, s2  }
0xf: {  	s5 =	sadd.s32 s6, s3;
	s6 =	sadd.s32 s15, s3;
	s23 =	sadd.s32 $0xC400, s14  }
0x10: {  	s13 =	sshrl.u32 s13, $0x3;
	s14 =	sadd.s32 $0x2600, s14;
	[dreg:$0x4] =	wrdreg s23  }
0x11: {  	s15 =	sadd.s32 s0, s15;
	s13 =	sadd.s32 s2, s13;
	[dreg:$0x5] =	wrdreg s14  }
0x12: {  	s24 =	sadd.s32 s0, s21;
	s15 =	sshrl.u32 s15, $0x3;
	[dreg:$0x6] =	wrdreg s13  }
0x13: {  	s26 =	sadd.s32 s2, s15;
	s14 =	sadd.s32 s0, s17;
	s15 =	sadd.s32 s0, s18  }
0x14: {  	s17 =	sadd.s32 s0, s19;
	s23 =	sadd.s32 s0, s20;
	s0 =	sadd.s32 s0, s22  }
0x15: {  	[dreg:$0x7] =	wrdreg s26;
	s13 =	sshrl.u32 s14, $0x3;
	s14 =	sshrl.u32 s15, $0x3  }
0x16: {  	s15 =	sshrl.u32 s17, $0x3;
	s0 =	sshrl.u32 s0, $0x3;
	s26 =	smax.u32 s16, $0x1  }
0x17: {  	s16 =	simm.s32 $0x8700;
	s17 =	simm.s32 $0x8F00;
	s13 =	sadd.s32 s2, s13  }
0x18: {  	s18 =	sadd.s32 s2, s14;
	s19 =	sadd.s32 s2, s15;
	[dreg:$0xe] =	wrdreg s26  }
0x19: {  	s14 =	sshrl.u32 s24, $0x3;
	s0 =	sadd.s32 s2, s0;
	[dreg:$0x8] =	wrdreg s13  }
0x1a: {  	s24 =	simm.s32 $0x4F00;
	s26 =	simm.s32 $0x6F00;
	[dreg:$0x9] =	wrdreg s18  }
0x1b: {  	s15 =	simm.s32 $0x7F00;
	[dreg:$0xa] =	wrdreg s19;
	s13 =	sshrl.u32 s23, $0x3  }
0x1c: {  	s25 =	sadd.s32 s2, s14;
	[dreg:$0xd] =	wrdreg s0;
	s0 =	simm.s32 $0x6700  }
0x1d: {  	s14 =	simm.s32 $0x2;
	s18 =	simm.s32 $0x9700;
	s19 =	simm.s32 $0x0  }
0x1e: {  	s13 =	sadd.s32 s2, s13;
	[dreg:$0xc] =	wrdreg s25;
	s25 =	simm.s32 $0x4  }
0x1f: {  	v0 =	vimm.f32 $0.0e+00;
	vm0 =	vmmov $0xffff;
	s2 =	simm.s32 $0x5F00;
	[dreg:$0xb] =	wrdreg s13;
	s13 =	simm.s32 $0x3  }
.LBB2_1:
0x20: {  	s20 =	simm.s32 $0x0;
	s21 =	simm.s32 $0x200  }
.LBB2_2:
0x21: {  	p0 =	sne.s32 s21, $0x9E00;
	[tilespmem:s20+$0x4F70] =	vst v0  }
0x22: {  	[tilespmem:s20+$0x4F00] =	vst v0  }
0x23: {  	[tilespmem:s20+$0x4F10] =	vst v0  }
.Ltmp0:
0x24: {  	[tilespmem:s20+$0x4F20] =	vst v0;
	(pc) =	sbr.rel @p0 .LBB2_2-.Ltmp0, $4  }
0x25: {  	[tilespmem:s20+$0x4F30] =	vst v0  }
0x26: {  	[tilespmem:s20+$0x4F40] =	vst v0  }
0x27: {  	[tilespmem:s20+$0x4F50] =	vst v0  }
0x28: {  	[tilespmem:s20+$0x4F60] =	vst v0;
	s20 =	sshra.s32 s21, $0x2;
	s21 =	sadd.s32 $0x200, s21  }
0x29: {  	[tilespmem:s20+$0x4F70] =	vst v0  }
0x2a: {  	[tilespmem:s20+$0x4F00] =	vst v0  }
0x2b: {  	[tilespmem:s20+$0x4F10] =	vst v0  }
0x2c: {  	[tilespmem:s20+$0x4F20] =	vst v0  }
0x2d: {  	[tilespmem:s20+$0x4F30] =	vst v0  }
0x2e: {  	[tilespmem:s20+$0x4F40] =	vst v0  }
0x2f: {  	[tilespmem:s20+$0x4F50] =	vst v0  }
0x30: {  	[tilespmem:s20+$0x4F60] =	vst v0  }
0x31: {  	[spmem:s5] =	stream.linear.scatter [tilespmem:s24], [sflag:$0x4], $0x2800, $0x38;
	[tilespmem:$0x1DF00] =	vst v63  }
0x32: {  	_ =	swait.ge [sflag:s25], $0x2800  }
0x33: {  	[sflag:s25] =	ssyncset.done $0x0  }
0x34: {  	[sflag:s25] =	ssyncadd.s32 $0xFFFFD800  }
0x35: {  	[spmem:s6] =	stream.linear.scatter [tilespmem:s24], [sflag:$0x4], $0x2800, $0x38;
	[tilespmem:$0x1DF00] =	vst v63  }
0x36: {  	_ =	swait.ge [sflag:s25], $0x2800  }
0x37: {  	[sflag:s25] =	ssyncset.done $0x0  }
0x38: {  	[sflag:s25] =	ssyncadd.s32 $0xFFFFD800  }
0x39: {  	[spmem:s7] =	stream.linear.scatter [tilespmem:s24], [sflag:$0x4], $0x2800, $0x38;
	[tilespmem:$0x1DF00] =	vst v63  }
0x3a: {  	_ =	swait.ge [sflag:s25], $0x2800  }
0x3b: {  	[sflag:s25] =	ssyncset.done $0x0  }
0x3c: {  	[sflag:s25] =	ssyncadd.s32 $0xFFFFD800  }
0x3d: {  	[spmem:s8] =	stream.linear.scatter [tilespmem:s24], [sflag:$0x4], $0x2800, $0x38;
	[tilespmem:$0x1DF00] =	vst v63  }
0x3e: {  	_ =	swait.ge [sflag:s25], $0x2800  }
0x3f: {  	[sflag:s25] =	ssyncset.done $0x0  }
0x40: {  	[sflag:s25] =	ssyncadd.s32 $0xFFFFD800  }
0x41: {  	[spmem:s9] =	stream.linear.scatter [tilespmem:s24], [sflag:$0x4], $0x2800, $0x38;
	[tilespmem:$0x1DF00] =	vst v63  }
0x42: {  	_ =	swait.ge [sflag:s25], $0x2800  }
0x43: {  	[sflag:s25] =	ssyncset.done $0x0  }
0x44: {  	[sflag:s25] =	ssyncadd.s32 $0xFFFFD800  }
0x45: {  	[spmem:s10] =	stream.linear.scatter [tilespmem:s24], [sflag:$0x4], $0x2800, $0x38;
	[tilespmem:$0x1DF00] =	vst v63  }
0x46: {  	_ =	swait.ge [sflag:s25], $0x2800  }
0x47: {  	[sflag:s25] =	ssyncset.done $0x0  }
0x48: {  	[sflag:s25] =	ssyncadd.s32 $0xFFFFD800  }
0x49: {  	[spmem:s11] =	stream.linear.scatter [tilespmem:s24], [sflag:$0x4], $0x2800, $0x38;
	[tilespmem:$0x1DF00] =	vst v63  }
0x4a: {  	_ =	swait.ge [sflag:s25], $0x2800  }
0x4b: {  	[sflag:s25] =	ssyncset.done $0x0  }
0x4c: {  	[sflag:s25] =	ssyncadd.s32 $0xFFFFD800  }
0x4d: {  	[spmem:s12] =	stream.linear.scatter [tilespmem:s24], [sflag:$0x4], $0x2800, $0x38;
	[tilespmem:$0x1DF00] =	vst v63  }
0x4e: {  	_ =	swait.ge [sflag:s25], $0x2800  }
0x4f: {  	[sflag:s25] =	ssyncset.done $0x0  }
0x50: {  	s20 =	simm.s32 $0x0;
	s21 =	rddreg [dreg:$0x4];
	[sflag:s25] =	ssyncadd.s32 $0xFFFFD800  }
0x51: {  	[tilespmem:s20], [sflag:$0x4] =	stream.linear.gather [hbm4b:s21+s20], $0x2710, $0x38;
	[tilespmem:$0x1DF00] =	vst v63  }
0x52: {  	_ =	swait.ge [sflag:s25], $0x2710  }
0x53: {  	[sflag:s25] =	ssyncset.done $0x0  }
0x54: {  	s22 =	simm.s32 $0x2780;
	s23 =	rddreg [dreg:$0x5];
	[sflag:s25] =	ssyncadd.s32 $0xFFFFD8F0  }
0x55: {  	[tilespmem:s22], [sflag:$0x4] =	stream.linear.gather [hbm4b:s23+s20], $0x2710, $0x38;
	[tilespmem:$0x1DF00] =	vst v63  }
0x56: {  	_ =	swait.ge [sflag:s25], $0x2710  }
0x57: {  	[sflag:s25] =	ssyncset.done $0x0  }
0x58: {  	[sflag:s25] =	ssyncadd.s32 $0xFFFFD8F0  }
0x59: {  	s21 =	simm.s32 $0xA0;
	s22 =	simm.s32 $0x27D0;
	[bflag:$0x0] =	sbarrier.arrive $0xFFFF  }
0x5a: {  	[tilespmem:s24], [sflag:$0x1] =	stream.indirect.gather [hbm4b:s1+s28], $0x80, s20, s28, $0xb8;
	[tilespmem:$0x1DF00] =	vst v63  }
.LBB2_4:
0x5b: {  	_ =	swait.ge [sflag:s29], $0x2800  }
0x5c: {  	[sflag:s29] =	ssyncset.done $0x0  }
0x5d: {  	s23 =	sadd.s32 $0xFFFFFFB0, s21;
	[sflag:s29] =	ssyncadd.s32 $0xFFFFD800  }
0x5e: {  	[tilespmem:s30], [sflag:$0x2] =	stream.indirect.gather [hbm4b:s1+s28], $0x80, s23, s28, $0xb8;
	[tilespmem:$0x1DF00] =	vst v63  }
0x5f: {  	v1 =	vld [tilespmem:s22+$0xFFFFFFB0];
	_ =	sdelay $0x7  }
0x60: {  	[spmem:s3] =	stream.indirect_vreg.scatter.add.f32 [tilespmem:s24], [sflag:$0x3], $0x80, v1, vm0, $0xb8;
	[tilespmem:$0x1DF00] =	vst v63  }
0x61: {  	v1 =	vld [tilespmem:s22+$0xFFFFFFC0];
	_ =	sdelay $0x7  }
0x62: {  	[spmem:s3] =	stream.indirect_vreg.scatter.add.f32 [tilespmem:s31], [sflag:$0x3], $0x80, v1, vm0, $0xb8;
	[tilespmem:$0x1DF00] =	vst v63  }
0x63: {  	v1 =	vld [tilespmem:s22+$0xFFFFFFD0];
	_ =	sdelay $0x7  }
0x64: {  	[spmem:s3] =	stream.indirect_vreg.scatter.add.f32 [tilespmem:s2], [sflag:$0x3], $0x80, v1, vm0, $0xb8;
	[tilespmem:$0x1DF00] =	vst v63  }
0x65: {  	v1 =	vld [tilespmem:s22+$0xFFFFFFE0];
	_ =	sdelay $0x7  }
0x66: {  	[spmem:s3] =	stream.indirect_vreg.scatter.add.f32 [tilespmem:s0], [sflag:$0x3], $0x80, v1, vm0, $0xb8;
	[tilespmem:$0x1DF00] =	vst v63  }
0x67: {  	v1 =	vld [tilespmem:s22+$0xFFFFFFF0];
	_ =	sdelay $0x7  }
0x68: {  	[spmem:s3] =	stream.indirect_vreg.scatter.add.f32 [tilespmem:s26], [sflag:$0x3], $0x80, v1, vm0, $0xb8;
	[tilespmem:$0x1DF00] =	vst v63  }
0x69: {  	_ =	swait.ge [sflag:s13], $0x800  }
0x6a: {  	[sflag:s13] =	ssyncset.done $0x0  }
0x6b: {  	[sflag:s13] =	ssyncadd.s32 $0xFFFFF800  }
0x6c: {  	_ =	swait.ge [sflag:s13], $0x800  }
0x6d: {  	[sflag:s13] =	ssyncset.done $0x0  }
0x6e: {  	[sflag:s13] =	ssyncadd.s32 $0xFFFFF800  }
0x6f: {  	_ =	swait.ge [sflag:s13], $0x800  }
0x70: {  	[sflag:s13] =	ssyncset.done $0x0  }
0x71: {  	[sflag:s13] =	ssyncadd.s32 $0xFFFFF800  }
0x72: {  	_ =	swait.ge [sflag:s13], $0x800  }
0x73: {  	[sflag:s13] =	ssyncset.done $0x0  }
0x74: {  	[sflag:s13] =	ssyncadd.s32 $0xFFFFF800  }
0x75: {  	_ =	swait.ge [sflag:s13], $0x800  }
0x76: {  	[sflag:s13] =	ssyncset.done $0x0  }
0x77: {  	[sflag:s13] =	ssyncadd.s32 $0xFFFFF800  }
0x78: {  	[tilespmem:s24], [sflag:$0x1] =	stream.indirect.gather [hbm4b:s1+s28], $0x80, s21, s28, $0xb8;
	[tilespmem:$0x1DF00] =	vst v63  }
0x79: {  	_ =	swait.ge [sflag:s14], $0x2800  }
0x7a: {  	[sflag:s14] =	ssyncset.done $0x0  }
0x7b: {  	[sflag:s14] =	ssyncadd.s32 $0xFFFFD800  }
0x7c: {  	v1 =	vld [tilespmem:s22+$0x0];
	_ =	sdelay $0x7  }
0x7d: {  	[spmem:s3] =	stream.indirect_vreg.scatter.add.f32 [tilespmem:s30], [sflag:$0x3], $0x80, v1, vm0, $0xb8;
	[tilespmem:$0x1DF00] =	vst v63  }
0x7e: {  	v1 =	vld [tilespmem:s22+$0x10];
	_ =	sdelay $0x7  }
0x7f: {  	[spmem:s3] =	stream.indirect_vreg.scatter.add.f32 [tilespmem:s15], [sflag:$0x3], $0x80, v1, vm0, $0xb8;
	[tilespmem:$0x1DF00] =	vst v63  }
0x80: {  	v1 =	vld [tilespmem:s22+$0x20];
	_ =	sdelay $0x6  }
0x81: {  	s23 =	sand.u32 $0x3FE0, s20  }
0x82: {  	[spmem:s3] =	stream.indirect_vreg.scatter.add.f32 [tilespmem:s16], [sflag:$0x3], $0x80, v1, vm0, $0xb8;
	[tilespmem:$0x1DF00] =	vst v63  }
0x83: {  	v1 =	vld [tilespmem:s23+$0x2800];
	_ =	sdelay $0x7  }
0x84: {  	[spmem:s3] =	stream.indirect_vreg.scatter.add.f32 [tilespmem:s17], [sflag:$0x3], $0x80, v1, vm0, $0xb8;
	[tilespmem:$0x1DF00] =	vst v63  }
0x85: {  	v1 =	vld [tilespmem:s22+$0x40];
	_ =	sdelay $0x7  }
0x86: {  	[spmem:s3] =	stream.indirect_vreg.scatter.add.f32 [tilespmem:s18], [sflag:$0x3], $0x80, v1, vm0, $0xb8;
	[tilespmem:$0x1DF00] =	vst v63  }
0x87: {  	_ =	swait.ge [sflag:s13], $0x800  }
0x88: {  	[sflag:s13] =	ssyncset.done $0x0  }
0x89: {  	[sflag:s13] =	ssyncadd.s32 $0xFFFFF800  }
0x8a: {  	_ =	swait.ge [sflag:s13], $0x800  }
0x8b: {  	[sflag:s13] =	ssyncset.done $0x0  }
0x8c: {  	[sflag:s13] =	ssyncadd.s32 $0xFFFFF800  }
0x8d: {  	_ =	swait.ge [sflag:s13], $0x800  }
0x8e: {  	[sflag:s13] =	ssyncset.done $0x0  }
0x8f: {  	[sflag:s13] =	ssyncadd.s32 $0xFFFFF800  }
0x90: {  	p0 =	sne.s32 s20, $0x2620;
	_ =	swait.ge [sflag:s13], $0x800  }
.Ltmp1:
0x91: {  	[sflag:s13] =	ssyncset.done $0x0;
	(pc) =	sbr.rel @p0 .LBB2_4-.Ltmp1, $4  }
0x92: {  	[sflag:s13] =	ssyncadd.s32 $0xFFFFF800  }
0x93: {  	_ =	swait.ge [sflag:s13], $0x800  }
0x94: {  	s20 =	sadd.s32 $0xA0, s20;
	[sflag:s13] =	ssyncset.done $0x0  }
0x95: {  	s21 =	sadd.s32 $0xA0, s21;
	s22 =	sadd.s32 $0xA0, s22;
	[sflag:s13] =	ssyncadd.s32 $0xFFFFF800  }
0x96: {  	_ =	swait.ge [sflag:s29], $0x2800  }
0x97: {  	[sflag:s29] =	ssyncset.done $0x0  }
0x98: {  	[sflag:s29] =	ssyncadd.s32 $0xFFFFD800  }
0x99: {  	v1 =	vld [tilespmem:$0x4E40];
	_ =	sdelay $0x7  }
0x9a: {  	[spmem:s3] =	stream.indirect_vreg.scatter.add.f32 [tilespmem:s24], [sflag:$0x3], $0x80, v1, vm0, $0xb8;
	[tilespmem:$0x1DF00] =	vst v63  }
0x9b: {  	v1 =	vld [tilespmem:$0x4E50];
	_ =	sdelay $0x7  }
0x9c: {  	[spmem:s3] =	stream.indirect_vreg.scatter.add.f32 [tilespmem:s31], [sflag:$0x3], $0x80, v1, vm0, $0xb8;
	[tilespmem:$0x1DF00] =	vst v63  }
0x9d: {  	v1 =	vld [tilespmem:$0x4E60];
	_ =	sdelay $0x7  }
0x9e: {  	[spmem:s3] =	stream.indirect_vreg.scatter.add.f32 [tilespmem:s2], [sflag:$0x3], $0x80, v1, vm0, $0xb8;
	[tilespmem:$0x1DF00] =	vst v63  }
0x9f: {  	v1 =	vld [tilespmem:$0x4E70];
	_ =	sdelay $0x7  }
0xa0: {  	[spmem:s3] =	stream.indirect_vreg.scatter.add.f32 [tilespmem:s0], [sflag:$0x3], $0x80, v1, vm0, $0xb8;
	[tilespmem:$0x1DF00] =	vst v63  }
0xa1: {  	v1 =	vld [tilespmem:$0x4E80];
	_ =	sdelay $0x7  }
0xa2: {  	[spmem:s3] =	stream.indirect_vreg.scatter.add.f32 [tilespmem:s26], [sflag:$0x3], $0x80, v1, vm0, $0xb8;
	[tilespmem:$0x1DF00] =	vst v63  }
0xa3: {  	_ =	swait.ge [sflag:s13], $0x800  }
0xa4: {  	[sflag:s13] =	ssyncset.done $0x0  }
0xa5: {  	[sflag:s13] =	ssyncadd.s32 $0xFFFFF800  }
0xa6: {  	_ =	swait.ge [sflag:s13], $0x800  }
0xa7: {  	[sflag:s13] =	ssyncset.done $0x0  }
0xa8: {  	[sflag:s13] =	ssyncadd.s32 $0xFFFFF800  }
0xa9: {  	_ =	swait.ge [sflag:s13], $0x800  }
0xaa: {  	[sflag:s13] =	ssyncset.done $0x0  }
0xab: {  	[sflag:s13] =	ssyncadd.s32 $0xFFFFF800  }
0xac: {  	_ =	swait.ge [sflag:s13], $0x800  }
0xad: {  	[sflag:s13] =	ssyncset.done $0x0  }
0xae: {  	[sflag:s13] =	ssyncadd.s32 $0xFFFFF800  }
0xaf: {  	_ =	swait.ge [sflag:s13], $0x800  }
0xb0: {  	[sflag:s13] =	ssyncset.done $0x0  }
0xb1: {  	[sflag:s13] =	ssyncadd.s32 $0xFFFFF800  }
0xb2: {  	[bflag:$0x0] =	sbarrier.arrive $0xFFFF  }
0xb3: {  	[tilespmem:s24], [sflag:$0x4] =	stream.linear.gather [spmem:s5], $0x2800, $0x38;
	[tilespmem:$0x1DF00] =	vst v63  }
0xb4: {  	_ =	swait.ge [sflag:s25], $0x2800  }
0xb5: {  	[sflag:s25] =	ssyncset.done $0x0  }
0xb6: {  	s20 =	rddreg [dreg:$0x6];
	[sflag:s25] =	ssyncadd.s32 $0xFFFFD800  }
0xb7: {  	[hbm4b:s20+s4] =	stream.linear.scatter [tilespmem:s24], [sflag:$0x4], $0x2800, $0x38;
	[tilespmem:$0x1DF00] =	vst v63  }
0xb8: {  	_ =	swait.ge [sflag:s25], $0x2800  }
0xb9: {  	[sflag:s25] =	ssyncset.done $0x0  }
0xba: {  	[sflag:s25] =	ssyncadd.s32 $0xFFFFD800  }
0xbb: {  	[tilespmem:s24], [sflag:$0x4] =	stream.linear.gather [spmem:s6], $0x2800, $0x38;
	[tilespmem:$0x1DF00] =	vst v63  }
0xbc: {  	_ =	swait.ge [sflag:s25], $0x2800  }
0xbd: {  	[sflag:s25] =	ssyncset.done $0x0  }
0xbe: {  	s22 =	rddreg [dreg:$0x7];
	[sflag:s25] =	ssyncadd.s32 $0xFFFFD800  }
0xbf: {  	[hbm4b:s22+s4] =	stream.linear.scatter [tilespmem:s24], [sflag:$0x4], $0x2800, $0x38;
	[tilespmem:$0x1DF00] =	vst v63  }
0xc0: {  	_ =	swait.ge [sflag:s25], $0x2800  }
0xc1: {  	[sflag:s25] =	ssyncset.done $0x0  }
0xc2: {  	[sflag:s25] =	ssyncadd.s32 $0xFFFFD800  }
0xc3: {  	[tilespmem:s24], [sflag:$0x4] =	stream.linear.gather [spmem:s7], $0x2800, $0x38;
	[tilespmem:$0x1DF00] =	vst v63  }
0xc4: {  	_ =	swait.ge [sflag:s25], $0x2800  }
0xc5: {  	[sflag:s25] =	ssyncset.done $0x0  }
0xc6: {  	s23 =	rddreg [dreg:$0x8];
	[sflag:s25] =	ssyncadd.s32 $0xFFFFD800  }
0xc7: {  	[hbm4b:s23+s4] =	stream.linear.scatter [tilespmem:s24], [sflag:$0x4], $0x2800, $0x38;
	[tilespmem:$0x1DF00] =	vst v63  }
0xc8: {  	_ =	swait.ge [sflag:s25], $0x2800  }
0xc9: {  	[sflag:s25] =	ssyncset.done $0x0  }
0xca: {  	[sflag:s25] =	ssyncadd.s32 $0xFFFFD800  }
0xcb: {  	[tilespmem:s24], [sflag:$0x4] =	stream.linear.gather [spmem:s8], $0x2800, $0x38;
	[tilespmem:$0x1DF00] =	vst v63  }
0xcc: {  	_ =	swait.ge [sflag:s25], $0x2800  }
0xcd: {  	[sflag:s25] =	ssyncset.done $0x0  }
0xce: {  	s21 =	rddreg [dreg:$0x9];
	[sflag:s25] =	ssyncadd.s32 $0xFFFFD800  }
0xcf: {  	[hbm4b:s21+s4] =	stream.linear.scatter [tilespmem:s24], [sflag:$0x4], $0x2800, $0x38;
	[tilespmem:$0x1DF00] =	vst v63  }
0xd0: {  	_ =	swait.ge [sflag:s25], $0x2800  }
0xd1: {  	[sflag:s25] =	ssyncset.done $0x0  }
0xd2: {  	[sflag:s25] =	ssyncadd.s32 $0xFFFFD800  }
0xd3: {  	[tilespmem:s24], [sflag:$0x4] =	stream.linear.gather [spmem:s9], $0x2800, $0x38;
	[tilespmem:$0x1DF00] =	vst v63  }
0xd4: {  	_ =	swait.ge [sflag:s25], $0x2800  }
0xd5: {  	[sflag:s25] =	ssyncset.done $0x0  }
0xd6: {  	s22 =	rddreg [dreg:$0xa];
	[sflag:s25] =	ssyncadd.s32 $0xFFFFD800  }
0xd7: {  	[hbm4b:s22+s4] =	stream.linear.scatter [tilespmem:s24], [sflag:$0x4], $0x2800, $0x38;
	[tilespmem:$0x1DF00] =	vst v63  }
0xd8: {  	_ =	swait.ge [sflag:s25], $0x2800  }
0xd9: {  	[sflag:s25] =	ssyncset.done $0x0  }
0xda: {  	[sflag:s25] =	ssyncadd.s32 $0xFFFFD800  }
0xdb: {  	[tilespmem:s24], [sflag:$0x4] =	stream.linear.gather [spmem:s10], $0x2800, $0x38;
	[tilespmem:$0x1DF00] =	vst v63  }
0xdc: {  	_ =	swait.ge [sflag:s25], $0x2800  }
0xdd: {  	[sflag:s25] =	ssyncset.done $0x0  }
0xde: {  	s23 =	rddreg [dreg:$0xb];
	[sflag:s25] =	ssyncadd.s32 $0xFFFFD800  }
0xdf: {  	[hbm4b:s23+s4] =	stream.linear.scatter [tilespmem:s24], [sflag:$0x4], $0x2800, $0x38;
	[tilespmem:$0x1DF00] =	vst v63  }
0xe0: {  	_ =	swait.ge [sflag:s25], $0x2800  }
0xe1: {  	[sflag:s25] =	ssyncset.done $0x0  }
0xe2: {  	[sflag:s25] =	ssyncadd.s32 $0xFFFFD800  }
0xe3: {  	[tilespmem:s24], [sflag:$0x4] =	stream.linear.gather [spmem:s11], $0x2800, $0x38;
	[tilespmem:$0x1DF00] =	vst v63  }
0xe4: {  	_ =	swait.ge [sflag:s25], $0x2800  }
0xe5: {  	[sflag:s25] =	ssyncset.done $0x0  }
0xe6: {  	s21 =	rddreg [dreg:$0xc];
	[sflag:s25] =	ssyncadd.s32 $0xFFFFD800  }
0xe7: {  	[hbm4b:s21+s4] =	stream.linear.scatter [tilespmem:s24], [sflag:$0x4], $0x2800, $0x38;
	[tilespmem:$0x1DF00] =	vst v63  }
0xe8: {  	_ =	swait.ge [sflag:s25], $0x2800  }
0xe9: {  	[sflag:s25] =	ssyncset.done $0x0  }
0xea: {  	[sflag:s25] =	ssyncadd.s32 $0xFFFFD800  }
0xeb: {  	[tilespmem:s24], [sflag:$0x4] =	stream.linear.gather [spmem:s12], $0x2800, $0x38;
	[tilespmem:$0x1DF00] =	vst v63  }
0xec: {  	_ =	swait.ge [sflag:s25], $0x2800  }
0xed: {  	[sflag:s25] =	ssyncset.done $0x0  }
0xee: {  	s22 =	rddreg [dreg:$0xd];
	[sflag:s25] =	ssyncadd.s32 $0xFFFFD800  }
0xef: {  	[hbm4b:s22+s4] =	stream.linear.scatter [tilespmem:s24], [sflag:$0x4], $0x2800, $0x38;
	[tilespmem:$0x1DF00] =	vst v63  }
0xf0: {  	_ =	swait.ge [sflag:s25], $0x2800  }
0xf1: {  	s19 =	sadd.s32 $0x1, s19;
	s23 =	rddreg [dreg:$0xe]  }
0xf2: {  	p0 =	sne.s32 s19, s23  }
.Ltmp2:
0xf3: {  	_ = 	snop;
	(pc) =	sbr.rel @p0 .LBB2_1-.Ltmp2, $3  }
0xf4: {  	_ =	sdelay $0x1  }
0xf5: {  	[sflag:s25] =	ssyncset.done $0x0  }
0xf6: {  	[sflag:s25] =	ssyncadd.s32 $0xFFFFD800  }
0xf7: {  	_ =	sfence.sel $0x180000  }
0xf8: {  	[bflag:$0x0] =	sbarrier.arrive $0xFFFF  }
0xf9: {  	_ =	strace $0x9000004D  }
0xfa: {  	s0 =	stileid.u32;
	[bflag:$0x2] =	sbarrier.arrive $0xFFFF  }
0xfb: {  	p0 =	sne.s32 s0, $0x0;
	s0 =	rddreg [dreg:$0x3]  }
0xfc: {  	s0 =	sadd.s32 @!p0 $0x100000, s0  }
0xfd: {  	[sflag:s0] =	ssyncadd.tile.s32 @!p0 $0x1;
	_ =	shalt  }
.Lfunc_end2:
_tile_overlayer_lowered:
.L_overlay_start_2:
0xfe: {  	(tag) =	ssettag $0x2  }
0xff: {  	s0 =	rddreg [dreg:$0x0];
	s2 =	stileid.u32  }
0x100: {  	s1 =	rddreg [dreg:$0x1];
	p0 =	sne.s32 s2, $0x0  }
0x101: {  	s3 =	rddreg [dreg:$0x2];
	[bflag:$0x3] =	sbarrier.arrive $0xFFFF;
	s2 =	simm.s32 @!p0 $0x1C04  }
0x102: {  	[timem:s3], [sflag:s2] =	dma.local @!p0 [hbm:s0], s1  }
0x103: {  	s0 =	simm.s32 @!p0 $0x4  }
0x104: {  	_ =	swait.ge @!p0 [sflag:s0], s1  }
0x105: {  	s1 =	ssub.s32 @!p0 $0x0, s1;
	[sflag:s0] =	ssyncset.done @!p0 $0x0  }
0x106: {  	[sflag:s0] =	ssyncadd.s32 @!p0 s1  }
0x107: {  	[bflag:$0x3] =	sbarrier.arrive $0xFFFF  }
0x108: {  	_ =	shalt  }

// kernel: kernel.7.cloned.1.call-start
scs
__scs_entry_jumppad:
0x0: {  	(pc) =	sbr.rel $0x88, $3  }
0x1: {  	(tag) =	ssettag $0x0;
	lr =	simm.s32 $0x1  }
0x2: {  	[smem:$0x3F99] =	sst lr;
	_ =	strace $0xD0000000  }
0x3: {  	_ = 	snop  }
0x4: {  	_ = 	snop  }
0x5: {  	_ = 	snop  }
0x6: {  	_ = 	snop  }
0x7: {  	_ = 	snop  }
__scs_overlays_trampoline_lowered:
0x8: {  	[smem:$0x3FA8] =	sst s0  }
0x9: {  	[smem:$0x3FA9] =	sst s1  }
0xa: {  	[smem:$0x3FAA] =	sst s2  }
0xb: {  	[smem:$0x3FAB] =	sst s3  }
0xc: {  	[smem:$0x3FAC] =	sst s4  }
0xd: {  	[smem:$0x3FAD] =	sst s5  }
0xe: {  	[smem:$0x3FAE] =	sst s6  }
0xf: {  	[smem:$0x3FAF] =	sst s7  }
0x10: {  	[smem:$0x3FB0] =	sst s8  }
0x11: {  	[smem:$0x3FB1] =	sst s9;
	s0 =	simm.s32 @!p0 $0x0  }
0x12: {  	s1 =	sld [smem:$0x3F97];
	s0 =	simm.s32 @p0 $0x1  }
0x13: {  	[smem:$0x3FB2] =	sst s0;
	s0 =	simm.s32 @!p1 $0x0  }
0x14: {  	s2 =	sld [smem:$0x3F96];
	s0 =	simm.s32 @p1 $0x1  }
0x15: {  	[smem:$0x3FB3] =	sst s0;
	s0 =	simm.s32 @!p2 $0x0  }
0x16: {  	s3 =	sld [smem:$0x3FDB];
	s0 =	simm.s32 @p2 $0x1  }
0x17: {  	s4 =	simm.s32 $0x1BF5;
	[smem:$0x3FB5] =	sst s0  }
0x18: {  	s0 =	sld [smem:$0x3F98];
	_ =	swait.ge [sflag:s4], $0x0  }
0x19: {  	s7 =	sld [smem:$0x3F99]  }
0x1a: {  	s8 =	sadd.s32 $0xFFFFE003, lr  }
0x1b: {  	s9 =	sadd.s32 $0xFFFFFEF7, lr;
	s5 =	simm.s32 $0xFFFFFFFF;
	p2 =	slt.u32 s8, $0xFFFFF086  }
0x1c: {  	p1 =	slt.u32 s9, $0xF7A;
	s5 =	simm.s32 @!p2 $0x0  }
0x1d: {  	s5 =	simm.s32 @p1 $0x1;
	p0 =	seq.s32 s7, s2  }
0x1e: {  	s7 =	smul.u32 @!p0 $0xF7A, s2;
	p2 =	seq.s32 @!p0 s5, $0x0  }
0x1f: {  	s9 =	smul.u32 $0xF7A, s1;
	s8 =	simm.s32 @!p0 $0x1BF5;
	p2 =	por !p2, p0  }
0x20: {  	[sflag:s8] =	ssyncset.s32 @!p0 $0xFFFFF086;
	s6 =	sadd.s32 @!p0 s3, s7;
	s7 =	simm.s32 @!p0 $0x108  }
0x21: {  	s3 =	sadd.s32 s3, s9;
	s6 =	sadd.s32 @!p0 $0x88, s6;
	s7 =	simm.s32 @p2 $0x1082  }
0x22: {  	[simem:s7], [sflag:s8] =	dma.local @!p0 [hbm:s6], $0xF7A  }
0x23: {  	s9 =	sor.u32 $0xD0000000, s2;
	s6 =	simm.s32 $0x108;
	_ =	swait.ge @!p0 [sflag:s8], $0x0  }
0x24: {  	s3 =	sadd.s32 $0x88, s3;
	s6 =	simm.s32 @!p1 $0x1082;
	[sflag:s4] =	ssyncset.s32 $0xFFFFF086  }
0x25: {  	[simem:s6], [sflag:s4] =	dma.local [hbm:s3], $0xF7A  }
0x26: {  	[smem:$0x3F99] =	sst s1;
	(tag) =	ssettag s2;
	_ =	strace s9  }
0x27: {  	s1 =	sld [smem:$0x3FA9]  }
0x28: {  	s2 =	sld [smem:$0x3FAA]  }
0x29: {  	s4 =	sld [smem:$0x3FAC]  }
0x2a: {  	p0 =	seq.s32 s5, $0x0;
	s5 =	sld [smem:$0x3FAD]  }
0x2b: {  	s6 =	sld [smem:$0x3FAE]  }
0x2c: {  	s7 =	sld [smem:$0x3FAF]  }
0x2d: {  	s3 =	simm.s32 $0x108;
	s8 =	sld [smem:$0x3FB0]  }
0x2e: {  	s3 =	simm.s32 @!p0 $0x1082;
	s9 =	sld [smem:$0x3FB1]  }
0x2f: {  	lr =	sadd.s32 s0, s3;
	s0 =	sld [smem:$0x3FA8]  }
0x30: {  	s3 =	sld [smem:$0x3FAB]  }
0x31: {  	[smem:$0x3FB4] =	sst s10  }
0x32: {  	s10 =	sld [smem:$0x3FB2];
	_ =	sdelay $0x3  }
0x33: {  	p0 =	seq.s32 s10, $0x1;
	s10 =	sld [smem:$0x3FB4];
	_ =	sdelay $0x3  }
0x34: {  	[smem:$0x3FB4] =	sst s10  }
0x35: {  	s10 =	sld [smem:$0x3FB3];
	_ =	sdelay $0x3  }
0x36: {  	p1 =	seq.s32 s10, $0x1;
	s10 =	sld [smem:$0x3FB4];
	_ =	sdelay $0x3  }
0x37: {  	[smem:$0x3FB4] =	sst s10  }
0x38: {  	s10 =	sld [smem:$0x3FB5]  }
0x39: {  	_ = 	snop;
	(pc) =	sbr.ind lr, $3  }
0x3a: {  	_ = 	snop  }
0x3b: {  	_ = 	snop  }
0x3c: {  	p2 =	seq.s32 s10, $0x1;
	s10 =	sld [smem:$0x3FB4]  }
0x3d: {  	_ =	shalt  }
0x3e: {  	_ =	shalt  }
0x3f: {  	_ =	shalt  }
0x40: {  	_ =	shalt  }
0x41: {  	_ =	shalt  }
0x42: {  	_ =	shalt  }
0x43: {  	_ =	shalt  }
0x44: {  	_ =	shalt  }
0x45: {  	_ =	shalt  }
0x46: {  	_ =	shalt  }
0x47: {  	_ =	shalt  }
0x48: {  	_ =	shalt  }
0x49: {  	_ =	shalt  }
0x4a: {  	_ =	shalt  }
0x4b: {  	_ =	shalt  }
0x4c: {  	_ =	shalt  }
0x4d: {  	_ =	shalt  }
0x4e: {  	_ =	shalt  }
0x4f: {  	_ =	shalt  }
0x50: {  	_ =	shalt  }
0x51: {  	_ =	shalt  }
0x52: {  	_ =	shalt  }
0x53: {  	_ =	shalt  }
0x54: {  	_ =	shalt  }
0x55: {  	_ =	shalt  }
0x56: {  	_ =	shalt  }
0x57: {  	_ =	shalt  }
0x58: {  	_ =	shalt  }
0x59: {  	_ =	shalt  }
0x5a: {  	_ =	shalt  }
0x5b: {  	_ =	shalt  }
0x5c: {  	_ =	shalt  }
0x5d: {  	_ =	shalt  }
0x5e: {  	_ =	shalt  }
0x5f: {  	_ =	shalt  }
0x60: {  	_ =	shalt  }
0x61: {  	_ =	shalt  }
0x62: {  	_ =	shalt  }
0x63: {  	_ =	shalt  }
0x64: {  	_ =	shalt  }
0x65: {  	_ =	shalt  }
0x66: {  	_ =	shalt  }
0x67: {  	_ =	shalt  }
0x68: {  	_ =	shalt  }
0x69: {  	_ =	shalt  }
0x6a: {  	_ =	shalt  }
0x6b: {  	_ =	shalt  }
0x6c: {  	_ =	shalt  }
0x6d: {  	_ =	shalt  }
0x6e: {  	_ =	shalt  }
0x6f: {  	_ =	shalt  }
0x70: {  	_ =	shalt  }
0x71: {  	_ =	shalt  }
0x72: {  	_ =	shalt  }
0x73: {  	_ =	shalt  }
0x74: {  	_ =	shalt  }
0x75: {  	_ =	shalt  }
0x76: {  	_ =	shalt  }
0x77: {  	_ =	shalt  }
0x78: {  	_ =	shalt  }
0x79: {  	_ =	shalt  }
0x7a: {  	_ =	shalt  }
0x7b: {  	_ =	shalt  }
0x7c: {  	_ =	shalt  }
0x7d: {  	_ =	shalt  }
0x7e: {  	_ =	shalt  }
0x7f: {  	_ =	shalt  }
0x80: {  	_ =	shalt  }
0x81: {  	_ =	shalt  }
0x82: {  	_ =	shalt  }
0x83: {  	_ =	shalt  }
0x84: {  	_ =	shalt  }
0x85: {  	_ =	shalt  }
0x86: {  	_ =	shalt  }
0x87: {  	_ =	shalt  }
.Lfunc_end0:
.L_simem_size_0:
called_computation_lowered:
.L_overlay_start_0:
0x88: {  	s2 =	sld [smem:$0x3FD9]  }
0x89: {  	s3 =	sld [smem:$0x3FFE];
	_ =	sdelay $0x1  }
0x8a: {  	s1 =	srdreg.scid  }
0x8b: {  	s0 =	sand.u32 $0x1, s1  }
0x8c: {  	s17 =	sshll.u32 s0, $0xA;
	s2 =	sadd.s32 s3, s2  }
0x8d: {  	s2 =	sadd.s32 s2, s17  }
0x8e: {  	[smem:$0x3FC0] =	sst s2  }
0x8f: {  	_ = 	snop  }
0x90: {  	s2 =	sld [smem:$0x3FC9];
	(tm) =	ssettm $0x1  }
0x91: {  	s18 =	sld [smem:$0x3FFB];
	_ =	sdelay $0x3  }
0x92: {  	_ =	strace s18  }
0x93: {  	s3 =	sld [smem:$0x3FFC];
	_ =	sdelay $0x3  }
0x94: {  	_ =	strace s3  }
0x95: {  	s3 =	sld [smem:$0x3FFD];
	_ =	sdelay $0x3  }
0x96: {  	_ =	strace s3  }
0x97: {  	_ =	strace $0x8FFFFFFF  }
0x98: {  	s19 =	sld [smem:$0x3FDB];
	_ =	sdelay $0x1  }
0x99: {  	s4 =	simm.s32 $_scs_section_size  }
0x9a: {  	s5 =	simm.s32 $_size__tile_overlayer_lowered;
	s6 =	simm.s32 $_tile_overlayer_lowered  }
0x9b: {  	s22 =	simm.s32 $0x1BFF;
	s21 =	sshll.u32 s6, $0x1;
	s3 =	sadd.s32 s4, s19  }
0x9c: {  	s7 =	simm.s32 $0x0;
	s20 =	sshll.u32 s5, $0x1;
	s5 =	sadd.s32 s21, s3  }
0x9d: {  	[timem:s7], [sflag:s22] =	dma.local [hbm:s5], s20  }
0x9e: {  	_ =	swait.ge [sflag:s22], s20  }
0x9f: {  	s4 =	ssub.s32 $0x0, s20;
	[sflag:s22] =	ssyncset.done $0x0  }
0xa0: {  	[sflag:s22] =	ssyncadd.s32 s4;
	_ =	sdelay $0x1  }
0xa1: {  	s23 =	simm.s32 $0x1B8B  }
0xa2: {  	_ =	swait.ge [sflag:s23], $0x1  }
0xa3: {  	[sflag:s23] =	ssyncset.done $0x0  }
0xa4: {  	s25 =	simm.s32 $0x1B8E;
	s24 =	sld [smem:$0x3FFE];
	[sflag:s23] =	ssyncadd.s32 $0xFFFFFFFF  }
0xa5: {  	s26 =	simm.s32 $execute0_lowered;
	[smem:$0x3FD2] =	sst s25  }
0xa6: {  	s5 =	sshll.u32 s26, $0x1;
	_ =	strace $0x80000046;
	[dreg:$0x1] =	wrdreg $0xFFFFFFFF  }
0xa7: {  	s28 =	simm.s32 $_size_execute0_lowered;
	s3 =	sadd.s32 s3, s5;
	[dreg:$0x0] =	wrdreg $0x0  }
0xa8: {  	s5 =	sshll.u32 s28, $0x1;
	[dreg:$0x2] =	wrdreg s3  }
0xa9: {  	[dreg:$0x3] =	wrdreg s5  }
0xaa: {  	[dreg:$0x4] =	wrdreg $0xC0  }
0xab: {  	_ =	task [dreg:s7], $0x5FFFF  }
0xac: {  	[dreg:$0x1] =	wrdreg $0xFFFFFFFF  }
0xad: {  	[dreg:$0x0] =	wrdreg $0x60  }
0xae: {  	[dreg:$0x2] =	wrdreg s2  }
0xaf: {  	[dreg:$0x3] =	wrdreg s24  }
0xb0: {  	[dreg:$0x4] =	wrdreg $0x9F000  }
0xb1: {  	[dreg:$0x5] =	wrdreg $0x9  }
0xb2: {  	_ =	task.clear_ibuf [dreg:s7], $0x6FFFF;
	_ =	strace $0x90000046  }
0xb3: {  	s29 =	simm.s32 $0x9;
	_ =	strace $0x80000048  }
0xb4: {  	_ =	swait.ge [sflag:s29], $0x1  }
0xb5: {  	[sflag:s29] =	ssyncadd.s32 $0xFFFFFFFF  }
0xb6: {  	_ =	strace $0x90000048  }
0xb7: {  	_ =	sfence  }
0xb8: {  	s30 =	sld [smem:$0x0];
	_ =	sdelay $0x2  }
0xb9: {  	s31 =	sshll.u32 s1, $0xD;
	s1 =	sshrl.u32 s1, $0x2  }
0xba: {  	s3 =	sand.u32 $0x4000, s31;
	s1 =	sadd.s32 s1, s30  }
0xbb: {  	s0 =	sor.u32 s3, s0;
	s1 =	sshll.u32 s1, $0x11  }
0xbc: {  	s0 =	sor.u32 s1, s0  }
0xbd: {  	s0 =	sadd.s32 $0x8F2B, s0  }
0xbe: {  	[sflag:s0] =	ssyncadd.remote.s32 $0x1  }
0xbf: {  	_ =	sfence.sel $0xFFFF  }
0xc0: {  	[dreg:$0x0] =	wrdreg $0xFFFFFFFF;
	(pc) =	sbr.abs _section_cstart, $3  }
0xc1: {  	[dreg:$0x1] =	wrdreg $0xFFFFFFFF  }
0xc2: {  	_ =	task.clear_ibuf [dreg:s7], $0x2FFFF;
	_ =	strace $0x9FFFFFFF  }
0xc3: {  	(tm) =	ssettm $0x7FFFFFFF  }
tec
execute0_lowered:
.L_overlay_start_1:
0x0: {  	(tag) =	ssettag $0x1  }
0x1: {  	s1 =	rddreg [dreg:$0x0]  }
0x2: {  	s0 =	srdreg.scid;
	s2 =	rddreg [dreg:$0x1]  }
0x3: {  	s7 =	stileid.u32;
	s3 =	rddreg [dreg:$0x2];
	s28 =	simm.s32 $0x50  }
0x4: {  	s29 =	simm.s32 $0x1;
	s30 =	simm.s32 $0x7700;
	s6 =	smul.u32 $0x50000, s7  }
0x5: {  	s0 =	sand.u32 $0x1, s0;
	s4 =	sshll.u32 s7, $0x1;
	s13 =	smul.u32 $0x14000, s7  }
0x6: {  	s5 =	sor.u32 s0, s4;
	s24 =	ssub.s32 $0x2, s0;
	s0 =	smul.u32 $0x140000, s0  }
0x7: {  	s31 =	simm.s32 $0x5700;
	s4 =	simm.s32 $0x0;
	s5 =	smul.u32 $0x4E2, s5  }
0x8: {  	[smem:$0x7FF] =	sst s4;
	s25 =	sshrl.u32 s24, $0x1;
	s6 =	sshrl.u32 s6, $0x2  }
0x9: {  	s15 =	sor.u32 $0x2800, s13;
	s17 =	sadd.s32 $0x5000, s13;
	s18 =	sadd.s32 $0x7800, s13  }
0xa: {  	s19 =	sadd.s32 $0xA000, s13;
	s20 =	sadd.s32 $0xC800, s13;
	s21 =	sadd.s32 $0xF000, s13  }
0xb: {  	s22 =	sadd.s32 $0x11800, s13;
	_ =	strace $0x80000047;
	s16 =	ssub.s32 s24, s25  }
0xc: {  	s7 =	sadd.s32 s17, s3;
	s8 =	sadd.s32 s18, s3;
	s9 =	sadd.s32 s19, s3  }
0xd: {  	s10 =	sadd.s32 s20, s3;
	s11 =	sadd.s32 s21, s3;
	s12 =	sadd.s32 s22, s3  }
0xe: {  	s13 =	sadd.s32 s13, s0;
	s14 =	sadd.s32 s5, s2;
	s2 =	sadd.s32 $0x16200, s2  }
0xf: {  	s5 =	sadd.s32 s6, s3;
	s6 =	sadd.s32 s15, s3;
	s23 =	sadd.s32 $0xC400, s14  }
0x10: {  	s13 =	sshrl.u32 s13, $0x3;
	s14 =	sadd.s32 $0x2600, s14;
	[dreg:$0x4] =	wrdreg s23  }
0x11: {  	s15 =	sadd.s32 s0, s15;
	s13 =	sadd.s32 s2, s13;
	[dreg:$0x5] =	wrdreg s14  }
0x12: {  	s24 =	sadd.s32 s0, s21;
	s15 =	sshrl.u32 s15, $0x3;
	[dreg:$0x6] =	wrdreg s13  }
0x13: {  	s26 =	sadd.s32 s2, s15;
	s14 =	sadd.s32 s0, s17;
	s15 =	sadd.s32 s0, s18  }
0x14: {  	s17 =	sadd.s32 s0, s19;
	s23 =	sadd.s32 s0, s20;
	s0 =	sadd.s32 s0, s22  }
0x15: {  	[dreg:$0x7] =	wrdreg s26;
	s13 =	sshrl.u32 s14, $0x3;
	s14 =	sshrl.u32 s15, $0x3  }
0x16: {  	s15 =	sshrl.u32 s17, $0x3;
	s0 =	sshrl.u32 s0, $0x3;
	s26 =	smax.u32 s16, $0x1  }
0x17: {  	s16 =	simm.s32 $0x8700;
	s17 =	simm.s32 $0x8F00;
	s13 =	sadd.s32 s2, s13  }
0x18: {  	s18 =	sadd.s32 s2, s14;
	s19 =	sadd.s32 s2, s15;
	[dreg:$0xe] =	wrdreg s26  }
0x19: {  	s14 =	sshrl.u32 s24, $0x3;
	s0 =	sadd.s32 s2, s0;
	[dreg:$0x8] =	wrdreg s13  }
0x1a: {  	s24 =	simm.s32 $0x4F00;
	s26 =	simm.s32 $0x6F00;
	[dreg:$0x9] =	wrdreg s18  }
0x1b: {  	s15 =	simm.s32 $0x7F00;
	[dreg:$0xa] =	wrdreg s19;
	s13 =	sshrl.u32 s23, $0x3  }
0x1c: {  	s25 =	sadd.s32 s2, s14;
	[dreg:$0xd] =	wrdreg s0;
	s0 =	simm.s32 $0x6700  }
0x1d: {  	s14 =	simm.s32 $0x2;
	s18 =	simm.s32 $0x9700;
	s19 =	simm.s32 $0x0  }
0x1e: {  	s13 =	sadd.s32 s2, s13;
	[dreg:$0xc] =	wrdreg s25;
	s25 =	simm.s32 $0x4  }
0x1f: {  	v0 =	vimm.f32 $0.0e+00;
	vm0 =	vmmov $0xffff;
	s2 =	simm.s32 $0x5F00;
	[dreg:$0xb] =	wrdreg s13;
	s13 =	simm.s32 $0x3  }
.LBB2_1:
0x20: {  	s20 =	simm.s32 $0x0;
	s21 =	simm.s32 $0x200  }
.LBB2_2:
0x21: {  	p0 =	sne.s32 s21, $0x9E00;
	[tilespmem:s20+$0x4F70] =	vst v0  }
0x22: {  	[tilespmem:s20+$0x4F00] =	vst v0  }
0x23: {  	[tilespmem:s20+$0x4F10] =	vst v0  }
.Ltmp0:
0x24: {  	[tilespmem:s20+$0x4F20] =	vst v0;
	(pc) =	sbr.rel @p0 .LBB2_2-.Ltmp0, $4  }
0x25: {  	[tilespmem:s20+$0x4F30] =	vst v0  }
0x26: {  	[tilespmem:s20+$0x4F40] =	vst v0  }
0x27: {  	[tilespmem:s20+$0x4F50] =	vst v0  }
0x28: {  	[tilespmem:s20+$0x4F60] =	vst v0;
	s20 =	sshra.s32 s21, $0x2;
	s21 =	sadd.s32 $0x200, s21  }
0x29: {  	[tilespmem:s20+$0x4F70] =	vst v0  }
0x2a: {  	[tilespmem:s20+$0x4F00] =	vst v0  }
0x2b: {  	[tilespmem:s20+$0x4F10] =	vst v0  }
0x2c: {  	[tilespmem:s20+$0x4F20] =	vst v0  }
0x2d: {  	[tilespmem:s20+$0x4F30] =	vst v0  }
0x2e: {  	[tilespmem:s20+$0x4F40] =	vst v0  }
0x2f: {  	[tilespmem:s20+$0x4F50] =	vst v0  }
0x30: {  	[tilespmem:s20+$0x4F60] =	vst v0  }
0x31: {  	[spmem:s5] =	stream.linear.scatter [tilespmem:s24], [sflag:$0x4], $0x2800, $0x38;
	[tilespmem:$0x1DF00] =	vst v63  }
0x32: {  	_ =	swait.ge [sflag:s25], $0x2800  }
0x33: {  	[sflag:s25] =	ssyncset.done $0x0  }
0x34: {  	[sflag:s25] =	ssyncadd.s32 $0xFFFFD800  }
0x35: {  	[spmem:s6] =	stream.linear.scatter [tilespmem:s24], [sflag:$0x4], $0x2800, $0x38;
	[tilespmem:$0x1DF00] =	vst v63  }
0x36: {  	_ =	swait.ge [sflag:s25], $0x2800  }
0x37: {  	[sflag:s25] =	ssyncset.done $0x0  }
0x38: {  	[sflag:s25] =	ssyncadd.s32 $0xFFFFD800  }
0x39: {  	[spmem:s7] =	stream.linear.scatter [tilespmem:s24], [sflag:$0x4], $0x2800, $0x38;
	[tilespmem:$0x1DF00] =	vst v63  }
0x3a: {  	_ =	swait.ge [sflag:s25], $0x2800  }
0x3b: {  	[sflag:s25] =	ssyncset.done $0x0  }
0x3c: {  	[sflag:s25] =	ssyncadd.s32 $0xFFFFD800  }
0x3d: {  	[spmem:s8] =	stream.linear.scatter [tilespmem:s24], [sflag:$0x4], $0x2800, $0x38;
	[tilespmem:$0x1DF00] =	vst v63  }
0x3e: {  	_ =	swait.ge [sflag:s25], $0x2800  }
0x3f: {  	[sflag:s25] =	ssyncset.done $0x0  }
0x40: {  	[sflag:s25] =	ssyncadd.s32 $0xFFFFD800  }
0x41: {  	[spmem:s9] =	stream.linear.scatter [tilespmem:s24], [sflag:$0x4], $0x2800, $0x38;
	[tilespmem:$0x1DF00] =	vst v63  }
0x42: {  	_ =	swait.ge [sflag:s25], $0x2800  }
0x43: {  	[sflag:s25] =	ssyncset.done $0x0  }
0x44: {  	[sflag:s25] =	ssyncadd.s32 $0xFFFFD800  }
0x45: {  	[spmem:s10] =	stream.linear.scatter [tilespmem:s24], [sflag:$0x4], $0x2800, $0x38;
	[tilespmem:$0x1DF00] =	vst v63  }
0x46: {  	_ =	swait.ge [sflag:s25], $0x2800  }
0x47: {  	[sflag:s25] =	ssyncset.done $0x0  }
0x48: {  	[sflag:s25] =	ssyncadd.s32 $0xFFFFD800  }
0x49: {  	[spmem:s11] =	stream.linear.scatter [tilespmem:s24], [sflag:$0x4], $0x2800, $0x38;
	[tilespmem:$0x1DF00] =	vst v63  }
0x4a: {  	_ =	swait.ge [sflag:s25], $0x2800  }
0x4b: {  	[sflag:s25] =	ssyncset.done $0x0  }
0x4c: {  	[sflag:s25] =	ssyncadd.s32 $0xFFFFD800  }
0x4d: {  	[spmem:s12] =	stream.linear.scatter [tilespmem:s24], [sflag:$0x4], $0x2800, $0x38;
	[tilespmem:$0x1DF00] =	vst v63  }
0x4e: {  	_ =	swait.ge [sflag:s25], $0x2800  }
0x4f: {  	[sflag:s25] =	ssyncset.done $0x0  }
0x50: {  	s20 =	simm.s32 $0x0;
	s21 =	rddreg [dreg:$0x4];
	[sflag:s25] =	ssyncadd.s32 $0xFFFFD800  }
0x51: {  	[tilespmem:s20], [sflag:$0x4] =	stream.linear.gather [hbm4b:s21+s20], $0x2710, $0x38;
	[tilespmem:$0x1DF00] =	vst v63  }
0x52: {  	_ =	swait.ge [sflag:s25], $0x2710  }
0x53: {  	[sflag:s25] =	ssyncset.done $0x0  }
0x54: {  	s22 =	simm.s32 $0x2780;
	s23 =	rddreg [dreg:$0x5];
	[sflag:s25] =	ssyncadd.s32 $0xFFFFD8F0  }
0x55: {  	[tilespmem:s22], [sflag:$0x4] =	stream.linear.gather [hbm4b:s23+s20], $0x2710, $0x38;
	[tilespmem:$0x1DF00] =	vst v63  }
0x56: {  	_ =	swait.ge [sflag:s25], $0x2710  }
0x57: {  	[sflag:s25] =	ssyncset.done $0x0  }
0x58: {  	[sflag:s25] =	ssyncadd.s32 $0xFFFFD8F0  }
0x59: {  	s21 =	simm.s32 $0xA0;
	s22 =	simm.s32 $0x27D0;
	[bflag:$0x0] =	sbarrier.arrive $0xFFFF  }
0x5a: {  	[tilespmem:s24], [sflag:$0x1] =	stream.indirect.gather [hbm4b:s1+s28], $0x80, s20, s28, $0xb8;
	[tilespmem:$0x1DF00] =	vst v63  }
.LBB2_4:
0x5b: {  	_ =	swait.ge [sflag:s29], $0x2800  }
0x5c: {  	[sflag:s29] =	ssyncset.done $0x0  }
0x5d: {  	s23 =	sadd.s32 $0xFFFFFFB0, s21;
	[sflag:s29] =	ssyncadd.s32 $0xFFFFD800  }
0x5e: {  	[tilespmem:s30], [sflag:$0x2] =	stream.indirect.gather [hbm4b:s1+s28], $0x80, s23, s28, $0xb8;
	[tilespmem:$0x1DF00] =	vst v63  }
0x5f: {  	v1 =	vld [tilespmem:s22+$0xFFFFFFB0];
	_ =	sdelay $0x7  }
0x60: {  	[spmem:s3] =	stream.indirect_vreg.scatter.add.f32 [tilespmem:s24], [sflag:$0x3], $0x80, v1, vm0, $0xb8;
	[tilespmem:$0x1DF00] =	vst v63  }
0x61: {  	v1 =	vld [tilespmem:s22+$0xFFFFFFC0];
	_ =	sdelay $0x7  }
0x62: {  	[spmem:s3] =	stream.indirect_vreg.scatter.add.f32 [tilespmem:s31], [sflag:$0x3], $0x80, v1, vm0, $0xb8;
	[tilespmem:$0x1DF00] =	vst v63  }
0x63: {  	v1 =	vld [tilespmem:s22+$0xFFFFFFD0];
	_ =	sdelay $0x7  }
0x64: {  	[spmem:s3] =	stream.indirect_vreg.scatter.add.f32 [tilespmem:s2], [sflag:$0x3], $0x80, v1, vm0, $0xb8;
	[tilespmem:$0x1DF00] =	vst v63  }
0x65: {  	v1 =	vld [tilespmem:s22+$0xFFFFFFE0];
	_ =	sdelay $0x7  }
0x66: {  	[spmem:s3] =	stream.indirect_vreg.scatter.add.f32 [tilespmem:s0], [sflag:$0x3], $0x80, v1, vm0, $0xb8;
	[tilespmem:$0x1DF00] =	vst v63  }
0x67: {  	v1 =	vld [tilespmem:s22+$0xFFFFFFF0];
	_ =	sdelay $0x7  }
0x68: {  	[spmem:s3] =	stream.indirect_vreg.scatter.add.f32 [tilespmem:s26], [sflag:$0x3], $0x80, v1, vm0, $0xb8;
	[tilespmem:$0x1DF00] =	vst v63  }
0x69: {  	_ =	swait.ge [sflag:s13], $0x800  }
0x6a: {  	[sflag:s13] =	ssyncset.done $0x0  }
0x6b: {  	[sflag:s13] =	ssyncadd.s32 $0xFFFFF800  }
0x6c: {  	_ =	swait.ge [sflag:s13], $0x800  }
0x6d: {  	[sflag:s13] =	ssyncset.done $0x0  }
0x6e: {  	[sflag:s13] =	ssyncadd.s32 $0xFFFFF800  }
0x6f: {  	_ =	swait.ge [sflag:s13], $0x800  }
0x70: {  	[sflag:s13] =	ssyncset.done $0x0  }
0x71: {  	[sflag:s13] =	ssyncadd.s32 $0xFFFFF800  }
0x72: {  	_ =	swait.ge [sflag:s13], $0x800  }
0x73: {  	[sflag:s13] =	ssyncset.done $0x0  }
0x74: {  	[sflag:s13] =	ssyncadd.s32 $0xFFFFF800  }
0x75: {  	_ =	swait.ge [sflag:s13], $0x800  }
0x76: {  	[sflag:s13] =	ssyncset.done $0x0  }
0x77: {  	[sflag:s13] =	ssyncadd.s32 $0xFFFFF800  }
0x78: {  	[tilespmem:s24], [sflag:$0x1] =	stream.indirect.gather [hbm4b:s1+s28], $0x80, s21, s28, $0xb8;
	[tilespmem:$0x1DF00] =	vst v63  }
0x79: {  	_ =	swait.ge [sflag:s14], $0x2800  }
0x7a: {  	[sflag:s14] =	ssyncset.done $0x0  }
0x7b: {  	[sflag:s14] =	ssyncadd.s32 $0xFFFFD800  }
0x7c: {  	v1 =	vld [tilespmem:s22+$0x0];
	_ =	sdelay $0x7  }
0x7d: {  	[spmem:s3] =	stream.indirect_vreg.scatter.add.f32 [tilespmem:s30], [sflag:$0x3], $0x80, v1, vm0, $0xb8;
	[tilespmem:$0x1DF00] =	vst v63  }
0x7e: {  	v1 =	vld [tilespmem:s22+$0x10];
	_ =	sdelay $0x7  }
0x7f: {  	[spmem:s3] =	stream.indirect_vreg.scatter.add.f32 [tilespmem:s15], [sflag:$0x3], $0x80, v1, vm0, $0xb8;
	[tilespmem:$0x1DF00] =	vst v63  }
0x80: {  	v1 =	vld [tilespmem:s22+$0x20];
	_ =	sdelay $0x6  }
0x81: {  	s23 =	sand.u32 $0x3FE0, s20  }
0x82: {  	[spmem:s3] =	stream.indirect_vreg.scatter.add.f32 [tilespmem:s16], [sflag:$0x3], $0x80, v1, vm0, $0xb8;
	[tilespmem:$0x1DF00] =	vst v63  }
0x83: {  	v1 =	vld [tilespmem:s23+$0x2800];
	_ =	sdelay $0x7  }
0x84: {  	[spmem:s3] =	stream.indirect_vreg.scatter.add.f32 [tilespmem:s17], [sflag:$0x3], $0x80, v1, vm0, $0xb8;
	[tilespmem:$0x1DF00] =	vst v63  }
0x85: {  	v1 =	vld [tilespmem:s22+$0x40];
	_ =	sdelay $0x7  }
0x86: {  	[spmem:s3] =	stream.indirect_vreg.scatter.add.f32 [tilespmem:s18], [sflag:$0x3], $0x80, v1, vm0, $0xb8;
	[tilespmem:$0x1DF00] =	vst v63  }
0x87: {  	_ =	swait.ge [sflag:s13], $0x800  }
0x88: {  	[sflag:s13] =	ssyncset.done $0x0  }
0x89: {  	[sflag:s13] =	ssyncadd.s32 $0xFFFFF800  }
0x8a: {  	_ =	swait.ge [sflag:s13], $0x800  }
0x8b: {  	[sflag:s13] =	ssyncset.done $0x0  }
0x8c: {  	[sflag:s13] =	ssyncadd.s32 $0xFFFFF800  }
0x8d: {  	_ =	swait.ge [sflag:s13], $0x800  }
0x8e: {  	[sflag:s13] =	ssyncset.done $0x0  }
0x8f: {  	[sflag:s13] =	ssyncadd.s32 $0xFFFFF800  }
0x90: {  	p0 =	sne.s32 s20, $0x2620;
	_ =	swait.ge [sflag:s13], $0x800  }
.Ltmp1:
0x91: {  	[sflag:s13] =	ssyncset.done $0x0;
	(pc) =	sbr.rel @p0 .LBB2_4-.Ltmp1, $4  }
0x92: {  	[sflag:s13] =	ssyncadd.s32 $0xFFFFF800  }
0x93: {  	_ =	swait.ge [sflag:s13], $0x800  }
0x94: {  	s20 =	sadd.s32 $0xA0, s20;
	[sflag:s13] =	ssyncset.done $0x0  }
0x95: {  	s21 =	sadd.s32 $0xA0, s21;
	s22 =	sadd.s32 $0xA0, s22;
	[sflag:s13] =	ssyncadd.s32 $0xFFFFF800  }
0x96: {  	_ =	swait.ge [sflag:s29], $0x2800  }
0x97: {  	[sflag:s29] =	ssyncset.done $0x0  }
0x98: {  	[sflag:s29] =	ssyncadd.s32 $0xFFFFD800  }
0x99: {  	v1 =	vld [tilespmem:$0x4E40];
	_ =	sdelay $0x7  }
0x9a: {  	[spmem:s3] =	stream.indirect_vreg.scatter.add.f32 [tilespmem:s24], [sflag:$0x3], $0x80, v1, vm0, $0xb8;
	[tilespmem:$0x1DF00] =	vst v63  }
0x9b: {  	v1 =	vld [tilespmem:$0x4E50];
	_ =	sdelay $0x7  }
0x9c: {  	[spmem:s3] =	stream.indirect_vreg.scatter.add.f32 [tilespmem:s31], [sflag:$0x3], $0x80, v1, vm0, $0xb8;
	[tilespmem:$0x1DF00] =	vst v63  }
0x9d: {  	v1 =	vld [tilespmem:$0x4E60];
	_ =	sdelay $0x7  }
0x9e: {  	[spmem:s3] =	stream.indirect_vreg.scatter.add.f32 [tilespmem:s2], [sflag:$0x3], $0x80, v1, vm0, $0xb8;
	[tilespmem:$0x1DF00] =	vst v63  }
0x9f: {  	v1 =	vld [tilespmem:$0x4E70];
	_ =	sdelay $0x7  }
0xa0: {  	[spmem:s3] =	stream.indirect_vreg.scatter.add.f32 [tilespmem:s0], [sflag:$0x3], $0x80, v1, vm0, $0xb8;
	[tilespmem:$0x1DF00] =	vst v63  }
0xa1: {  	v1 =	vld [tilespmem:$0x4E80];
	_ =	sdelay $0x7  }
0xa2: {  	[spmem:s3] =	stream.indirect_vreg.scatter.add.f32 [tilespmem:s26], [sflag:$0x3], $0x80, v1, vm0, $0xb8;
	[tilespmem:$0x1DF00] =	vst v63  }
0xa3: {  	_ =	swait.ge [sflag:s13], $0x800  }
0xa4: {  	[sflag:s13] =	ssyncset.done $0x0  }
0xa5: {  	[sflag:s13] =	ssyncadd.s32 $0xFFFFF800  }
0xa6: {  	_ =	swait.ge [sflag:s13], $0x800  }
0xa7: {  	[sflag:s13] =	ssyncset.done $0x0  }
0xa8: {  	[sflag:s13] =	ssyncadd.s32 $0xFFFFF800  }
0xa9: {  	_ =	swait.ge [sflag:s13], $0x800  }
0xaa: {  	[sflag:s13] =	ssyncset.done $0x0  }
0xab: {  	[sflag:s13] =	ssyncadd.s32 $0xFFFFF800  }
0xac: {  	_ =	swait.ge [sflag:s13], $0x800  }
0xad: {  	[sflag:s13] =	ssyncset.done $0x0  }
0xae: {  	[sflag:s13] =	ssyncadd.s32 $0xFFFFF800  }
0xaf: {  	_ =	swait.ge [sflag:s13], $0x800  }
0xb0: {  	[sflag:s13] =	ssyncset.done $0x0  }
0xb1: {  	[sflag:s13] =	ssyncadd.s32 $0xFFFFF800  }
0xb2: {  	[bflag:$0x0] =	sbarrier.arrive $0xFFFF  }
0xb3: {  	[tilespmem:s24], [sflag:$0x4] =	stream.linear.gather [spmem:s5], $0x2800, $0x38;
	[tilespmem:$0x1DF00] =	vst v63  }
0xb4: {  	_ =	swait.ge [sflag:s25], $0x2800  }
0xb5: {  	[sflag:s25] =	ssyncset.done $0x0  }
0xb6: {  	s20 =	rddreg [dreg:$0x6];
	[sflag:s25] =	ssyncadd.s32 $0xFFFFD800  }
0xb7: {  	[hbm4b:s20+s4] =	stream.linear.scatter [tilespmem:s24], [sflag:$0x4], $0x2800, $0x38;
	[tilespmem:$0x1DF00] =	vst v63  }
0xb8: {  	_ =	swait.ge [sflag:s25], $0x2800  }
0xb9: {  	[sflag:s25] =	ssyncset.done $0x0  }
0xba: {  	[sflag:s25] =	ssyncadd.s32 $0xFFFFD800  }
0xbb: {  	[tilespmem:s24], [sflag:$0x4] =	stream.linear.gather [spmem:s6], $0x2800, $0x38;
	[tilespmem:$0x1DF00] =	vst v63  }
0xbc: {  	_ =	swait.ge [sflag:s25], $0x2800  }
0xbd: {  	[sflag:s25] =	ssyncset.done $0x0  }
0xbe: {  	s22 =	rddreg [dreg:$0x7];
	[sflag:s25] =	ssyncadd.s32 $0xFFFFD800  }
0xbf: {  	[hbm4b:s22+s4] =	stream.linear.scatter [tilespmem:s24], [sflag:$0x4], $0x2800, $0x38;
	[tilespmem:$0x1DF00] =	vst v63  }
0xc0: {  	_ =	swait.ge [sflag:s25], $0x2800  }
0xc1: {  	[sflag:s25] =	ssyncset.done $0x0  }
0xc2: {  	[sflag:s25] =	ssyncadd.s32 $0xFFFFD800  }
0xc3: {  	[tilespmem:s24], [sflag:$0x4] =	stream.linear.gather [spmem:s7], $0x2800, $0x38;
	[tilespmem:$0x1DF00] =	vst v63  }
0xc4: {  	_ =	swait.ge [sflag:s25], $0x2800  }
0xc5: {  	[sflag:s25] =	ssyncset.done $0x0  }
0xc6: {  	s23 =	rddreg [dreg:$0x8];
	[sflag:s25] =	ssyncadd.s32 $0xFFFFD800  }
0xc7: {  	[hbm4b:s23+s4] =	stream.linear.scatter [tilespmem:s24], [sflag:$0x4], $0x2800, $0x38;
	[tilespmem:$0x1DF00] =	vst v63  }
0xc8: {  	_ =	swait.ge [sflag:s25], $0x2800  }
0xc9: {  	[sflag:s25] =	ssyncset.done $0x0  }
0xca: {  	[sflag:s25] =	ssyncadd.s32 $0xFFFFD800  }
0xcb: {  	[tilespmem:s24], [sflag:$0x4] =	stream.linear.gather [spmem:s8], $0x2800, $0x38;
	[tilespmem:$0x1DF00] =	vst v63  }
0xcc: {  	_ =	swait.ge [sflag:s25], $0x2800  }
0xcd: {  	[sflag:s25] =	ssyncset.done $0x0  }
0xce: {  	s21 =	rddreg [dreg:$0x9];
	[sflag:s25] =	ssyncadd.s32 $0xFFFFD800  }
0xcf: {  	[hbm4b:s21+s4] =	stream.linear.scatter [tilespmem:s24], [sflag:$0x4], $0x2800, $0x38;
	[tilespmem:$0x1DF00] =	vst v63  }
0xd0: {  	_ =	swait.ge [sflag:s25], $0x2800  }
0xd1: {  	[sflag:s25] =	ssyncset.done $0x0  }
0xd2: {  	[sflag:s25] =	ssyncadd.s32 $0xFFFFD800  }
0xd3: {  	[tilespmem:s24], [sflag:$0x4] =	stream.linear.gather [spmem:s9], $0x2800, $0x38;
	[tilespmem:$0x1DF00] =	vst v63  }
0xd4: {  	_ =	swait.ge [sflag:s25], $0x2800  }
0xd5: {  	[sflag:s25] =	ssyncset.done $0x0  }
0xd6: {  	s22 =	rddreg [dreg:$0xa];
	[sflag:s25] =	ssyncadd.s32 $0xFFFFD800  }
0xd7: {  	[hbm4b:s22+s4] =	stream.linear.scatter [tilespmem:s24], [sflag:$0x4], $0x2800, $0x38;
	[tilespmem:$0x1DF00] =	vst v63  }
0xd8: {  	_ =	swait.ge [sflag:s25], $0x2800  }
0xd9: {  	[sflag:s25] =	ssyncset.done $0x0  }
0xda: {  	[sflag:s25] =	ssyncadd.s32 $0xFFFFD800  }
0xdb: {  	[tilespmem:s24], [sflag:$0x4] =	stream.linear.gather [spmem:s10], $0x2800, $0x38;
	[tilespmem:$0x1DF00] =	vst v63  }
0xdc: {  	_ =	swait.ge [sflag:s25], $0x2800  }
0xdd: {  	[sflag:s25] =	ssyncset.done $0x0  }
0xde: {  	s23 =	rddreg [dreg:$0xb];
	[sflag:s25] =	ssyncadd.s32 $0xFFFFD800  }
0xdf: {  	[hbm4b:s23+s4] =	stream.linear.scatter [tilespmem:s24], [sflag:$0x4], $0x2800, $0x38;
	[tilespmem:$0x1DF00] =	vst v63  }
0xe0: {  	_ =	swait.ge [sflag:s25], $0x2800  }
0xe1: {  	[sflag:s25] =	ssyncset.done $0x0  }
0xe2: {  	[sflag:s25] =	ssyncadd.s32 $0xFFFFD800  }
0xe3: {  	[tilespmem:s24], [sflag:$0x4] =	stream.linear.gather [spmem:s11], $0x2800, $0x38;
	[tilespmem:$0x1DF00] =	vst v63  }
0xe4: {  	_ =	swait.ge [sflag:s25], $0x2800  }
0xe5: {  	[sflag:s25] =	ssyncset.done $0x0  }
0xe6: {  	s21 =	rddreg [dreg:$0xc];
	[sflag:s25] =	ssyncadd.s32 $0xFFFFD800  }
0xe7: {  	[hbm4b:s21+s4] =	stream.linear.scatter [tilespmem:s24], [sflag:$0x4], $0x2800, $0x38;
	[tilespmem:$0x1DF00] =	vst v63  }
0xe8: {  	_ =	swait.ge [sflag:s25], $0x2800  }
0xe9: {  	[sflag:s25] =	ssyncset.done $0x0  }
0xea: {  	[sflag:s25] =	ssyncadd.s32 $0xFFFFD800  }
0xeb: {  	[tilespmem:s24], [sflag:$0x4] =	stream.linear.gather [spmem:s12], $0x2800, $0x38;
	[tilespmem:$0x1DF00] =	vst v63  }
0xec: {  	_ =	swait.ge [sflag:s25], $0x2800  }
0xed: {  	[sflag:s25] =	ssyncset.done $0x0  }
0xee: {  	s22 =	rddreg [dreg:$0xd];
	[sflag:s25] =	ssyncadd.s32 $0xFFFFD800  }
0xef: {  	[hbm4b:s22+s4] =	stream.linear.scatter [tilespmem:s24], [sflag:$0x4], $0x2800, $0x38;
	[tilespmem:$0x1DF00] =	vst v63  }
0xf0: {  	_ =	swait.ge [sflag:s25], $0x2800  }
0xf1: {  	s19 =	sadd.s32 $0x1, s19;
	s23 =	rddreg [dreg:$0xe]  }
0xf2: {  	p0 =	sne.s32 s19, s23  }
.Ltmp2:
0xf3: {  	_ = 	snop;
	(pc) =	sbr.rel @p0 .LBB2_1-.Ltmp2, $3  }
0xf4: {  	_ =	sdelay $0x1  }
0xf5: {  	[sflag:s25] =	ssyncset.done $0x0  }
0xf6: {  	[sflag:s25] =	ssyncadd.s32 $0xFFFFD800  }
0xf7: {  	_ =	sfence.sel $0x180000  }
0xf8: {  	[bflag:$0x0] =	sbarrier.arrive $0xFFFF  }
0xf9: {  	_ =	strace $0x90000047  }
0xfa: {  	s0 =	stileid.u32;
	[bflag:$0x2] =	sbarrier.arrive $0xFFFF  }
0xfb: {  	p0 =	sne.s32 s0, $0x0;
	s0 =	rddreg [dreg:$0x3]  }
0xfc: {  	s0 =	sadd.s32 @!p0 $0x100000, s0  }
0xfd: {  	[sflag:s0] =	ssyncadd.tile.s32 @!p0 $0x1;
	_ =	shalt  }
.Lfunc_end2:
_tile_overlayer_lowered:
.L_overlay_start_2:
0xfe: {  	(tag) =	ssettag $0x2  }
0xff: {  	s0 =	rddreg [dreg:$0x0];
	s2 =	stileid.u32  }
0x100: {  	s1 =	rddreg [dreg:$0x1];
	p0 =	sne.s32 s2, $0x0  }
0x101: {  	s3 =	rddreg [dreg:$0x2];
	[bflag:$0x3] =	sbarrier.arrive $0xFFFF;
	s2 =	simm.s32 @!p0 $0x1C04  }
0x102: {  	[timem:s3], [sflag:s2] =	dma.local @!p0 [hbm:s0], s1  }
0x103: {  	s0 =	simm.s32 @!p0 $0x4  }
0x104: {  	_ =	swait.ge @!p0 [sflag:s0], s1  }
0x105: {  	s1 =	ssub.s32 @!p0 $0x0, s1;
	[sflag:s0] =	ssyncset.done @!p0 $0x0  }
0x106: {  	[sflag:s0] =	ssyncadd.s32 @!p0 s1  }
0x107: {  	[bflag:$0x3] =	sbarrier.arrive $0xFFFF  }
0x108: {  	_ =	shalt  }

</sc_bundles>
